<compile_context>
chip_gen: v7x
topology: tpu7x:2x2x1
jax: 0.10.2.dev20260603
libtpu: 0.0.44.dev20260713+nightly
codegen_flags: <defaults>
</compile_context>

<pallas_src>
import functools

import jax
import jax.numpy as jnp
from jax import lax
from jax.experimental import pallas as pl
from jax.experimental.pallas import tpu as pltpu
from jax.experimental.pallas import tpu_sc as plsc

_B, _C, _W, _H = 32, 19, 128, 128
_NC, _NS = 2, 16
_JB = 16
_NCH = _W // _JB
_OPI = _JB * _C
_OST = _OPI + 1


def _sc_body(x_hbm, out_hbm, in_v, out_v):
    b = lax.axis_index("s") * _NC + lax.axis_index("c")
    iota = lax.iota(jnp.int32, 16)
    for ch in range(_NCH):
        j0 = ch * _JB
        pltpu.sync_copy(x_hbm.at[b, :, pl.ds(j0, _JB), :], in_v)

        def body(t, carry):
            j = t >> 3
            i0 = (t & 7) * 16
            row = iota + i0
            vecs = [in_v[c, j, pl.ds(i0, 16)] for c in range(_C)]
            s = vecs[0]
            for c in range(1, _C):
                s = s + vecs[c]
            r = 1.0 / s
            colbase = j * _C
            for c in range(_C):
                col = jnp.full((16,), colbase + c, jnp.int32)
                plsc.store_scatter(out_v, [row, col], vecs[c] * r)
            return carry

        lax.fori_loop(0, _JB * (_H // 16), body, 0)
        pltpu.sync_copy(out_v.at[:, pl.ds(0, _OPI)],
                        out_hbm.at[b, :, pl.ds(j0 * _C, _OPI)])


def kernel(x):
    k = pl.kernel(
        _sc_body,
        out_type=jax.ShapeDtypeStruct((_B, _H, _W * _C), jnp.float32),
        mesh=plsc.VectorSubcoreMesh(core_axis_name="c", subcore_axis_name="s"),
        compiler_params=pltpu.CompilerParams(
            use_tc_tiling_on_sc=False, needs_layout_passes=False),
        scratch_types=[
            pltpu.VMEM((_C, _JB, _H), jnp.float32),
            pltpu.VMEM((_H, _OST), jnp.float32),
        ],
    )
    out3 = k(x)
    return out3.reshape(_B * _W * _H, _C)

# --- scband reference (transcript-rebuilt; emitter-appended) ---
"""Pipeline reference for scband-categorical-paint-3667902071190 (READ-ONLY COPY).

The authoritative reference and input builder live on the scoring server;
editing this copy changes nothing except your own understanding.
"""

import jax, jax.numpy as jnp
import numpy as np

NUM_ACTIONS = 19

def setup_inputs(seed: int = 0) -> dict:
    key = jax.random.key(seed)
    # Categorical(x) in torch treats x as (unnormalized) probs, so values must be >= 0
    x = jax.random.uniform(key, (32, NUM_ACTIONS, 128, 128), dtype=jnp.float32)
    return {"x": x}

def reference(x):
    # CategoricalPaint.forward: transpose channel dim to last, flatten to per-pixel rows,
    # then build Categorical(probs=x). torch.distributions.Categorical normalizes probs
    # along the last axis; the distribution's state is the normalized probs.
    xt = jnp.swapaxes(x, 1, -1)              # [B, W, H, C]
    xt = xt.reshape(-1, NUM_ACTIONS)         # [B*W*H, C]
    probs = xt / jnp.sum(xt, axis=-1, keepdims=True)
    return probs

if __name__ == "__main__":
    import jax
    _d = setup_inputs()
    print(jax.jit(kernel)(*tuple(_d.values())))

</pallas_src>

<mosaic_0001>
#map = affine_map<(d0, d1) -> (0, 0, 0, 0)>
#map1 = affine_map<(d0, d1) -> (0, 0, 0)>
module attributes {stable_mosaic.version = 14 : i64} {
  func.func @_sc_body(%arg0: i32, %arg1: i32, %arg2: memref<32x19x128x128xf32, #tpu.memory_space<hbm>>, %arg3: memref<32x128x2432xf32, #tpu.memory_space<hbm>>, %arg4: memref<19x16x128xf32, #tpu.memory_space<vmem>>, %arg5: memref<128x305xf32, #tpu.memory_space<vmem>>) attributes {dimension_semantics = [#tpu.dimension_semantics<core_parallel>, #tpu.dimension_semantics<subcore_parallel>], iteration_bounds = array<i64: 2, 16>, scalar_prefetch = 0 : i64, scratch_operands = 2 : i64, tpu.core_type = #tpu.core_type<sc_vector_subcore>, window_params = [{transform_indices = #map}, {transform_indices = #map1}]} {
    %mul3A = arith.constant 2 : i32
    %mul3A_0 = arith.muli %arg1, %mul3A : i32
    %add3A = arith.addi %mul3A_0, %arg0 : i32
    %iota3A = tpu.iota {dimensions = array<i32: 0>} : vector<16xi32>
    "tpu.region"() ({
      %run_scoped3A = tpu.sem_alloc : memref<!tpu.dma_semaphore, #tpu.memory_space<semaphore_mem>>
      %dma_start3A = arith.constant 0 : i32
      %dma_start3A_48 = arith.constant 0 : i32
      %dma_start3A_49 = arith.constant 0 : i32
      %dma_start3A_50 = tpu.memref_slice %arg2[%add3A, %dma_start3A, %dma_start3A_48, %dma_start3A_49] : memref<32x19x128x128xf32, #tpu.memory_space<hbm>> -> memref<1x19x16x128xf32, #tpu.memory_space<hbm>>
      %dma_start3A_51 = tpu.memref_squeeze %dma_start3A_50 : memref<1x19x16x128xf32, #tpu.memory_space<hbm>> -> memref<19x16x128xf32, #tpu.memory_space<hbm>>
      %dma_start3A_52 = arith.constant 0 : i32
      %dma_start3A_53 = arith.constant 0 : i32
      %dma_start3A_54 = arith.constant 0 : i32
      %dma_start3A_55 = tpu.memref_slice %arg2[%add3A, %dma_start3A_52, %dma_start3A_53, %dma_start3A_54] : memref<32x19x128x128xf32, #tpu.memory_space<hbm>> -> memref<1x19x16x128xf32, #tpu.memory_space<hbm>>
      %dma_start3A_56 = tpu.memref_squeeze %dma_start3A_55 : memref<1x19x16x128xf32, #tpu.memory_space<hbm>> -> memref<19x16x128xf32, #tpu.memory_space<hbm>>
      tpu.enqueue_dma source(%dma_start3A_56 : memref<19x16x128xf32, #tpu.memory_space<hbm>>) target(%arg4 : memref<19x16x128xf32, #tpu.memory_space<vmem>>) target_semaphore(%run_scoped3A : memref<!tpu.dma_semaphore, #tpu.memory_space<semaphore_mem>>)
      %dma_wait3A = arith.constant 0 : i32
      %dma_wait3A_57 = arith.constant 0 : i32
      %dma_wait3A_58 = arith.constant 0 : i32
      %dma_wait3A_59 = tpu.memref_slice %arg2[%add3A, %dma_wait3A, %dma_wait3A_57, %dma_wait3A_58] : memref<32x19x128x128xf32, #tpu.memory_space<hbm>> -> memref<1x19x16x128xf32, #tpu.memory_space<hbm>>
      %dma_wait3A_60 = tpu.memref_squeeze %dma_wait3A_59 : memref<1x19x16x128xf32, #tpu.memory_space<hbm>> -> memref<19x16x128xf32, #tpu.memory_space<hbm>>
      %dma_wait3A_61 = arith.constant 0 : i32
      %dma_wait3A_62 = arith.constant 0 : i32
      %dma_wait3A_63 = arith.constant 0 : i32
      %dma_wait3A_64 = tpu.memref_slice %arg2[%add3A, %dma_wait3A_61, %dma_wait3A_62, %dma_wait3A_63] : memref<32x19x128x128xf32, #tpu.memory_space<hbm>> -> memref<1x19x16x128xf32, #tpu.memory_space<hbm>>
      %dma_wait3A_65 = tpu.memref_squeeze %dma_wait3A_64 : memref<1x19x16x128xf32, #tpu.memory_space<hbm>> -> memref<19x16x128xf32, #tpu.memory_space<hbm>>
      tpu.wait_dma2 semaphore(%run_scoped3A : memref<!tpu.dma_semaphore, #tpu.memory_space<semaphore_mem>>) src(%dma_wait3A_65 : memref<19x16x128xf32, #tpu.memory_space<hbm>>) dst(%arg4 : memref<19x16x128xf32, #tpu.memory_space<vmem>>)
      tpu.yield
    }) : () -> ()
    %scan3A = arith.constant 0 : i32
    %scan3A_1 = arith.constant 0 : i32
    %scan3A_2 = arith.constant 128 : i32
    %scan3A_3 = arith.addi %scan3A_1, %scan3A_2 : i32
    %scan3A_4 = arith.constant 1 : i32
    scf.for %scan3A_48 = %scan3A_1 to %scan3A_3 step %scan3A_4  : i32 {
      %shift_right_arithmetic3A = arith.constant 3 : i32
      %shift_right_arithmetic3A_49 = arith.shrsi %scan3A_48, %shift_right_arithmetic3A : i32
      %and3A = arith.constant 7 : i32
      %and3A_50 = arith.andi %scan3A_48, %and3A : i32
      %mul3A_51 = arith.constant 16 : i32
      %mul3A_52 = arith.muli %and3A_50, %mul3A_51 : i32
      %add3A_53 = vector.broadcast %mul3A_52 : i32 to vector<16xi32>
      %add3A_54 = arith.addi %iota3A, %add3A_53 : vector<16xi32>
      %get3A = arith.constant 0 : i32
      %get3A_55 = arith.index_cast %get3A : i32 to index
      %get3A_56 = arith.index_cast %shift_right_arithmetic3A_49 : i32 to index
      %get3A_57 = arith.index_cast %mul3A_52 : i32 to index
      %get3A_58 = tpu.vector_load %arg4[%get3A_55, %get3A_56, %get3A_57] {strides = array<i32>} : memref<19x16x128xf32, #tpu.memory_space<vmem>>, vector<16xf32>,
      %get3A_59 = arith.constant 1 : i32
      %get3A_60 = arith.index_cast %get3A_59 : i32 to index
      %get3A_61 = arith.index_cast %shift_right_arithmetic3A_49 : i32 to index
      %get3A_62 = arith.index_cast %mul3A_52 : i32 to index
      %get3A_63 = tpu.vector_load %arg4[%get3A_60, %get3A_61, %get3A_62] {strides = array<i32>} : memref<19x16x128xf32, #tpu.memory_space<vmem>>, vector<16xf32>,
      %get3A_64 = arith.constant 2 : i32
      %get3A_65 = arith.index_cast %get3A_64 : i32 to index
      %get3A_66 = arith.index_cast %shift_right_arithmetic3A_49 : i32 to index
      %get3A_67 = arith.index_cast %mul3A_52 : i32 to index
      %get3A_68 = tpu.vector_load %arg4[%get3A_65, %get3A_66, %get3A_67] {strides = array<i32>} : memref<19x16x128xf32, #tpu.memory_space<vmem>>, vector<16xf32>,
      %get3A_69 = arith.constant 3 : i32
      %get3A_70 = arith.index_cast %get3A_69 : i32 to index
      %get3A_71 = arith.index_cast %shift_right_arithmetic3A_49 : i32 to index
      %get3A_72 = arith.index_cast %mul3A_52 : i32 to index
      %get3A_73 = tpu.vector_load %arg4[%get3A_70, %get3A_71, %get3A_72] {strides = array<i32>} : memref<19x16x128xf32, #tpu.memory_space<vmem>>, vector<16xf32>,
      %get3A_74 = arith.constant 4 : i32
      %get3A_75 = arith.index_cast %get3A_74 : i32 to index
      %get3A_76 = arith.index_cast %shift_right_arithmetic3A_49 : i32 to index
      %get3A_77 = arith.index_cast %mul3A_52 : i32 to index
      %get3A_78 = tpu.vector_load %arg4[%get3A_75, %get3A_76, %get3A_77] {strides = array<i32>} : memref<19x16x128xf32, #tpu.memory_space<vmem>>, vector<16xf32>,
      %get3A_79 = arith.constant 5 : i32
      %get3A_80 = arith.index_cast %get3A_79 : i32 to index
      %get3A_81 = arith.index_cast %shift_right_arithmetic3A_49 : i32 to index
      %get3A_82 = arith.index_cast %mul3A_52 : i32 to index
      %get3A_83 = tpu.vector_load %arg4[%get3A_80, %get3A_81, %get3A_82] {strides = array<i32>} : memref<19x16x128xf32, #tpu.memory_space<vmem>>, vector<16xf32>,
      %get3A_84 = arith.constant 6 : i32
      %get3A_85 = arith.index_cast %get3A_84 : i32 to index
      %get3A_86 = arith.index_cast %shift_right_arithmetic3A_49 : i32 to index
      %get3A_87 = arith.index_cast %mul3A_52 : i32 to index
      %get3A_88 = tpu.vector_load %arg4[%get3A_85, %get3A_86, %get3A_87] {strides = array<i32>} : memref<19x16x128xf32, #tpu.memory_space<vmem>>, vector<16xf32>,
      %get3A_89 = arith.constant 7 : i32
      %get3A_90 = arith.index_cast %get3A_89 : i32 to index
      %get3A_91 = arith.index_cast %shift_right_arithmetic3A_49 : i32 to index
      %get3A_92 = arith.index_cast %mul3A_52 : i32 to index
      %get3A_93 = tpu.vector_load %arg4[%get3A_90, %get3A_91, %get3A_92] {strides = array<i32>} : memref<19x16x128xf32, #tpu.memory_space<vmem>>, vector<16xf32>,
      %get3A_94 = arith.constant 8 : i32
      %get3A_95 = arith.index_cast %get3A_94 : i32 to index
      %get3A_96 = arith.index_cast %shift_right_arithmetic3A_49 : i32 to index
      %get3A_97 = arith.index_cast %mul3A_52 : i32 to index
      %get3A_98 = tpu.vector_load %arg4[%get3A_95, %get3A_96, %get3A_97] {strides = array<i32>} : memref<19x16x128xf32, #tpu.memory_space<vmem>>, vector<16xf32>,
      %get3A_99 = arith.constant 9 : i32
      %get3A_100 = arith.index_cast %get3A_99 : i32 to index
      %get3A_101 = arith.index_cast %shift_right_arithmetic3A_49 : i32 to index
      %get3A_102 = arith.index_cast %mul3A_52 : i32 to index
      %get3A_103 = tpu.vector_load %arg4[%get3A_100, %get3A_101, %get3A_102] {strides = array<i32>} : memref<19x16x128xf32, #tpu.memory_space<vmem>>, vector<16xf32>,
      %get3A_104 = arith.constant 10 : i32
      %get3A_105 = arith.index_cast %get3A_104 : i32 to index
      %get3A_106 = arith.index_cast %shift_right_arithmetic3A_49 : i32 to index
      %get3A_107 = arith.index_cast %mul3A_52 : i32 to index
      %get3A_108 = tpu.vector_load %arg4[%get3A_105, %get3A_106, %get3A_107] {strides = array<i32>} : memref<19x16x128xf32, #tpu.memory_space<vmem>>, vector<16xf32>,
      %get3A_109 = arith.constant 11 : i32
      %get3A_110 = arith.index_cast %get3A_109 : i32 to index
      %get3A_111 = arith.index_cast %shift_right_arithmetic3A_49 : i32 to index
      %get3A_112 = arith.index_cast %mul3A_52 : i32 to index
      %get3A_113 = tpu.vector_load %arg4[%get3A_110, %get3A_111, %get3A_112] {strides = array<i32>} : memref<19x16x128xf32, #tpu.memory_space<vmem>>, vector<16xf32>,
      %get3A_114 = arith.constant 12 : i32
      %get3A_115 = arith.index_cast %get3A_114 : i32 to index
      %get3A_116 = arith.index_cast %shift_right_arithmetic3A_49 : i32 to index
      %get3A_117 = arith.index_cast %mul3A_52 : i32 to index
      %get3A_118 = tpu.vector_load %arg4[%get3A_115, %get3A_116, %get3A_117] {strides = array<i32>} : memref<19x16x128xf32, #tpu.memory_space<vmem>>, vector<16xf32>,
      %get3A_119 = arith.constant 13 : i32
      %get3A_120 = arith.index_cast %get3A_119 : i32 to index
      %get3A_121 = arith.index_cast %shift_right_arithmetic3A_49 : i32 to index
      %get3A_122 = arith.index_cast %mul3A_52 : i32 to index
      %get3A_123 = tpu.vector_load %arg4[%get3A_120, %get3A_121, %get3A_122] {strides = array<i32>} : memref<19x16x128xf32, #tpu.memory_space<vmem>>, vector<16xf32>,
      %get3A_124 = arith.constant 14 : i32
      %get3A_125 = arith.index_cast %get3A_124 : i32 to index
      %get3A_126 = arith.index_cast %shift_right_arithmetic3A_49 : i32 to index
      %get3A_127 = arith.index_cast %mul3A_52 : i32 to index
      %get3A_128 = tpu.vector_load %arg4[%get3A_125, %get3A_126, %get3A_127] {strides = array<i32>} : memref<19x16x128xf32, #tpu.memory_space<vmem>>, vector<16xf32>,
      %get3A_129 = arith.constant 15 : i32
      %get3A_130 = arith.index_cast %get3A_129 : i32 to index
      %get3A_131 = arith.index_cast %shift_right_arithmetic3A_49 : i32 to index
      %get3A_132 = arith.index_cast %mul3A_52 : i32 to index
      %get3A_133 = tpu.vector_load %arg4[%get3A_130, %get3A_131, %get3A_132] {strides = array<i32>} : memref<19x16x128xf32, #tpu.memory_space<vmem>>, vector<16xf32>,
      %get3A_134 = arith.constant 16 : i32
      %get3A_135 = arith.index_cast %get3A_134 : i32 to index
      %get3A_136 = arith.index_cast %shift_right_arithmetic3A_49 : i32 to index
      %get3A_137 = arith.index_cast %mul3A_52 : i32 to index
      %get3A_138 = tpu.vector_load %arg4[%get3A_135, %get3A_136, %get3A_137] {strides = array<i32>} : memref<19x16x128xf32, #tpu.memory_space<vmem>>, vector<16xf32>,
      %get3A_139 = arith.constant 17 : i32
      %get3A_140 = arith.index_cast %get3A_139 : i32 to index
      %get3A_141 = arith.index_cast %shift_right_arithmetic3A_49 : i32 to index
      %get3A_142 = arith.index_cast %mul3A_52 : i32 to index
      %get3A_143 = tpu.vector_load %arg4[%get3A_140, %get3A_141, %get3A_142] {strides = array<i32>} : memref<19x16x128xf32, #tpu.memory_space<vmem>>, vector<16xf32>,
      %get3A_144 = arith.constant 18 : i32
      %get3A_145 = arith.index_cast %get3A_144 : i32 to index
      %get3A_146 = arith.index_cast %shift_right_arithmetic3A_49 : i32 to index
      %get3A_147 = arith.index_cast %mul3A_52 : i32 to index
      %get3A_148 = tpu.vector_load %arg4[%get3A_145, %get3A_146, %get3A_147] {strides = array<i32>} : memref<19x16x128xf32, #tpu.memory_space<vmem>>, vector<16xf32>,
      %add3A_149 = arith.addf %get3A_58, %get3A_63 : vector<16xf32>
      %add3A_150 = arith.addf %add3A_149, %get3A_68 : vector<16xf32>
      %add3A_151 = arith.addf %add3A_150, %get3A_73 : vector<16xf32>
      %add3A_152 = arith.addf %add3A_151, %get3A_78 : vector<16xf32>
      %add3A_153 = arith.addf %add3A_152, %get3A_83 : vector<16xf32>
      %add3A_154 = arith.addf %add3A_153, %get3A_88 : vector<16xf32>
      %add3A_155 = arith.addf %add3A_154, %get3A_93 : vector<16xf32>
      %add3A_156 = arith.addf %add3A_155, %get3A_98 : vector<16xf32>
      %add3A_157 = arith.addf %add3A_156, %get3A_103 : vector<16xf32>
      %add3A_158 = arith.addf %add3A_157, %get3A_108 : vector<16xf32>
      %add3A_159 = arith.addf %add3A_158, %get3A_113 : vector<16xf32>
      %add3A_160 = arith.addf %add3A_159, %get3A_118 : vector<16xf32>
      %add3A_161 = arith.addf %add3A_160, %get3A_123 : vector<16xf32>
      %add3A_162 = arith.addf %add3A_161, %get3A_128 : vector<16xf32>
      %add3A_163 = arith.addf %add3A_162, %get3A_133 : vector<16xf32>
      %add3A_164 = arith.addf %add3A_163, %get3A_138 : vector<16xf32>
      %add3A_165 = arith.addf %add3A_164, %get3A_143 : vector<16xf32>
      %add3A_166 = arith.addf %add3A_165, %get3A_148 : vector<16xf32>
      %div3A = arith.constant 1.000000e+00 : f32
      %div3A_167 = vector.broadcast %div3A : f32 to vector<16xf32>
      %div3A_168 = arith.divf %div3A_167, %add3A_166 : vector<16xf32>
      %mul3A_169 = arith.constant 19 : i32
      %mul3A_170 = arith.muli %shift_right_arithmetic3A_49, %mul3A_169 : i32
      %add3A_171 = arith.constant 0 : i32
      %add3A_172 = arith.addi %mul3A_170, %add3A_171 : i32
      %broadcast_in_dim3A = vector.broadcast %add3A_172 : i32 to vector<16xi32>
      %mul3A_173 = arith.mulf %get3A_58, %div3A_168 : vector<16xf32>
      tpu.vector_store_idx %arg5[%add3A_54, %broadcast_in_dim3A], %mul3A_173 : memref<128x305xf32, #tpu.memory_space<vmem>>[vector<16xi32>, vector<16xi32>], vector<16xf32>,
      %add3A_174 = arith.constant 1 : i32
      %add3A_175 = arith.addi %mul3A_170, %add3A_174 : i32
      %broadcast_in_dim3A_176 = vector.broadcast %add3A_175 : i32 to vector<16xi32>
      %mul3A_177 = arith.mulf %get3A_63, %div3A_168 : vector<16xf32>
      tpu.vector_store_idx %arg5[%add3A_54, %broadcast_in_dim3A_176], %mul3A_177 : memref<128x305xf32, #tpu.memory_space<vmem>>[vector<16xi32>, vector<16xi32>], vector<16xf32>,
      %add3A_178 = arith.constant 2 : i32
      %add3A_179 = arith.addi %mul3A_170, %add3A_178 : i32
      %broadcast_in_dim3A_180 = vector.broadcast %add3A_179 : i32 to vector<16xi32>
      %mul3A_181 = arith.mulf %get3A_68, %div3A_168 : vector<16xf32>
      tpu.vector_store_idx %arg5[%add3A_54, %broadcast_in_dim3A_180], %mul3A_181 : memref<128x305xf32, #tpu.memory_space<vmem>>[vector<16xi32>, vector<16xi32>], vector<16xf32>,
      %add3A_182 = arith.constant 3 : i32
      %add3A_183 = arith.addi %mul3A_170, %add3A_182 : i32
      %broadcast_in_dim3A_184 = vector.broadcast %add3A_183 : i32 to vector<16xi32>
      %mul3A_185 = arith.mulf %get3A_73, %div3A_168 : vector<16xf32>
      tpu.vector_store_idx %arg5[%add3A_54, %broadcast_in_dim3A_184], %mul3A_185 : memref<128x305xf32, #tpu.memory_space<vmem>>[vector<16xi32>, vector<16xi32>], vector<16xf32>,
      %add3A_186 = arith.constant 4 : i32
      %add3A_187 = arith.addi %mul3A_170, %add3A_186 : i32
      %broadcast_in_dim3A_188 = vector.broadcast %add3A_187 : i32 to vector<16xi32>
      %mul3A_189 = arith.mulf %get3A_78, %div3A_168 : vector<16xf32>
      tpu.vector_store_idx %arg5[%add3A_54, %broadcast_in_dim3A_188], %mul3A_189 : memref<128x305xf32, #tpu.memory_space<vmem>>[vector<16xi32>, vector<16xi32>], vector<16xf32>,
      %add3A_190 = arith.constant 5 : i32
      %add3A_191 = arith.addi %mul3A_170, %add3A_190 : i32
      %broadcast_in_dim3A_192 = vector.broadcast %add3A_191 : i32 to vector<16xi32>
      %mul3A_193 = arith.mulf %get3A_83, %div3A_168 : vector<16xf32>
      tpu.vector_store_idx %arg5[%add3A_54, %broadcast_in_dim3A_192], %mul3A_193 : memref<128x305xf32, #tpu.memory_space<vmem>>[vector<16xi32>, vector<16xi32>], vector<16xf32>,
      %add3A_194 = arith.constant 6 : i32
      %add3A_195 = arith.addi %mul3A_170, %add3A_194 : i32
      %broadcast_in_dim3A_196 = vector.broadcast %add3A_195 : i32 to vector<16xi32>
      %mul3A_197 = arith.mulf %get3A_88, %div3A_168 : vector<16xf32>
      tpu.vector_store_idx %arg5[%add3A_54, %broadcast_in_dim3A_196], %mul3A_197 : memref<128x305xf32, #tpu.memory_space<vmem>>[vector<16xi32>, vector<16xi32>], vector<16xf32>,
      %add3A_198 = arith.constant 7 : i32
      %add3A_199 = arith.addi %mul3A_170, %add3A_198 : i32
      %broadcast_in_dim3A_200 = vector.broadcast %add3A_199 : i32 to vector<16xi32>
      %mul3A_201 = arith.mulf %get3A_93, %div3A_168 : vector<16xf32>
      tpu.vector_store_idx %arg5[%add3A_54, %broadcast_in_dim3A_200], %mul3A_201 : memref<128x305xf32, #tpu.memory_space<vmem>>[vector<16xi32>, vector<16xi32>], vector<16xf32>,
      %add3A_202 = arith.constant 8 : i32
      %add3A_203 = arith.addi %mul3A_170, %add3A_202 : i32
      %broadcast_in_dim3A_204 = vector.broadcast %add3A_203 : i32 to vector<16xi32>
      %mul3A_205 = arith.mulf %get3A_98, %div3A_168 : vector<16xf32>
      tpu.vector_store_idx %arg5[%add3A_54, %broadcast_in_dim3A_204], %mul3A_205 : memref<128x305xf32, #tpu.memory_space<vmem>>[vector<16xi32>, vector<16xi32>], vector<16xf32>,
      %add3A_206 = arith.constant 9 : i32
      %add3A_207 = arith.addi %mul3A_170, %add3A_206 : i32
      %broadcast_in_dim3A_208 = vector.broadcast %add3A_207 : i32 to vector<16xi32>
      %mul3A_209 = arith.mulf %get3A_103, %div3A_168 : vector<16xf32>
      tpu.vector_store_idx %arg5[%add3A_54, %broadcast_in_dim3A_208], %mul3A_209 : memref<128x305xf32, #tpu.memory_space<vmem>>[vector<16xi32>, vector<16xi32>], vector<16xf32>,
      %add3A_210 = arith.constant 10 : i32
      %add3A_211 = arith.addi %mul3A_170, %add3A_210 : i32
      %broadcast_in_dim3A_212 = vector.broadcast %add3A_211 : i32 to vector<16xi32>
      %mul3A_213 = arith.mulf %get3A_108, %div3A_168 : vector<16xf32>
      tpu.vector_store_idx %arg5[%add3A_54, %broadcast_in_dim3A_212], %mul3A_213 : memref<128x305xf32, #tpu.memory_space<vmem>>[vector<16xi32>, vector<16xi32>], vector<16xf32>,
      %add3A_214 = arith.constant 11 : i32
      %add3A_215 = arith.addi %mul3A_170, %add3A_214 : i32
      %broadcast_in_dim3A_216 = vector.broadcast %add3A_215 : i32 to vector<16xi32>
      %mul3A_217 = arith.mulf %get3A_113, %div3A_168 : vector<16xf32>
      tpu.vector_store_idx %arg5[%add3A_54, %broadcast_in_dim3A_216], %mul3A_217 : memref<128x305xf32, #tpu.memory_space<vmem>>[vector<16xi32>, vector<16xi32>], vector<16xf32>,
      %add3A_218 = arith.constant 12 : i32
      %add3A_219 = arith.addi %mul3A_170, %add3A_218 : i32
      %broadcast_in_dim3A_220 = vector.broadcast %add3A_219 : i32 to vector<16xi32>
      %mul3A_221 = arith.mulf %get3A_118, %div3A_168 : vector<16xf32>
      tpu.vector_store_idx %arg5[%add3A_54, %broadcast_in_dim3A_220], %mul3A_221 : memref<128x305xf32, #tpu.memory_space<vmem>>[vector<16xi32>, vector<16xi32>], vector<16xf32>,
      %add3A_222 = arith.constant 13 : i32
      %add3A_223 = arith.addi %mul3A_170, %add3A_222 : i32
      %broadcast_in_dim3A_224 = vector.broadcast %add3A_223 : i32 to vector<16xi32>
      %mul3A_225 = arith.mulf %get3A_123, %div3A_168 : vector<16xf32>
      tpu.vector_store_idx %arg5[%add3A_54, %broadcast_in_dim3A_224], %mul3A_225 : memref<128x305xf32, #tpu.memory_space<vmem>>[vector<16xi32>, vector<16xi32>], vector<16xf32>,
      %add3A_226 = arith.constant 14 : i32
      %add3A_227 = arith.addi %mul3A_170, %add3A_226 : i32
      %broadcast_in_dim3A_228 = vector.broadcast %add3A_227 : i32 to vector<16xi32>
      %mul3A_229 = arith.mulf %get3A_128, %div3A_168 : vector<16xf32>
      tpu.vector_store_idx %arg5[%add3A_54, %broadcast_in_dim3A_228], %mul3A_229 : memref<128x305xf32, #tpu.memory_space<vmem>>[vector<16xi32>, vector<16xi32>], vector<16xf32>,
      %add3A_230 = arith.constant 15 : i32
      %add3A_231 = arith.addi %mul3A_170, %add3A_230 : i32
      %broadcast_in_dim3A_232 = vector.broadcast %add3A_231 : i32 to vector<16xi32>
      %mul3A_233 = arith.mulf %get3A_133, %div3A_168 : vector<16xf32>
      tpu.vector_store_idx %arg5[%add3A_54, %broadcast_in_dim3A_232], %mul3A_233 : memref<128x305xf32, #tpu.memory_space<vmem>>[vector<16xi32>, vector<16xi32>], vector<16xf32>,
      %add3A_234 = arith.constant 16 : i32
      %add3A_235 = arith.addi %mul3A_170, %add3A_234 : i32
      %broadcast_in_dim3A_236 = vector.broadcast %add3A_235 : i32 to vector<16xi32>
      %mul3A_237 = arith.mulf %get3A_138, %div3A_168 : vector<16xf32>
      tpu.vector_store_idx %arg5[%add3A_54, %broadcast_in_dim3A_236], %mul3A_237 : memref<128x305xf32, #tpu.memory_space<vmem>>[vector<16xi32>, vector<16xi32>], vector<16xf32>,
      %add3A_238 = arith.constant 17 : i32
      %add3A_239 = arith.addi %mul3A_170, %add3A_238 : i32
      %broadcast_in_dim3A_240 = vector.broadcast %add3A_239 : i32 to vector<16xi32>
      %mul3A_241 = arith.mulf %get3A_143, %div3A_168 : vector<16xf32>
      tpu.vector_store_idx %arg5[%add3A_54, %broadcast_in_dim3A_240], %mul3A_241 : memref<128x305xf32, #tpu.memory_space<vmem>>[vector<16xi32>, vector<16xi32>], vector<16xf32>,
      %add3A_242 = arith.constant 18 : i32
      %add3A_243 = arith.addi %mul3A_170, %add3A_242 : i32
      %broadcast_in_dim3A_244 = vector.broadcast %add3A_243 : i32 to vector<16xi32>
      %mul3A_245 = arith.mulf %get3A_148, %div3A_168 : vector<16xf32>
      tpu.vector_store_idx %arg5[%add3A_54, %broadcast_in_dim3A_244], %mul3A_245 : memref<128x305xf32, #tpu.memory_space<vmem>>[vector<16xi32>, vector<16xi32>], vector<16xf32>,
    }
    %scan3A_5 = arith.constant 128 : i32
    "tpu.region"() ({
      %run_scoped3A = tpu.sem_alloc : memref<!tpu.dma_semaphore, #tpu.memory_space<semaphore_mem>>
      %dma_start3A = arith.constant 0 : i32
      %dma_start3A_48 = arith.constant 0 : i32
      %dma_start3A_49 = tpu.memref_slice %arg5[%dma_start3A, %dma_start3A_48] : memref<128x305xf32, #tpu.memory_space<vmem>> -> memref<128x304xf32, #tpu.memory_space<vmem>>
      %dma_start3A_50 = arith.constant 0 : i32
      %dma_start3A_51 = arith.constant 0 : i32
      %dma_start3A_52 = tpu.memref_slice %arg3[%add3A, %dma_start3A_50, %dma_start3A_51] : memref<32x128x2432xf32, #tpu.memory_space<hbm>> -> memref<1x128x304xf32, #tpu.memory_space<hbm>>
      %dma_start3A_53 = tpu.memref_squeeze %dma_start3A_52 : memref<1x128x304xf32, #tpu.memory_space<hbm>> -> memref<128x304xf32, #tpu.memory_space<hbm>>
      %dma_start3A_54 = arith.constant 0 : i32
      %dma_start3A_55 = arith.constant 0 : i32
      %dma_start3A_56 = tpu.memref_slice %arg3[%add3A, %dma_start3A_54, %dma_start3A_55] : memref<32x128x2432xf32, #tpu.memory_space<hbm>> -> memref<1x128x304xf32, #tpu.memory_space<hbm>>
      %dma_start3A_57 = tpu.memref_squeeze %dma_start3A_56 : memref<1x128x304xf32, #tpu.memory_space<hbm>> -> memref<128x304xf32, #tpu.memory_space<hbm>>
      %dma_start3A_58 = arith.constant 0 : i32
      %dma_start3A_59 = arith.constant 0 : i32
      %dma_start3A_60 = tpu.memref_slice %arg5[%dma_start3A_58, %dma_start3A_59] : memref<128x305xf32, #tpu.memory_space<vmem>> -> memref<128x304xf32, #tpu.memory_space<vmem>>
      tpu.enqueue_dma source(%dma_start3A_60 : memref<128x304xf32, #tpu.memory_space<vmem>>) target(%dma_start3A_57 : memref<128x304xf32, #tpu.memory_space<hbm>>) target_semaphore(%run_scoped3A : memref<!tpu.dma_semaphore, #tpu.memory_space<semaphore_mem>>)
      %dma_wait3A = arith.constant 0 : i32
      %dma_wait3A_61 = arith.constant 0 : i32
      %dma_wait3A_62 = tpu.memref_slice %arg5[%dma_wait3A, %dma_wait3A_61] : memref<128x305xf32, #tpu.memory_space<vmem>> -> memref<128x304xf32, #tpu.memory_space<vmem>>
      %dma_wait3A_63 = arith.constant 0 : i32
      %dma_wait3A_64 = arith.constant 0 : i32
      %dma_wait3A_65 = tpu.memref_slice %arg3[%add3A, %dma_wait3A_63, %dma_wait3A_64] : memref<32x128x2432xf32, #tpu.memory_space<hbm>> -> memref<1x128x304xf32, #tpu.memory_space<hbm>>
      %dma_wait3A_66 = tpu.memref_squeeze %dma_wait3A_65 : memref<1x128x304xf32, #tpu.memory_space<hbm>> -> memref<128x304xf32, #tpu.memory_space<hbm>>
      %dma_wait3A_67 = arith.constant 0 : i32
      %dma_wait3A_68 = arith.constant 0 : i32
      %dma_wait3A_69 = tpu.memref_slice %arg3[%add3A, %dma_wait3A_67, %dma_wait3A_68] : memref<32x128x2432xf32, #tpu.memory_space<hbm>> -> memref<1x128x304xf32, #tpu.memory_space<hbm>>
      %dma_wait3A_70 = tpu.memref_squeeze %dma_wait3A_69 : memref<1x128x304xf32, #tpu.memory_space<hbm>> -> memref<128x304xf32, #tpu.memory_space<hbm>>
      %dma_wait3A_71 = arith.constant 0 : i32
      %dma_wait3A_72 = arith.constant 0 : i32
      %dma_wait3A_73 = tpu.memref_slice %arg5[%dma_wait3A_71, %dma_wait3A_72] : memref<128x305xf32, #tpu.memory_space<vmem>> -> memref<128x304xf32, #tpu.memory_space<vmem>>
      tpu.wait_dma2 semaphore(%run_scoped3A : memref<!tpu.dma_semaphore, #tpu.memory_space<semaphore_mem>>) src(%dma_wait3A_73 : memref<128x304xf32, #tpu.memory_space<vmem>>) dst(%dma_wait3A_70 : memref<128x304xf32, #tpu.memory_space<hbm>>)
      tpu.yield
    }) : () -> ()
    "tpu.region"() ({
      %run_scoped3A = tpu.sem_alloc : memref<!tpu.dma_semaphore, #tpu.memory_space<semaphore_mem>>
      %dma_start3A = arith.constant 0 : i32
      %dma_start3A_48 = arith.constant 16 : i32
      %dma_start3A_49 = arith.constant 0 : i32
      %dma_start3A_50 = tpu.memref_slice %arg2[%add3A, %dma_start3A, %dma_start3A_48, %dma_start3A_49] : memref<32x19x128x128xf32, #tpu.memory_space<hbm>> -> memref<1x19x16x128xf32, #tpu.memory_space<hbm>>
      %dma_start3A_51 = tpu.memref_squeeze %dma_start3A_50 : memref<1x19x16x128xf32, #tpu.memory_space<hbm>> -> memref<19x16x128xf32, #tpu.memory_space<hbm>>
      %dma_start3A_52 = arith.constant 0 : i32
      %dma_start3A_53 = arith.constant 16 : i32
      %dma_start3A_54 = arith.constant 0 : i32
      %dma_start3A_55 = tpu.memref_slice %arg2[%add3A, %dma_start3A_52, %dma_start3A_53, %dma_start3A_54] : memref<32x19x128x128xf32, #tpu.memory_space<hbm>> -> memref<1x19x16x128xf32, #tpu.memory_space<hbm>>
      %dma_start3A_56 = tpu.memref_squeeze %dma_start3A_55 : memref<1x19x16x128xf32, #tpu.memory_space<hbm>> -> memref<19x16x128xf32, #tpu.memory_space<hbm>>
      tpu.enqueue_dma source(%dma_start3A_56 : memref<19x16x128xf32, #tpu.memory_space<hbm>>) target(%arg4 : memref<19x16x128xf32, #tpu.memory_space<vmem>>) target_semaphore(%run_scoped3A : memref<!tpu.dma_semaphore, #tpu.memory_space<semaphore_mem>>)
      %dma_wait3A = arith.constant 0 : i32
      %dma_wait3A_57 = arith.constant 16 : i32
      %dma_wait3A_58 = arith.constant 0 : i32
      %dma_wait3A_59 = tpu.memref_slice %arg2[%add3A, %dma_wait3A, %dma_wait3A_57, %dma_wait3A_58] : memref<32x19x128x128xf32, #tpu.memory_space<hbm>> -> memref<1x19x16x128xf32, #tpu.memory_space<hbm>>
      %dma_wait3A_60 = tpu.memref_squeeze %dma_wait3A_59 : memref<1x19x16x128xf32, #tpu.memory_space<hbm>> -> memref<19x16x128xf32, #tpu.memory_space<hbm>>
      %dma_wait3A_61 = arith.constant 0 : i32
      %dma_wait3A_62 = arith.constant 16 : i32
      %dma_wait3A_63 = arith.constant 0 : i32
      %dma_wait3A_64 = tpu.memref_slice %arg2[%add3A, %dma_wait3A_61, %dma_wait3A_62, %dma_wait3A_63] : memref<32x19x128x128xf32, #tpu.memory_space<hbm>> -> memref<1x19x16x128xf32, #tpu.memory_space<hbm>>
      %dma_wait3A_65 = tpu.memref_squeeze %dma_wait3A_64 : memref<1x19x16x128xf32, #tpu.memory_space<hbm>> -> memref<19x16x128xf32, #tpu.memory_space<hbm>>
      tpu.wait_dma2 semaphore(%run_scoped3A : memref<!tpu.dma_semaphore, #tpu.memory_space<semaphore_mem>>) src(%dma_wait3A_65 : memref<19x16x128xf32, #tpu.memory_space<hbm>>) dst(%arg4 : memref<19x16x128xf32, #tpu.memory_space<vmem>>)
      tpu.yield
    }) : () -> ()
    %scan3A_6 = arith.constant 0 : i32
    %scan3A_7 = arith.constant 0 : i32
    %scan3A_8 = arith.constant 128 : i32
    %scan3A_9 = arith.addi %scan3A_7, %scan3A_8 : i32
    %scan3A_10 = arith.constant 1 : i32
    scf.for %scan3A_48 = %scan3A_7 to %scan3A_9 step %scan3A_10  : i32 {
      %shift_right_arithmetic3A = arith.constant 3 : i32
      %shift_right_arithmetic3A_49 = arith.shrsi %scan3A_48, %shift_right_arithmetic3A : i32
      %and3A = arith.constant 7 : i32
      %and3A_50 = arith.andi %scan3A_48, %and3A : i32
      %mul3A_51 = arith.constant 16 : i32
      %mul3A_52 = arith.muli %and3A_50, %mul3A_51 : i32
      %add3A_53 = vector.broadcast %mul3A_52 : i32 to vector<16xi32>
      %add3A_54 = arith.addi %iota3A, %add3A_53 : vector<16xi32>
      %get3A = arith.constant 0 : i32
      %get3A_55 = arith.index_cast %get3A : i32 to index
      %get3A_56 = arith.index_cast %shift_right_arithmetic3A_49 : i32 to index
      %get3A_57 = arith.index_cast %mul3A_52 : i32 to index
      %get3A_58 = tpu.vector_load %arg4[%get3A_55, %get3A_56, %get3A_57] {strides = array<i32>} : memref<19x16x128xf32, #tpu.memory_space<vmem>>, vector<16xf32>,
      %get3A_59 = arith.constant 1 : i32
      %get3A_60 = arith.index_cast %get3A_59 : i32 to index
      %get3A_61 = arith.index_cast %shift_right_arithmetic3A_49 : i32 to index
      %get3A_62 = arith.index_cast %mul3A_52 : i32 to index
      %get3A_63 = tpu.vector_load %arg4[%get3A_60, %get3A_61, %get3A_62] {strides = array<i32>} : memref<19x16x128xf32, #tpu.memory_space<vmem>>, vector<16xf32>,
      %get3A_64 = arith.constant 2 : i32
      %get3A_65 = arith.index_cast %get3A_64 : i32 to index
      %get3A_66 = arith.index_cast %shift_right_arithmetic3A_49 : i32 to index
      %get3A_67 = arith.index_cast %mul3A_52 : i32 to index
      %get3A_68 = tpu.vector_load %arg4[%get3A_65, %get3A_66, %get3A_67] {strides = array<i32>} : memref<19x16x128xf32, #tpu.memory_space<vmem>>, vector<16xf32>,
      %get3A_69 = arith.constant 3 : i32
      %get3A_70 = arith.index_cast %get3A_69 : i32 to index
      %get3A_71 = arith.index_cast %shift_right_arithmetic3A_49 : i32 to index
      %get3A_72 = arith.index_cast %mul3A_52 : i32 to index
      %get3A_73 = tpu.vector_load %arg4[%get3A_70, %get3A_71, %get3A_72] {strides = array<i32>} : memref<19x16x128xf32, #tpu.memory_space<vmem>>, vector<16xf32>,
      %get3A_74 = arith.constant 4 : i32
      %get3A_75 = arith.index_cast %get3A_74 : i32 to index
      %get3A_76 = arith.index_cast %shift_right_arithmetic3A_49 : i32 to index
      %get3A_77 = arith.index_cast %mul3A_52 : i32 to index
      %get3A_78 = tpu.vector_load %arg4[%get3A_75, %get3A_76, %get3A_77] {strides = array<i32>} : memref<19x16x128xf32, #tpu.memory_space<vmem>>, vector<16xf32>,
      %get3A_79 = arith.constant 5 : i32
      %get3A_80 = arith.index_cast %get3A_79 : i32 to index
      %get3A_81 = arith.index_cast %shift_right_arithmetic3A_49 : i32 to index
      %get3A_82 = arith.index_cast %mul3A_52 : i32 to index
      %get3A_83 = tpu.vector_load %arg4[%get3A_80, %get3A_81, %get3A_82] {strides = array<i32>} : memref<19x16x128xf32, #tpu.memory_space<vmem>>, vector<16xf32>,
      %get3A_84 = arith.constant 6 : i32
      %get3A_85 = arith.index_cast %get3A_84 : i32 to index
      %get3A_86 = arith.index_cast %shift_right_arithmetic3A_49 : i32 to index
      %get3A_87 = arith.index_cast %mul3A_52 : i32 to index
      %get3A_88 = tpu.vector_load %arg4[%get3A_85, %get3A_86, %get3A_87] {strides = array<i32>} : memref<19x16x128xf32, #tpu.memory_space<vmem>>, vector<16xf32>,
      %get3A_89 = arith.constant 7 : i32
      %get3A_90 = arith.index_cast %get3A_89 : i32 to index
      %get3A_91 = arith.index_cast %shift_right_arithmetic3A_49 : i32 to index
      %get3A_92 = arith.index_cast %mul3A_52 : i32 to index
      %get3A_93 = tpu.vector_load %arg4[%get3A_90, %get3A_91, %get3A_92] {strides = array<i32>} : memref<19x16x128xf32, #tpu.memory_space<vmem>>, vector<16xf32>,
      %get3A_94 = arith.constant 8 : i32
      %get3A_95 = arith.index_cast %get3A_94 : i32 to index
      %get3A_96 = arith.index_cast %shift_right_arithmetic3A_49 : i32 to index
      %get3A_97 = arith.index_cast %mul3A_52 : i32 to index
      %get3A_98 = tpu.vector_load %arg4[%get3A_95, %get3A_96, %get3A_97] {strides = array<i32>} : memref<19x16x128xf32, #tpu.memory_space<vmem>>, vector<16xf32>,
      %get3A_99 = arith.constant 9 : i32
      %get3A_100 = arith.index_cast %get3A_99 : i32 to index
      %get3A_101 = arith.index_cast %shift_right_arithmetic3A_49 : i32 to index
      %get3A_102 = arith.index_cast %mul3A_52 : i32 to index
      %get3A_103 = tpu.vector_load %arg4[%get3A_100, %get3A_101, %get3A_102] {strides = array<i32>} : memref<19x16x128xf32, #tpu.memory_space<vmem>>, vector<16xf32>,
      %get3A_104 = arith.constant 10 : i32
      %get3A_105 = arith.index_cast %get3A_104 : i32 to index
      %get3A_106 = arith.index_cast %shift_right_arithmetic3A_49 : i32 to index
      %get3A_107 = arith.index_cast %mul3A_52 : i32 to index
      %get3A_108 = tpu.vector_load %arg4[%get3A_105, %get3A_106, %get3A_107] {strides = array<i32>} : memref<19x16x128xf32, #tpu.memory_space<vmem>>, vector<16xf32>,
      %get3A_109 = arith.constant 11 : i32
      %get3A_110 = arith.index_cast %get3A_109 : i32 to index
      %get3A_111 = arith.index_cast %shift_right_arithmetic3A_49 : i32 to index
      %get3A_112 = arith.index_cast %mul3A_52 : i32 to index
      %get3A_113 = tpu.vector_load %arg4[%get3A_110, %get3A_111, %get3A_112] {strides = array<i32>} : memref<19x16x128xf32, #tpu.memory_space<vmem>>, vector<16xf32>,
      %get3A_114 = arith.constant 12 : i32
      %get3A_115 = arith.index_cast %get3A_114 : i32 to index
      %get3A_116 = arith.index_cast %shift_right_arithmetic3A_49 : i32 to index
      %get3A_117 = arith.index_cast %mul3A_52 : i32 to index
      %get3A_118 = tpu.vector_load %arg4[%get3A_115, %get3A_116, %get3A_117] {strides = array<i32>} : memref<19x16x128xf32, #tpu.memory_space<vmem>>, vector<16xf32>,
      %get3A_119 = arith.constant 13 : i32
      %get3A_120 = arith.index_cast %get3A_119 : i32 to index
      %get3A_121 = arith.index_cast %shift_right_arithmetic3A_49 : i32 to index
      %get3A_122 = arith.index_cast %mul3A_52 : i32 to index
      %get3A_123 = tpu.vector_load %arg4[%get3A_120, %get3A_121, %get3A_122] {strides = array<i32>} : memref<19x16x128xf32, #tpu.memory_space<vmem>>, vector<16xf32>,
      %get3A_124 = arith.constant 14 : i32
      %get3A_125 = arith.index_cast %get3A_124 : i32 to index
      %get3A_126 = arith.index_cast %shift_right_arithmetic3A_49 : i32 to index
      %get3A_127 = arith.index_cast %mul3A_52 : i32 to index
      %get3A_128 = tpu.vector_load %arg4[%get3A_125, %get3A_126, %get3A_127] {strides = array<i32>} : memref<19x16x128xf32, #tpu.memory_space<vmem>>, vector<16xf32>,
      %get3A_129 = arith.constant 15 : i32
      %get3A_130 = arith.index_cast %get3A_129 : i32 to index
      %get3A_131 = arith.index_cast %shift_right_arithmetic3A_49 : i32 to index
      %get3A_132 = arith.index_cast %mul3A_52 : i32 to index
      %get3A_133 = tpu.vector_load %arg4[%get3A_130, %get3A_131, %get3A_132] {strides = array<i32>} : memref<19x16x128xf32, #tpu.memory_space<vmem>>, vector<16xf32>,
      %get3A_134 = arith.constant 16 : i32
      %get3A_135 = arith.index_cast %get3A_134 : i32 to index
      %get3A_136 = arith.index_cast %shift_right_arithmetic3A_49 : i32 to index
      %get3A_137 = arith.index_cast %mul3A_52 : i32 to index
      %get3A_138 = tpu.vector_load %arg4[%get3A_135, %get3A_136, %get3A_137] {strides = array<i32>} : memref<19x16x128xf32, #tpu.memory_space<vmem>>, vector<16xf32>,
      %get3A_139 = arith.constant 17 : i32
      %get3A_140 = arith.index_cast %get3A_139 : i32 to index
      %get3A_141 = arith.index_cast %shift_right_arithmetic3A_49 : i32 to index
      %get3A_142 = arith.index_cast %mul3A_52 : i32 to index
      %get3A_143 = tpu.vector_load %arg4[%get3A_140, %get3A_141, %get3A_142] {strides = array<i32>} : memref<19x16x128xf32, #tpu.memory_space<vmem>>, vector<16xf32>,
      %get3A_144 = arith.constant 18 : i32
      %get3A_145 = arith.index_cast %get3A_144 : i32 to index
      %get3A_146 = arith.index_cast %shift_right_arithmetic3A_49 : i32 to index
      %get3A_147 = arith.index_cast %mul3A_52 : i32 to index
      %get3A_148 = tpu.vector_load %arg4[%get3A_145, %get3A_146, %get3A_147] {strides = array<i32>} : memref<19x16x128xf32, #tpu.memory_space<vmem>>, vector<16xf32>,
      %add3A_149 = arith.addf %get3A_58, %get3A_63 : vector<16xf32>
      %add3A_150 = arith.addf %add3A_149, %get3A_68 : vector<16xf32>
      %add3A_151 = arith.addf %add3A_150, %get3A_73 : vector<16xf32>
      %add3A_152 = arith.addf %add3A_151, %get3A_78 : vector<16xf32>
      %add3A_153 = arith.addf %add3A_152, %get3A_83 : vector<16xf32>
      %add3A_154 = arith.addf %add3A_153, %get3A_88 : vector<16xf32>
      %add3A_155 = arith.addf %add3A_154, %get3A_93 : vector<16xf32>
      %add3A_156 = arith.addf %add3A_155, %get3A_98 : vector<16xf32>
      %add3A_157 = arith.addf %add3A_156, %get3A_103 : vector<16xf32>
      %add3A_158 = arith.addf %add3A_157, %get3A_108 : vector<16xf32>
      %add3A_159 = arith.addf %add3A_158, %get3A_113 : vector<16xf32>
      %add3A_160 = arith.addf %add3A_159, %get3A_118 : vector<16xf32>
      %add3A_161 = arith.addf %add3A_160, %get3A_123 : vector<16xf32>
      %add3A_162 = arith.addf %add3A_161, %get3A_128 : vector<16xf32>
      %add3A_163 = arith.addf %add3A_162, %get3A_133 : vector<16xf32>
      %add3A_164 = arith.addf %add3A_163, %get3A_138 : vector<16xf32>
      %add3A_165 = arith.addf %add3A_164, %get3A_143 : vector<16xf32>
      %add3A_166 = arith.addf %add3A_165, %get3A_148 : vector<16xf32>
      %div3A = arith.constant 1.000000e+00 : f32
      %div3A_167 = vector.broadcast %div3A : f32 to vector<16xf32>
      %div3A_168 = arith.divf %div3A_167, %add3A_166 : vector<16xf32>
      %mul3A_169 = arith.constant 19 : i32
      %mul3A_170 = arith.muli %shift_right_arithmetic3A_49, %mul3A_169 : i32
      %add3A_171 = arith.constant 0 : i32
      %add3A_172 = arith.addi %mul3A_170, %add3A_171 : i32
      %broadcast_in_dim3A = vector.broadcast %add3A_172 : i32 to vector<16xi32>
      %mul3A_173 = arith.mulf %get3A_58, %div3A_168 : vector<16xf32>
      tpu.vector_store_idx %arg5[%add3A_54, %broadcast_in_dim3A], %mul3A_173 : memref<128x305xf32, #tpu.memory_space<vmem>>[vector<16xi32>, vector<16xi32>], vector<16xf32>,
      %add3A_174 = arith.constant 1 : i32
      %add3A_175 = arith.addi %mul3A_170, %add3A_174 : i32
      %broadcast_in_dim3A_176 = vector.broadcast %add3A_175 : i32 to vector<16xi32>
      %mul3A_177 = arith.mulf %get3A_63, %div3A_168 : vector<16xf32>
      tpu.vector_store_idx %arg5[%add3A_54, %broadcast_in_dim3A_176], %mul3A_177 : memref<128x305xf32, #tpu.memory_space<vmem>>[vector<16xi32>, vector<16xi32>], vector<16xf32>,
      %add3A_178 = arith.constant 2 : i32
      %add3A_179 = arith.addi %mul3A_170, %add3A_178 : i32
      %broadcast_in_dim3A_180 = vector.broadcast %add3A_179 : i32 to vector<16xi32>
      %mul3A_181 = arith.mulf %get3A_68, %div3A_168 : vector<16xf32>
      tpu.vector_store_idx %arg5[%add3A_54, %broadcast_in_dim3A_180], %mul3A_181 : memref<128x305xf32, #tpu.memory_space<vmem>>[vector<16xi32>, vector<16xi32>], vector<16xf32>,
      %add3A_182 = arith.constant 3 : i32
      %add3A_183 = arith.addi %mul3A_170, %add3A_182 : i32
      %broadcast_in_dim3A_184 = vector.broadcast %add3A_183 : i32 to vector<16xi32>
      %mul3A_185 = arith.mulf %get3A_73, %div3A_168 : vector<16xf32>
      tpu.vector_store_idx %arg5[%add3A_54, %broadcast_in_dim3A_184], %mul3A_185 : memref<128x305xf32, #tpu.memory_space<vmem>>[vector<16xi32>, vector<16xi32>], vector<16xf32>,
      %add3A_186 = arith.constant 4 : i32
      %add3A_187 = arith.addi %mul3A_170, %add3A_186 : i32
      %broadcast_in_dim3A_188 = vector.broadcast %add3A_187 : i32 to vector<16xi32>
      %mul3A_189 = arith.mulf %get3A_78, %div3A_168 : vector<16xf32>
      tpu.vector_store_idx %arg5[%add3A_54, %broadcast_in_dim3A_188], %mul3A_189 : memref<128x305xf32, #tpu.memory_space<vmem>>[vector<16xi32>, vector<16xi32>], vector<16xf32>,
      %add3A_190 = arith.constant 5 : i32
      %add3A_191 = arith.addi %mul3A_170, %add3A_190 : i32
      %broadcast_in_dim3A_192 = vector.broadcast %add3A_191 : i32 to vector<16xi32>
      %mul3A_193 = arith.mulf %get3A_83, %div3A_168 : vector<16xf32>
      tpu.vector_store_idx %arg5[%add3A_54, %broadcast_in_dim3A_192], %mul3A_193 : memref<128x305xf32, #tpu.memory_space<vmem>>[vector<16xi32>, vector<16xi32>], vector<16xf32>,
      %add3A_194 = arith.constant 6 : i32
      %add3A_195 = arith.addi %mul3A_170, %add3A_194 : i32
      %broadcast_in_dim3A_196 = vector.broadcast %add3A_195 : i32 to vector<16xi32>
      %mul3A_197 = arith.mulf %get3A_88, %div3A_168 : vector<16xf32>
      tpu.vector_store_idx %arg5[%add3A_54, %broadcast_in_dim3A_196], %mul3A_197 : memref<128x305xf32, #tpu.memory_space<vmem>>[vector<16xi32>, vector<16xi32>], vector<16xf32>,
      %add3A_198 = arith.constant 7 : i32
      %add3A_199 = arith.addi %mul3A_170, %add3A_198 : i32
      %broadcast_in_dim3A_200 = vector.broadcast %add3A_199 : i32 to vector<16xi32>
      %mul3A_201 = arith.mulf %get3A_93, %div3A_168 : vector<16xf32>
      tpu.vector_store_idx %arg5[%add3A_54, %broadcast_in_dim3A_200], %mul3A_201 : memref<128x305xf32, #tpu.memory_space<vmem>>[vector<16xi32>, vector<16xi32>], vector<16xf32>,
      %add3A_202 = arith.constant 8 : i32
      %add3A_203 = arith.addi %mul3A_170, %add3A_202 : i32
      %broadcast_in_dim3A_204 = vector.broadcast %add3A_203 : i32 to vector<16xi32>
      %mul3A_205 = arith.mulf %get3A_98, %div3A_168 : vector<16xf32>
      tpu.vector_store_idx %arg5[%add3A_54, %broadcast_in_dim3A_204], %mul3A_205 : memref<128x305xf32, #tpu.memory_space<vmem>>[vector<16xi32>, vector<16xi32>], vector<16xf32>,
      %add3A_206 = arith.constant 9 : i32
      %add3A_207 = arith.addi %mul3A_170, %add3A_206 : i32
      %broadcast_in_dim3A_208 = vector.broadcast %add3A_207 : i32 to vector<16xi32>
      %mul3A_209 = arith.mulf %get3A_103, %div3A_168 : vector<16xf32>
      tpu.vector_store_idx %arg5[%add3A_54, %broadcast_in_dim3A_208], %mul3A_209 : memref<128x305xf32, #tpu.memory_space<vmem>>[vector<16xi32>, vector<16xi32>], vector<16xf32>,
      %add3A_210 = arith.constant 10 : i32
      %add3A_211 = arith.addi %mul3A_170, %add3A_210 : i32
      %broadcast_in_dim3A_212 = vector.broadcast %add3A_211 : i32 to vector<16xi32>
      %mul3A_213 = arith.mulf %get3A_108, %div3A_168 : vector<16xf32>
      tpu.vector_store_idx %arg5[%add3A_54, %broadcast_in_dim3A_212], %mul3A_213 : memref<128x305xf32, #tpu.memory_space<vmem>>[vector<16xi32>, vector<16xi32>], vector<16xf32>,
      %add3A_214 = arith.constant 11 : i32
      %add3A_215 = arith.addi %mul3A_170, %add3A_214 : i32
      %broadcast_in_dim3A_216 = vector.broadcast %add3A_215 : i32 to vector<16xi32>
      %mul3A_217 = arith.mulf %get3A_113, %div3A_168 : vector<16xf32>
      tpu.vector_store_idx %arg5[%add3A_54, %broadcast_in_dim3A_216], %mul3A_217 : memref<128x305xf32, #tpu.memory_space<vmem>>[vector<16xi32>, vector<16xi32>], vector<16xf32>,
      %add3A_218 = arith.constant 12 : i32
      %add3A_219 = arith.addi %mul3A_170, %add3A_218 : i32
      %broadcast_in_dim3A_220 = vector.broadcast %add3A_219 : i32 to vector<16xi32>
      %mul3A_221 = arith.mulf %get3A_118, %div3A_168 : vector<16xf32>
      tpu.vector_store_idx %arg5[%add3A_54, %broadcast_in_dim3A_220], %mul3A_221 : memref<128x305xf32, #tpu.memory_space<vmem>>[vector<16xi32>, vector<16xi32>], vector<16xf32>,
      %add3A_222 = arith.constant 13 : i32
      %add3A_223 = arith.addi %mul3A_170, %add3A_222 : i32
      %broadcast_in_dim3A_224 = vector.broadcast %add3A_223 : i32 to vector<16xi32>
      %mul3A_225 = arith.mulf %get3A_123, %div3A_168 : vector<16xf32>
      tpu.vector_store_idx %arg5[%add3A_54, %broadcast_in_dim3A_224], %mul3A_225 : memref<128x305xf32, #tpu.memory_space<vmem>>[vector<16xi32>, vector<16xi32>], vector<16xf32>,
      %add3A_226 = arith.constant 14 : i32
      %add3A_227 = arith.addi %mul3A_170, %add3A_226 : i32
      %broadcast_in_dim3A_228 = vector.broadcast %add3A_227 : i32 to vector<16xi32>
      %mul3A_229 = arith.mulf %get3A_128, %div3A_168 : vector<16xf32>
      tpu.vector_store_idx %arg5[%add3A_54, %broadcast_in_dim3A_228], %mul3A_229 : memref<128x305xf32, #tpu.memory_space<vmem>>[vector<16xi32>, vector<16xi32>], vector<16xf32>,
      %add3A_230 = arith.constant 15 : i32
      %add3A_231 = arith.addi %mul3A_170, %add3A_230 : i32
      %broadcast_in_dim3A_232 = vector.broadcast %add3A_231 : i32 to vector<16xi32>
      %mul3A_233 = arith.mulf %get3A_133, %div3A_168 : vector<16xf32>
      tpu.vector_store_idx %arg5[%add3A_54, %broadcast_in_dim3A_232], %mul3A_233 : memref<128x305xf32, #tpu.memory_space<vmem>>[vector<16xi32>, vector<16xi32>], vector<16xf32>,
      %add3A_234 = arith.constant 16 : i32
      %add3A_235 = arith.addi %mul3A_170, %add3A_234 : i32
      %broadcast_in_dim3A_236 = vector.broadcast %add3A_235 : i32 to vector<16xi32>
      %mul3A_237 = arith.mulf %get3A_138, %div3A_168 : vector<16xf32>
      tpu.vector_store_idx %arg5[%add3A_54, %broadcast_in_dim3A_236], %mul3A_237 : memref<128x305xf32, #tpu.memory_space<vmem>>[vector<16xi32>, vector<16xi32>], vector<16xf32>,
      %add3A_238 = arith.constant 17 : i32
      %add3A_239 = arith.addi %mul3A_170, %add3A_238 : i32
      %broadcast_in_dim3A_240 = vector.broadcast %add3A_239 : i32 to vector<16xi32>
      %mul3A_241 = arith.mulf %get3A_143, %div3A_168 : vector<16xf32>
      tpu.vector_store_idx %arg5[%add3A_54, %broadcast_in_dim3A_240], %mul3A_241 : memref<128x305xf32, #tpu.memory_space<vmem>>[vector<16xi32>, vector<16xi32>], vector<16xf32>,
      %add3A_242 = arith.constant 18 : i32
      %add3A_243 = arith.addi %mul3A_170, %add3A_242 : i32
      %broadcast_in_dim3A_244 = vector.broadcast %add3A_243 : i32 to vector<16xi32>
      %mul3A_245 = arith.mulf %get3A_148, %div3A_168 : vector<16xf32>
      tpu.vector_store_idx %arg5[%add3A_54, %broadcast_in_dim3A_244], %mul3A_245 : memref<128x305xf32, #tpu.memory_space<vmem>>[vector<16xi32>, vector<16xi32>], vector<16xf32>,
    }
    %scan3A_11 = arith.constant 128 : i32
    "tpu.region"() ({
      %run_scoped3A = tpu.sem_alloc : memref<!tpu.dma_semaphore, #tpu.memory_space<semaphore_mem>>
      %dma_start3A = arith.constant 0 : i32
      %dma_start3A_48 = arith.constant 0 : i32
      %dma_start3A_49 = tpu.memref_slice %arg5[%dma_start3A, %dma_start3A_48] : memref<128x305xf32, #tpu.memory_space<vmem>> -> memref<128x304xf32, #tpu.memory_space<vmem>>
      %dma_start3A_50 = arith.constant 0 : i32
      %dma_start3A_51 = arith.constant 304 : i32
      %dma_start3A_52 = tpu.memref_slice %arg3[%add3A, %dma_start3A_50, %dma_start3A_51] : memref<32x128x2432xf32, #tpu.memory_space<hbm>> -> memref<1x128x304xf32, #tpu.memory_space<hbm>>
      %dma_start3A_53 = tpu.memref_squeeze %dma_start3A_52 : memref<1x128x304xf32, #tpu.memory_space<hbm>> -> memref<128x304xf32, #tpu.memory_space<hbm>>
      %dma_start3A_54 = arith.constant 0 : i32
      %dma_start3A_55 = arith.constant 304 : i32
      %dma_start3A_56 = tpu.memref_slice %arg3[%add3A, %dma_start3A_54, %dma_start3A_55] : memref<32x128x2432xf32, #tpu.memory_space<hbm>> -> memref<1x128x304xf32, #tpu.memory_space<hbm>>
      %dma_start3A_57 = tpu.memref_squeeze %dma_start3A_56 : memref<1x128x304xf32, #tpu.memory_space<hbm>> -> memref<128x304xf32, #tpu.memory_space<hbm>>
      %dma_start3A_58 = arith.constant 0 : i32
      %dma_start3A_59 = arith.constant 0 : i32
      %dma_start3A_60 = tpu.memref_slice %arg5[%dma_start3A_58, %dma_start3A_59] : memref<128x305xf32, #tpu.memory_space<vmem>> -> memref<128x304xf32, #tpu.memory_space<vmem>>
      tpu.enqueue_dma source(%dma_start3A_60 : memref<128x304xf32, #tpu.memory_space<vmem>>) target(%dma_start3A_57 : memref<128x304xf32, #tpu.memory_space<hbm>>) target_semaphore(%run_scoped3A : memref<!tpu.dma_semaphore, #tpu.memory_space<semaphore_mem>>)
      %dma_wait3A = arith.constant 0 : i32
      %dma_wait3A_61 = arith.constant 0 : i32
      %dma_wait3A_62 = tpu.memref_slice %arg5[%dma_wait3A, %dma_wait3A_61] : memref<128x305xf32, #tpu.memory_space<vmem>> -> memref<128x304xf32, #tpu.memory_space<vmem>>
      %dma_wait3A_63 = arith.constant 0 : i32
      %dma_wait3A_64 = arith.constant 304 : i32
      %dma_wait3A_65 = tpu.memref_slice %arg3[%add3A, %dma_wait3A_63, %dma_wait3A_64] : memref<32x128x2432xf32, #tpu.memory_space<hbm>> -> memref<1x128x304xf32, #tpu.memory_space<hbm>>
      %dma_wait3A_66 = tpu.memref_squeeze %dma_wait3A_65 : memref<1x128x304xf32, #tpu.memory_space<hbm>> -> memref<128x304xf32, #tpu.memory_space<hbm>>
      %dma_wait3A_67 = arith.constant 0 : i32
      %dma_wait3A_68 = arith.constant 304 : i32
      %dma_wait3A_69 = tpu.memref_slice %arg3[%add3A, %dma_wait3A_67, %dma_wait3A_68] : memref<32x128x2432xf32, #tpu.memory_space<hbm>> -> memref<1x128x304xf32, #tpu.memory_space<hbm>>
      %dma_wait3A_70 = tpu.memref_squeeze %dma_wait3A_69 : memref<1x128x304xf32, #tpu.memory_space<hbm>> -> memref<128x304xf32, #tpu.memory_space<hbm>>
      %dma_wait3A_71 = arith.constant 0 : i32
      %dma_wait3A_72 = arith.constant 0 : i32
      %dma_wait3A_73 = tpu.memref_slice %arg5[%dma_wait3A_71, %dma_wait3A_72] : memref<128x305xf32, #tpu.memory_space<vmem>> -> memref<128x304xf32, #tpu.memory_space<vmem>>
      tpu.wait_dma2 semaphore(%run_scoped3A : memref<!tpu.dma_semaphore, #tpu.memory_space<semaphore_mem>>) src(%dma_wait3A_73 : memref<128x304xf32, #tpu.memory_space<vmem>>) dst(%dma_wait3A_70 : memref<128x304xf32, #tpu.memory_space<hbm>>)
      tpu.yield
    }) : () -> ()
    "tpu.region"() ({
      %run_scoped3A = tpu.sem_alloc : memref<!tpu.dma_semaphore, #tpu.memory_space<semaphore_mem>>
      %dma_start3A = arith.constant 0 : i32
      %dma_start3A_48 = arith.constant 32 : i32
      %dma_start3A_49 = arith.constant 0 : i32
      %dma_start3A_50 = tpu.memref_slice %arg2[%add3A, %dma_start3A, %dma_start3A_48, %dma_start3A_49] : memref<32x19x128x128xf32, #tpu.memory_space<hbm>> -> memref<1x19x16x128xf32, #tpu.memory_space<hbm>>
      %dma_start3A_51 = tpu.memref_squeeze %dma_start3A_50 : memref<1x19x16x128xf32, #tpu.memory_space<hbm>> -> memref<19x16x128xf32, #tpu.memory_space<hbm>>
      %dma_start3A_52 = arith.constant 0 : i32
      %dma_start3A_53 = arith.constant 32 : i32
      %dma_start3A_54 = arith.constant 0 : i32
      %dma_start3A_55 = tpu.memref_slice %arg2[%add3A, %dma_start3A_52, %dma_start3A_53, %dma_start3A_54] : memref<32x19x128x128xf32, #tpu.memory_space<hbm>> -> memref<1x19x16x128xf32, #tpu.memory_space<hbm>>
      %dma_start3A_56 = tpu.memref_squeeze %dma_start3A_55 : memref<1x19x16x128xf32, #tpu.memory_space<hbm>> -> memref<19x16x128xf32, #tpu.memory_space<hbm>>
      tpu.enqueue_dma source(%dma_start3A_56 : memref<19x16x128xf32, #tpu.memory_space<hbm>>) target(%arg4 : memref<19x16x128xf32, #tpu.memory_space<vmem>>) target_semaphore(%run_scoped3A : memref<!tpu.dma_semaphore, #tpu.memory_space<semaphore_mem>>)
      %dma_wait3A = arith.constant 0 : i32
      %dma_wait3A_57 = arith.constant 32 : i32
      %dma_wait3A_58 = arith.constant 0 : i32
      %dma_wait3A_59 = tpu.memref_slice %arg2[%add3A, %dma_wait3A, %dma_wait3A_57, %dma_wait3A_58] : memref<32x19x128x128xf32, #tpu.memory_space<hbm>> -> memref<1x19x16x128xf32, #tpu.memory_space<hbm>>
      %dma_wait3A_60 = tpu.memref_squeeze %dma_wait3A_59 : memref<1x19x16x128xf32, #tpu.memory_space<hbm>> -> memref<19x16x128xf32, #tpu.memory_space<hbm>>
      %dma_wait3A_61 = arith.constant 0 : i32
      %dma_wait3A_62 = arith.constant 32 : i32
      %dma_wait3A_63 = arith.constant 0 : i32
      %dma_wait3A_64 = tpu.memref_slice %arg2[%add3A, %dma_wait3A_61, %dma_wait3A_62, %dma_wait3A_63] : memref<32x19x128x128xf32, #tpu.memory_space<hbm>> -> memref<1x19x16x128xf32, #tpu.memory_space<hbm>>
      %dma_wait3A_65 = tpu.memref_squeeze %dma_wait3A_64 : memref<1x19x16x128xf32, #tpu.memory_space<hbm>> -> memref<19x16x128xf32, #tpu.memory_space<hbm>>
      tpu.wait_dma2 semaphore(%run_scoped3A : memref<!tpu.dma_semaphore, #tpu.memory_space<semaphore_mem>>) src(%dma_wait3A_65 : memref<19x16x128xf32, #tpu.memory_space<hbm>>) dst(%arg4 : memref<19x16x128xf32, #tpu.memory_space<vmem>>)
      tpu.yield
    }) : () -> ()
    %scan3A_12 = arith.constant 0 : i32
    %scan3A_13 = arith.constant 0 : i32
    %scan3A_14 = arith.constant 128 : i32
    %scan3A_15 = arith.addi %scan3A_13, %scan3A_14 : i32
    %scan3A_16 = arith.constant 1 : i32
    scf.for %scan3A_48 = %scan3A_13 to %scan3A_15 step %scan3A_16  : i32 {
      %shift_right_arithmetic3A = arith.constant 3 : i32
      %shift_right_arithmetic3A_49 = arith.shrsi %scan3A_48, %shift_right_arithmetic3A : i32
      %and3A = arith.constant 7 : i32
      %and3A_50 = arith.andi %scan3A_48, %and3A : i32
      %mul3A_51 = arith.constant 16 : i32
      %mul3A_52 = arith.muli %and3A_50, %mul3A_51 : i32
      %add3A_53 = vector.broadcast %mul3A_52 : i32 to vector<16xi32>
      %add3A_54 = arith.addi %iota3A, %add3A_53 : vector<16xi32>
      %get3A = arith.constant 0 : i32
      %get3A_55 = arith.index_cast %get3A : i32 to index
      %get3A_56 = arith.index_cast %shift_right_arithmetic3A_49 : i32 to index
      %get3A_57 = arith.index_cast %mul3A_52 : i32 to index
      %get3A_58 = tpu.vector_load %arg4[%get3A_55, %get3A_56, %get3A_57] {strides = array<i32>} : memref<19x16x128xf32, #tpu.memory_space<vmem>>, vector<16xf32>,
      %get3A_59 = arith.constant 1 : i32
      %get3A_60 = arith.index_cast %get3A_59 : i32 to index
      %get3A_61 = arith.index_cast %shift_right_arithmetic3A_49 : i32 to index
      %get3A_62 = arith.index_cast %mul3A_52 : i32 to index
      %get3A_63 = tpu.vector_load %arg4[%get3A_60, %get3A_61, %get3A_62] {strides = array<i32>} : memref<19x16x128xf32, #tpu.memory_space<vmem>>, vector<16xf32>,
      %get3A_64 = arith.constant 2 : i32
      %get3A_65 = arith.index_cast %get3A_64 : i32 to index
      %get3A_66 = arith.index_cast %shift_right_arithmetic3A_49 : i32 to index
      %get3A_67 = arith.index_cast %mul3A_52 : i32 to index
      %get3A_68 = tpu.vector_load %arg4[%get3A_65, %get3A_66, %get3A_67] {strides = array<i32>} : memref<19x16x128xf32, #tpu.memory_space<vmem>>, vector<16xf32>,
      %get3A_69 = arith.constant 3 : i32
      %get3A_70 = arith.index_cast %get3A_69 : i32 to index
      %get3A_71 = arith.index_cast %shift_right_arithmetic3A_49 : i32 to index
      %get3A_72 = arith.index_cast %mul3A_52 : i32 to index
      %get3A_73 = tpu.vector_load %arg4[%get3A_70, %get3A_71, %get3A_72] {strides = array<i32>} : memref<19x16x128xf32, #tpu.memory_space<vmem>>, vector<16xf32>,
      %get3A_74 = arith.constant 4 : i32
      %get3A_75 = arith.index_cast %get3A_74 : i32 to index
      %get3A_76 = arith.index_cast %shift_right_arithmetic3A_49 : i32 to index
      %get3A_77 = arith.index_cast %mul3A_52 : i32 to index
      %get3A_78 = tpu.vector_load %arg4[%get3A_75, %get3A_76, %get3A_77] {strides = array<i32>} : memref<19x16x128xf32, #tpu.memory_space<vmem>>, vector<16xf32>,
      %get3A_79 = arith.constant 5 : i32
      %get3A_80 = arith.index_cast %get3A_79 : i32 to index
      %get3A_81 = arith.index_cast %shift_right_arithmetic3A_49 : i32 to index
      %get3A_82 = arith.index_cast %mul3A_52 : i32 to index
      %get3A_83 = tpu.vector_load %arg4[%get3A_80, %get3A_81, %get3A_82] {strides = array<i32>} : memref<19x16x128xf32, #tpu.memory_space<vmem>>, vector<16xf32>,
      %get3A_84 = arith.constant 6 : i32
      %get3A_85 = arith.index_cast %get3A_84 : i32 to index
      %get3A_86 = arith.index_cast %shift_right_arithmetic3A_49 : i32 to index
      %get3A_87 = arith.index_cast %mul3A_52 : i32 to index
      %get3A_88 = tpu.vector_load %arg4[%get3A_85, %get3A_86, %get3A_87] {strides = array<i32>} : memref<19x16x128xf32, #tpu.memory_space<vmem>>, vector<16xf32>,
      %get3A_89 = arith.constant 7 : i32
      %get3A_90 = arith.index_cast %get3A_89 : i32 to index
      %get3A_91 = arith.index_cast %shift_right_arithmetic3A_49 : i32 to index
      %get3A_92 = arith.index_cast %mul3A_52 : i32 to index
      %get3A_93 = tpu.vector_load %arg4[%get3A_90, %get3A_91, %get3A_92] {strides = array<i32>} : memref<19x16x128xf32, #tpu.memory_space<vmem>>, vector<16xf32>,
      %get3A_94 = arith.constant 8 : i32
      %get3A_95 = arith.index_cast %get3A_94 : i32 to index
      %get3A_96 = arith.index_cast %shift_right_arithmetic3A_49 : i32 to index
      %get3A_97 = arith.index_cast %mul3A_52 : i32 to index
      %get3A_98 = tpu.vector_load %arg4[%get3A_95, %get3A_96, %get3A_97] {strides = array<i32>} : memref<19x16x128xf32, #tpu.memory_space<vmem>>, vector<16xf32>,
      %get3A_99 = arith.constant 9 : i32
      %get3A_100 = arith.index_cast %get3A_99 : i32 to index
      %get3A_101 = arith.index_cast %shift_right_arithmetic3A_49 : i32 to index
      %get3A_102 = arith.index_cast %mul3A_52 : i32 to index
      %get3A_103 = tpu.vector_load %arg4[%get3A_100, %get3A_101, %get3A_102] {strides = array<i32>} : memref<19x16x128xf32, #tpu.memory_space<vmem>>, vector<16xf32>,
      %get3A_104 = arith.constant 10 : i32
      %get3A_105 = arith.index_cast %get3A_104 : i32 to index
      %get3A_106 = arith.index_cast %shift_right_arithmetic3A_49 : i32 to index
      %get3A_107 = arith.index_cast %mul3A_52 : i32 to index
      %get3A_108 = tpu.vector_load %arg4[%get3A_105, %get3A_106, %get3A_107] {strides = array<i32>} : memref<19x16x128xf32, #tpu.memory_space<vmem>>, vector<16xf32>,
      %get3A_109 = arith.constant 11 : i32
      %get3A_110 = arith.index_cast %get3A_109 : i32 to index
      %get3A_111 = arith.index_cast %shift_right_arithmetic3A_49 : i32 to index
      %get3A_112 = arith.index_cast %mul3A_52 : i32 to index
      %get3A_113 = tpu.vector_load %arg4[%get3A_110, %get3A_111, %get3A_112] {strides = array<i32>} : memref<19x16x128xf32, #tpu.memory_space<vmem>>, vector<16xf32>,
      %get3A_114 = arith.constant 12 : i32
      %get3A_115 = arith.index_cast %get3A_114 : i32 to index
      %get3A_116 = arith.index_cast %shift_right_arithmetic3A_49 : i32 to index
      %get3A_117 = arith.index_cast %mul3A_52 : i32 to index
      %get3A_118 = tpu.vector_load %arg4[%get3A_115, %get3A_116, %get3A_117] {strides = array<i32>} : memref<19x16x128xf32, #tpu.memory_space<vmem>>, vector<16xf32>,
      %get3A_119 = arith.constant 13 : i32
      %get3A_120 = arith.index_cast %get3A_119 : i32 to index
      %get3A_121 = arith.index_cast %shift_right_arithmetic3A_49 : i32 to index
      %get3A_122 = arith.index_cast %mul3A_52 : i32 to index
      %get3A_123 = tpu.vector_load %arg4[%get3A_120, %get3A_121, %get3A_122] {strides = array<i32>} : memref<19x16x128xf32, #tpu.memory_space<vmem>>, vector<16xf32>,
      %get3A_124 = arith.constant 14 : i32
      %get3A_125 = arith.index_cast %get3A_124 : i32 to index
      %get3A_126 = arith.index_cast %shift_right_arithmetic3A_49 : i32 to index
      %get3A_127 = arith.index_cast %mul3A_52 : i32 to index
      %get3A_128 = tpu.vector_load %arg4[%get3A_125, %get3A_126, %get3A_127] {strides = array<i32>} : memref<19x16x128xf32, #tpu.memory_space<vmem>>, vector<16xf32>,
      %get3A_129 = arith.constant 15 : i32
      %get3A_130 = arith.index_cast %get3A_129 : i32 to index
      %get3A_131 = arith.index_cast %shift_right_arithmetic3A_49 : i32 to index
      %get3A_132 = arith.index_cast %mul3A_52 : i32 to index
      %get3A_133 = tpu.vector_load %arg4[%get3A_130, %get3A_131, %get3A_132] {strides = array<i32>} : memref<19x16x128xf32, #tpu.memory_space<vmem>>, vector<16xf32>,
      %get3A_134 = arith.constant 16 : i32
      %get3A_135 = arith.index_cast %get3A_134 : i32 to index
      %get3A_136 = arith.index_cast %shift_right_arithmetic3A_49 : i32 to index
      %get3A_137 = arith.index_cast %mul3A_52 : i32 to index
      %get3A_138 = tpu.vector_load %arg4[%get3A_135, %get3A_136, %get3A_137] {strides = array<i32>} : memref<19x16x128xf32, #tpu.memory_space<vmem>>, vector<16xf32>,
      %get3A_139 = arith.constant 17 : i32
      %get3A_140 = arith.index_cast %get3A_139 : i32 to index
      %get3A_141 = arith.index_cast %shift_right_arithmetic3A_49 : i32 to index
      %get3A_142 = arith.index_cast %mul3A_52 : i32 to index
      %get3A_143 = tpu.vector_load %arg4[%get3A_140, %get3A_141, %get3A_142] {strides = array<i32>} : memref<19x16x128xf32, #tpu.memory_space<vmem>>, vector<16xf32>,
      %get3A_144 = arith.constant 18 : i32
      %get3A_145 = arith.index_cast %get3A_144 : i32 to index
      %get3A_146 = arith.index_cast %shift_right_arithmetic3A_49 : i32 to index
      %get3A_147 = arith.index_cast %mul3A_52 : i32 to index
      %get3A_148 = tpu.vector_load %arg4[%get3A_145, %get3A_146, %get3A_147] {strides = array<i32>} : memref<19x16x128xf32, #tpu.memory_space<vmem>>, vector<16xf32>,
      %add3A_149 = arith.addf %get3A_58, %get3A_63 : vector<16xf32>
      %add3A_150 = arith.addf %add3A_149, %get3A_68 : vector<16xf32>
      %add3A_151 = arith.addf %add3A_150, %get3A_73 : vector<16xf32>
      %add3A_152 = arith.addf %add3A_151, %get3A_78 : vector<16xf32>
      %add3A_153 = arith.addf %add3A_152, %get3A_83 : vector<16xf32>
      %add3A_154 = arith.addf %add3A_153, %get3A_88 : vector<16xf32>
      %add3A_155 = arith.addf %add3A_154, %get3A_93 : vector<16xf32>
      %add3A_156 = arith.addf %add3A_155, %get3A_98 : vector<16xf32>
      %add3A_157 = arith.addf %add3A_156, %get3A_103 : vector<16xf32>
      %add3A_158 = arith.addf %add3A_157, %get3A_108 : vector<16xf32>
      %add3A_159 = arith.addf %add3A_158, %get3A_113 : vector<16xf32>
      %add3A_160 = arith.addf %add3A_159, %get3A_118 : vector<16xf32>
      %add3A_161 = arith.addf %add3A_160, %get3A_123 : vector<16xf32>
      %add3A_162 = arith.addf %add3A_161, %get3A_128 : vector<16xf32>
      %add3A_163 = arith.addf %add3A_162, %get3A_133 : vector<16xf32>
      %add3A_164 = arith.addf %add3A_163, %get3A_138 : vector<16xf32>
      %add3A_165 = arith.addf %add3A_164, %get3A_143 : vector<16xf32>
      %add3A_166 = arith.addf %add3A_165, %get3A_148 : vector<16xf32>
      %div3A = arith.constant 1.000000e+00 : f32
      %div3A_167 = vector.broadcast %div3A : f32 to vector<16xf32>
      %div3A_168 = arith.divf %div3A_167, %add3A_166 : vector<16xf32>
      %mul3A_169 = arith.constant 19 : i32
      %mul3A_170 = arith.muli %shift_right_arithmetic3A_49, %mul3A_169 : i32
      %add3A_171 = arith.constant 0 : i32
      %add3A_172 = arith.addi %mul3A_170, %add3A_171 : i32
      %broadcast_in_dim3A = vector.broadcast %add3A_172 : i32 to vector<16xi32>
      %mul3A_173 = arith.mulf %get3A_58, %div3A_168 : vector<16xf32>
      tpu.vector_store_idx %arg5[%add3A_54, %broadcast_in_dim3A], %mul3A_173 : memref<128x305xf32, #tpu.memory_space<vmem>>[vector<16xi32>, vector<16xi32>], vector<16xf32>,
      %add3A_174 = arith.constant 1 : i32
      %add3A_175 = arith.addi %mul3A_170, %add3A_174 : i32
      %broadcast_in_dim3A_176 = vector.broadcast %add3A_175 : i32 to vector<16xi32>
      %mul3A_177 = arith.mulf %get3A_63, %div3A_168 : vector<16xf32>
      tpu.vector_store_idx %arg5[%add3A_54, %broadcast_in_dim3A_176], %mul3A_177 : memref<128x305xf32, #tpu.memory_space<vmem>>[vector<16xi32>, vector<16xi32>], vector<16xf32>,
      %add3A_178 = arith.constant 2 : i32
      %add3A_179 = arith.addi %mul3A_170, %add3A_178 : i32
      %broadcast_in_dim3A_180 = vector.broadcast %add3A_179 : i32 to vector<16xi32>
      %mul3A_181 = arith.mulf %get3A_68, %div3A_168 : vector<16xf32>
      tpu.vector_store_idx %arg5[%add3A_54, %broadcast_in_dim3A_180], %mul3A_181 : memref<128x305xf32, #tpu.memory_space<vmem>>[vector<16xi32>, vector<16xi32>], vector<16xf32>,
      %add3A_182 = arith.constant 3 : i32
      %add3A_183 = arith.addi %mul3A_170, %add3A_182 : i32
      %broadcast_in_dim3A_184 = vector.broadcast %add3A_183 : i32 to vector<16xi32>
      %mul3A_185 = arith.mulf %get3A_73, %div3A_168 : vector<16xf32>
      tpu.vector_store_idx %arg5[%add3A_54, %broadcast_in_dim3A_184], %mul3A_185 : memref<128x305xf32, #tpu.memory_space<vmem>>[vector<16xi32>, vector<16xi32>], vector<16xf32>,
      %add3A_186 = arith.constant 4 : i32
      %add3A_187 = arith.addi %mul3A_170, %add3A_186 : i32
      %broadcast_in_dim3A_188 = vector.broadcast %add3A_187 : i32 to vector<16xi32>
      %mul3A_189 = arith.mulf %get3A_78, %div3A_168 : vector<16xf32>
      tpu.vector_store_idx %arg5[%add3A_54, %broadcast_in_dim3A_188], %mul3A_189 : memref<128x305xf32, #tpu.memory_space<vmem>>[vector<16xi32>, vector<16xi32>], vector<16xf32>,
      %add3A_190 = arith.constant 5 : i32
      %add3A_191 = arith.addi %mul3A_170, %add3A_190 : i32
      %broadcast_in_dim3A_192 = vector.broadcast %add3A_191 : i32 to vector<16xi32>
      %mul3A_193 = arith.mulf %get3A_83, %div3A_168 : vector<16xf32>
      tpu.vector_store_idx %arg5[%add3A_54, %broadcast_in_dim3A_192], %mul3A_193 : memref<128x305xf32, #tpu.memory_space<vmem>>[vector<16xi32>, vector<16xi32>], vector<16xf32>,
      %add3A_194 = arith.constant 6 : i32
      %add3A_195 = arith.addi %mul3A_170, %add3A_194 : i32
      %broadcast_in_dim3A_196 = vector.broadcast %add3A_195 : i32 to vector<16xi32>
      %mul3A_197 = arith.mulf %get3A_88, %div3A_168 : vector<16xf32>
      tpu.vector_store_idx %arg5[%add3A_54, %broadcast_in_dim3A_196], %mul3A_197 : memref<128x305xf32, #tpu.memory_space<vmem>>[vector<16xi32>, vector<16xi32>], vector<16xf32>,
      %add3A_198 = arith.constant 7 : i32
      %add3A_199 = arith.addi %mul3A_170, %add3A_198 : i32
      %broadcast_in_dim3A_200 = vector.broadcast %add3A_199 : i32 to vector<16xi32>
      %mul3A_201 = arith.mulf %get3A_93, %div3A_168 : vector<16xf32>
      tpu.vector_store_idx %arg5[%add3A_54, %broadcast_in_dim3A_200], %mul3A_201 : memref<128x305xf32, #tpu.memory_space<vmem>>[vector<16xi32>, vector<16xi32>], vector<16xf32>,
      %add3A_202 = arith.constant 8 : i32
      %add3A_203 = arith.addi %mul3A_170, %add3A_202 : i32
      %broadcast_in_dim3A_204 = vector.broadcast %add3A_203 : i32 to vector<16xi32>
      %mul3A_205 = arith.mulf %get3A_98, %div3A_168 : vector<16xf32>
      tpu.vector_store_idx %arg5[%add3A_54, %broadcast_in_dim3A_204], %mul3A_205 : memref<128x305xf32, #tpu.memory_space<vmem>>[vector<16xi32>, vector<16xi32>], vector<16xf32>,
      %add3A_206 = arith.constant 9 : i32
      %add3A_207 = arith.addi %mul3A_170, %add3A_206 : i32
      %broadcast_in_dim3A_208 = vector.broadcast %add3A_207 : i32 to vector<16xi32>
      %mul3A_209 = arith.mulf %get3A_103, %div3A_168 : vector<16xf32>
      tpu.vector_store_idx %arg5[%add3A_54, %broadcast_in_dim3A_208], %mul3A_209 : memref<128x305xf32, #tpu.memory_space<vmem>>[vector<16xi32>, vector<16xi32>], vector<16xf32>,
      %add3A_210 = arith.constant 10 : i32
      %add3A_211 = arith.addi %mul3A_170, %add3A_210 : i32
      %broadcast_in_dim3A_212 = vector.broadcast %add3A_211 : i32 to vector<16xi32>
      %mul3A_213 = arith.mulf %get3A_108, %div3A_168 : vector<16xf32>
      tpu.vector_store_idx %arg5[%add3A_54, %broadcast_in_dim3A_212], %mul3A_213 : memref<128x305xf32, #tpu.memory_space<vmem>>[vector<16xi32>, vector<16xi32>], vector<16xf32>,
      %add3A_214 = arith.constant 11 : i32
      %add3A_215 = arith.addi %mul3A_170, %add3A_214 : i32
      %broadcast_in_dim3A_216 = vector.broadcast %add3A_215 : i32 to vector<16xi32>
      %mul3A_217 = arith.mulf %get3A_113, %div3A_168 : vector<16xf32>
      tpu.vector_store_idx %arg5[%add3A_54, %broadcast_in_dim3A_216], %mul3A_217 : memref<128x305xf32, #tpu.memory_space<vmem>>[vector<16xi32>, vector<16xi32>], vector<16xf32>,
      %add3A_218 = arith.constant 12 : i32
      %add3A_219 = arith.addi %mul3A_170, %add3A_218 : i32
      %broadcast_in_dim3A_220 = vector.broadcast %add3A_219 : i32 to vector<16xi32>
      %mul3A_221 = arith.mulf %get3A_118, %div3A_168 : vector<16xf32>
      tpu.vector_store_idx %arg5[%add3A_54, %broadcast_in_dim3A_220], %mul3A_221 : memref<128x305xf32, #tpu.memory_space<vmem>>[vector<16xi32>, vector<16xi32>], vector<16xf32>,
      %add3A_222 = arith.constant 13 : i32
      %add3A_223 = arith.addi %mul3A_170, %add3A_222 : i32
      %broadcast_in_dim3A_224 = vector.broadcast %add3A_223 : i32 to vector<16xi32>
      %mul3A_225 = arith.mulf %get3A_123, %div3A_168 : vector<16xf32>
      tpu.vector_store_idx %arg5[%add3A_54, %broadcast_in_dim3A_224], %mul3A_225 : memref<128x305xf32, #tpu.memory_space<vmem>>[vector<16xi32>, vector<16xi32>], vector<16xf32>,
      %add3A_226 = arith.constant 14 : i32
      %add3A_227 = arith.addi %mul3A_170, %add3A_226 : i32
      %broadcast_in_dim3A_228 = vector.broadcast %add3A_227 : i32 to vector<16xi32>
      %mul3A_229 = arith.mulf %get3A_128, %div3A_168 : vector<16xf32>
      tpu.vector_store_idx %arg5[%add3A_54, %broadcast_in_dim3A_228], %mul3A_229 : memref<128x305xf32, #tpu.memory_space<vmem>>[vector<16xi32>, vector<16xi32>], vector<16xf32>,
      %add3A_230 = arith.constant 15 : i32
      %add3A_231 = arith.addi %mul3A_170, %add3A_230 : i32
      %broadcast_in_dim3A_232 = vector.broadcast %add3A_231 : i32 to vector<16xi32>
      %mul3A_233 = arith.mulf %get3A_133, %div3A_168 : vector<16xf32>
      tpu.vector_store_idx %arg5[%add3A_54, %broadcast_in_dim3A_232], %mul3A_233 : memref<128x305xf32, #tpu.memory_space<vmem>>[vector<16xi32>, vector<16xi32>], vector<16xf32>,
      %add3A_234 = arith.constant 16 : i32
      %add3A_235 = arith.addi %mul3A_170, %add3A_234 : i32
      %broadcast_in_dim3A_236 = vector.broadcast %add3A_235 : i32 to vector<16xi32>
      %mul3A_237 = arith.mulf %get3A_138, %div3A_168 : vector<16xf32>
      tpu.vector_store_idx %arg5[%add3A_54, %broadcast_in_dim3A_236], %mul3A_237 : memref<128x305xf32, #tpu.memory_space<vmem>>[vector<16xi32>, vector<16xi32>], vector<16xf32>,
      %add3A_238 = arith.constant 17 : i32
      %add3A_239 = arith.addi %mul3A_170, %add3A_238 : i32
      %broadcast_in_dim3A_240 = vector.broadcast %add3A_239 : i32 to vector<16xi32>
      %mul3A_241 = arith.mulf %get3A_143, %div3A_168 : vector<16xf32>
      tpu.vector_store_idx %arg5[%add3A_54, %broadcast_in_dim3A_240], %mul3A_241 : memref<128x305xf32, #tpu.memory_space<vmem>>[vector<16xi32>, vector<16xi32>], vector<16xf32>,
      %add3A_242 = arith.constant 18 : i32
      %add3A_243 = arith.addi %mul3A_170, %add3A_242 : i32
      %broadcast_in_dim3A_244 = vector.broadcast %add3A_243 : i32 to vector<16xi32>
      %mul3A_245 = arith.mulf %get3A_148, %div3A_168 : vector<16xf32>
      tpu.vector_store_idx %arg5[%add3A_54, %broadcast_in_dim3A_244], %mul3A_245 : memref<128x305xf32, #tpu.memory_space<vmem>>[vector<16xi32>, vector<16xi32>], vector<16xf32>,
    }
    %scan3A_17 = arith.constant 128 : i32
    "tpu.region"() ({
      %run_scoped3A = tpu.sem_alloc : memref<!tpu.dma_semaphore, #tpu.memory_space<semaphore_mem>>
      %dma_start3A = arith.constant 0 : i32
      %dma_start3A_48 = arith.constant 0 : i32
      %dma_start3A_49 = tpu.memref_slice %arg5[%dma_start3A, %dma_start3A_48] : memref<128x305xf32, #tpu.memory_space<vmem>> -> memref<128x304xf32, #tpu.memory_space<vmem>>
      %dma_start3A_50 = arith.constant 0 : i32
      %dma_start3A_51 = arith.constant 608 : i32
      %dma_start3A_52 = tpu.memref_slice %arg3[%add3A, %dma_start3A_50, %dma_start3A_51] : memref<32x128x2432xf32, #tpu.memory_space<hbm>> -> memref<1x128x304xf32, #tpu.memory_space<hbm>>
      %dma_start3A_53 = tpu.memref_squeeze %dma_start3A_52 : memref<1x128x304xf32, #tpu.memory_space<hbm>> -> memref<128x304xf32, #tpu.memory_space<hbm>>
      %dma_start3A_54 = arith.constant 0 : i32
      %dma_start3A_55 = arith.constant 608 : i32
      %dma_start3A_56 = tpu.memref_slice %arg3[%add3A, %dma_start3A_54, %dma_start3A_55] : memref<32x128x2432xf32, #tpu.memory_space<hbm>> -> memref<1x128x304xf32, #tpu.memory_space<hbm>>
      %dma_start3A_57 = tpu.memref_squeeze %dma_start3A_56 : memref<1x128x304xf32, #tpu.memory_space<hbm>> -> memref<128x304xf32, #tpu.memory_space<hbm>>
      %dma_start3A_58 = arith.constant 0 : i32
      %dma_start3A_59 = arith.constant 0 : i32
      %dma_start3A_60 = tpu.memref_slice %arg5[%dma_start3A_58, %dma_start3A_59] : memref<128x305xf32, #tpu.memory_space<vmem>> -> memref<128x304xf32, #tpu.memory_space<vmem>>
      tpu.enqueue_dma source(%dma_start3A_60 : memref<128x304xf32, #tpu.memory_space<vmem>>) target(%dma_start3A_57 : memref<128x304xf32, #tpu.memory_space<hbm>>) target_semaphore(%run_scoped3A : memref<!tpu.dma_semaphore, #tpu.memory_space<semaphore_mem>>)
      %dma_wait3A = arith.constant 0 : i32
      %dma_wait3A_61 = arith.constant 0 : i32
      %dma_wait3A_62 = tpu.memref_slice %arg5[%dma_wait3A, %dma_wait3A_61] : memref<128x305xf32, #tpu.memory_space<vmem>> -> memref<128x304xf32, #tpu.memory_space<vmem>>
      %dma_wait3A_63 = arith.constant 0 : i32
      %dma_wait3A_64 = arith.constant 608 : i32
      %dma_wait3A_65 = tpu.memref_slice %arg3[%add3A, %dma_wait3A_63, %dma_wait3A_64] : memref<32x128x2432xf32, #tpu.memory_space<hbm>> -> memref<1x128x304xf32, #tpu.memory_space<hbm>>
      %dma_wait3A_66 = tpu.memref_squeeze %dma_wait3A_65 : memref<1x128x304xf32, #tpu.memory_space<hbm>> -> memref<128x304xf32, #tpu.memory_space<hbm>>
      %dma_wait3A_67 = arith.constant 0 : i32
      %dma_wait3A_68 = arith.constant 608 : i32
      %dma_wait3A_69 = tpu.memref_slice %arg3[%add3A, %dma_wait3A_67, %dma_wait3A_68] : memref<32x128x2432xf32, #tpu.memory_space<hbm>> -> memref<1x128x304xf32, #tpu.memory_space<hbm>>
      %dma_wait3A_70 = tpu.memref_squeeze %dma_wait3A_69 : memref<1x128x304xf32, #tpu.memory_space<hbm>> -> memref<128x304xf32, #tpu.memory_space<hbm>>
      %dma_wait3A_71 = arith.constant 0 : i32
      %dma_wait3A_72 = arith.constant 0 : i32
      %dma_wait3A_73 = tpu.memref_slice %arg5[%dma_wait3A_71, %dma_wait3A_72] : memref<128x305xf32, #tpu.memory_space<vmem>> -> memref<128x304xf32, #tpu.memory_space<vmem>>
      tpu.wait_dma2 semaphore(%run_scoped3A : memref<!tpu.dma_semaphore, #tpu.memory_space<semaphore_mem>>) src(%dma_wait3A_73 : memref<128x304xf32, #tpu.memory_space<vmem>>) dst(%dma_wait3A_70 : memref<128x304xf32, #tpu.memory_space<hbm>>)
      tpu.yield
    }) : () -> ()
    "tpu.region"() ({
      %run_scoped3A = tpu.sem_alloc : memref<!tpu.dma_semaphore, #tpu.memory_space<semaphore_mem>>
      %dma_start3A = arith.constant 0 : i32
      %dma_start3A_48 = arith.constant 48 : i32
      %dma_start3A_49 = arith.constant 0 : i32
      %dma_start3A_50 = tpu.memref_slice %arg2[%add3A, %dma_start3A, %dma_start3A_48, %dma_start3A_49] : memref<32x19x128x128xf32, #tpu.memory_space<hbm>> -> memref<1x19x16x128xf32, #tpu.memory_space<hbm>>
      %dma_start3A_51 = tpu.memref_squeeze %dma_start3A_50 : memref<1x19x16x128xf32, #tpu.memory_space<hbm>> -> memref<19x16x128xf32, #tpu.memory_space<hbm>>
      %dma_start3A_52 = arith.constant 0 : i32
      %dma_start3A_53 = arith.constant 48 : i32
      %dma_start3A_54 = arith.constant 0 : i32
      %dma_start3A_55 = tpu.memref_slice %arg2[%add3A, %dma_start3A_52, %dma_start3A_53, %dma_start3A_54] : memref<32x19x128x128xf32, #tpu.memory_space<hbm>> -> memref<1x19x16x128xf32, #tpu.memory_space<hbm>>
      %dma_start3A_56 = tpu.memref_squeeze %dma_start3A_55 : memref<1x19x16x128xf32, #tpu.memory_space<hbm>> -> memref<19x16x128xf32, #tpu.memory_space<hbm>>
      tpu.enqueue_dma source(%dma_start3A_56 : memref<19x16x128xf32, #tpu.memory_space<hbm>>) target(%arg4 : memref<19x16x128xf32, #tpu.memory_space<vmem>>) target_semaphore(%run_scoped3A : memref<!tpu.dma_semaphore, #tpu.memory_space<semaphore_mem>>)
      %dma_wait3A = arith.constant 0 : i32
      %dma_wait3A_57 = arith.constant 48 : i32
      %dma_wait3A_58 = arith.constant 0 : i32
      %dma_wait3A_59 = tpu.memref_slice %arg2[%add3A, %dma_wait3A, %dma_wait3A_57, %dma_wait3A_58] : memref<32x19x128x128xf32, #tpu.memory_space<hbm>> -> memref<1x19x16x128xf32, #tpu.memory_space<hbm>>
      %dma_wait3A_60 = tpu.memref_squeeze %dma_wait3A_59 : memref<1x19x16x128xf32, #tpu.memory_space<hbm>> -> memref<19x16x128xf32, #tpu.memory_space<hbm>>
      %dma_wait3A_61 = arith.constant 0 : i32
      %dma_wait3A_62 = arith.constant 48 : i32
      %dma_wait3A_63 = arith.constant 0 : i32
      %dma_wait3A_64 = tpu.memref_slice %arg2[%add3A, %dma_wait3A_61, %dma_wait3A_62, %dma_wait3A_63] : memref<32x19x128x128xf32, #tpu.memory_space<hbm>> -> memref<1x19x16x128xf32, #tpu.memory_space<hbm>>
      %dma_wait3A_65 = tpu.memref_squeeze %dma_wait3A_64 : memref<1x19x16x128xf32, #tpu.memory_space<hbm>> -> memref<19x16x128xf32, #tpu.memory_space<hbm>>
      tpu.wait_dma2 semaphore(%run_scoped3A : memref<!tpu.dma_semaphore, #tpu.memory_space<semaphore_mem>>) src(%dma_wait3A_65 : memref<19x16x128xf32, #tpu.memory_space<hbm>>) dst(%arg4 : memref<19x16x128xf32, #tpu.memory_space<vmem>>)
      tpu.yield
    }) : () -> ()
    %scan3A_18 = arith.constant 0 : i32
    %scan3A_19 = arith.constant 0 : i32
    %scan3A_20 = arith.constant 128 : i32
    %scan3A_21 = arith.addi %scan3A_19, %scan3A_20 : i32
    %scan3A_22 = arith.constant 1 : i32
    scf.for %scan3A_48 = %scan3A_19 to %scan3A_21 step %scan3A_22  : i32 {
      %shift_right_arithmetic3A = arith.constant 3 : i32
      %shift_right_arithmetic3A_49 = arith.shrsi %scan3A_48, %shift_right_arithmetic3A : i32
      %and3A = arith.constant 7 : i32
      %and3A_50 = arith.andi %scan3A_48, %and3A : i32
      %mul3A_51 = arith.constant 16 : i32
      %mul3A_52 = arith.muli %and3A_50, %mul3A_51 : i32
      %add3A_53 = vector.broadcast %mul3A_52 : i32 to vector<16xi32>
      %add3A_54 = arith.addi %iota3A, %add3A_53 : vector<16xi32>
      %get3A = arith.constant 0 : i32
      %get3A_55 = arith.index_cast %get3A : i32 to index
      %get3A_56 = arith.index_cast %shift_right_arithmetic3A_49 : i32 to index
      %get3A_57 = arith.index_cast %mul3A_52 : i32 to index
      %get3A_58 = tpu.vector_load %arg4[%get3A_55, %get3A_56, %get3A_57] {strides = array<i32>} : memref<19x16x128xf32, #tpu.memory_space<vmem>>, vector<16xf32>,
      %get3A_59 = arith.constant 1 : i32
      %get3A_60 = arith.index_cast %get3A_59 : i32 to index
      %get3A_61 = arith.index_cast %shift_right_arithmetic3A_49 : i32 to index
      %get3A_62 = arith.index_cast %mul3A_52 : i32 to index
      %get3A_63 = tpu.vector_load %arg4[%get3A_60, %get3A_61, %get3A_62] {strides = array<i32>} : memref<19x16x128xf32, #tpu.memory_space<vmem>>, vector<16xf32>,
      %get3A_64 = arith.constant 2 : i32
      %get3A_65 = arith.index_cast %get3A_64 : i32 to index
      %get3A_66 = arith.index_cast %shift_right_arithmetic3A_49 : i32 to index
      %get3A_67 = arith.index_cast %mul3A_52 : i32 to index
      %get3A_68 = tpu.vector_load %arg4[%get3A_65, %get3A_66, %get3A_67] {strides = array<i32>} : memref<19x16x128xf32, #tpu.memory_space<vmem>>, vector<16xf32>,
      %get3A_69 = arith.constant 3 : i32
      %get3A_70 = arith.index_cast %get3A_69 : i32 to index
      %get3A_71 = arith.index_cast %shift_right_arithmetic3A_49 : i32 to index
      %get3A_72 = arith.index_cast %mul3A_52 : i32 to index
      %get3A_73 = tpu.vector_load %arg4[%get3A_70, %get3A_71, %get3A_72] {strides = array<i32>} : memref<19x16x128xf32, #tpu.memory_space<vmem>>, vector<16xf32>,
      %get3A_74 = arith.constant 4 : i32
      %get3A_75 = arith.index_cast %get3A_74 : i32 to index
      %get3A_76 = arith.index_cast %shift_right_arithmetic3A_49 : i32 to index
      %get3A_77 = arith.index_cast %mul3A_52 : i32 to index
      %get3A_78 = tpu.vector_load %arg4[%get3A_75, %get3A_76, %get3A_77] {strides = array<i32>} : memref<19x16x128xf32, #tpu.memory_space<vmem>>, vector<16xf32>,
      %get3A_79 = arith.constant 5 : i32
      %get3A_80 = arith.index_cast %get3A_79 : i32 to index
      %get3A_81 = arith.index_cast %shift_right_arithmetic3A_49 : i32 to index
      %get3A_82 = arith.index_cast %mul3A_52 : i32 to index
      %get3A_83 = tpu.vector_load %arg4[%get3A_80, %get3A_81, %get3A_82] {strides = array<i32>} : memref<19x16x128xf32, #tpu.memory_space<vmem>>, vector<16xf32>,
      %get3A_84 = arith.constant 6 : i32
      %get3A_85 = arith.index_cast %get3A_84 : i32 to index
      %get3A_86 = arith.index_cast %shift_right_arithmetic3A_49 : i32 to index
      %get3A_87 = arith.index_cast %mul3A_52 : i32 to index
      %get3A_88 = tpu.vector_load %arg4[%get3A_85, %get3A_86, %get3A_87] {strides = array<i32>} : memref<19x16x128xf32, #tpu.memory_space<vmem>>, vector<16xf32>,
      %get3A_89 = arith.constant 7 : i32
      %get3A_90 = arith.index_cast %get3A_89 : i32 to index
      %get3A_91 = arith.index_cast %shift_right_arithmetic3A_49 : i32 to index
      %get3A_92 = arith.index_cast %mul3A_52 : i32 to index
      %get3A_93 = tpu.vector_load %arg4[%get3A_90, %get3A_91, %get3A_92] {strides = array<i32>} : memref<19x16x128xf32, #tpu.memory_space<vmem>>, vector<16xf32>,
      %get3A_94 = arith.constant 8 : i32
      %get3A_95 = arith.index_cast %get3A_94 : i32 to index
      %get3A_96 = arith.index_cast %shift_right_arithmetic3A_49 : i32 to index
      %get3A_97 = arith.index_cast %mul3A_52 : i32 to index
      %get3A_98 = tpu.vector_load %arg4[%get3A_95, %get3A_96, %get3A_97] {strides = array<i32>} : memref<19x16x128xf32, #tpu.memory_space<vmem>>, vector<16xf32>,
      %get3A_99 = arith.constant 9 : i32
      %get3A_100 = arith.index_cast %get3A_99 : i32 to index
      %get3A_101 = arith.index_cast %shift_right_arithmetic3A_49 : i32 to index
      %get3A_102 = arith.index_cast %mul3A_52 : i32 to index
      %get3A_103 = tpu.vector_load %arg4[%get3A_100, %get3A_101, %get3A_102] {strides = array<i32>} : memref<19x16x128xf32, #tpu.memory_space<vmem>>, vector<16xf32>,
      %get3A_104 = arith.constant 10 : i32
      %get3A_105 = arith.index_cast %get3A_104 : i32 to index
      %get3A_106 = arith.index_cast %shift_right_arithmetic3A_49 : i32 to index
      %get3A_107 = arith.index_cast %mul3A_52 : i32 to index
      %get3A_108 = tpu.vector_load %arg4[%get3A_105, %get3A_106, %get3A_107] {strides = array<i32>} : memref<19x16x128xf32, #tpu.memory_space<vmem>>, vector<16xf32>,
      %get3A_109 = arith.constant 11 : i32
      %get3A_110 = arith.index_cast %get3A_109 : i32 to index
      %get3A_111 = arith.index_cast %shift_right_arithmetic3A_49 : i32 to index
      %get3A_112 = arith.index_cast %mul3A_52 : i32 to index
      %get3A_113 = tpu.vector_load %arg4[%get3A_110, %get3A_111, %get3A_112] {strides = array<i32>} : memref<19x16x128xf32, #tpu.memory_space<vmem>>, vector<16xf32>,
      %get3A_114 = arith.constant 12 : i32
      %get3A_115 = arith.index_cast %get3A_114 : i32 to index
      %get3A_116 = arith.index_cast %shift_right_arithmetic3A_49 : i32 to index
      %get3A_117 = arith.index_cast %mul3A_52 : i32 to index
      %get3A_118 = tpu.vector_load %arg4[%get3A_115, %get3A_116, %get3A_117] {strides = array<i32>} : memref<19x16x128xf32, #tpu.memory_space<vmem>>, vector<16xf32>,
      %get3A_119 = arith.constant 13 : i32
      %get3A_120 = arith.index_cast %get3A_119 : i32 to index
      %get3A_121 = arith.index_cast %shift_right_arithmetic3A_49 : i32 to index
      %get3A_122 = arith.index_cast %mul3A_52 : i32 to index
      %get3A_123 = tpu.vector_load %arg4[%get3A_120, %get3A_121, %get3A_122] {strides = array<i32>} : memref<19x16x128xf32, #tpu.memory_space<vmem>>, vector<16xf32>,
      %get3A_124 = arith.constant 14 : i32
      %get3A_125 = arith.index_cast %get3A_124 : i32 to index
      %get3A_126 = arith.index_cast %shift_right_arithmetic3A_49 : i32 to index
      %get3A_127 = arith.index_cast %mul3A_52 : i32 to index
      %get3A_128 = tpu.vector_load %arg4[%get3A_125, %get3A_126, %get3A_127] {strides = array<i32>} : memref<19x16x128xf32, #tpu.memory_space<vmem>>, vector<16xf32>,
      %get3A_129 = arith.constant 15 : i32
      %get3A_130 = arith.index_cast %get3A_129 : i32 to index
      %get3A_131 = arith.index_cast %shift_right_arithmetic3A_49 : i32 to index
      %get3A_132 = arith.index_cast %mul3A_52 : i32 to index
      %get3A_133 = tpu.vector_load %arg4[%get3A_130, %get3A_131, %get3A_132] {strides = array<i32>} : memref<19x16x128xf32, #tpu.memory_space<vmem>>, vector<16xf32>,
      %get3A_134 = arith.constant 16 : i32
      %get3A_135 = arith.index_cast %get3A_134 : i32 to index
      %get3A_136 = arith.index_cast %shift_right_arithmetic3A_49 : i32 to index
      %get3A_137 = arith.index_cast %mul3A_52 : i32 to index
      %get3A_138 = tpu.vector_load %arg4[%get3A_135, %get3A_136, %get3A_137] {strides = array<i32>} : memref<19x16x128xf32, #tpu.memory_space<vmem>>, vector<16xf32>,
      %get3A_139 = arith.constant 17 : i32
      %get3A_140 = arith.index_cast %get3A_139 : i32 to index
      %get3A_141 = arith.index_cast %shift_right_arithmetic3A_49 : i32 to index
      %get3A_142 = arith.index_cast %mul3A_52 : i32 to index
      %get3A_143 = tpu.vector_load %arg4[%get3A_140, %get3A_141, %get3A_142] {strides = array<i32>} : memref<19x16x128xf32, #tpu.memory_space<vmem>>, vector<16xf32>,
      %get3A_144 = arith.constant 18 : i32
      %get3A_145 = arith.index_cast %get3A_144 : i32 to index
      %get3A_146 = arith.index_cast %shift_right_arithmetic3A_49 : i32 to index
      %get3A_147 = arith.index_cast %mul3A_52 : i32 to index
      %get3A_148 = tpu.vector_load %arg4[%get3A_145, %get3A_146, %get3A_147] {strides = array<i32>} : memref<19x16x128xf32, #tpu.memory_space<vmem>>, vector<16xf32>,
      %add3A_149 = arith.addf %get3A_58, %get3A_63 : vector<16xf32>
      %add3A_150 = arith.addf %add3A_149, %get3A_68 : vector<16xf32>
      %add3A_151 = arith.addf %add3A_150, %get3A_73 : vector<16xf32>
      %add3A_152 = arith.addf %add3A_151, %get3A_78 : vector<16xf32>
      %add3A_153 = arith.addf %add3A_152, %get3A_83 : vector<16xf32>
      %add3A_154 = arith.addf %add3A_153, %get3A_88 : vector<16xf32>
      %add3A_155 = arith.addf %add3A_154, %get3A_93 : vector<16xf32>
      %add3A_156 = arith.addf %add3A_155, %get3A_98 : vector<16xf32>
      %add3A_157 = arith.addf %add3A_156, %get3A_103 : vector<16xf32>
      %add3A_158 = arith.addf %add3A_157, %get3A_108 : vector<16xf32>
      %add3A_159 = arith.addf %add3A_158, %get3A_113 : vector<16xf32>
      %add3A_160 = arith.addf %add3A_159, %get3A_118 : vector<16xf32>
      %add3A_161 = arith.addf %add3A_160, %get3A_123 : vector<16xf32>
      %add3A_162 = arith.addf %add3A_161, %get3A_128 : vector<16xf32>
      %add3A_163 = arith.addf %add3A_162, %get3A_133 : vector<16xf32>
      %add3A_164 = arith.addf %add3A_163, %get3A_138 : vector<16xf32>
      %add3A_165 = arith.addf %add3A_164, %get3A_143 : vector<16xf32>
      %add3A_166 = arith.addf %add3A_165, %get3A_148 : vector<16xf32>
      %div3A = arith.constant 1.000000e+00 : f32
      %div3A_167 = vector.broadcast %div3A : f32 to vector<16xf32>
      %div3A_168 = arith.divf %div3A_167, %add3A_166 : vector<16xf32>
      %mul3A_169 = arith.constant 19 : i32
      %mul3A_170 = arith.muli %shift_right_arithmetic3A_49, %mul3A_169 : i32
      %add3A_171 = arith.constant 0 : i32
      %add3A_172 = arith.addi %mul3A_170, %add3A_171 : i32
      %broadcast_in_dim3A = vector.broadcast %add3A_172 : i32 to vector<16xi32>
      %mul3A_173 = arith.mulf %get3A_58, %div3A_168 : vector<16xf32>
      tpu.vector_store_idx %arg5[%add3A_54, %broadcast_in_dim3A], %mul3A_173 : memref<128x305xf32, #tpu.memory_space<vmem>>[vector<16xi32>, vector<16xi32>], vector<16xf32>,
      %add3A_174 = arith.constant 1 : i32
      %add3A_175 = arith.addi %mul3A_170, %add3A_174 : i32
      %broadcast_in_dim3A_176 = vector.broadcast %add3A_175 : i32 to vector<16xi32>
      %mul3A_177 = arith.mulf %get3A_63, %div3A_168 : vector<16xf32>
      tpu.vector_store_idx %arg5[%add3A_54, %broadcast_in_dim3A_176], %mul3A_177 : memref<128x305xf32, #tpu.memory_space<vmem>>[vector<16xi32>, vector<16xi32>], vector<16xf32>,
      %add3A_178 = arith.constant 2 : i32
      %add3A_179 = arith.addi %mul3A_170, %add3A_178 : i32
      %broadcast_in_dim3A_180 = vector.broadcast %add3A_179 : i32 to vector<16xi32>
      %mul3A_181 = arith.mulf %get3A_68, %div3A_168 : vector<16xf32>
      tpu.vector_store_idx %arg5[%add3A_54, %broadcast_in_dim3A_180], %mul3A_181 : memref<128x305xf32, #tpu.memory_space<vmem>>[vector<16xi32>, vector<16xi32>], vector<16xf32>,
      %add3A_182 = arith.constant 3 : i32
      %add3A_183 = arith.addi %mul3A_170, %add3A_182 : i32
      %broadcast_in_dim3A_184 = vector.broadcast %add3A_183 : i32 to vector<16xi32>
      %mul3A_185 = arith.mulf %get3A_73, %div3A_168 : vector<16xf32>
      tpu.vector_store_idx %arg5[%add3A_54, %broadcast_in_dim3A_184], %mul3A_185 : memref<128x305xf32, #tpu.memory_space<vmem>>[vector<16xi32>, vector<16xi32>], vector<16xf32>,
      %add3A_186 = arith.constant 4 : i32
      %add3A_187 = arith.addi %mul3A_170, %add3A_186 : i32
      %broadcast_in_dim3A_188 = vector.broadcast %add3A_187 : i32 to vector<16xi32>
      %mul3A_189 = arith.mulf %get3A_78, %div3A_168 : vector<16xf32>
      tpu.vector_store_idx %arg5[%add3A_54, %broadcast_in_dim3A_188], %mul3A_189 : memref<128x305xf32, #tpu.memory_space<vmem>>[vector<16xi32>, vector<16xi32>], vector<16xf32>,
      %add3A_190 = arith.constant 5 : i32
      %add3A_191 = arith.addi %mul3A_170, %add3A_190 : i32
      %broadcast_in_dim3A_192 = vector.broadcast %add3A_191 : i32 to vector<16xi32>
      %mul3A_193 = arith.mulf %get3A_83, %div3A_168 : vector<16xf32>
      tpu.vector_store_idx %arg5[%add3A_54, %broadcast_in_dim3A_192], %mul3A_193 : memref<128x305xf32, #tpu.memory_space<vmem>>[vector<16xi32>, vector<16xi32>], vector<16xf32>,
      %add3A_194 = arith.constant 6 : i32
      %add3A_195 = arith.addi %mul3A_170, %add3A_194 : i32
      %broadcast_in_dim3A_196 = vector.broadcast %add3A_195 : i32 to vector<16xi32>
      %mul3A_197 = arith.mulf %get3A_88, %div3A_168 : vector<16xf32>
      tpu.vector_store_idx %arg5[%add3A_54, %broadcast_in_dim3A_196], %mul3A_197 : memref<128x305xf32, #tpu.memory_space<vmem>>[vector<16xi32>, vector<16xi32>], vector<16xf32>,
      %add3A_198 = arith.constant 7 : i32
      %add3A_199 = arith.addi %mul3A_170, %add3A_198 : i32
      %broadcast_in_dim3A_200 = vector.broadcast %add3A_199 : i32 to vector<16xi32>
      %mul3A_201 = arith.mulf %get3A_93, %div3A_168 : vector<16xf32>
      tpu.vector_store_idx %arg5[%add3A_54, %broadcast_in_dim3A_200], %mul3A_201 : memref<128x305xf32, #tpu.memory_space<vmem>>[vector<16xi32>, vector<16xi32>], vector<16xf32>,
      %add3A_202 = arith.constant 8 : i32
      %add3A_203 = arith.addi %mul3A_170, %add3A_202 : i32
      %broadcast_in_dim3A_204 = vector.broadcast %add3A_203 : i32 to vector<16xi32>
      %mul3A_205 = arith.mulf %get3A_98, %div3A_168 : vector<16xf32>
      tpu.vector_store_idx %arg5[%add3A_54, %broadcast_in_dim3A_204], %mul3A_205 : memref<128x305xf32, #tpu.memory_space<vmem>>[vector<16xi32>, vector<16xi32>], vector<16xf32>,
      %add3A_206 = arith.constant 9 : i32
      %add3A_207 = arith.addi %mul3A_170, %add3A_206 : i32
      %broadcast_in_dim3A_208 = vector.broadcast %add3A_207 : i32 to vector<16xi32>
      %mul3A_209 = arith.mulf %get3A_103, %div3A_168 : vector<16xf32>
      tpu.vector_store_idx %arg5[%add3A_54, %broadcast_in_dim3A_208], %mul3A_209 : memref<128x305xf32, #tpu.memory_space<vmem>>[vector<16xi32>, vector<16xi32>], vector<16xf32>,
      %add3A_210 = arith.constant 10 : i32
      %add3A_211 = arith.addi %mul3A_170, %add3A_210 : i32
      %broadcast_in_dim3A_212 = vector.broadcast %add3A_211 : i32 to vector<16xi32>
      %mul3A_213 = arith.mulf %get3A_108, %div3A_168 : vector<16xf32>
      tpu.vector_store_idx %arg5[%add3A_54, %broadcast_in_dim3A_212], %mul3A_213 : memref<128x305xf32, #tpu.memory_space<vmem>>[vector<16xi32>, vector<16xi32>], vector<16xf32>,
      %add3A_214 = arith.constant 11 : i32
      %add3A_215 = arith.addi %mul3A_170, %add3A_214 : i32
      %broadcast_in_dim3A_216 = vector.broadcast %add3A_215 : i32 to vector<16xi32>
      %mul3A_217 = arith.mulf %get3A_113, %div3A_168 : vector<16xf32>
      tpu.vector_store_idx %arg5[%add3A_54, %broadcast_in_dim3A_216], %mul3A_217 : memref<128x305xf32, #tpu.memory_space<vmem>>[vector<16xi32>, vector<16xi32>], vector<16xf32>,
      %add3A_218 = arith.constant 12 : i32
      %add3A_219 = arith.addi %mul3A_170, %add3A_218 : i32
      %broadcast_in_dim3A_220 = vector.broadcast %add3A_219 : i32 to vector<16xi32>
      %mul3A_221 = arith.mulf %get3A_118, %div3A_168 : vector<16xf32>
      tpu.vector_store_idx %arg5[%add3A_54, %broadcast_in_dim3A_220], %mul3A_221 : memref<128x305xf32, #tpu.memory_space<vmem>>[vector<16xi32>, vector<16xi32>], vector<16xf32>,
      %add3A_222 = arith.constant 13 : i32
      %add3A_223 = arith.addi %mul3A_170, %add3A_222 : i32
      %broadcast_in_dim3A_224 = vector.broadcast %add3A_223 : i32 to vector<16xi32>
      %mul3A_225 = arith.mulf %get3A_123, %div3A_168 : vector<16xf32>
      tpu.vector_store_idx %arg5[%add3A_54, %broadcast_in_dim3A_224], %mul3A_225 : memref<128x305xf32, #tpu.memory_space<vmem>>[vector<16xi32>, vector<16xi32>], vector<16xf32>,
      %add3A_226 = arith.constant 14 : i32
      %add3A_227 = arith.addi %mul3A_170, %add3A_226 : i32
      %broadcast_in_dim3A_228 = vector.broadcast %add3A_227 : i32 to vector<16xi32>
      %mul3A_229 = arith.mulf %get3A_128, %div3A_168 : vector<16xf32>
      tpu.vector_store_idx %arg5[%add3A_54, %broadcast_in_dim3A_228], %mul3A_229 : memref<128x305xf32, #tpu.memory_space<vmem>>[vector<16xi32>, vector<16xi32>], vector<16xf32>,
      %add3A_230 = arith.constant 15 : i32
      %add3A_231 = arith.addi %mul3A_170, %add3A_230 : i32
      %broadcast_in_dim3A_232 = vector.broadcast %add3A_231 : i32 to vector<16xi32>
      %mul3A_233 = arith.mulf %get3A_133, %div3A_168 : vector<16xf32>
      tpu.vector_store_idx %arg5[%add3A_54, %broadcast_in_dim3A_232], %mul3A_233 : memref<128x305xf32, #tpu.memory_space<vmem>>[vector<16xi32>, vector<16xi32>], vector<16xf32>,
      %add3A_234 = arith.constant 16 : i32
      %add3A_235 = arith.addi %mul3A_170, %add3A_234 : i32
      %broadcast_in_dim3A_236 = vector.broadcast %add3A_235 : i32 to vector<16xi32>
      %mul3A_237 = arith.mulf %get3A_138, %div3A_168 : vector<16xf32>
      tpu.vector_store_idx %arg5[%add3A_54, %broadcast_in_dim3A_236], %mul3A_237 : memref<128x305xf32, #tpu.memory_space<vmem>>[vector<16xi32>, vector<16xi32>], vector<16xf32>,
      %add3A_238 = arith.constant 17 : i32
      %add3A_239 = arith.addi %mul3A_170, %add3A_238 : i32
      %broadcast_in_dim3A_240 = vector.broadcast %add3A_239 : i32 to vector<16xi32>
      %mul3A_241 = arith.mulf %get3A_143, %div3A_168 : vector<16xf32>
      tpu.vector_store_idx %arg5[%add3A_54, %broadcast_in_dim3A_240], %mul3A_241 : memref<128x305xf32, #tpu.memory_space<vmem>>[vector<16xi32>, vector<16xi32>], vector<16xf32>,
      %add3A_242 = arith.constant 18 : i32
      %add3A_243 = arith.addi %mul3A_170, %add3A_242 : i32
      %broadcast_in_dim3A_244 = vector.broadcast %add3A_243 : i32 to vector<16xi32>
      %mul3A_245 = arith.mulf %get3A_148, %div3A_168 : vector<16xf32>
      tpu.vector_store_idx %arg5[%add3A_54, %broadcast_in_dim3A_244], %mul3A_245 : memref<128x305xf32, #tpu.memory_space<vmem>>[vector<16xi32>, vector<16xi32>], vector<16xf32>,
    }
    %scan3A_23 = arith.constant 128 : i32
    "tpu.region"() ({
      %run_scoped3A = tpu.sem_alloc : memref<!tpu.dma_semaphore, #tpu.memory_space<semaphore_mem>>
      %dma_start3A = arith.constant 0 : i32
      %dma_start3A_48 = arith.constant 0 : i32
      %dma_start3A_49 = tpu.memref_slice %arg5[%dma_start3A, %dma_start3A_48] : memref<128x305xf32, #tpu.memory_space<vmem>> -> memref<128x304xf32, #tpu.memory_space<vmem>>
      %dma_start3A_50 = arith.constant 0 : i32
      %dma_start3A_51 = arith.constant 912 : i32
      %dma_start3A_52 = tpu.memref_slice %arg3[%add3A, %dma_start3A_50, %dma_start3A_51] : memref<32x128x2432xf32, #tpu.memory_space<hbm>> -> memref<1x128x304xf32, #tpu.memory_space<hbm>>
      %dma_start3A_53 = tpu.memref_squeeze %dma_start3A_52 : memref<1x128x304xf32, #tpu.memory_space<hbm>> -> memref<128x304xf32, #tpu.memory_space<hbm>>
      %dma_start3A_54 = arith.constant 0 : i32
      %dma_start3A_55 = arith.constant 912 : i32
      %dma_start3A_56 = tpu.memref_slice %arg3[%add3A, %dma_start3A_54, %dma_start3A_55] : memref<32x128x2432xf32, #tpu.memory_space<hbm>> -> memref<1x128x304xf32, #tpu.memory_space<hbm>>
      %dma_start3A_57 = tpu.memref_squeeze %dma_start3A_56 : memref<1x128x304xf32, #tpu.memory_space<hbm>> -> memref<128x304xf32, #tpu.memory_space<hbm>>
      %dma_start3A_58 = arith.constant 0 : i32
      %dma_start3A_59 = arith.constant 0 : i32
      %dma_start3A_60 = tpu.memref_slice %arg5[%dma_start3A_58, %dma_start3A_59] : memref<128x305xf32, #tpu.memory_space<vmem>> -> memref<128x304xf32, #tpu.memory_space<vmem>>
      tpu.enqueue_dma source(%dma_start3A_60 : memref<128x304xf32, #tpu.memory_space<vmem>>) target(%dma_start3A_57 : memref<128x304xf32, #tpu.memory_space<hbm>>) target_semaphore(%run_scoped3A : memref<!tpu.dma_semaphore, #tpu.memory_space<semaphore_mem>>)
      %dma_wait3A = arith.constant 0 : i32
      %dma_wait3A_61 = arith.constant 0 : i32
      %dma_wait3A_62 = tpu.memref_slice %arg5[%dma_wait3A, %dma_wait3A_61] : memref<128x305xf32, #tpu.memory_space<vmem>> -> memref<128x304xf32, #tpu.memory_space<vmem>>
      %dma_wait3A_63 = arith.constant 0 : i32
      %dma_wait3A_64 = arith.constant 912 : i32
      %dma_wait3A_65 = tpu.memref_slice %arg3[%add3A, %dma_wait3A_63, %dma_wait3A_64] : memref<32x128x2432xf32, #tpu.memory_space<hbm>> -> memref<1x128x304xf32, #tpu.memory_space<hbm>>
      %dma_wait3A_66 = tpu.memref_squeeze %dma_wait3A_65 : memref<1x128x304xf32, #tpu.memory_space<hbm>> -> memref<128x304xf32, #tpu.memory_space<hbm>>
      %dma_wait3A_67 = arith.constant 0 : i32
      %dma_wait3A_68 = arith.constant 912 : i32
      %dma_wait3A_69 = tpu.memref_slice %arg3[%add3A, %dma_wait3A_67, %dma_wait3A_68] : memref<32x128x2432xf32, #tpu.memory_space<hbm>> -> memref<1x128x304xf32, #tpu.memory_space<hbm>>
      %dma_wait3A_70 = tpu.memref_squeeze %dma_wait3A_69 : memref<1x128x304xf32, #tpu.memory_space<hbm>> -> memref<128x304xf32, #tpu.memory_space<hbm>>
      %dma_wait3A_71 = arith.constant 0 : i32
      %dma_wait3A_72 = arith.constant 0 : i32
      %dma_wait3A_73 = tpu.memref_slice %arg5[%dma_wait3A_71, %dma_wait3A_72] : memref<128x305xf32, #tpu.memory_space<vmem>> -> memref<128x304xf32, #tpu.memory_space<vmem>>
      tpu.wait_dma2 semaphore(%run_scoped3A : memref<!tpu.dma_semaphore, #tpu.memory_space<semaphore_mem>>) src(%dma_wait3A_73 : memref<128x304xf32, #tpu.memory_space<vmem>>) dst(%dma_wait3A_70 : memref<128x304xf32, #tpu.memory_space<hbm>>)
      tpu.yield
    }) : () -> ()
    "tpu.region"() ({
      %run_scoped3A = tpu.sem_alloc : memref<!tpu.dma_semaphore, #tpu.memory_space<semaphore_mem>>
      %dma_start3A = arith.constant 0 : i32
      %dma_start3A_48 = arith.constant 64 : i32
      %dma_start3A_49 = arith.constant 0 : i32
      %dma_start3A_50 = tpu.memref_slice %arg2[%add3A, %dma_start3A, %dma_start3A_48, %dma_start3A_49] : memref<32x19x128x128xf32, #tpu.memory_space<hbm>> -> memref<1x19x16x128xf32, #tpu.memory_space<hbm>>
      %dma_start3A_51 = tpu.memref_squeeze %dma_start3A_50 : memref<1x19x16x128xf32, #tpu.memory_space<hbm>> -> memref<19x16x128xf32, #tpu.memory_space<hbm>>
      %dma_start3A_52 = arith.constant 0 : i32
      %dma_start3A_53 = arith.constant 64 : i32
      %dma_start3A_54 = arith.constant 0 : i32
      %dma_start3A_55 = tpu.memref_slice %arg2[%add3A, %dma_start3A_52, %dma_start3A_53, %dma_start3A_54] : memref<32x19x128x128xf32, #tpu.memory_space<hbm>> -> memref<1x19x16x128xf32, #tpu.memory_space<hbm>>
      %dma_start3A_56 = tpu.memref_squeeze %dma_start3A_55 : memref<1x19x16x128xf32, #tpu.memory_space<hbm>> -> memref<19x16x128xf32, #tpu.memory_space<hbm>>
      tpu.enqueue_dma source(%dma_start3A_56 : memref<19x16x128xf32, #tpu.memory_space<hbm>>) target(%arg4 : memref<19x16x128xf32, #tpu.memory_space<vmem>>) target_semaphore(%run_scoped3A : memref<!tpu.dma_semaphore, #tpu.memory_space<semaphore_mem>>)
      %dma_wait3A = arith.constant 0 : i32
      %dma_wait3A_57 = arith.constant 64 : i32
      %dma_wait3A_58 = arith.constant 0 : i32
      %dma_wait3A_59 = tpu.memref_slice %arg2[%add3A, %dma_wait3A, %dma_wait3A_57, %dma_wait3A_58] : memref<32x19x128x128xf32, #tpu.memory_space<hbm>> -> memref<1x19x16x128xf32, #tpu.memory_space<hbm>>
      %dma_wait3A_60 = tpu.memref_squeeze %dma_wait3A_59 : memref<1x19x16x128xf32, #tpu.memory_space<hbm>> -> memref<19x16x128xf32, #tpu.memory_space<hbm>>
      %dma_wait3A_61 = arith.constant 0 : i32
      %dma_wait3A_62 = arith.constant 64 : i32
      %dma_wait3A_63 = arith.constant 0 : i32
      %dma_wait3A_64 = tpu.memref_slice %arg2[%add3A, %dma_wait3A_61, %dma_wait3A_62, %dma_wait3A_63] : memref<32x19x128x128xf32, #tpu.memory_space<hbm>> -> memref<1x19x16x128xf32, #tpu.memory_space<hbm>>
      %dma_wait3A_65 = tpu.memref_squeeze %dma_wait3A_64 : memref<1x19x16x128xf32, #tpu.memory_space<hbm>> -> memref<19x16x128xf32, #tpu.memory_space<hbm>>
      tpu.wait_dma2 semaphore(%run_scoped3A : memref<!tpu.dma_semaphore, #tpu.memory_space<semaphore_mem>>) src(%dma_wait3A_65 : memref<19x16x128xf32, #tpu.memory_space<hbm>>) dst(%arg4 : memref<19x16x128xf32, #tpu.memory_space<vmem>>)
      tpu.yield
    }) : () -> ()
    %scan3A_24 = arith.constant 0 : i32
    %scan3A_25 = arith.constant 0 : i32
    %scan3A_26 = arith.constant 128 : i32
    %scan3A_27 = arith.addi %scan3A_25, %scan3A_26 : i32
    %scan3A_28 = arith.constant 1 : i32
    scf.for %scan3A_48 = %scan3A_25 to %scan3A_27 step %scan3A_28  : i32 {
      %shift_right_arithmetic3A = arith.constant 3 : i32
      %shift_right_arithmetic3A_49 = arith.shrsi %scan3A_48, %shift_right_arithmetic3A : i32
      %and3A = arith.constant 7 : i32
      %and3A_50 = arith.andi %scan3A_48, %and3A : i32
      %mul3A_51 = arith.constant 16 : i32
      %mul3A_52 = arith.muli %and3A_50, %mul3A_51 : i32
      %add3A_53 = vector.broadcast %mul3A_52 : i32 to vector<16xi32>
      %add3A_54 = arith.addi %iota3A, %add3A_53 : vector<16xi32>
      %get3A = arith.constant 0 : i32
      %get3A_55 = arith.index_cast %get3A : i32 to index
      %get3A_56 = arith.index_cast %shift_right_arithmetic3A_49 : i32 to index
      %get3A_57 = arith.index_cast %mul3A_52 : i32 to index
      %get3A_58 = tpu.vector_load %arg4[%get3A_55, %get3A_56, %get3A_57] {strides = array<i32>} : memref<19x16x128xf32, #tpu.memory_space<vmem>>, vector<16xf32>,
      %get3A_59 = arith.constant 1 : i32
      %get3A_60 = arith.index_cast %get3A_59 : i32 to index
      %get3A_61 = arith.index_cast %shift_right_arithmetic3A_49 : i32 to index
      %get3A_62 = arith.index_cast %mul3A_52 : i32 to index
      %get3A_63 = tpu.vector_load %arg4[%get3A_60, %get3A_61, %get3A_62] {strides = array<i32>} : memref<19x16x128xf32, #tpu.memory_space<vmem>>, vector<16xf32>,
      %get3A_64 = arith.constant 2 : i32
      %get3A_65 = arith.index_cast %get3A_64 : i32 to index
      %get3A_66 = arith.index_cast %shift_right_arithmetic3A_49 : i32 to index
      %get3A_67 = arith.index_cast %mul3A_52 : i32 to index
      %get3A_68 = tpu.vector_load %arg4[%get3A_65, %get3A_66, %get3A_67] {strides = array<i32>} : memref<19x16x128xf32, #tpu.memory_space<vmem>>, vector<16xf32>,
      %get3A_69 = arith.constant 3 : i32
      %get3A_70 = arith.index_cast %get3A_69 : i32 to index
      %get3A_71 = arith.index_cast %shift_right_arithmetic3A_49 : i32 to index
      %get3A_72 = arith.index_cast %mul3A_52 : i32 to index
      %get3A_73 = tpu.vector_load %arg4[%get3A_70, %get3A_71, %get3A_72] {strides = array<i32>} : memref<19x16x128xf32, #tpu.memory_space<vmem>>, vector<16xf32>,
      %get3A_74 = arith.constant 4 : i32
      %get3A_75 = arith.index_cast %get3A_74 : i32 to index
      %get3A_76 = arith.index_cast %shift_right_arithmetic3A_49 : i32 to index
      %get3A_77 = arith.index_cast %mul3A_52 : i32 to index
      %get3A_78 = tpu.vector_load %arg4[%get3A_75, %get3A_76, %get3A_77] {strides = array<i32>} : memref<19x16x128xf32, #tpu.memory_space<vmem>>, vector<16xf32>,
      %get3A_79 = arith.constant 5 : i32
      %get3A_80 = arith.index_cast %get3A_79 : i32 to index
      %get3A_81 = arith.index_cast %shift_right_arithmetic3A_49 : i32 to index
      %get3A_82 = arith.index_cast %mul3A_52 : i32 to index
      %get3A_83 = tpu.vector_load %arg4[%get3A_80, %get3A_81, %get3A_82] {strides = array<i32>} : memref<19x16x128xf32, #tpu.memory_space<vmem>>, vector<16xf32>,
      %get3A_84 = arith.constant 6 : i32
      %get3A_85 = arith.index_cast %get3A_84 : i32 to index
      %get3A_86 = arith.index_cast %shift_right_arithmetic3A_49 : i32 to index
      %get3A_87 = arith.index_cast %mul3A_52 : i32 to index
      %get3A_88 = tpu.vector_load %arg4[%get3A_85, %get3A_86, %get3A_87] {strides = array<i32>} : memref<19x16x128xf32, #tpu.memory_space<vmem>>, vector<16xf32>,
      %get3A_89 = arith.constant 7 : i32
      %get3A_90 = arith.index_cast %get3A_89 : i32 to index
      %get3A_91 = arith.index_cast %shift_right_arithmetic3A_49 : i32 to index
      %get3A_92 = arith.index_cast %mul3A_52 : i32 to index
      %get3A_93 = tpu.vector_load %arg4[%get3A_90, %get3A_91, %get3A_92] {strides = array<i32>} : memref<19x16x128xf32, #tpu.memory_space<vmem>>, vector<16xf32>,
      %get3A_94 = arith.constant 8 : i32
      %get3A_95 = arith.index_cast %get3A_94 : i32 to index
      %get3A_96 = arith.index_cast %shift_right_arithmetic3A_49 : i32 to index
      %get3A_97 = arith.index_cast %mul3A_52 : i32 to index
      %get3A_98 = tpu.vector_load %arg4[%get3A_95, %get3A_96, %get3A_97] {strides = array<i32>} : memref<19x16x128xf32, #tpu.memory_space<vmem>>, vector<16xf32>,
      %get3A_99 = arith.constant 9 : i32
      %get3A_100 = arith.index_cast %get3A_99 : i32 to index
      %get3A_101 = arith.index_cast %shift_right_arithmetic3A_49 : i32 to index
      %get3A_102 = arith.index_cast %mul3A_52 : i32 to index
      %get3A_103 = tpu.vector_load %arg4[%get3A_100, %get3A_101, %get3A_102] {strides = array<i32>} : memref<19x16x128xf32, #tpu.memory_space<vmem>>, vector<16xf32>,
      %get3A_104 = arith.constant 10 : i32
      %get3A_105 = arith.index_cast %get3A_104 : i32 to index
      %get3A_106 = arith.index_cast %shift_right_arithmetic3A_49 : i32 to index
      %get3A_107 = arith.index_cast %mul3A_52 : i32 to index
      %get3A_108 = tpu.vector_load %arg4[%get3A_105, %get3A_106, %get3A_107] {strides = array<i32>} : memref<19x16x128xf32, #tpu.memory_space<vmem>>, vector<16xf32>,
      %get3A_109 = arith.constant 11 : i32
      %get3A_110 = arith.index_cast %get3A_109 : i32 to index
      %get3A_111 = arith.index_cast %shift_right_arithmetic3A_49 : i32 to index
      %get3A_112 = arith.index_cast %mul3A_52 : i32 to index
      %get3A_113 = tpu.vector_load %arg4[%get3A_110, %get3A_111, %get3A_112] {strides = array<i32>} : memref<19x16x128xf32, #tpu.memory_space<vmem>>, vector<16xf32>,
      %get3A_114 = arith.constant 12 : i32
      %get3A_115 = arith.index_cast %get3A_114 : i32 to index
      %get3A_116 = arith.index_cast %shift_right_arithmetic3A_49 : i32 to index
      %get3A_117 = arith.index_cast %mul3A_52 : i32 to index
      %get3A_118 = tpu.vector_load %arg4[%get3A_115, %get3A_116, %get3A_117] {strides = array<i32>} : memref<19x16x128xf32, #tpu.memory_space<vmem>>, vector<16xf32>,
      %get3A_119 = arith.constant 13 : i32
      %get3A_120 = arith.index_cast %get3A_119 : i32 to index
      %get3A_121 = arith.index_cast %shift_right_arithmetic3A_49 : i32 to index
      %get3A_122 = arith.index_cast %mul3A_52 : i32 to index
      %get3A_123 = tpu.vector_load %arg4[%get3A_120, %get3A_121, %get3A_122] {strides = array<i32>} : memref<19x16x128xf32, #tpu.memory_space<vmem>>, vector<16xf32>,
      %get3A_124 = arith.constant 14 : i32
      %get3A_125 = arith.index_cast %get3A_124 : i32 to index
      %get3A_126 = arith.index_cast %shift_right_arithmetic3A_49 : i32 to index
      %get3A_127 = arith.index_cast %mul3A_52 : i32 to index
      %get3A_128 = tpu.vector_load %arg4[%get3A_125, %get3A_126, %get3A_127] {strides = array<i32>} : memref<19x16x128xf32, #tpu.memory_space<vmem>>, vector<16xf32>,
      %get3A_129 = arith.constant 15 : i32
      %get3A_130 = arith.index_cast %get3A_129 : i32 to index
      %get3A_131 = arith.index_cast %shift_right_arithmetic3A_49 : i32 to index
      %get3A_132 = arith.index_cast %mul3A_52 : i32 to index
      %get3A_133 = tpu.vector_load %arg4[%get3A_130, %get3A_131, %get3A_132] {strides = array<i32>} : memref<19x16x128xf32, #tpu.memory_space<vmem>>, vector<16xf32>,
      %get3A_134 = arith.constant 16 : i32
      %get3A_135 = arith.index_cast %get3A_134 : i32 to index
      %get3A_136 = arith.index_cast %shift_right_arithmetic3A_49 : i32 to index
      %get3A_137 = arith.index_cast %mul3A_52 : i32 to index
      %get3A_138 = tpu.vector_load %arg4[%get3A_135, %get3A_136, %get3A_137] {strides = array<i32>} : memref<19x16x128xf32, #tpu.memory_space<vmem>>, vector<16xf32>,
      %get3A_139 = arith.constant 17 : i32
      %get3A_140 = arith.index_cast %get3A_139 : i32 to index
      %get3A_141 = arith.index_cast %shift_right_arithmetic3A_49 : i32 to index
      %get3A_142 = arith.index_cast %mul3A_52 : i32 to index
      %get3A_143 = tpu.vector_load %arg4[%get3A_140, %get3A_141, %get3A_142] {strides = array<i32>} : memref<19x16x128xf32, #tpu.memory_space<vmem>>, vector<16xf32>,
      %get3A_144 = arith.constant 18 : i32
      %get3A_145 = arith.index_cast %get3A_144 : i32 to index
      %get3A_146 = arith.index_cast %shift_right_arithmetic3A_49 : i32 to index
      %get3A_147 = arith.index_cast %mul3A_52 : i32 to index
      %get3A_148 = tpu.vector_load %arg4[%get3A_145, %get3A_146, %get3A_147] {strides = array<i32>} : memref<19x16x128xf32, #tpu.memory_space<vmem>>, vector<16xf32>,
      %add3A_149 = arith.addf %get3A_58, %get3A_63 : vector<16xf32>
      %add3A_150 = arith.addf %add3A_149, %get3A_68 : vector<16xf32>
      %add3A_151 = arith.addf %add3A_150, %get3A_73 : vector<16xf32>
      %add3A_152 = arith.addf %add3A_151, %get3A_78 : vector<16xf32>
      %add3A_153 = arith.addf %add3A_152, %get3A_83 : vector<16xf32>
      %add3A_154 = arith.addf %add3A_153, %get3A_88 : vector<16xf32>
      %add3A_155 = arith.addf %add3A_154, %get3A_93 : vector<16xf32>
      %add3A_156 = arith.addf %add3A_155, %get3A_98 : vector<16xf32>
      %add3A_157 = arith.addf %add3A_156, %get3A_103 : vector<16xf32>
      %add3A_158 = arith.addf %add3A_157, %get3A_108 : vector<16xf32>
      %add3A_159 = arith.addf %add3A_158, %get3A_113 : vector<16xf32>
      %add3A_160 = arith.addf %add3A_159, %get3A_118 : vector<16xf32>
      %add3A_161 = arith.addf %add3A_160, %get3A_123 : vector<16xf32>
      %add3A_162 = arith.addf %add3A_161, %get3A_128 : vector<16xf32>
      %add3A_163 = arith.addf %add3A_162, %get3A_133 : vector<16xf32>
      %add3A_164 = arith.addf %add3A_163, %get3A_138 : vector<16xf32>
      %add3A_165 = arith.addf %add3A_164, %get3A_143 : vector<16xf32>
      %add3A_166 = arith.addf %add3A_165, %get3A_148 : vector<16xf32>
      %div3A = arith.constant 1.000000e+00 : f32
      %div3A_167 = vector.broadcast %div3A : f32 to vector<16xf32>
      %div3A_168 = arith.divf %div3A_167, %add3A_166 : vector<16xf32>
      %mul3A_169 = arith.constant 19 : i32
      %mul3A_170 = arith.muli %shift_right_arithmetic3A_49, %mul3A_169 : i32
      %add3A_171 = arith.constant 0 : i32
      %add3A_172 = arith.addi %mul3A_170, %add3A_171 : i32
      %broadcast_in_dim3A = vector.broadcast %add3A_172 : i32 to vector<16xi32>
      %mul3A_173 = arith.mulf %get3A_58, %div3A_168 : vector<16xf32>
      tpu.vector_store_idx %arg5[%add3A_54, %broadcast_in_dim3A], %mul3A_173 : memref<128x305xf32, #tpu.memory_space<vmem>>[vector<16xi32>, vector<16xi32>], vector<16xf32>,
      %add3A_174 = arith.constant 1 : i32
      %add3A_175 = arith.addi %mul3A_170, %add3A_174 : i32
      %broadcast_in_dim3A_176 = vector.broadcast %add3A_175 : i32 to vector<16xi32>
      %mul3A_177 = arith.mulf %get3A_63, %div3A_168 : vector<16xf32>
      tpu.vector_store_idx %arg5[%add3A_54, %broadcast_in_dim3A_176], %mul3A_177 : memref<128x305xf32, #tpu.memory_space<vmem>>[vector<16xi32>, vector<16xi32>], vector<16xf32>,
      %add3A_178 = arith.constant 2 : i32
      %add3A_179 = arith.addi %mul3A_170, %add3A_178 : i32
      %broadcast_in_dim3A_180 = vector.broadcast %add3A_179 : i32 to vector<16xi32>
      %mul3A_181 = arith.mulf %get3A_68, %div3A_168 : vector<16xf32>
      tpu.vector_store_idx %arg5[%add3A_54, %broadcast_in_dim3A_180], %mul3A_181 : memref<128x305xf32, #tpu.memory_space<vmem>>[vector<16xi32>, vector<16xi32>], vector<16xf32>,
      %add3A_182 = arith.constant 3 : i32
      %add3A_183 = arith.addi %mul3A_170, %add3A_182 : i32
      %broadcast_in_dim3A_184 = vector.broadcast %add3A_183 : i32 to vector<16xi32>
      %mul3A_185 = arith.mulf %get3A_73, %div3A_168 : vector<16xf32>
      tpu.vector_store_idx %arg5[%add3A_54, %broadcast_in_dim3A_184], %mul3A_185 : memref<128x305xf32, #tpu.memory_space<vmem>>[vector<16xi32>, vector<16xi32>], vector<16xf32>,
      %add3A_186 = arith.constant 4 : i32
      %add3A_187 = arith.addi %mul3A_170, %add3A_186 : i32
      %broadcast_in_dim3A_188 = vector.broadcast %add3A_187 : i32 to vector<16xi32>
      %mul3A_189 = arith.mulf %get3A_78, %div3A_168 : vector<16xf32>
      tpu.vector_store_idx %arg5[%add3A_54, %broadcast_in_dim3A_188], %mul3A_189 : memref<128x305xf32, #tpu.memory_space<vmem>>[vector<16xi32>, vector<16xi32>], vector<16xf32>,
      %add3A_190 = arith.constant 5 : i32
      %add3A_191 = arith.addi %mul3A_170, %add3A_190 : i32
      %broadcast_in_dim3A_192 = vector.broadcast %add3A_191 : i32 to vector<16xi32>
      %mul3A_193 = arith.mulf %get3A_83, %div3A_168 : vector<16xf32>
      tpu.vector_store_idx %arg5[%add3A_54, %broadcast_in_dim3A_192], %mul3A_193 : memref<128x305xf32, #tpu.memory_space<vmem>>[vector<16xi32>, vector<16xi32>], vector<16xf32>,
      %add3A_194 = arith.constant 6 : i32
      %add3A_195 = arith.addi %mul3A_170, %add3A_194 : i32
      %broadcast_in_dim3A_196 = vector.broadcast %add3A_195 : i32 to vector<16xi32>
      %mul3A_197 = arith.mulf %get3A_88, %div3A_168 : vector<16xf32>
      tpu.vector_store_idx %arg5[%add3A_54, %broadcast_in_dim3A_196], %mul3A_197 : memref<128x305xf32, #tpu.memory_space<vmem>>[vector<16xi32>, vector<16xi32>], vector<16xf32>,
      %add3A_198 = arith.constant 7 : i32
      %add3A_199 = arith.addi %mul3A_170, %add3A_198 : i32
      %broadcast_in_dim3A_200 = vector.broadcast %add3A_199 : i32 to vector<16xi32>
      %mul3A_201 = arith.mulf %get3A_93, %div3A_168 : vector<16xf32>
      tpu.vector_store_idx %arg5[%add3A_54, %broadcast_in_dim3A_200], %mul3A_201 : memref<128x305xf32, #tpu.memory_space<vmem>>[vector<16xi32>, vector<16xi32>], vector<16xf32>,
      %add3A_202 = arith.constant 8 : i32
      %add3A_203 = arith.addi %mul3A_170, %add3A_202 : i32
      %broadcast_in_dim3A_204 = vector.broadcast %add3A_203 : i32 to vector<16xi32>
      %mul3A_205 = arith.mulf %get3A_98, %div3A_168 : vector<16xf32>
      tpu.vector_store_idx %arg5[%add3A_54, %broadcast_in_dim3A_204], %mul3A_205 : memref<128x305xf32, #tpu.memory_space<vmem>>[vector<16xi32>, vector<16xi32>], vector<16xf32>,
      %add3A_206 = arith.constant 9 : i32
      %add3A_207 = arith.addi %mul3A_170, %add3A_206 : i32
      %broadcast_in_dim3A_208 = vector.broadcast %add3A_207 : i32 to vector<16xi32>
      %mul3A_209 = arith.mulf %get3A_103, %div3A_168 : vector<16xf32>
      tpu.vector_store_idx %arg5[%add3A_54, %broadcast_in_dim3A_208], %mul3A_209 : memref<128x305xf32, #tpu.memory_space<vmem>>[vector<16xi32>, vector<16xi32>], vector<16xf32>,
      %add3A_210 = arith.constant 10 : i32
      %add3A_211 = arith.addi %mul3A_170, %add3A_210 : i32
      %broadcast_in_dim3A_212 = vector.broadcast %add3A_211 : i32 to vector<16xi32>
      %mul3A_213 = arith.mulf %get3A_108, %div3A_168 : vector<16xf32>
      tpu.vector_store_idx %arg5[%add3A_54, %broadcast_in_dim3A_212], %mul3A_213 : memref<128x305xf32, #tpu.memory_space<vmem>>[vector<16xi32>, vector<16xi32>], vector<16xf32>,
      %add3A_214 = arith.constant 11 : i32
      %add3A_215 = arith.addi %mul3A_170, %add3A_214 : i32
      %broadcast_in_dim3A_216 = vector.broadcast %add3A_215 : i32 to vector<16xi32>
      %mul3A_217 = arith.mulf %get3A_113, %div3A_168 : vector<16xf32>
      tpu.vector_store_idx %arg5[%add3A_54, %broadcast_in_dim3A_216], %mul3A_217 : memref<128x305xf32, #tpu.memory_space<vmem>>[vector<16xi32>, vector<16xi32>], vector<16xf32>,
      %add3A_218 = arith.constant 12 : i32
      %add3A_219 = arith.addi %mul3A_170, %add3A_218 : i32
      %broadcast_in_dim3A_220 = vector.broadcast %add3A_219 : i32 to vector<16xi32>
      %mul3A_221 = arith.mulf %get3A_118, %div3A_168 : vector<16xf32>
      tpu.vector_store_idx %arg5[%add3A_54, %broadcast_in_dim3A_220], %mul3A_221 : memref<128x305xf32, #tpu.memory_space<vmem>>[vector<16xi32>, vector<16xi32>], vector<16xf32>,
      %add3A_222 = arith.constant 13 : i32
      %add3A_223 = arith.addi %mul3A_170, %add3A_222 : i32
      %broadcast_in_dim3A_224 = vector.broadcast %add3A_223 : i32 to vector<16xi32>
      %mul3A_225 = arith.mulf %get3A_123, %div3A_168 : vector<16xf32>
      tpu.vector_store_idx %arg5[%add3A_54, %broadcast_in_dim3A_224], %mul3A_225 : memref<128x305xf32, #tpu.memory_space<vmem>>[vector<16xi32>, vector<16xi32>], vector<16xf32>,
      %add3A_226 = arith.constant 14 : i32
      %add3A_227 = arith.addi %mul3A_170, %add3A_226 : i32
      %broadcast_in_dim3A_228 = vector.broadcast %add3A_227 : i32 to vector<16xi32>
      %mul3A_229 = arith.mulf %get3A_128, %div3A_168 : vector<16xf32>
      tpu.vector_store_idx %arg5[%add3A_54, %broadcast_in_dim3A_228], %mul3A_229 : memref<128x305xf32, #tpu.memory_space<vmem>>[vector<16xi32>, vector<16xi32>], vector<16xf32>,
      %add3A_230 = arith.constant 15 : i32
      %add3A_231 = arith.addi %mul3A_170, %add3A_230 : i32
      %broadcast_in_dim3A_232 = vector.broadcast %add3A_231 : i32 to vector<16xi32>
      %mul3A_233 = arith.mulf %get3A_133, %div3A_168 : vector<16xf32>
      tpu.vector_store_idx %arg5[%add3A_54, %broadcast_in_dim3A_232], %mul3A_233 : memref<128x305xf32, #tpu.memory_space<vmem>>[vector<16xi32>, vector<16xi32>], vector<16xf32>,
      %add3A_234 = arith.constant 16 : i32
      %add3A_235 = arith.addi %mul3A_170, %add3A_234 : i32
      %broadcast_in_dim3A_236 = vector.broadcast %add3A_235 : i32 to vector<16xi32>
      %mul3A_237 = arith.mulf %get3A_138, %div3A_168 : vector<16xf32>
      tpu.vector_store_idx %arg5[%add3A_54, %broadcast_in_dim3A_236], %mul3A_237 : memref<128x305xf32, #tpu.memory_space<vmem>>[vector<16xi32>, vector<16xi32>], vector<16xf32>,
      %add3A_238 = arith.constant 17 : i32
      %add3A_239 = arith.addi %mul3A_170, %add3A_238 : i32
      %broadcast_in_dim3A_240 = vector.broadcast %add3A_239 : i32 to vector<16xi32>
      %mul3A_241 = arith.mulf %get3A_143, %div3A_168 : vector<16xf32>
      tpu.vector_store_idx %arg5[%add3A_54, %broadcast_in_dim3A_240], %mul3A_241 : memref<128x305xf32, #tpu.memory_space<vmem>>[vector<16xi32>, vector<16xi32>], vector<16xf32>,
      %add3A_242 = arith.constant 18 : i32
      %add3A_243 = arith.addi %mul3A_170, %add3A_242 : i32
      %broadcast_in_dim3A_244 = vector.broadcast %add3A_243 : i32 to vector<16xi32>
      %mul3A_245 = arith.mulf %get3A_148, %div3A_168 : vector<16xf32>
      tpu.vector_store_idx %arg5[%add3A_54, %broadcast_in_dim3A_244], %mul3A_245 : memref<128x305xf32, #tpu.memory_space<vmem>>[vector<16xi32>, vector<16xi32>], vector<16xf32>,
    }
    %scan3A_29 = arith.constant 128 : i32
    "tpu.region"() ({
      %run_scoped3A = tpu.sem_alloc : memref<!tpu.dma_semaphore, #tpu.memory_space<semaphore_mem>>
      %dma_start3A = arith.constant 0 : i32
      %dma_start3A_48 = arith.constant 0 : i32
      %dma_start3A_49 = tpu.memref_slice %arg5[%dma_start3A, %dma_start3A_48] : memref<128x305xf32, #tpu.memory_space<vmem>> -> memref<128x304xf32, #tpu.memory_space<vmem>>
      %dma_start3A_50 = arith.constant 0 : i32
      %dma_start3A_51 = arith.constant 1216 : i32
      %dma_start3A_52 = tpu.memref_slice %arg3[%add3A, %dma_start3A_50, %dma_start3A_51] : memref<32x128x2432xf32, #tpu.memory_space<hbm>> -> memref<1x128x304xf32, #tpu.memory_space<hbm>>
      %dma_start3A_53 = tpu.memref_squeeze %dma_start3A_52 : memref<1x128x304xf32, #tpu.memory_space<hbm>> -> memref<128x304xf32, #tpu.memory_space<hbm>>
      %dma_start3A_54 = arith.constant 0 : i32
      %dma_start3A_55 = arith.constant 1216 : i32
      %dma_start3A_56 = tpu.memref_slice %arg3[%add3A, %dma_start3A_54, %dma_start3A_55] : memref<32x128x2432xf32, #tpu.memory_space<hbm>> -> memref<1x128x304xf32, #tpu.memory_space<hbm>>
      %dma_start3A_57 = tpu.memref_squeeze %dma_start3A_56 : memref<1x128x304xf32, #tpu.memory_space<hbm>> -> memref<128x304xf32, #tpu.memory_space<hbm>>
      %dma_start3A_58 = arith.constant 0 : i32
      %dma_start3A_59 = arith.constant 0 : i32
      %dma_start3A_60 = tpu.memref_slice %arg5[%dma_start3A_58, %dma_start3A_59] : memref<128x305xf32, #tpu.memory_space<vmem>> -> memref<128x304xf32, #tpu.memory_space<vmem>>
      tpu.enqueue_dma source(%dma_start3A_60 : memref<128x304xf32, #tpu.memory_space<vmem>>) target(%dma_start3A_57 : memref<128x304xf32, #tpu.memory_space<hbm>>) target_semaphore(%run_scoped3A : memref<!tpu.dma_semaphore, #tpu.memory_space<semaphore_mem>>)
      %dma_wait3A = arith.constant 0 : i32
      %dma_wait3A_61 = arith.constant 0 : i32
      %dma_wait3A_62 = tpu.memref_slice %arg5[%dma_wait3A, %dma_wait3A_61] : memref<128x305xf32, #tpu.memory_space<vmem>> -> memref<128x304xf32, #tpu.memory_space<vmem>>
      %dma_wait3A_63 = arith.constant 0 : i32
      %dma_wait3A_64 = arith.constant 1216 : i32
      %dma_wait3A_65 = tpu.memref_slice %arg3[%add3A, %dma_wait3A_63, %dma_wait3A_64] : memref<32x128x2432xf32, #tpu.memory_space<hbm>> -> memref<1x128x304xf32, #tpu.memory_space<hbm>>
      %dma_wait3A_66 = tpu.memref_squeeze %dma_wait3A_65 : memref<1x128x304xf32, #tpu.memory_space<hbm>> -> memref<128x304xf32, #tpu.memory_space<hbm>>
      %dma_wait3A_67 = arith.constant 0 : i32
      %dma_wait3A_68 = arith.constant 1216 : i32
      %dma_wait3A_69 = tpu.memref_slice %arg3[%add3A, %dma_wait3A_67, %dma_wait3A_68] : memref<32x128x2432xf32, #tpu.memory_space<hbm>> -> memref<1x128x304xf32, #tpu.memory_space<hbm>>
      %dma_wait3A_70 = tpu.memref_squeeze %dma_wait3A_69 : memref<1x128x304xf32, #tpu.memory_space<hbm>> -> memref<128x304xf32, #tpu.memory_space<hbm>>
      %dma_wait3A_71 = arith.constant 0 : i32
      %dma_wait3A_72 = arith.constant 0 : i32
      %dma_wait3A_73 = tpu.memref_slice %arg5[%dma_wait3A_71, %dma_wait3A_72] : memref<128x305xf32, #tpu.memory_space<vmem>> -> memref<128x304xf32, #tpu.memory_space<vmem>>
      tpu.wait_dma2 semaphore(%run_scoped3A : memref<!tpu.dma_semaphore, #tpu.memory_space<semaphore_mem>>) src(%dma_wait3A_73 : memref<128x304xf32, #tpu.memory_space<vmem>>) dst(%dma_wait3A_70 : memref<128x304xf32, #tpu.memory_space<hbm>>)
      tpu.yield
    }) : () -> ()
    "tpu.region"() ({
      %run_scoped3A = tpu.sem_alloc : memref<!tpu.dma_semaphore, #tpu.memory_space<semaphore_mem>>
      %dma_start3A = arith.constant 0 : i32
      %dma_start3A_48 = arith.constant 80 : i32
      %dma_start3A_49 = arith.constant 0 : i32
      %dma_start3A_50 = tpu.memref_slice %arg2[%add3A, %dma_start3A, %dma_start3A_48, %dma_start3A_49] : memref<32x19x128x128xf32, #tpu.memory_space<hbm>> -> memref<1x19x16x128xf32, #tpu.memory_space<hbm>>
      %dma_start3A_51 = tpu.memref_squeeze %dma_start3A_50 : memref<1x19x16x128xf32, #tpu.memory_space<hbm>> -> memref<19x16x128xf32, #tpu.memory_space<hbm>>
      %dma_start3A_52 = arith.constant 0 : i32
      %dma_start3A_53 = arith.constant 80 : i32
      %dma_start3A_54 = arith.constant 0 : i32
      %dma_start3A_55 = tpu.memref_slice %arg2[%add3A, %dma_start3A_52, %dma_start3A_53, %dma_start3A_54] : memref<32x19x128x128xf32, #tpu.memory_space<hbm>> -> memref<1x19x16x128xf32, #tpu.memory_space<hbm>>
      %dma_start3A_56 = tpu.memref_squeeze %dma_start3A_55 : memref<1x19x16x128xf32, #tpu.memory_space<hbm>> -> memref<19x16x128xf32, #tpu.memory_space<hbm>>
      tpu.enqueue_dma source(%dma_start3A_56 : memref<19x16x128xf32, #tpu.memory_space<hbm>>) target(%arg4 : memref<19x16x128xf32, #tpu.memory_space<vmem>>) target_semaphore(%run_scoped3A : memref<!tpu.dma_semaphore, #tpu.memory_space<semaphore_mem>>)
      %dma_wait3A = arith.constant 0 : i32
      %dma_wait3A_57 = arith.constant 80 : i32
      %dma_wait3A_58 = arith.constant 0 : i32
      %dma_wait3A_59 = tpu.memref_slice %arg2[%add3A, %dma_wait3A, %dma_wait3A_57, %dma_wait3A_58] : memref<32x19x128x128xf32, #tpu.memory_space<hbm>> -> memref<1x19x16x128xf32, #tpu.memory_space<hbm>>
      %dma_wait3A_60 = tpu.memref_squeeze %dma_wait3A_59 : memref<1x19x16x128xf32, #tpu.memory_space<hbm>> -> memref<19x16x128xf32, #tpu.memory_space<hbm>>
      %dma_wait3A_61 = arith.constant 0 : i32
      %dma_wait3A_62 = arith.constant 80 : i32
      %dma_wait3A_63 = arith.constant 0 : i32
      %dma_wait3A_64 = tpu.memref_slice %arg2[%add3A, %dma_wait3A_61, %dma_wait3A_62, %dma_wait3A_63] : memref<32x19x128x128xf32, #tpu.memory_space<hbm>> -> memref<1x19x16x128xf32, #tpu.memory_space<hbm>>
      %dma_wait3A_65 = tpu.memref_squeeze %dma_wait3A_64 : memref<1x19x16x128xf32, #tpu.memory_space<hbm>> -> memref<19x16x128xf32, #tpu.memory_space<hbm>>
      tpu.wait_dma2 semaphore(%run_scoped3A : memref<!tpu.dma_semaphore, #tpu.memory_space<semaphore_mem>>) src(%dma_wait3A_65 : memref<19x16x128xf32, #tpu.memory_space<hbm>>) dst(%arg4 : memref<19x16x128xf32, #tpu.memory_space<vmem>>)
      tpu.yield
    }) : () -> ()
    %scan3A_30 = arith.constant 0 : i32
    %scan3A_31 = arith.constant 0 : i32
    %scan3A_32 = arith.constant 128 : i32
    %scan3A_33 = arith.addi %scan3A_31, %scan3A_32 : i32
    %scan3A_34 = arith.constant 1 : i32
    scf.for %scan3A_48 = %scan3A_31 to %scan3A_33 step %scan3A_34  : i32 {
      %shift_right_arithmetic3A = arith.constant 3 : i32
      %shift_right_arithmetic3A_49 = arith.shrsi %scan3A_48, %shift_right_arithmetic3A : i32
      %and3A = arith.constant 7 : i32
      %and3A_50 = arith.andi %scan3A_48, %and3A : i32
      %mul3A_51 = arith.constant 16 : i32
      %mul3A_52 = arith.muli %and3A_50, %mul3A_51 : i32
      %add3A_53 = vector.broadcast %mul3A_52 : i32 to vector<16xi32>
      %add3A_54 = arith.addi %iota3A, %add3A_53 : vector<16xi32>
      %get3A = arith.constant 0 : i32
      %get3A_55 = arith.index_cast %get3A : i32 to index
      %get3A_56 = arith.index_cast %shift_right_arithmetic3A_49 : i32 to index
      %get3A_57 = arith.index_cast %mul3A_52 : i32 to index
      %get3A_58 = tpu.vector_load %arg4[%get3A_55, %get3A_56, %get3A_57] {strides = array<i32>} : memref<19x16x128xf32, #tpu.memory_space<vmem>>, vector<16xf32>,
      %get3A_59 = arith.constant 1 : i32
      %get3A_60 = arith.index_cast %get3A_59 : i32 to index
      %get3A_61 = arith.index_cast %shift_right_arithmetic3A_49 : i32 to index
      %get3A_62 = arith.index_cast %mul3A_52 : i32 to index
      %get3A_63 = tpu.vector_load %arg4[%get3A_60, %get3A_61, %get3A_62] {strides = array<i32>} : memref<19x16x128xf32, #tpu.memory_space<vmem>>, vector<16xf32>,
      %get3A_64 = arith.constant 2 : i32
      %get3A_65 = arith.index_cast %get3A_64 : i32 to index
      %get3A_66 = arith.index_cast %shift_right_arithmetic3A_49 : i32 to index
      %get3A_67 = arith.index_cast %mul3A_52 : i32 to index
      %get3A_68 = tpu.vector_load %arg4[%get3A_65, %get3A_66, %get3A_67] {strides = array<i32>} : memref<19x16x128xf32, #tpu.memory_space<vmem>>, vector<16xf32>,
      %get3A_69 = arith.constant 3 : i32
      %get3A_70 = arith.index_cast %get3A_69 : i32 to index
      %get3A_71 = arith.index_cast %shift_right_arithmetic3A_49 : i32 to index
      %get3A_72 = arith.index_cast %mul3A_52 : i32 to index
      %get3A_73 = tpu.vector_load %arg4[%get3A_70, %get3A_71, %get3A_72] {strides = array<i32>} : memref<19x16x128xf32, #tpu.memory_space<vmem>>, vector<16xf32>,
      %get3A_74 = arith.constant 4 : i32
      %get3A_75 = arith.index_cast %get3A_74 : i32 to index
      %get3A_76 = arith.index_cast %shift_right_arithmetic3A_49 : i32 to index
      %get3A_77 = arith.index_cast %mul3A_52 : i32 to index
      %get3A_78 = tpu.vector_load %arg4[%get3A_75, %get3A_76, %get3A_77] {strides = array<i32>} : memref<19x16x128xf32, #tpu.memory_space<vmem>>, vector<16xf32>,
      %get3A_79 = arith.constant 5 : i32
      %get3A_80 = arith.index_cast %get3A_79 : i32 to index
      %get3A_81 = arith.index_cast %shift_right_arithmetic3A_49 : i32 to index
      %get3A_82 = arith.index_cast %mul3A_52 : i32 to index
      %get3A_83 = tpu.vector_load %arg4[%get3A_80, %get3A_81, %get3A_82] {strides = array<i32>} : memref<19x16x128xf32, #tpu.memory_space<vmem>>, vector<16xf32>,
      %get3A_84 = arith.constant 6 : i32
      %get3A_85 = arith.index_cast %get3A_84 : i32 to index
      %get3A_86 = arith.index_cast %shift_right_arithmetic3A_49 : i32 to index
      %get3A_87 = arith.index_cast %mul3A_52 : i32 to index
      %get3A_88 = tpu.vector_load %arg4[%get3A_85, %get3A_86, %get3A_87] {strides = array<i32>} : memref<19x16x128xf32, #tpu.memory_space<vmem>>, vector<16xf32>,
      %get3A_89 = arith.constant 7 : i32
      %get3A_90 = arith.index_cast %get3A_89 : i32 to index
      %get3A_91 = arith.index_cast %shift_right_arithmetic3A_49 : i32 to index
      %get3A_92 = arith.index_cast %mul3A_52 : i32 to index
      %get3A_93 = tpu.vector_load %arg4[%get3A_90, %get3A_91, %get3A_92] {strides = array<i32>} : memref<19x16x128xf32, #tpu.memory_space<vmem>>, vector<16xf32>,
      %get3A_94 = arith.constant 8 : i32
      %get3A_95 = arith.index_cast %get3A_94 : i32 to index
      %get3A_96 = arith.index_cast %shift_right_arithmetic3A_49 : i32 to index
      %get3A_97 = arith.index_cast %mul3A_52 : i32 to index
      %get3A_98 = tpu.vector_load %arg4[%get3A_95, %get3A_96, %get3A_97] {strides = array<i32>} : memref<19x16x128xf32, #tpu.memory_space<vmem>>, vector<16xf32>,
      %get3A_99 = arith.constant 9 : i32
      %get3A_100 = arith.index_cast %get3A_99 : i32 to index
      %get3A_101 = arith.index_cast %shift_right_arithmetic3A_49 : i32 to index
      %get3A_102 = arith.index_cast %mul3A_52 : i32 to index
      %get3A_103 = tpu.vector_load %arg4[%get3A_100, %get3A_101, %get3A_102] {strides = array<i32>} : memref<19x16x128xf32, #tpu.memory_space<vmem>>, vector<16xf32>,
      %get3A_104 = arith.constant 10 : i32
      %get3A_105 = arith.index_cast %get3A_104 : i32 to index
      %get3A_106 = arith.index_cast %shift_right_arithmetic3A_49 : i32 to index
      %get3A_107 = arith.index_cast %mul3A_52 : i32 to index
      %get3A_108 = tpu.vector_load %arg4[%get3A_105, %get3A_106, %get3A_107] {strides = array<i32>} : memref<19x16x128xf32, #tpu.memory_space<vmem>>, vector<16xf32>,
      %get3A_109 = arith.constant 11 : i32
      %get3A_110 = arith.index_cast %get3A_109 : i32 to index
      %get3A_111 = arith.index_cast %shift_right_arithmetic3A_49 : i32 to index
      %get3A_112 = arith.index_cast %mul3A_52 : i32 to index
      %get3A_113 = tpu.vector_load %arg4[%get3A_110, %get3A_111, %get3A_112] {strides = array<i32>} : memref<19x16x128xf32, #tpu.memory_space<vmem>>, vector<16xf32>,
      %get3A_114 = arith.constant 12 : i32
      %get3A_115 = arith.index_cast %get3A_114 : i32 to index
      %get3A_116 = arith.index_cast %shift_right_arithmetic3A_49 : i32 to index
      %get3A_117 = arith.index_cast %mul3A_52 : i32 to index
      %get3A_118 = tpu.vector_load %arg4[%get3A_115, %get3A_116, %get3A_117] {strides = array<i32>} : memref<19x16x128xf32, #tpu.memory_space<vmem>>, vector<16xf32>,
      %get3A_119 = arith.constant 13 : i32
      %get3A_120 = arith.index_cast %get3A_119 : i32 to index
      %get3A_121 = arith.index_cast %shift_right_arithmetic3A_49 : i32 to index
      %get3A_122 = arith.index_cast %mul3A_52 : i32 to index
      %get3A_123 = tpu.vector_load %arg4[%get3A_120, %get3A_121, %get3A_122] {strides = array<i32>} : memref<19x16x128xf32, #tpu.memory_space<vmem>>, vector<16xf32>,
      %get3A_124 = arith.constant 14 : i32
      %get3A_125 = arith.index_cast %get3A_124 : i32 to index
      %get3A_126 = arith.index_cast %shift_right_arithmetic3A_49 : i32 to index
      %get3A_127 = arith.index_cast %mul3A_52 : i32 to index
      %get3A_128 = tpu.vector_load %arg4[%get3A_125, %get3A_126, %get3A_127] {strides = array<i32>} : memref<19x16x128xf32, #tpu.memory_space<vmem>>, vector<16xf32>,
      %get3A_129 = arith.constant 15 : i32
      %get3A_130 = arith.index_cast %get3A_129 : i32 to index
      %get3A_131 = arith.index_cast %shift_right_arithmetic3A_49 : i32 to index
      %get3A_132 = arith.index_cast %mul3A_52 : i32 to index
      %get3A_133 = tpu.vector_load %arg4[%get3A_130, %get3A_131, %get3A_132] {strides = array<i32>} : memref<19x16x128xf32, #tpu.memory_space<vmem>>, vector<16xf32>,
      %get3A_134 = arith.constant 16 : i32
      %get3A_135 = arith.index_cast %get3A_134 : i32 to index
      %get3A_136 = arith.index_cast %shift_right_arithmetic3A_49 : i32 to index
      %get3A_137 = arith.index_cast %mul3A_52 : i32 to index
      %get3A_138 = tpu.vector_load %arg4[%get3A_135, %get3A_136, %get3A_137] {strides = array<i32>} : memref<19x16x128xf32, #tpu.memory_space<vmem>>, vector<16xf32>,
      %get3A_139 = arith.constant 17 : i32
      %get3A_140 = arith.index_cast %get3A_139 : i32 to index
      %get3A_141 = arith.index_cast %shift_right_arithmetic3A_49 : i32 to index
      %get3A_142 = arith.index_cast %mul3A_52 : i32 to index
      %get3A_143 = tpu.vector_load %arg4[%get3A_140, %get3A_141, %get3A_142] {strides = array<i32>} : memref<19x16x128xf32, #tpu.memory_space<vmem>>, vector<16xf32>,
      %get3A_144 = arith.constant 18 : i32
      %get3A_145 = arith.index_cast %get3A_144 : i32 to index
      %get3A_146 = arith.index_cast %shift_right_arithmetic3A_49 : i32 to index
      %get3A_147 = arith.index_cast %mul3A_52 : i32 to index
      %get3A_148 = tpu.vector_load %arg4[%get3A_145, %get3A_146, %get3A_147] {strides = array<i32>} : memref<19x16x128xf32, #tpu.memory_space<vmem>>, vector<16xf32>,
      %add3A_149 = arith.addf %get3A_58, %get3A_63 : vector<16xf32>
      %add3A_150 = arith.addf %add3A_149, %get3A_68 : vector<16xf32>
      %add3A_151 = arith.addf %add3A_150, %get3A_73 : vector<16xf32>
      %add3A_152 = arith.addf %add3A_151, %get3A_78 : vector<16xf32>
      %add3A_153 = arith.addf %add3A_152, %get3A_83 : vector<16xf32>
      %add3A_154 = arith.addf %add3A_153, %get3A_88 : vector<16xf32>
      %add3A_155 = arith.addf %add3A_154, %get3A_93 : vector<16xf32>
      %add3A_156 = arith.addf %add3A_155, %get3A_98 : vector<16xf32>
      %add3A_157 = arith.addf %add3A_156, %get3A_103 : vector<16xf32>
      %add3A_158 = arith.addf %add3A_157, %get3A_108 : vector<16xf32>
      %add3A_159 = arith.addf %add3A_158, %get3A_113 : vector<16xf32>
      %add3A_160 = arith.addf %add3A_159, %get3A_118 : vector<16xf32>
      %add3A_161 = arith.addf %add3A_160, %get3A_123 : vector<16xf32>
      %add3A_162 = arith.addf %add3A_161, %get3A_128 : vector<16xf32>
      %add3A_163 = arith.addf %add3A_162, %get3A_133 : vector<16xf32>
      %add3A_164 = arith.addf %add3A_163, %get3A_138 : vector<16xf32>
      %add3A_165 = arith.addf %add3A_164, %get3A_143 : vector<16xf32>
      %add3A_166 = arith.addf %add3A_165, %get3A_148 : vector<16xf32>
      %div3A = arith.constant 1.000000e+00 : f32
      %div3A_167 = vector.broadcast %div3A : f32 to vector<16xf32>
      %div3A_168 = arith.divf %div3A_167, %add3A_166 : vector<16xf32>
      %mul3A_169 = arith.constant 19 : i32
      %mul3A_170 = arith.muli %shift_right_arithmetic3A_49, %mul3A_169 : i32
      %add3A_171 = arith.constant 0 : i32
      %add3A_172 = arith.addi %mul3A_170, %add3A_171 : i32
      %broadcast_in_dim3A = vector.broadcast %add3A_172 : i32 to vector<16xi32>
      %mul3A_173 = arith.mulf %get3A_58, %div3A_168 : vector<16xf32>
      tpu.vector_store_idx %arg5[%add3A_54, %broadcast_in_dim3A], %mul3A_173 : memref<128x305xf32, #tpu.memory_space<vmem>>[vector<16xi32>, vector<16xi32>], vector<16xf32>,
      %add3A_174 = arith.constant 1 : i32
      %add3A_175 = arith.addi %mul3A_170, %add3A_174 : i32
      %broadcast_in_dim3A_176 = vector.broadcast %add3A_175 : i32 to vector<16xi32>
      %mul3A_177 = arith.mulf %get3A_63, %div3A_168 : vector<16xf32>
      tpu.vector_store_idx %arg5[%add3A_54, %broadcast_in_dim3A_176], %mul3A_177 : memref<128x305xf32, #tpu.memory_space<vmem>>[vector<16xi32>, vector<16xi32>], vector<16xf32>,
      %add3A_178 = arith.constant 2 : i32
      %add3A_179 = arith.addi %mul3A_170, %add3A_178 : i32
      %broadcast_in_dim3A_180 = vector.broadcast %add3A_179 : i32 to vector<16xi32>
      %mul3A_181 = arith.mulf %get3A_68, %div3A_168 : vector<16xf32>
      tpu.vector_store_idx %arg5[%add3A_54, %broadcast_in_dim3A_180], %mul3A_181 : memref<128x305xf32, #tpu.memory_space<vmem>>[vector<16xi32>, vector<16xi32>], vector<16xf32>,
      %add3A_182 = arith.constant 3 : i32
      %add3A_183 = arith.addi %mul3A_170, %add3A_182 : i32
      %broadcast_in_dim3A_184 = vector.broadcast %add3A_183 : i32 to vector<16xi32>
      %mul3A_185 = arith.mulf %get3A_73, %div3A_168 : vector<16xf32>
      tpu.vector_store_idx %arg5[%add3A_54, %broadcast_in_dim3A_184], %mul3A_185 : memref<128x305xf32, #tpu.memory_space<vmem>>[vector<16xi32>, vector<16xi32>], vector<16xf32>,
      %add3A_186 = arith.constant 4 : i32
      %add3A_187 = arith.addi %mul3A_170, %add3A_186 : i32
      %broadcast_in_dim3A_188 = vector.broadcast %add3A_187 : i32 to vector<16xi32>
      %mul3A_189 = arith.mulf %get3A_78, %div3A_168 : vector<16xf32>
      tpu.vector_store_idx %arg5[%add3A_54, %broadcast_in_dim3A_188], %mul3A_189 : memref<128x305xf32, #tpu.memory_space<vmem>>[vector<16xi32>, vector<16xi32>], vector<16xf32>,
      %add3A_190 = arith.constant 5 : i32
      %add3A_191 = arith.addi %mul3A_170, %add3A_190 : i32
      %broadcast_in_dim3A_192 = vector.broadcast %add3A_191 : i32 to vector<16xi32>
      %mul3A_193 = arith.mulf %get3A_83, %div3A_168 : vector<16xf32>
      tpu.vector_store_idx %arg5[%add3A_54, %broadcast_in_dim3A_192], %mul3A_193 : memref<128x305xf32, #tpu.memory_space<vmem>>[vector<16xi32>, vector<16xi32>], vector<16xf32>,
      %add3A_194 = arith.constant 6 : i32
      %add3A_195 = arith.addi %mul3A_170, %add3A_194 : i32
      %broadcast_in_dim3A_196 = vector.broadcast %add3A_195 : i32 to vector<16xi32>
      %mul3A_197 = arith.mulf %get3A_88, %div3A_168 : vector<16xf32>
      tpu.vector_store_idx %arg5[%add3A_54, %broadcast_in_dim3A_196], %mul3A_197 : memref<128x305xf32, #tpu.memory_space<vmem>>[vector<16xi32>, vector<16xi32>], vector<16xf32>,
      %add3A_198 = arith.constant 7 : i32
      %add3A_199 = arith.addi %mul3A_170, %add3A_198 : i32
      %broadcast_in_dim3A_200 = vector.broadcast %add3A_199 : i32 to vector<16xi32>
      %mul3A_201 = arith.mulf %get3A_93, %div3A_168 : vector<16xf32>
      tpu.vector_store_idx %arg5[%add3A_54, %broadcast_in_dim3A_200], %mul3A_201 : memref<128x305xf32, #tpu.memory_space<vmem>>[vector<16xi32>, vector<16xi32>], vector<16xf32>,
      %add3A_202 = arith.constant 8 : i32
      %add3A_203 = arith.addi %mul3A_170, %add3A_202 : i32
      %broadcast_in_dim3A_204 = vector.broadcast %add3A_203 : i32 to vector<16xi32>
      %mul3A_205 = arith.mulf %get3A_98, %div3A_168 : vector<16xf32>
      tpu.vector_store_idx %arg5[%add3A_54, %broadcast_in_dim3A_204], %mul3A_205 : memref<128x305xf32, #tpu.memory_space<vmem>>[vector<16xi32>, vector<16xi32>], vector<16xf32>,
      %add3A_206 = arith.constant 9 : i32
      %add3A_207 = arith.addi %mul3A_170, %add3A_206 : i32
      %broadcast_in_dim3A_208 = vector.broadcast %add3A_207 : i32 to vector<16xi32>
      %mul3A_209 = arith.mulf %get3A_103, %div3A_168 : vector<16xf32>
      tpu.vector_store_idx %arg5[%add3A_54, %broadcast_in_dim3A_208], %mul3A_209 : memref<128x305xf32, #tpu.memory_space<vmem>>[vector<16xi32>, vector<16xi32>], vector<16xf32>,
      %add3A_210 = arith.constant 10 : i32
      %add3A_211 = arith.addi %mul3A_170, %add3A_210 : i32
      %broadcast_in_dim3A_212 = vector.broadcast %add3A_211 : i32 to vector<16xi32>
      %mul3A_213 = arith.mulf %get3A_108, %div3A_168 : vector<16xf32>
      tpu.vector_store_idx %arg5[%add3A_54, %broadcast_in_dim3A_212], %mul3A_213 : memref<128x305xf32, #tpu.memory_space<vmem>>[vector<16xi32>, vector<16xi32>], vector<16xf32>,
      %add3A_214 = arith.constant 11 : i32
      %add3A_215 = arith.addi %mul3A_170, %add3A_214 : i32
      %broadcast_in_dim3A_216 = vector.broadcast %add3A_215 : i32 to vector<16xi32>
      %mul3A_217 = arith.mulf %get3A_113, %div3A_168 : vector<16xf32>
      tpu.vector_store_idx %arg5[%add3A_54, %broadcast_in_dim3A_216], %mul3A_217 : memref<128x305xf32, #tpu.memory_space<vmem>>[vector<16xi32>, vector<16xi32>], vector<16xf32>,
      %add3A_218 = arith.constant 12 : i32
      %add3A_219 = arith.addi %mul3A_170, %add3A_218 : i32
      %broadcast_in_dim3A_220 = vector.broadcast %add3A_219 : i32 to vector<16xi32>
      %mul3A_221 = arith.mulf %get3A_118, %div3A_168 : vector<16xf32>
      tpu.vector_store_idx %arg5[%add3A_54, %broadcast_in_dim3A_220], %mul3A_221 : memref<128x305xf32, #tpu.memory_space<vmem>>[vector<16xi32>, vector<16xi32>], vector<16xf32>,
      %add3A_222 = arith.constant 13 : i32
      %add3A_223 = arith.addi %mul3A_170, %add3A_222 : i32
      %broadcast_in_dim3A_224 = vector.broadcast %add3A_223 : i32 to vector<16xi32>
      %mul3A_225 = arith.mulf %get3A_123, %div3A_168 : vector<16xf32>
      tpu.vector_store_idx %arg5[%add3A_54, %broadcast_in_dim3A_224], %mul3A_225 : memref<128x305xf32, #tpu.memory_space<vmem>>[vector<16xi32>, vector<16xi32>], vector<16xf32>,
      %add3A_226 = arith.constant 14 : i32
      %add3A_227 = arith.addi %mul3A_170, %add3A_226 : i32
      %broadcast_in_dim3A_228 = vector.broadcast %add3A_227 : i32 to vector<16xi32>
      %mul3A_229 = arith.mulf %get3A_128, %div3A_168 : vector<16xf32>
      tpu.vector_store_idx %arg5[%add3A_54, %broadcast_in_dim3A_228], %mul3A_229 : memref<128x305xf32, #tpu.memory_space<vmem>>[vector<16xi32>, vector<16xi32>], vector<16xf32>,
      %add3A_230 = arith.constant 15 : i32
      %add3A_231 = arith.addi %mul3A_170, %add3A_230 : i32
      %broadcast_in_dim3A_232 = vector.broadcast %add3A_231 : i32 to vector<16xi32>
      %mul3A_233 = arith.mulf %get3A_133, %div3A_168 : vector<16xf32>
      tpu.vector_store_idx %arg5[%add3A_54, %broadcast_in_dim3A_232], %mul3A_233 : memref<128x305xf32, #tpu.memory_space<vmem>>[vector<16xi32>, vector<16xi32>], vector<16xf32>,
      %add3A_234 = arith.constant 16 : i32
      %add3A_235 = arith.addi %mul3A_170, %add3A_234 : i32
      %broadcast_in_dim3A_236 = vector.broadcast %add3A_235 : i32 to vector<16xi32>
      %mul3A_237 = arith.mulf %get3A_138, %div3A_168 : vector<16xf32>
      tpu.vector_store_idx %arg5[%add3A_54, %broadcast_in_dim3A_236], %mul3A_237 : memref<128x305xf32, #tpu.memory_space<vmem>>[vector<16xi32>, vector<16xi32>], vector<16xf32>,
      %add3A_238 = arith.constant 17 : i32
      %add3A_239 = arith.addi %mul3A_170, %add3A_238 : i32
      %broadcast_in_dim3A_240 = vector.broadcast %add3A_239 : i32 to vector<16xi32>
      %mul3A_241 = arith.mulf %get3A_143, %div3A_168 : vector<16xf32>
      tpu.vector_store_idx %arg5[%add3A_54, %broadcast_in_dim3A_240], %mul3A_241 : memref<128x305xf32, #tpu.memory_space<vmem>>[vector<16xi32>, vector<16xi32>], vector<16xf32>,
      %add3A_242 = arith.constant 18 : i32
      %add3A_243 = arith.addi %mul3A_170, %add3A_242 : i32
      %broadcast_in_dim3A_244 = vector.broadcast %add3A_243 : i32 to vector<16xi32>
      %mul3A_245 = arith.mulf %get3A_148, %div3A_168 : vector<16xf32>
      tpu.vector_store_idx %arg5[%add3A_54, %broadcast_in_dim3A_244], %mul3A_245 : memref<128x305xf32, #tpu.memory_space<vmem>>[vector<16xi32>, vector<16xi32>], vector<16xf32>,
    }
    %scan3A_35 = arith.constant 128 : i32
    "tpu.region"() ({
      %run_scoped3A = tpu.sem_alloc : memref<!tpu.dma_semaphore, #tpu.memory_space<semaphore_mem>>
      %dma_start3A = arith.constant 0 : i32
      %dma_start3A_48 = arith.constant 0 : i32
      %dma_start3A_49 = tpu.memref_slice %arg5[%dma_start3A, %dma_start3A_48] : memref<128x305xf32, #tpu.memory_space<vmem>> -> memref<128x304xf32, #tpu.memory_space<vmem>>
      %dma_start3A_50 = arith.constant 0 : i32
      %dma_start3A_51 = arith.constant 1520 : i32
      %dma_start3A_52 = tpu.memref_slice %arg3[%add3A, %dma_start3A_50, %dma_start3A_51] : memref<32x128x2432xf32, #tpu.memory_space<hbm>> -> memref<1x128x304xf32, #tpu.memory_space<hbm>>
      %dma_start3A_53 = tpu.memref_squeeze %dma_start3A_52 : memref<1x128x304xf32, #tpu.memory_space<hbm>> -> memref<128x304xf32, #tpu.memory_space<hbm>>
      %dma_start3A_54 = arith.constant 0 : i32
      %dma_start3A_55 = arith.constant 1520 : i32
      %dma_start3A_56 = tpu.memref_slice %arg3[%add3A, %dma_start3A_54, %dma_start3A_55] : memref<32x128x2432xf32, #tpu.memory_space<hbm>> -> memref<1x128x304xf32, #tpu.memory_space<hbm>>
      %dma_start3A_57 = tpu.memref_squeeze %dma_start3A_56 : memref<1x128x304xf32, #tpu.memory_space<hbm>> -> memref<128x304xf32, #tpu.memory_space<hbm>>
      %dma_start3A_58 = arith.constant 0 : i32
      %dma_start3A_59 = arith.constant 0 : i32
      %dma_start3A_60 = tpu.memref_slice %arg5[%dma_start3A_58, %dma_start3A_59] : memref<128x305xf32, #tpu.memory_space<vmem>> -> memref<128x304xf32, #tpu.memory_space<vmem>>
      tpu.enqueue_dma source(%dma_start3A_60 : memref<128x304xf32, #tpu.memory_space<vmem>>) target(%dma_start3A_57 : memref<128x304xf32, #tpu.memory_space<hbm>>) target_semaphore(%run_scoped3A : memref<!tpu.dma_semaphore, #tpu.memory_space<semaphore_mem>>)
      %dma_wait3A = arith.constant 0 : i32
      %dma_wait3A_61 = arith.constant 0 : i32
      %dma_wait3A_62 = tpu.memref_slice %arg5[%dma_wait3A, %dma_wait3A_61] : memref<128x305xf32, #tpu.memory_space<vmem>> -> memref<128x304xf32, #tpu.memory_space<vmem>>
      %dma_wait3A_63 = arith.constant 0 : i32
      %dma_wait3A_64 = arith.constant 1520 : i32
      %dma_wait3A_65 = tpu.memref_slice %arg3[%add3A, %dma_wait3A_63, %dma_wait3A_64] : memref<32x128x2432xf32, #tpu.memory_space<hbm>> -> memref<1x128x304xf32, #tpu.memory_space<hbm>>
      %dma_wait3A_66 = tpu.memref_squeeze %dma_wait3A_65 : memref<1x128x304xf32, #tpu.memory_space<hbm>> -> memref<128x304xf32, #tpu.memory_space<hbm>>
      %dma_wait3A_67 = arith.constant 0 : i32
      %dma_wait3A_68 = arith.constant 1520 : i32
      %dma_wait3A_69 = tpu.memref_slice %arg3[%add3A, %dma_wait3A_67, %dma_wait3A_68] : memref<32x128x2432xf32, #tpu.memory_space<hbm>> -> memref<1x128x304xf32, #tpu.memory_space<hbm>>
      %dma_wait3A_70 = tpu.memref_squeeze %dma_wait3A_69 : memref<1x128x304xf32, #tpu.memory_space<hbm>> -> memref<128x304xf32, #tpu.memory_space<hbm>>
      %dma_wait3A_71 = arith.constant 0 : i32
      %dma_wait3A_72 = arith.constant 0 : i32
      %dma_wait3A_73 = tpu.memref_slice %arg5[%dma_wait3A_71, %dma_wait3A_72] : memref<128x305xf32, #tpu.memory_space<vmem>> -> memref<128x304xf32, #tpu.memory_space<vmem>>
      tpu.wait_dma2 semaphore(%run_scoped3A : memref<!tpu.dma_semaphore, #tpu.memory_space<semaphore_mem>>) src(%dma_wait3A_73 : memref<128x304xf32, #tpu.memory_space<vmem>>) dst(%dma_wait3A_70 : memref<128x304xf32, #tpu.memory_space<hbm>>)
      tpu.yield
    }) : () -> ()
    "tpu.region"() ({
      %run_scoped3A = tpu.sem_alloc : memref<!tpu.dma_semaphore, #tpu.memory_space<semaphore_mem>>
      %dma_start3A = arith.constant 0 : i32
      %dma_start3A_48 = arith.constant 96 : i32
      %dma_start3A_49 = arith.constant 0 : i32
      %dma_start3A_50 = tpu.memref_slice %arg2[%add3A, %dma_start3A, %dma_start3A_48, %dma_start3A_49] : memref<32x19x128x128xf32, #tpu.memory_space<hbm>> -> memref<1x19x16x128xf32, #tpu.memory_space<hbm>>
      %dma_start3A_51 = tpu.memref_squeeze %dma_start3A_50 : memref<1x19x16x128xf32, #tpu.memory_space<hbm>> -> memref<19x16x128xf32, #tpu.memory_space<hbm>>
      %dma_start3A_52 = arith.constant 0 : i32
      %dma_start3A_53 = arith.constant 96 : i32
      %dma_start3A_54 = arith.constant 0 : i32
      %dma_start3A_55 = tpu.memref_slice %arg2[%add3A, %dma_start3A_52, %dma_start3A_53, %dma_start3A_54] : memref<32x19x128x128xf32, #tpu.memory_space<hbm>> -> memref<1x19x16x128xf32, #tpu.memory_space<hbm>>
      %dma_start3A_56 = tpu.memref_squeeze %dma_start3A_55 : memref<1x19x16x128xf32, #tpu.memory_space<hbm>> -> memref<19x16x128xf32, #tpu.memory_space<hbm>>
      tpu.enqueue_dma source(%dma_start3A_56 : memref<19x16x128xf32, #tpu.memory_space<hbm>>) target(%arg4 : memref<19x16x128xf32, #tpu.memory_space<vmem>>) target_semaphore(%run_scoped3A : memref<!tpu.dma_semaphore, #tpu.memory_space<semaphore_mem>>)
      %dma_wait3A = arith.constant 0 : i32
      %dma_wait3A_57 = arith.constant 96 : i32
      %dma_wait3A_58 = arith.constant 0 : i32
      %dma_wait3A_59 = tpu.memref_slice %arg2[%add3A, %dma_wait3A, %dma_wait3A_57, %dma_wait3A_58] : memref<32x19x128x128xf32, #tpu.memory_space<hbm>> -> memref<1x19x16x128xf32, #tpu.memory_space<hbm>>
      %dma_wait3A_60 = tpu.memref_squeeze %dma_wait3A_59 : memref<1x19x16x128xf32, #tpu.memory_space<hbm>> -> memref<19x16x128xf32, #tpu.memory_space<hbm>>
      %dma_wait3A_61 = arith.constant 0 : i32
      %dma_wait3A_62 = arith.constant 96 : i32
      %dma_wait3A_63 = arith.constant 0 : i32
      %dma_wait3A_64 = tpu.memref_slice %arg2[%add3A, %dma_wait3A_61, %dma_wait3A_62, %dma_wait3A_63] : memref<32x19x128x128xf32, #tpu.memory_space<hbm>> -> memref<1x19x16x128xf32, #tpu.memory_space<hbm>>
      %dma_wait3A_65 = tpu.memref_squeeze %dma_wait3A_64 : memref<1x19x16x128xf32, #tpu.memory_space<hbm>> -> memref<19x16x128xf32, #tpu.memory_space<hbm>>
      tpu.wait_dma2 semaphore(%run_scoped3A : memref<!tpu.dma_semaphore, #tpu.memory_space<semaphore_mem>>) src(%dma_wait3A_65 : memref<19x16x128xf32, #tpu.memory_space<hbm>>) dst(%arg4 : memref<19x16x128xf32, #tpu.memory_space<vmem>>)
      tpu.yield
    }) : () -> ()
    %scan3A_36 = arith.constant 0 : i32
    %scan3A_37 = arith.constant 0 : i32
    %scan3A_38 = arith.constant 128 : i32
    %scan3A_39 = arith.addi %scan3A_37, %scan3A_38 : i32
    %scan3A_40 = arith.constant 1 : i32
    scf.for %scan3A_48 = %scan3A_37 to %scan3A_39 step %scan3A_40  : i32 {
      %shift_right_arithmetic3A = arith.constant 3 : i32
      %shift_right_arithmetic3A_49 = arith.shrsi %scan3A_48, %shift_right_arithmetic3A : i32
      %and3A = arith.constant 7 : i32
      %and3A_50 = arith.andi %scan3A_48, %and3A : i32
      %mul3A_51 = arith.constant 16 : i32
      %mul3A_52 = arith.muli %and3A_50, %mul3A_51 : i32
      %add3A_53 = vector.broadcast %mul3A_52 : i32 to vector<16xi32>
      %add3A_54 = arith.addi %iota3A, %add3A_53 : vector<16xi32>
      %get3A = arith.constant 0 : i32
      %get3A_55 = arith.index_cast %get3A : i32 to index
      %get3A_56 = arith.index_cast %shift_right_arithmetic3A_49 : i32 to index
      %get3A_57 = arith.index_cast %mul3A_52 : i32 to index
      %get3A_58 = tpu.vector_load %arg4[%get3A_55, %get3A_56, %get3A_57] {strides = array<i32>} : memref<19x16x128xf32, #tpu.memory_space<vmem>>, vector<16xf32>,
      %get3A_59 = arith.constant 1 : i32
      %get3A_60 = arith.index_cast %get3A_59 : i32 to index
      %get3A_61 = arith.index_cast %shift_right_arithmetic3A_49 : i32 to index
      %get3A_62 = arith.index_cast %mul3A_52 : i32 to index
      %get3A_63 = tpu.vector_load %arg4[%get3A_60, %get3A_61, %get3A_62] {strides = array<i32>} : memref<19x16x128xf32, #tpu.memory_space<vmem>>, vector<16xf32>,
      %get3A_64 = arith.constant 2 : i32
      %get3A_65 = arith.index_cast %get3A_64 : i32 to index
      %get3A_66 = arith.index_cast %shift_right_arithmetic3A_49 : i32 to index
      %get3A_67 = arith.index_cast %mul3A_52 : i32 to index
      %get3A_68 = tpu.vector_load %arg4[%get3A_65, %get3A_66, %get3A_67] {strides = array<i32>} : memref<19x16x128xf32, #tpu.memory_space<vmem>>, vector<16xf32>,
      %get3A_69 = arith.constant 3 : i32
      %get3A_70 = arith.index_cast %get3A_69 : i32 to index
      %get3A_71 = arith.index_cast %shift_right_arithmetic3A_49 : i32 to index
      %get3A_72 = arith.index_cast %mul3A_52 : i32 to index
      %get3A_73 = tpu.vector_load %arg4[%get3A_70, %get3A_71, %get3A_72] {strides = array<i32>} : memref<19x16x128xf32, #tpu.memory_space<vmem>>, vector<16xf32>,
      %get3A_74 = arith.constant 4 : i32
      %get3A_75 = arith.index_cast %get3A_74 : i32 to index
      %get3A_76 = arith.index_cast %shift_right_arithmetic3A_49 : i32 to index
      %get3A_77 = arith.index_cast %mul3A_52 : i32 to index
      %get3A_78 = tpu.vector_load %arg4[%get3A_75, %get3A_76, %get3A_77] {strides = array<i32>} : memref<19x16x128xf32, #tpu.memory_space<vmem>>, vector<16xf32>,
      %get3A_79 = arith.constant 5 : i32
      %get3A_80 = arith.index_cast %get3A_79 : i32 to index
      %get3A_81 = arith.index_cast %shift_right_arithmetic3A_49 : i32 to index
      %get3A_82 = arith.index_cast %mul3A_52 : i32 to index
      %get3A_83 = tpu.vector_load %arg4[%get3A_80, %get3A_81, %get3A_82] {strides = array<i32>} : memref<19x16x128xf32, #tpu.memory_space<vmem>>, vector<16xf32>,
      %get3A_84 = arith.constant 6 : i32
      %get3A_85 = arith.index_cast %get3A_84 : i32 to index
      %get3A_86 = arith.index_cast %shift_right_arithmetic3A_49 : i32 to index
      %get3A_87 = arith.index_cast %mul3A_52 : i32 to index
      %get3A_88 = tpu.vector_load %arg4[%get3A_85, %get3A_86, %get3A_87] {strides = array<i32>} : memref<19x16x128xf32, #tpu.memory_space<vmem>>, vector<16xf32>,
      %get3A_89 = arith.constant 7 : i32
      %get3A_90 = arith.index_cast %get3A_89 : i32 to index
      %get3A_91 = arith.index_cast %shift_right_arithmetic3A_49 : i32 to index
      %get3A_92 = arith.index_cast %mul3A_52 : i32 to index
      %get3A_93 = tpu.vector_load %arg4[%get3A_90, %get3A_91, %get3A_92] {strides = array<i32>} : memref<19x16x128xf32, #tpu.memory_space<vmem>>, vector<16xf32>,
      %get3A_94 = arith.constant 8 : i32
      %get3A_95 = arith.index_cast %get3A_94 : i32 to index
      %get3A_96 = arith.index_cast %shift_right_arithmetic3A_49 : i32 to index
      %get3A_97 = arith.index_cast %mul3A_52 : i32 to index
      %get3A_98 = tpu.vector_load %arg4[%get3A_95, %get3A_96, %get3A_97] {strides = array<i32>} : memref<19x16x128xf32, #tpu.memory_space<vmem>>, vector<16xf32>,
      %get3A_99 = arith.constant 9 : i32
      %get3A_100 = arith.index_cast %get3A_99 : i32 to index
      %get3A_101 = arith.index_cast %shift_right_arithmetic3A_49 : i32 to index
      %get3A_102 = arith.index_cast %mul3A_52 : i32 to index
      %get3A_103 = tpu.vector_load %arg4[%get3A_100, %get3A_101, %get3A_102] {strides = array<i32>} : memref<19x16x128xf32, #tpu.memory_space<vmem>>, vector<16xf32>,
      %get3A_104 = arith.constant 10 : i32
      %get3A_105 = arith.index_cast %get3A_104 : i32 to index
      %get3A_106 = arith.index_cast %shift_right_arithmetic3A_49 : i32 to index
      %get3A_107 = arith.index_cast %mul3A_52 : i32 to index
      %get3A_108 = tpu.vector_load %arg4[%get3A_105, %get3A_106, %get3A_107] {strides = array<i32>} : memref<19x16x128xf32, #tpu.memory_space<vmem>>, vector<16xf32>,
      %get3A_109 = arith.constant 11 : i32
      %get3A_110 = arith.index_cast %get3A_109 : i32 to index
      %get3A_111 = arith.index_cast %shift_right_arithmetic3A_49 : i32 to index
      %get3A_112 = arith.index_cast %mul3A_52 : i32 to index
      %get3A_113 = tpu.vector_load %arg4[%get3A_110, %get3A_111, %get3A_112] {strides = array<i32>} : memref<19x16x128xf32, #tpu.memory_space<vmem>>, vector<16xf32>,
      %get3A_114 = arith.constant 12 : i32
      %get3A_115 = arith.index_cast %get3A_114 : i32 to index
      %get3A_116 = arith.index_cast %shift_right_arithmetic3A_49 : i32 to index
      %get3A_117 = arith.index_cast %mul3A_52 : i32 to index
      %get3A_118 = tpu.vector_load %arg4[%get3A_115, %get3A_116, %get3A_117] {strides = array<i32>} : memref<19x16x128xf32, #tpu.memory_space<vmem>>, vector<16xf32>,
      %get3A_119 = arith.constant 13 : i32
      %get3A_120 = arith.index_cast %get3A_119 : i32 to index
      %get3A_121 = arith.index_cast %shift_right_arithmetic3A_49 : i32 to index
      %get3A_122 = arith.index_cast %mul3A_52 : i32 to index
      %get3A_123 = tpu.vector_load %arg4[%get3A_120, %get3A_121, %get3A_122] {strides = array<i32>} : memref<19x16x128xf32, #tpu.memory_space<vmem>>, vector<16xf32>,
      %get3A_124 = arith.constant 14 : i32
      %get3A_125 = arith.index_cast %get3A_124 : i32 to index
      %get3A_126 = arith.index_cast %shift_right_arithmetic3A_49 : i32 to index
      %get3A_127 = arith.index_cast %mul3A_52 : i32 to index
      %get3A_128 = tpu.vector_load %arg4[%get3A_125, %get3A_126, %get3A_127] {strides = array<i32>} : memref<19x16x128xf32, #tpu.memory_space<vmem>>, vector<16xf32>,
      %get3A_129 = arith.constant 15 : i32
      %get3A_130 = arith.index_cast %get3A_129 : i32 to index
      %get3A_131 = arith.index_cast %shift_right_arithmetic3A_49 : i32 to index
      %get3A_132 = arith.index_cast %mul3A_52 : i32 to index
      %get3A_133 = tpu.vector_load %arg4[%get3A_130, %get3A_131, %get3A_132] {strides = array<i32>} : memref<19x16x128xf32, #tpu.memory_space<vmem>>, vector<16xf32>,
      %get3A_134 = arith.constant 16 : i32
      %get3A_135 = arith.index_cast %get3A_134 : i32 to index
      %get3A_136 = arith.index_cast %shift_right_arithmetic3A_49 : i32 to index
      %get3A_137 = arith.index_cast %mul3A_52 : i32 to index
      %get3A_138 = tpu.vector_load %arg4[%get3A_135, %get3A_136, %get3A_137] {strides = array<i32>} : memref<19x16x128xf32, #tpu.memory_space<vmem>>, vector<16xf32>,
      %get3A_139 = arith.constant 17 : i32
      %get3A_140 = arith.index_cast %get3A_139 : i32 to index
      %get3A_141 = arith.index_cast %shift_right_arithmetic3A_49 : i32 to index
      %get3A_142 = arith.index_cast %mul3A_52 : i32 to index
      %get3A_143 = tpu.vector_load %arg4[%get3A_140, %get3A_141, %get3A_142] {strides = array<i32>} : memref<19x16x128xf32, #tpu.memory_space<vmem>>, vector<16xf32>,
      %get3A_144 = arith.constant 18 : i32
      %get3A_145 = arith.index_cast %get3A_144 : i32 to index
      %get3A_146 = arith.index_cast %shift_right_arithmetic3A_49 : i32 to index
      %get3A_147 = arith.index_cast %mul3A_52 : i32 to index
      %get3A_148 = tpu.vector_load %arg4[%get3A_145, %get3A_146, %get3A_147] {strides = array<i32>} : memref<19x16x128xf32, #tpu.memory_space<vmem>>, vector<16xf32>,
      %add3A_149 = arith.addf %get3A_58, %get3A_63 : vector<16xf32>
      %add3A_150 = arith.addf %add3A_149, %get3A_68 : vector<16xf32>
      %add3A_151 = arith.addf %add3A_150, %get3A_73 : vector<16xf32>
      %add3A_152 = arith.addf %add3A_151, %get3A_78 : vector<16xf32>
      %add3A_153 = arith.addf %add3A_152, %get3A_83 : vector<16xf32>
      %add3A_154 = arith.addf %add3A_153, %get3A_88 : vector<16xf32>
      %add3A_155 = arith.addf %add3A_154, %get3A_93 : vector<16xf32>
      %add3A_156 = arith.addf %add3A_155, %get3A_98 : vector<16xf32>
      %add3A_157 = arith.addf %add3A_156, %get3A_103 : vector<16xf32>
      %add3A_158 = arith.addf %add3A_157, %get3A_108 : vector<16xf32>
      %add3A_159 = arith.addf %add3A_158, %get3A_113 : vector<16xf32>
      %add3A_160 = arith.addf %add3A_159, %get3A_118 : vector<16xf32>
      %add3A_161 = arith.addf %add3A_160, %get3A_123 : vector<16xf32>
      %add3A_162 = arith.addf %add3A_161, %get3A_128 : vector<16xf32>
      %add3A_163 = arith.addf %add3A_162, %get3A_133 : vector<16xf32>
      %add3A_164 = arith.addf %add3A_163, %get3A_138 : vector<16xf32>
      %add3A_165 = arith.addf %add3A_164, %get3A_143 : vector<16xf32>
      %add3A_166 = arith.addf %add3A_165, %get3A_148 : vector<16xf32>
      %div3A = arith.constant 1.000000e+00 : f32
      %div3A_167 = vector.broadcast %div3A : f32 to vector<16xf32>
      %div3A_168 = arith.divf %div3A_167, %add3A_166 : vector<16xf32>
      %mul3A_169 = arith.constant 19 : i32
      %mul3A_170 = arith.muli %shift_right_arithmetic3A_49, %mul3A_169 : i32
      %add3A_171 = arith.constant 0 : i32
      %add3A_172 = arith.addi %mul3A_170, %add3A_171 : i32
      %broadcast_in_dim3A = vector.broadcast %add3A_172 : i32 to vector<16xi32>
      %mul3A_173 = arith.mulf %get3A_58, %div3A_168 : vector<16xf32>
      tpu.vector_store_idx %arg5[%add3A_54, %broadcast_in_dim3A], %mul3A_173 : memref<128x305xf32, #tpu.memory_space<vmem>>[vector<16xi32>, vector<16xi32>], vector<16xf32>,
      %add3A_174 = arith.constant 1 : i32
      %add3A_175 = arith.addi %mul3A_170, %add3A_174 : i32
      %broadcast_in_dim3A_176 = vector.broadcast %add3A_175 : i32 to vector<16xi32>
      %mul3A_177 = arith.mulf %get3A_63, %div3A_168 : vector<16xf32>
      tpu.vector_store_idx %arg5[%add3A_54, %broadcast_in_dim3A_176], %mul3A_177 : memref<128x305xf32, #tpu.memory_space<vmem>>[vector<16xi32>, vector<16xi32>], vector<16xf32>,
      %add3A_178 = arith.constant 2 : i32
      %add3A_179 = arith.addi %mul3A_170, %add3A_178 : i32
      %broadcast_in_dim3A_180 = vector.broadcast %add3A_179 : i32 to vector<16xi32>
      %mul3A_181 = arith.mulf %get3A_68, %div3A_168 : vector<16xf32>
      tpu.vector_store_idx %arg5[%add3A_54, %broadcast_in_dim3A_180], %mul3A_181 : memref<128x305xf32, #tpu.memory_space<vmem>>[vector<16xi32>, vector<16xi32>], vector<16xf32>,
      %add3A_182 = arith.constant 3 : i32
      %add3A_183 = arith.addi %mul3A_170, %add3A_182 : i32
      %broadcast_in_dim3A_184 = vector.broadcast %add3A_183 : i32 to vector<16xi32>
      %mul3A_185 = arith.mulf %get3A_73, %div3A_168 : vector<16xf32>
      tpu.vector_store_idx %arg5[%add3A_54, %broadcast_in_dim3A_184], %mul3A_185 : memref<128x305xf32, #tpu.memory_space<vmem>>[vector<16xi32>, vector<16xi32>], vector<16xf32>,
      %add3A_186 = arith.constant 4 : i32
      %add3A_187 = arith.addi %mul3A_170, %add3A_186 : i32
      %broadcast_in_dim3A_188 = vector.broadcast %add3A_187 : i32 to vector<16xi32>
      %mul3A_189 = arith.mulf %get3A_78, %div3A_168 : vector<16xf32>
      tpu.vector_store_idx %arg5[%add3A_54, %broadcast_in_dim3A_188], %mul3A_189 : memref<128x305xf32, #tpu.memory_space<vmem>>[vector<16xi32>, vector<16xi32>], vector<16xf32>,
      %add3A_190 = arith.constant 5 : i32
      %add3A_191 = arith.addi %mul3A_170, %add3A_190 : i32
      %broadcast_in_dim3A_192 = vector.broadcast %add3A_191 : i32 to vector<16xi32>
      %mul3A_193 = arith.mulf %get3A_83, %div3A_168 : vector<16xf32>
      tpu.vector_store_idx %arg5[%add3A_54, %broadcast_in_dim3A_192], %mul3A_193 : memref<128x305xf32, #tpu.memory_space<vmem>>[vector<16xi32>, vector<16xi32>], vector<16xf32>,
      %add3A_194 = arith.constant 6 : i32
      %add3A_195 = arith.addi %mul3A_170, %add3A_194 : i32
      %broadcast_in_dim3A_196 = vector.broadcast %add3A_195 : i32 to vector<16xi32>
      %mul3A_197 = arith.mulf %get3A_88, %div3A_168 : vector<16xf32>
      tpu.vector_store_idx %arg5[%add3A_54, %broadcast_in_dim3A_196], %mul3A_197 : memref<128x305xf32, #tpu.memory_space<vmem>>[vector<16xi32>, vector<16xi32>], vector<16xf32>,
      %add3A_198 = arith.constant 7 : i32
      %add3A_199 = arith.addi %mul3A_170, %add3A_198 : i32
      %broadcast_in_dim3A_200 = vector.broadcast %add3A_199 : i32 to vector<16xi32>
      %mul3A_201 = arith.mulf %get3A_93, %div3A_168 : vector<16xf32>
      tpu.vector_store_idx %arg5[%add3A_54, %broadcast_in_dim3A_200], %mul3A_201 : memref<128x305xf32, #tpu.memory_space<vmem>>[vector<16xi32>, vector<16xi32>], vector<16xf32>,
      %add3A_202 = arith.constant 8 : i32
      %add3A_203 = arith.addi %mul3A_170, %add3A_202 : i32
      %broadcast_in_dim3A_204 = vector.broadcast %add3A_203 : i32 to vector<16xi32>
      %mul3A_205 = arith.mulf %get3A_98, %div3A_168 : vector<16xf32>
      tpu.vector_store_idx %arg5[%add3A_54, %broadcast_in_dim3A_204], %mul3A_205 : memref<128x305xf32, #tpu.memory_space<vmem>>[vector<16xi32>, vector<16xi32>], vector<16xf32>,
      %add3A_206 = arith.constant 9 : i32
      %add3A_207 = arith.addi %mul3A_170, %add3A_206 : i32
      %broadcast_in_dim3A_208 = vector.broadcast %add3A_207 : i32 to vector<16xi32>
      %mul3A_209 = arith.mulf %get3A_103, %div3A_168 : vector<16xf32>
      tpu.vector_store_idx %arg5[%add3A_54, %broadcast_in_dim3A_208], %mul3A_209 : memref<128x305xf32, #tpu.memory_space<vmem>>[vector<16xi32>, vector<16xi32>], vector<16xf32>,
      %add3A_210 = arith.constant 10 : i32
      %add3A_211 = arith.addi %mul3A_170, %add3A_210 : i32
      %broadcast_in_dim3A_212 = vector.broadcast %add3A_211 : i32 to vector<16xi32>
      %mul3A_213 = arith.mulf %get3A_108, %div3A_168 : vector<16xf32>
      tpu.vector_store_idx %arg5[%add3A_54, %broadcast_in_dim3A_212], %mul3A_213 : memref<128x305xf32, #tpu.memory_space<vmem>>[vector<16xi32>, vector<16xi32>], vector<16xf32>,
      %add3A_214 = arith.constant 11 : i32
      %add3A_215 = arith.addi %mul3A_170, %add3A_214 : i32
      %broadcast_in_dim3A_216 = vector.broadcast %add3A_215 : i32 to vector<16xi32>
      %mul3A_217 = arith.mulf %get3A_113, %div3A_168 : vector<16xf32>
      tpu.vector_store_idx %arg5[%add3A_54, %broadcast_in_dim3A_216], %mul3A_217 : memref<128x305xf32, #tpu.memory_space<vmem>>[vector<16xi32>, vector<16xi32>], vector<16xf32>,
      %add3A_218 = arith.constant 12 : i32
      %add3A_219 = arith.addi %mul3A_170, %add3A_218 : i32
      %broadcast_in_dim3A_220 = vector.broadcast %add3A_219 : i32 to vector<16xi32>
      %mul3A_221 = arith.mulf %get3A_118, %div3A_168 : vector<16xf32>
      tpu.vector_store_idx %arg5[%add3A_54, %broadcast_in_dim3A_220], %mul3A_221 : memref<128x305xf32, #tpu.memory_space<vmem>>[vector<16xi32>, vector<16xi32>], vector<16xf32>,
      %add3A_222 = arith.constant 13 : i32
      %add3A_223 = arith.addi %mul3A_170, %add3A_222 : i32
      %broadcast_in_dim3A_224 = vector.broadcast %add3A_223 : i32 to vector<16xi32>
      %mul3A_225 = arith.mulf %get3A_123, %div3A_168 : vector<16xf32>
      tpu.vector_store_idx %arg5[%add3A_54, %broadcast_in_dim3A_224], %mul3A_225 : memref<128x305xf32, #tpu.memory_space<vmem>>[vector<16xi32>, vector<16xi32>], vector<16xf32>,
      %add3A_226 = arith.constant 14 : i32
      %add3A_227 = arith.addi %mul3A_170, %add3A_226 : i32
      %broadcast_in_dim3A_228 = vector.broadcast %add3A_227 : i32 to vector<16xi32>
      %mul3A_229 = arith.mulf %get3A_128, %div3A_168 : vector<16xf32>
      tpu.vector_store_idx %arg5[%add3A_54, %broadcast_in_dim3A_228], %mul3A_229 : memref<128x305xf32, #tpu.memory_space<vmem>>[vector<16xi32>, vector<16xi32>], vector<16xf32>,
      %add3A_230 = arith.constant 15 : i32
      %add3A_231 = arith.addi %mul3A_170, %add3A_230 : i32
      %broadcast_in_dim3A_232 = vector.broadcast %add3A_231 : i32 to vector<16xi32>
      %mul3A_233 = arith.mulf %get3A_133, %div3A_168 : vector<16xf32>
      tpu.vector_store_idx %arg5[%add3A_54, %broadcast_in_dim3A_232], %mul3A_233 : memref<128x305xf32, #tpu.memory_space<vmem>>[vector<16xi32>, vector<16xi32>], vector<16xf32>,
      %add3A_234 = arith.constant 16 : i32
      %add3A_235 = arith.addi %mul3A_170, %add3A_234 : i32
      %broadcast_in_dim3A_236 = vector.broadcast %add3A_235 : i32 to vector<16xi32>
      %mul3A_237 = arith.mulf %get3A_138, %div3A_168 : vector<16xf32>
      tpu.vector_store_idx %arg5[%add3A_54, %broadcast_in_dim3A_236], %mul3A_237 : memref<128x305xf32, #tpu.memory_space<vmem>>[vector<16xi32>, vector<16xi32>], vector<16xf32>,
      %add3A_238 = arith.constant 17 : i32
      %add3A_239 = arith.addi %mul3A_170, %add3A_238 : i32
      %broadcast_in_dim3A_240 = vector.broadcast %add3A_239 : i32 to vector<16xi32>
      %mul3A_241 = arith.mulf %get3A_143, %div3A_168 : vector<16xf32>
      tpu.vector_store_idx %arg5[%add3A_54, %broadcast_in_dim3A_240], %mul3A_241 : memref<128x305xf32, #tpu.memory_space<vmem>>[vector<16xi32>, vector<16xi32>], vector<16xf32>,
      %add3A_242 = arith.constant 18 : i32
      %add3A_243 = arith.addi %mul3A_170, %add3A_242 : i32
      %broadcast_in_dim3A_244 = vector.broadcast %add3A_243 : i32 to vector<16xi32>
      %mul3A_245 = arith.mulf %get3A_148, %div3A_168 : vector<16xf32>
      tpu.vector_store_idx %arg5[%add3A_54, %broadcast_in_dim3A_244], %mul3A_245 : memref<128x305xf32, #tpu.memory_space<vmem>>[vector<16xi32>, vector<16xi32>], vector<16xf32>,
    }
    %scan3A_41 = arith.constant 128 : i32
    "tpu.region"() ({
      %run_scoped3A = tpu.sem_alloc : memref<!tpu.dma_semaphore, #tpu.memory_space<semaphore_mem>>
      %dma_start3A = arith.constant 0 : i32
      %dma_start3A_48 = arith.constant 0 : i32
      %dma_start3A_49 = tpu.memref_slice %arg5[%dma_start3A, %dma_start3A_48] : memref<128x305xf32, #tpu.memory_space<vmem>> -> memref<128x304xf32, #tpu.memory_space<vmem>>
      %dma_start3A_50 = arith.constant 0 : i32
      %dma_start3A_51 = arith.constant 1824 : i32
      %dma_start3A_52 = tpu.memref_slice %arg3[%add3A, %dma_start3A_50, %dma_start3A_51] : memref<32x128x2432xf32, #tpu.memory_space<hbm>> -> memref<1x128x304xf32, #tpu.memory_space<hbm>>
      %dma_start3A_53 = tpu.memref_squeeze %dma_start3A_52 : memref<1x128x304xf32, #tpu.memory_space<hbm>> -> memref<128x304xf32, #tpu.memory_space<hbm>>
      %dma_start3A_54 = arith.constant 0 : i32
      %dma_start3A_55 = arith.constant 1824 : i32
      %dma_start3A_56 = tpu.memref_slice %arg3[%add3A, %dma_start3A_54, %dma_start3A_55] : memref<32x128x2432xf32, #tpu.memory_space<hbm>> -> memref<1x128x304xf32, #tpu.memory_space<hbm>>
      %dma_start3A_57 = tpu.memref_squeeze %dma_start3A_56 : memref<1x128x304xf32, #tpu.memory_space<hbm>> -> memref<128x304xf32, #tpu.memory_space<hbm>>
      %dma_start3A_58 = arith.constant 0 : i32
      %dma_start3A_59 = arith.constant 0 : i32
      %dma_start3A_60 = tpu.memref_slice %arg5[%dma_start3A_58, %dma_start3A_59] : memref<128x305xf32, #tpu.memory_space<vmem>> -> memref<128x304xf32, #tpu.memory_space<vmem>>
      tpu.enqueue_dma source(%dma_start3A_60 : memref<128x304xf32, #tpu.memory_space<vmem>>) target(%dma_start3A_57 : memref<128x304xf32, #tpu.memory_space<hbm>>) target_semaphore(%run_scoped3A : memref<!tpu.dma_semaphore, #tpu.memory_space<semaphore_mem>>)
      %dma_wait3A = arith.constant 0 : i32
      %dma_wait3A_61 = arith.constant 0 : i32
      %dma_wait3A_62 = tpu.memref_slice %arg5[%dma_wait3A, %dma_wait3A_61] : memref<128x305xf32, #tpu.memory_space<vmem>> -> memref<128x304xf32, #tpu.memory_space<vmem>>
      %dma_wait3A_63 = arith.constant 0 : i32
      %dma_wait3A_64 = arith.constant 1824 : i32
      %dma_wait3A_65 = tpu.memref_slice %arg3[%add3A, %dma_wait3A_63, %dma_wait3A_64] : memref<32x128x2432xf32, #tpu.memory_space<hbm>> -> memref<1x128x304xf32, #tpu.memory_space<hbm>>
      %dma_wait3A_66 = tpu.memref_squeeze %dma_wait3A_65 : memref<1x128x304xf32, #tpu.memory_space<hbm>> -> memref<128x304xf32, #tpu.memory_space<hbm>>
      %dma_wait3A_67 = arith.constant 0 : i32
      %dma_wait3A_68 = arith.constant 1824 : i32
      %dma_wait3A_69 = tpu.memref_slice %arg3[%add3A, %dma_wait3A_67, %dma_wait3A_68] : memref<32x128x2432xf32, #tpu.memory_space<hbm>> -> memref<1x128x304xf32, #tpu.memory_space<hbm>>
      %dma_wait3A_70 = tpu.memref_squeeze %dma_wait3A_69 : memref<1x128x304xf32, #tpu.memory_space<hbm>> -> memref<128x304xf32, #tpu.memory_space<hbm>>
      %dma_wait3A_71 = arith.constant 0 : i32
      %dma_wait3A_72 = arith.constant 0 : i32
      %dma_wait3A_73 = tpu.memref_slice %arg5[%dma_wait3A_71, %dma_wait3A_72] : memref<128x305xf32, #tpu.memory_space<vmem>> -> memref<128x304xf32, #tpu.memory_space<vmem>>
      tpu.wait_dma2 semaphore(%run_scoped3A : memref<!tpu.dma_semaphore, #tpu.memory_space<semaphore_mem>>) src(%dma_wait3A_73 : memref<128x304xf32, #tpu.memory_space<vmem>>) dst(%dma_wait3A_70 : memref<128x304xf32, #tpu.memory_space<hbm>>)
      tpu.yield
    }) : () -> ()
    "tpu.region"() ({
      %run_scoped3A = tpu.sem_alloc : memref<!tpu.dma_semaphore, #tpu.memory_space<semaphore_mem>>
      %dma_start3A = arith.constant 0 : i32
      %dma_start3A_48 = arith.constant 112 : i32
      %dma_start3A_49 = arith.constant 0 : i32
      %dma_start3A_50 = tpu.memref_slice %arg2[%add3A, %dma_start3A, %dma_start3A_48, %dma_start3A_49] : memref<32x19x128x128xf32, #tpu.memory_space<hbm>> -> memref<1x19x16x128xf32, #tpu.memory_space<hbm>>
      %dma_start3A_51 = tpu.memref_squeeze %dma_start3A_50 : memref<1x19x16x128xf32, #tpu.memory_space<hbm>> -> memref<19x16x128xf32, #tpu.memory_space<hbm>>
      %dma_start3A_52 = arith.constant 0 : i32
      %dma_start3A_53 = arith.constant 112 : i32
      %dma_start3A_54 = arith.constant 0 : i32
      %dma_start3A_55 = tpu.memref_slice %arg2[%add3A, %dma_start3A_52, %dma_start3A_53, %dma_start3A_54] : memref<32x19x128x128xf32, #tpu.memory_space<hbm>> -> memref<1x19x16x128xf32, #tpu.memory_space<hbm>>
      %dma_start3A_56 = tpu.memref_squeeze %dma_start3A_55 : memref<1x19x16x128xf32, #tpu.memory_space<hbm>> -> memref<19x16x128xf32, #tpu.memory_space<hbm>>
      tpu.enqueue_dma source(%dma_start3A_56 : memref<19x16x128xf32, #tpu.memory_space<hbm>>) target(%arg4 : memref<19x16x128xf32, #tpu.memory_space<vmem>>) target_semaphore(%run_scoped3A : memref<!tpu.dma_semaphore, #tpu.memory_space<semaphore_mem>>)
      %dma_wait3A = arith.constant 0 : i32
      %dma_wait3A_57 = arith.constant 112 : i32
      %dma_wait3A_58 = arith.constant 0 : i32
      %dma_wait3A_59 = tpu.memref_slice %arg2[%add3A, %dma_wait3A, %dma_wait3A_57, %dma_wait3A_58] : memref<32x19x128x128xf32, #tpu.memory_space<hbm>> -> memref<1x19x16x128xf32, #tpu.memory_space<hbm>>
      %dma_wait3A_60 = tpu.memref_squeeze %dma_wait3A_59 : memref<1x19x16x128xf32, #tpu.memory_space<hbm>> -> memref<19x16x128xf32, #tpu.memory_space<hbm>>
      %dma_wait3A_61 = arith.constant 0 : i32
      %dma_wait3A_62 = arith.constant 112 : i32
      %dma_wait3A_63 = arith.constant 0 : i32
      %dma_wait3A_64 = tpu.memref_slice %arg2[%add3A, %dma_wait3A_61, %dma_wait3A_62, %dma_wait3A_63] : memref<32x19x128x128xf32, #tpu.memory_space<hbm>> -> memref<1x19x16x128xf32, #tpu.memory_space<hbm>>
      %dma_wait3A_65 = tpu.memref_squeeze %dma_wait3A_64 : memref<1x19x16x128xf32, #tpu.memory_space<hbm>> -> memref<19x16x128xf32, #tpu.memory_space<hbm>>
      tpu.wait_dma2 semaphore(%run_scoped3A : memref<!tpu.dma_semaphore, #tpu.memory_space<semaphore_mem>>) src(%dma_wait3A_65 : memref<19x16x128xf32, #tpu.memory_space<hbm>>) dst(%arg4 : memref<19x16x128xf32, #tpu.memory_space<vmem>>)
      tpu.yield
    }) : () -> ()
    %scan3A_42 = arith.constant 0 : i32
    %scan3A_43 = arith.constant 0 : i32
    %scan3A_44 = arith.constant 128 : i32
    %scan3A_45 = arith.addi %scan3A_43, %scan3A_44 : i32
    %scan3A_46 = arith.constant 1 : i32
    scf.for %scan3A_48 = %scan3A_43 to %scan3A_45 step %scan3A_46  : i32 {
      %shift_right_arithmetic3A = arith.constant 3 : i32
      %shift_right_arithmetic3A_49 = arith.shrsi %scan3A_48, %shift_right_arithmetic3A : i32
      %and3A = arith.constant 7 : i32
      %and3A_50 = arith.andi %scan3A_48, %and3A : i32
      %mul3A_51 = arith.constant 16 : i32
      %mul3A_52 = arith.muli %and3A_50, %mul3A_51 : i32
      %add3A_53 = vector.broadcast %mul3A_52 : i32 to vector<16xi32>
      %add3A_54 = arith.addi %iota3A, %add3A_53 : vector<16xi32>
      %get3A = arith.constant 0 : i32
      %get3A_55 = arith.index_cast %get3A : i32 to index
      %get3A_56 = arith.index_cast %shift_right_arithmetic3A_49 : i32 to index
      %get3A_57 = arith.index_cast %mul3A_52 : i32 to index
      %get3A_58 = tpu.vector_load %arg4[%get3A_55, %get3A_56, %get3A_57] {strides = array<i32>} : memref<19x16x128xf32, #tpu.memory_space<vmem>>, vector<16xf32>,
      %get3A_59 = arith.constant 1 : i32
      %get3A_60 = arith.index_cast %get3A_59 : i32 to index
      %get3A_61 = arith.index_cast %shift_right_arithmetic3A_49 : i32 to index
      %get3A_62 = arith.index_cast %mul3A_52 : i32 to index
      %get3A_63 = tpu.vector_load %arg4[%get3A_60, %get3A_61, %get3A_62] {strides = array<i32>} : memref<19x16x128xf32, #tpu.memory_space<vmem>>, vector<16xf32>,
      %get3A_64 = arith.constant 2 : i32
      %get3A_65 = arith.index_cast %get3A_64 : i32 to index
      %get3A_66 = arith.index_cast %shift_right_arithmetic3A_49 : i32 to index
      %get3A_67 = arith.index_cast %mul3A_52 : i32 to index
      %get3A_68 = tpu.vector_load %arg4[%get3A_65, %get3A_66, %get3A_67] {strides = array<i32>} : memref<19x16x128xf32, #tpu.memory_space<vmem>>, vector<16xf32>,
      %get3A_69 = arith.constant 3 : i32
      %get3A_70 = arith.index_cast %get3A_69 : i32 to index
      %get3A_71 = arith.index_cast %shift_right_arithmetic3A_49 : i32 to index
      %get3A_72 = arith.index_cast %mul3A_52 : i32 to index
      %get3A_73 = tpu.vector_load %arg4[%get3A_70, %get3A_71, %get3A_72] {strides = array<i32>} : memref<19x16x128xf32, #tpu.memory_space<vmem>>, vector<16xf32>,
      %get3A_74 = arith.constant 4 : i32
      %get3A_75 = arith.index_cast %get3A_74 : i32 to index
      %get3A_76 = arith.index_cast %shift_right_arithmetic3A_49 : i32 to index
      %get3A_77 = arith.index_cast %mul3A_52 : i32 to index
      %get3A_78 = tpu.vector_load %arg4[%get3A_75, %get3A_76, %get3A_77] {strides = array<i32>} : memref<19x16x128xf32, #tpu.memory_space<vmem>>, vector<16xf32>,
      %get3A_79 = arith.constant 5 : i32
      %get3A_80 = arith.index_cast %get3A_79 : i32 to index
      %get3A_81 = arith.index_cast %shift_right_arithmetic3A_49 : i32 to index
      %get3A_82 = arith.index_cast %mul3A_52 : i32 to index
      %get3A_83 = tpu.vector_load %arg4[%get3A_80, %get3A_81, %get3A_82] {strides = array<i32>} : memref<19x16x128xf32, #tpu.memory_space<vmem>>, vector<16xf32>,
      %get3A_84 = arith.constant 6 : i32
      %get3A_85 = arith.index_cast %get3A_84 : i32 to index
      %get3A_86 = arith.index_cast %shift_right_arithmetic3A_49 : i32 to index
      %get3A_87 = arith.index_cast %mul3A_52 : i32 to index
      %get3A_88 = tpu.vector_load %arg4[%get3A_85, %get3A_86, %get3A_87] {strides = array<i32>} : memref<19x16x128xf32, #tpu.memory_space<vmem>>, vector<16xf32>,
      %get3A_89 = arith.constant 7 : i32
      %get3A_90 = arith.index_cast %get3A_89 : i32 to index
      %get3A_91 = arith.index_cast %shift_right_arithmetic3A_49 : i32 to index
      %get3A_92 = arith.index_cast %mul3A_52 : i32 to index
      %get3A_93 = tpu.vector_load %arg4[%get3A_90, %get3A_91, %get3A_92] {strides = array<i32>} : memref<19x16x128xf32, #tpu.memory_space<vmem>>, vector<16xf32>,
      %get3A_94 = arith.constant 8 : i32
      %get3A_95 = arith.index_cast %get3A_94 : i32 to index
      %get3A_96 = arith.index_cast %shift_right_arithmetic3A_49 : i32 to index
      %get3A_97 = arith.index_cast %mul3A_52 : i32 to index
      %get3A_98 = tpu.vector_load %arg4[%get3A_95, %get3A_96, %get3A_97] {strides = array<i32>} : memref<19x16x128xf32, #tpu.memory_space<vmem>>, vector<16xf32>,
      %get3A_99 = arith.constant 9 : i32
      %get3A_100 = arith.index_cast %get3A_99 : i32 to index
      %get3A_101 = arith.index_cast %shift_right_arithmetic3A_49 : i32 to index
      %get3A_102 = arith.index_cast %mul3A_52 : i32 to index
      %get3A_103 = tpu.vector_load %arg4[%get3A_100, %get3A_101, %get3A_102] {strides = array<i32>} : memref<19x16x128xf32, #tpu.memory_space<vmem>>, vector<16xf32>,
      %get3A_104 = arith.constant 10 : i32
      %get3A_105 = arith.index_cast %get3A_104 : i32 to index
      %get3A_106 = arith.index_cast %shift_right_arithmetic3A_49 : i32 to index
      %get3A_107 = arith.index_cast %mul3A_52 : i32 to index
      %get3A_108 = tpu.vector_load %arg4[%get3A_105, %get3A_106, %get3A_107] {strides = array<i32>} : memref<19x16x128xf32, #tpu.memory_space<vmem>>, vector<16xf32>,
      %get3A_109 = arith.constant 11 : i32
      %get3A_110 = arith.index_cast %get3A_109 : i32 to index
      %get3A_111 = arith.index_cast %shift_right_arithmetic3A_49 : i32 to index
      %get3A_112 = arith.index_cast %mul3A_52 : i32 to index
      %get3A_113 = tpu.vector_load %arg4[%get3A_110, %get3A_111, %get3A_112] {strides = array<i32>} : memref<19x16x128xf32, #tpu.memory_space<vmem>>, vector<16xf32>,
      %get3A_114 = arith.constant 12 : i32
      %get3A_115 = arith.index_cast %get3A_114 : i32 to index
      %get3A_116 = arith.index_cast %shift_right_arithmetic3A_49 : i32 to index
      %get3A_117 = arith.index_cast %mul3A_52 : i32 to index
      %get3A_118 = tpu.vector_load %arg4[%get3A_115, %get3A_116, %get3A_117] {strides = array<i32>} : memref<19x16x128xf32, #tpu.memory_space<vmem>>, vector<16xf32>,
      %get3A_119 = arith.constant 13 : i32
      %get3A_120 = arith.index_cast %get3A_119 : i32 to index
      %get3A_121 = arith.index_cast %shift_right_arithmetic3A_49 : i32 to index
      %get3A_122 = arith.index_cast %mul3A_52 : i32 to index
      %get3A_123 = tpu.vector_load %arg4[%get3A_120, %get3A_121, %get3A_122] {strides = array<i32>} : memref<19x16x128xf32, #tpu.memory_space<vmem>>, vector<16xf32>,
      %get3A_124 = arith.constant 14 : i32
      %get3A_125 = arith.index_cast %get3A_124 : i32 to index
      %get3A_126 = arith.index_cast %shift_right_arithmetic3A_49 : i32 to index
      %get3A_127 = arith.index_cast %mul3A_52 : i32 to index
      %get3A_128 = tpu.vector_load %arg4[%get3A_125, %get3A_126, %get3A_127] {strides = array<i32>} : memref<19x16x128xf32, #tpu.memory_space<vmem>>, vector<16xf32>,
      %get3A_129 = arith.constant 15 : i32
      %get3A_130 = arith.index_cast %get3A_129 : i32 to index
      %get3A_131 = arith.index_cast %shift_right_arithmetic3A_49 : i32 to index
      %get3A_132 = arith.index_cast %mul3A_52 : i32 to index
      %get3A_133 = tpu.vector_load %arg4[%get3A_130, %get3A_131, %get3A_132] {strides = array<i32>} : memref<19x16x128xf32, #tpu.memory_space<vmem>>, vector<16xf32>,
      %get3A_134 = arith.constant 16 : i32
      %get3A_135 = arith.index_cast %get3A_134 : i32 to index
      %get3A_136 = arith.index_cast %shift_right_arithmetic3A_49 : i32 to index
      %get3A_137 = arith.index_cast %mul3A_52 : i32 to index
      %get3A_138 = tpu.vector_load %arg4[%get3A_135, %get3A_136, %get3A_137] {strides = array<i32>} : memref<19x16x128xf32, #tpu.memory_space<vmem>>, vector<16xf32>,
      %get3A_139 = arith.constant 17 : i32
      %get3A_140 = arith.index_cast %get3A_139 : i32 to index
      %get3A_141 = arith.index_cast %shift_right_arithmetic3A_49 : i32 to index
      %get3A_142 = arith.index_cast %mul3A_52 : i32 to index
      %get3A_143 = tpu.vector_load %arg4[%get3A_140, %get3A_141, %get3A_142] {strides = array<i32>} : memref<19x16x128xf32, #tpu.memory_space<vmem>>, vector<16xf32>,
      %get3A_144 = arith.constant 18 : i32
      %get3A_145 = arith.index_cast %get3A_144 : i32 to index
      %get3A_146 = arith.index_cast %shift_right_arithmetic3A_49 : i32 to index
      %get3A_147 = arith.index_cast %mul3A_52 : i32 to index
      %get3A_148 = tpu.vector_load %arg4[%get3A_145, %get3A_146, %get3A_147] {strides = array<i32>} : memref<19x16x128xf32, #tpu.memory_space<vmem>>, vector<16xf32>,
      %add3A_149 = arith.addf %get3A_58, %get3A_63 : vector<16xf32>
      %add3A_150 = arith.addf %add3A_149, %get3A_68 : vector<16xf32>
      %add3A_151 = arith.addf %add3A_150, %get3A_73 : vector<16xf32>
      %add3A_152 = arith.addf %add3A_151, %get3A_78 : vector<16xf32>
      %add3A_153 = arith.addf %add3A_152, %get3A_83 : vector<16xf32>
      %add3A_154 = arith.addf %add3A_153, %get3A_88 : vector<16xf32>
      %add3A_155 = arith.addf %add3A_154, %get3A_93 : vector<16xf32>
      %add3A_156 = arith.addf %add3A_155, %get3A_98 : vector<16xf32>
      %add3A_157 = arith.addf %add3A_156, %get3A_103 : vector<16xf32>
      %add3A_158 = arith.addf %add3A_157, %get3A_108 : vector<16xf32>
      %add3A_159 = arith.addf %add3A_158, %get3A_113 : vector<16xf32>
      %add3A_160 = arith.addf %add3A_159, %get3A_118 : vector<16xf32>
      %add3A_161 = arith.addf %add3A_160, %get3A_123 : vector<16xf32>
      %add3A_162 = arith.addf %add3A_161, %get3A_128 : vector<16xf32>
      %add3A_163 = arith.addf %add3A_162, %get3A_133 : vector<16xf32>
      %add3A_164 = arith.addf %add3A_163, %get3A_138 : vector<16xf32>
      %add3A_165 = arith.addf %add3A_164, %get3A_143 : vector<16xf32>
      %add3A_166 = arith.addf %add3A_165, %get3A_148 : vector<16xf32>
      %div3A = arith.constant 1.000000e+00 : f32
      %div3A_167 = vector.broadcast %div3A : f32 to vector<16xf32>
      %div3A_168 = arith.divf %div3A_167, %add3A_166 : vector<16xf32>
      %mul3A_169 = arith.constant 19 : i32
      %mul3A_170 = arith.muli %shift_right_arithmetic3A_49, %mul3A_169 : i32
      %add3A_171 = arith.constant 0 : i32
      %add3A_172 = arith.addi %mul3A_170, %add3A_171 : i32
      %broadcast_in_dim3A = vector.broadcast %add3A_172 : i32 to vector<16xi32>
      %mul3A_173 = arith.mulf %get3A_58, %div3A_168 : vector<16xf32>
      tpu.vector_store_idx %arg5[%add3A_54, %broadcast_in_dim3A], %mul3A_173 : memref<128x305xf32, #tpu.memory_space<vmem>>[vector<16xi32>, vector<16xi32>], vector<16xf32>,
      %add3A_174 = arith.constant 1 : i32
      %add3A_175 = arith.addi %mul3A_170, %add3A_174 : i32
      %broadcast_in_dim3A_176 = vector.broadcast %add3A_175 : i32 to vector<16xi32>
      %mul3A_177 = arith.mulf %get3A_63, %div3A_168 : vector<16xf32>
      tpu.vector_store_idx %arg5[%add3A_54, %broadcast_in_dim3A_176], %mul3A_177 : memref<128x305xf32, #tpu.memory_space<vmem>>[vector<16xi32>, vector<16xi32>], vector<16xf32>,
      %add3A_178 = arith.constant 2 : i32
      %add3A_179 = arith.addi %mul3A_170, %add3A_178 : i32
      %broadcast_in_dim3A_180 = vector.broadcast %add3A_179 : i32 to vector<16xi32>
      %mul3A_181 = arith.mulf %get3A_68, %div3A_168 : vector<16xf32>
      tpu.vector_store_idx %arg5[%add3A_54, %broadcast_in_dim3A_180], %mul3A_181 : memref<128x305xf32, #tpu.memory_space<vmem>>[vector<16xi32>, vector<16xi32>], vector<16xf32>,
      %add3A_182 = arith.constant 3 : i32
      %add3A_183 = arith.addi %mul3A_170, %add3A_182 : i32
      %broadcast_in_dim3A_184 = vector.broadcast %add3A_183 : i32 to vector<16xi32>
      %mul3A_185 = arith.mulf %get3A_73, %div3A_168 : vector<16xf32>
      tpu.vector_store_idx %arg5[%add3A_54, %broadcast_in_dim3A_184], %mul3A_185 : memref<128x305xf32, #tpu.memory_space<vmem>>[vector<16xi32>, vector<16xi32>], vector<16xf32>,
      %add3A_186 = arith.constant 4 : i32
      %add3A_187 = arith.addi %mul3A_170, %add3A_186 : i32
      %broadcast_in_dim3A_188 = vector.broadcast %add3A_187 : i32 to vector<16xi32>
      %mul3A_189 = arith.mulf %get3A_78, %div3A_168 : vector<16xf32>
      tpu.vector_store_idx %arg5[%add3A_54, %broadcast_in_dim3A_188], %mul3A_189 : memref<128x305xf32, #tpu.memory_space<vmem>>[vector<16xi32>, vector<16xi32>], vector<16xf32>,
      %add3A_190 = arith.constant 5 : i32
      %add3A_191 = arith.addi %mul3A_170, %add3A_190 : i32
      %broadcast_in_dim3A_192 = vector.broadcast %add3A_191 : i32 to vector<16xi32>
      %mul3A_193 = arith.mulf %get3A_83, %div3A_168 : vector<16xf32>
      tpu.vector_store_idx %arg5[%add3A_54, %broadcast_in_dim3A_192], %mul3A_193 : memref<128x305xf32, #tpu.memory_space<vmem>>[vector<16xi32>, vector<16xi32>], vector<16xf32>,
      %add3A_194 = arith.constant 6 : i32
      %add3A_195 = arith.addi %mul3A_170, %add3A_194 : i32
      %broadcast_in_dim3A_196 = vector.broadcast %add3A_195 : i32 to vector<16xi32>
      %mul3A_197 = arith.mulf %get3A_88, %div3A_168 : vector<16xf32>
      tpu.vector_store_idx %arg5[%add3A_54, %broadcast_in_dim3A_196], %mul3A_197 : memref<128x305xf32, #tpu.memory_space<vmem>>[vector<16xi32>, vector<16xi32>], vector<16xf32>,
      %add3A_198 = arith.constant 7 : i32
      %add3A_199 = arith.addi %mul3A_170, %add3A_198 : i32
      %broadcast_in_dim3A_200 = vector.broadcast %add3A_199 : i32 to vector<16xi32>
      %mul3A_201 = arith.mulf %get3A_93, %div3A_168 : vector<16xf32>
      tpu.vector_store_idx %arg5[%add3A_54, %broadcast_in_dim3A_200], %mul3A_201 : memref<128x305xf32, #tpu.memory_space<vmem>>[vector<16xi32>, vector<16xi32>], vector<16xf32>,
      %add3A_202 = arith.constant 8 : i32
      %add3A_203 = arith.addi %mul3A_170, %add3A_202 : i32
      %broadcast_in_dim3A_204 = vector.broadcast %add3A_203 : i32 to vector<16xi32>
      %mul3A_205 = arith.mulf %get3A_98, %div3A_168 : vector<16xf32>
      tpu.vector_store_idx %arg5[%add3A_54, %broadcast_in_dim3A_204], %mul3A_205 : memref<128x305xf32, #tpu.memory_space<vmem>>[vector<16xi32>, vector<16xi32>], vector<16xf32>,
      %add3A_206 = arith.constant 9 : i32
      %add3A_207 = arith.addi %mul3A_170, %add3A_206 : i32
      %broadcast_in_dim3A_208 = vector.broadcast %add3A_207 : i32 to vector<16xi32>
      %mul3A_209 = arith.mulf %get3A_103, %div3A_168 : vector<16xf32>
      tpu.vector_store_idx %arg5[%add3A_54, %broadcast_in_dim3A_208], %mul3A_209 : memref<128x305xf32, #tpu.memory_space<vmem>>[vector<16xi32>, vector<16xi32>], vector<16xf32>,
      %add3A_210 = arith.constant 10 : i32
      %add3A_211 = arith.addi %mul3A_170, %add3A_210 : i32
      %broadcast_in_dim3A_212 = vector.broadcast %add3A_211 : i32 to vector<16xi32>
      %mul3A_213 = arith.mulf %get3A_108, %div3A_168 : vector<16xf32>
      tpu.vector_store_idx %arg5[%add3A_54, %broadcast_in_dim3A_212], %mul3A_213 : memref<128x305xf32, #tpu.memory_space<vmem>>[vector<16xi32>, vector<16xi32>], vector<16xf32>,
      %add3A_214 = arith.constant 11 : i32
      %add3A_215 = arith.addi %mul3A_170, %add3A_214 : i32
      %broadcast_in_dim3A_216 = vector.broadcast %add3A_215 : i32 to vector<16xi32>
      %mul3A_217 = arith.mulf %get3A_113, %div3A_168 : vector<16xf32>
      tpu.vector_store_idx %arg5[%add3A_54, %broadcast_in_dim3A_216], %mul3A_217 : memref<128x305xf32, #tpu.memory_space<vmem>>[vector<16xi32>, vector<16xi32>], vector<16xf32>,
      %add3A_218 = arith.constant 12 : i32
      %add3A_219 = arith.addi %mul3A_170, %add3A_218 : i32
      %broadcast_in_dim3A_220 = vector.broadcast %add3A_219 : i32 to vector<16xi32>
      %mul3A_221 = arith.mulf %get3A_118, %div3A_168 : vector<16xf32>
      tpu.vector_store_idx %arg5[%add3A_54, %broadcast_in_dim3A_220], %mul3A_221 : memref<128x305xf32, #tpu.memory_space<vmem>>[vector<16xi32>, vector<16xi32>], vector<16xf32>,
      %add3A_222 = arith.constant 13 : i32
      %add3A_223 = arith.addi %mul3A_170, %add3A_222 : i32
      %broadcast_in_dim3A_224 = vector.broadcast %add3A_223 : i32 to vector<16xi32>
      %mul3A_225 = arith.mulf %get3A_123, %div3A_168 : vector<16xf32>
      tpu.vector_store_idx %arg5[%add3A_54, %broadcast_in_dim3A_224], %mul3A_225 : memref<128x305xf32, #tpu.memory_space<vmem>>[vector<16xi32>, vector<16xi32>], vector<16xf32>,
      %add3A_226 = arith.constant 14 : i32
      %add3A_227 = arith.addi %mul3A_170, %add3A_226 : i32
      %broadcast_in_dim3A_228 = vector.broadcast %add3A_227 : i32 to vector<16xi32>
      %mul3A_229 = arith.mulf %get3A_128, %div3A_168 : vector<16xf32>
      tpu.vector_store_idx %arg5[%add3A_54, %broadcast_in_dim3A_228], %mul3A_229 : memref<128x305xf32, #tpu.memory_space<vmem>>[vector<16xi32>, vector<16xi32>], vector<16xf32>,
      %add3A_230 = arith.constant 15 : i32
      %add3A_231 = arith.addi %mul3A_170, %add3A_230 : i32
      %broadcast_in_dim3A_232 = vector.broadcast %add3A_231 : i32 to vector<16xi32>
      %mul3A_233 = arith.mulf %get3A_133, %div3A_168 : vector<16xf32>
      tpu.vector_store_idx %arg5[%add3A_54, %broadcast_in_dim3A_232], %mul3A_233 : memref<128x305xf32, #tpu.memory_space<vmem>>[vector<16xi32>, vector<16xi32>], vector<16xf32>,
      %add3A_234 = arith.constant 16 : i32
      %add3A_235 = arith.addi %mul3A_170, %add3A_234 : i32
      %broadcast_in_dim3A_236 = vector.broadcast %add3A_235 : i32 to vector<16xi32>
      %mul3A_237 = arith.mulf %get3A_138, %div3A_168 : vector<16xf32>
      tpu.vector_store_idx %arg5[%add3A_54, %broadcast_in_dim3A_236], %mul3A_237 : memref<128x305xf32, #tpu.memory_space<vmem>>[vector<16xi32>, vector<16xi32>], vector<16xf32>,
      %add3A_238 = arith.constant 17 : i32
      %add3A_239 = arith.addi %mul3A_170, %add3A_238 : i32
      %broadcast_in_dim3A_240 = vector.broadcast %add3A_239 : i32 to vector<16xi32>
      %mul3A_241 = arith.mulf %get3A_143, %div3A_168 : vector<16xf32>
      tpu.vector_store_idx %arg5[%add3A_54, %broadcast_in_dim3A_240], %mul3A_241 : memref<128x305xf32, #tpu.memory_space<vmem>>[vector<16xi32>, vector<16xi32>], vector<16xf32>,
      %add3A_242 = arith.constant 18 : i32
      %add3A_243 = arith.addi %mul3A_170, %add3A_242 : i32
      %broadcast_in_dim3A_244 = vector.broadcast %add3A_243 : i32 to vector<16xi32>
      %mul3A_245 = arith.mulf %get3A_148, %div3A_168 : vector<16xf32>
      tpu.vector_store_idx %arg5[%add3A_54, %broadcast_in_dim3A_244], %mul3A_245 : memref<128x305xf32, #tpu.memory_space<vmem>>[vector<16xi32>, vector<16xi32>], vector<16xf32>,
    }
    %scan3A_47 = arith.constant 128 : i32
    "tpu.region"() ({
      %run_scoped3A = tpu.sem_alloc : memref<!tpu.dma_semaphore, #tpu.memory_space<semaphore_mem>>
      %dma_start3A = arith.constant 0 : i32
      %dma_start3A_48 = arith.constant 0 : i32
      %dma_start3A_49 = tpu.memref_slice %arg5[%dma_start3A, %dma_start3A_48] : memref<128x305xf32, #tpu.memory_space<vmem>> -> memref<128x304xf32, #tpu.memory_space<vmem>>
      %dma_start3A_50 = arith.constant 0 : i32
      %dma_start3A_51 = arith.constant 2128 : i32
      %dma_start3A_52 = tpu.memref_slice %arg3[%add3A, %dma_start3A_50, %dma_start3A_51] : memref<32x128x2432xf32, #tpu.memory_space<hbm>> -> memref<1x128x304xf32, #tpu.memory_space<hbm>>
      %dma_start3A_53 = tpu.memref_squeeze %dma_start3A_52 : memref<1x128x304xf32, #tpu.memory_space<hbm>> -> memref<128x304xf32, #tpu.memory_space<hbm>>
      %dma_start3A_54 = arith.constant 0 : i32
      %dma_start3A_55 = arith.constant 2128 : i32
      %dma_start3A_56 = tpu.memref_slice %arg3[%add3A, %dma_start3A_54, %dma_start3A_55] : memref<32x128x2432xf32, #tpu.memory_space<hbm>> -> memref<1x128x304xf32, #tpu.memory_space<hbm>>
      %dma_start3A_57 = tpu.memref_squeeze %dma_start3A_56 : memref<1x128x304xf32, #tpu.memory_space<hbm>> -> memref<128x304xf32, #tpu.memory_space<hbm>>
      %dma_start3A_58 = arith.constant 0 : i32
      %dma_start3A_59 = arith.constant 0 : i32
      %dma_start3A_60 = tpu.memref_slice %arg5[%dma_start3A_58, %dma_start3A_59] : memref<128x305xf32, #tpu.memory_space<vmem>> -> memref<128x304xf32, #tpu.memory_space<vmem>>
      tpu.enqueue_dma source(%dma_start3A_60 : memref<128x304xf32, #tpu.memory_space<vmem>>) target(%dma_start3A_57 : memref<128x304xf32, #tpu.memory_space<hbm>>) target_semaphore(%run_scoped3A : memref<!tpu.dma_semaphore, #tpu.memory_space<semaphore_mem>>)
      %dma_wait3A = arith.constant 0 : i32
      %dma_wait3A_61 = arith.constant 0 : i32
      %dma_wait3A_62 = tpu.memref_slice %arg5[%dma_wait3A, %dma_wait3A_61] : memref<128x305xf32, #tpu.memory_space<vmem>> -> memref<128x304xf32, #tpu.memory_space<vmem>>
      %dma_wait3A_63 = arith.constant 0 : i32
      %dma_wait3A_64 = arith.constant 2128 : i32
      %dma_wait3A_65 = tpu.memref_slice %arg3[%add3A, %dma_wait3A_63, %dma_wait3A_64] : memref<32x128x2432xf32, #tpu.memory_space<hbm>> -> memref<1x128x304xf32, #tpu.memory_space<hbm>>
      %dma_wait3A_66 = tpu.memref_squeeze %dma_wait3A_65 : memref<1x128x304xf32, #tpu.memory_space<hbm>> -> memref<128x304xf32, #tpu.memory_space<hbm>>
      %dma_wait3A_67 = arith.constant 0 : i32
      %dma_wait3A_68 = arith.constant 2128 : i32
      %dma_wait3A_69 = tpu.memref_slice %arg3[%add3A, %dma_wait3A_67, %dma_wait3A_68] : memref<32x128x2432xf32, #tpu.memory_space<hbm>> -> memref<1x128x304xf32, #tpu.memory_space<hbm>>
      %dma_wait3A_70 = tpu.memref_squeeze %dma_wait3A_69 : memref<1x128x304xf32, #tpu.memory_space<hbm>> -> memref<128x304xf32, #tpu.memory_space<hbm>>
      %dma_wait3A_71 = arith.constant 0 : i32
      %dma_wait3A_72 = arith.constant 0 : i32
      %dma_wait3A_73 = tpu.memref_slice %arg5[%dma_wait3A_71, %dma_wait3A_72] : memref<128x305xf32, #tpu.memory_space<vmem>> -> memref<128x304xf32, #tpu.memory_space<vmem>>
      tpu.wait_dma2 semaphore(%run_scoped3A : memref<!tpu.dma_semaphore, #tpu.memory_space<semaphore_mem>>) src(%dma_wait3A_73 : memref<128x304xf32, #tpu.memory_space<vmem>>) dst(%dma_wait3A_70 : memref<128x304xf32, #tpu.memory_space<hbm>>)
      tpu.yield
    }) : () -> ()
    return
  }
}

</mosaic_0001>

<sc_bundles>
// kernel: kernel.3.cloned.1.call-start
scs
__scs_entry_jumppad:
0x0: {  	(pc) =	sbr.rel $0x88, $3  }
0x1: {  	(tag) =	ssettag $0x0;
	lr =	simm.s32 $0x1  }
0x2: {  	[smem:$0x3FA0] =	sst lr;
	_ =	strace $0xD0000000  }
0x3: {  	_ = 	snop  }
0x4: {  	_ = 	snop  }
0x5: {  	_ = 	snop  }
0x6: {  	_ = 	snop  }
0x7: {  	_ = 	snop  }
__scs_overlays_trampoline_lowered:
0x8: {  	[smem:$0x3FAF] =	sst s0  }
0x9: {  	[smem:$0x3FB0] =	sst s1  }
0xa: {  	[smem:$0x3FB1] =	sst s2  }
0xb: {  	[smem:$0x3FB2] =	sst s3  }
0xc: {  	[smem:$0x3FB3] =	sst s4  }
0xd: {  	[smem:$0x3FB4] =	sst s5  }
0xe: {  	[smem:$0x3FB5] =	sst s6  }
0xf: {  	[smem:$0x3FB6] =	sst s7  }
0x10: {  	[smem:$0x3FB7] =	sst s8  }
0x11: {  	[smem:$0x3FB8] =	sst s9;
	s0 =	simm.s32 @!p0 $0x0  }
0x12: {  	s1 =	sld [smem:$0x3F9E];
	s0 =	simm.s32 @p0 $0x1  }
0x13: {  	[smem:$0x3FB9] =	sst s0;
	s0 =	simm.s32 @!p1 $0x0  }
0x14: {  	s2 =	sld [smem:$0x3F9D];
	s0 =	simm.s32 @p1 $0x1  }
0x15: {  	[smem:$0x3FBA] =	sst s0;
	s0 =	simm.s32 @!p2 $0x0  }
0x16: {  	s3 =	sld [smem:$0x3FDB];
	s0 =	simm.s32 @p2 $0x1  }
0x17: {  	s4 =	simm.s32 $0x1BF5;
	[smem:$0x3FBC] =	sst s0  }
0x18: {  	s0 =	sld [smem:$0x3F9F];
	_ =	swait.ge [sflag:s4], $0x0  }
0x19: {  	s7 =	sld [smem:$0x3FA0]  }
0x1a: {  	s8 =	sadd.s32 $0xFFFFE003, lr  }
0x1b: {  	s9 =	sadd.s32 $0xFFFFFEF7, lr;
	s5 =	simm.s32 $0xFFFFFFFF;
	p2 =	slt.u32 s8, $0xFFFFF086  }
0x1c: {  	p1 =	slt.u32 s9, $0xF7A;
	s5 =	simm.s32 @!p2 $0x0  }
0x1d: {  	s5 =	simm.s32 @p1 $0x1;
	p0 =	seq.s32 s7, s2  }
0x1e: {  	s7 =	smul.u32 @!p0 $0xF7A, s2;
	p2 =	seq.s32 @!p0 s5, $0x0  }
0x1f: {  	s9 =	smul.u32 $0xF7A, s1;
	s8 =	simm.s32 @!p0 $0x1BF5;
	p2 =	por !p2, p0  }
0x20: {  	[sflag:s8] =	ssyncset.s32 @!p0 $0xFFFFF086;
	s6 =	sadd.s32 @!p0 s3, s7;
	s7 =	simm.s32 @!p0 $0x108  }
0x21: {  	s3 =	sadd.s32 s3, s9;
	s6 =	sadd.s32 @!p0 $0x88, s6;
	s7 =	simm.s32 @p2 $0x1082  }
0x22: {  	[simem:s7], [sflag:s8] =	dma.local @!p0 [hbm:s6], $0xF7A  }
0x23: {  	s9 =	sor.u32 $0xD0000000, s2;
	s6 =	simm.s32 $0x108;
	_ =	swait.ge @!p0 [sflag:s8], $0x0  }
0x24: {  	s3 =	sadd.s32 $0x88, s3;
	s6 =	simm.s32 @!p1 $0x1082;
	[sflag:s4] =	ssyncset.s32 $0xFFFFF086  }
0x25: {  	[simem:s6], [sflag:s4] =	dma.local [hbm:s3], $0xF7A  }
0x26: {  	[smem:$0x3FA0] =	sst s1;
	(tag) =	ssettag s2;
	_ =	strace s9  }
0x27: {  	s1 =	sld [smem:$0x3FB0]  }
0x28: {  	s2 =	sld [smem:$0x3FB1]  }
0x29: {  	s4 =	sld [smem:$0x3FB3]  }
0x2a: {  	p0 =	seq.s32 s5, $0x0;
	s5 =	sld [smem:$0x3FB4]  }
0x2b: {  	s6 =	sld [smem:$0x3FB5]  }
0x2c: {  	s7 =	sld [smem:$0x3FB6]  }
0x2d: {  	s3 =	simm.s32 $0x108;
	s8 =	sld [smem:$0x3FB7]  }
0x2e: {  	s3 =	simm.s32 @!p0 $0x1082;
	s9 =	sld [smem:$0x3FB8]  }
0x2f: {  	lr =	sadd.s32 s0, s3;
	s0 =	sld [smem:$0x3FAF]  }
0x30: {  	s3 =	sld [smem:$0x3FB2]  }
0x31: {  	[smem:$0x3FBB] =	sst s10  }
0x32: {  	s10 =	sld [smem:$0x3FB9];
	_ =	sdelay $0x3  }
0x33: {  	p0 =	seq.s32 s10, $0x1;
	s10 =	sld [smem:$0x3FBB];
	_ =	sdelay $0x3  }
0x34: {  	[smem:$0x3FBB] =	sst s10  }
0x35: {  	s10 =	sld [smem:$0x3FBA];
	_ =	sdelay $0x3  }
0x36: {  	p1 =	seq.s32 s10, $0x1;
	s10 =	sld [smem:$0x3FBB];
	_ =	sdelay $0x3  }
0x37: {  	[smem:$0x3FBB] =	sst s10  }
0x38: {  	s10 =	sld [smem:$0x3FBC]  }
0x39: {  	_ = 	snop;
	(pc) =	sbr.ind lr, $3  }
0x3a: {  	_ = 	snop  }
0x3b: {  	_ = 	snop  }
0x3c: {  	p2 =	seq.s32 s10, $0x1;
	s10 =	sld [smem:$0x3FBB]  }
0x3d: {  	_ =	shalt  }
0x3e: {  	_ =	shalt  }
0x3f: {  	_ =	shalt  }
0x40: {  	_ =	shalt  }
0x41: {  	_ =	shalt  }
0x42: {  	_ =	shalt  }
0x43: {  	_ =	shalt  }
0x44: {  	_ =	shalt  }
0x45: {  	_ =	shalt  }
0x46: {  	_ =	shalt  }
0x47: {  	_ =	shalt  }
0x48: {  	_ =	shalt  }
0x49: {  	_ =	shalt  }
0x4a: {  	_ =	shalt  }
0x4b: {  	_ =	shalt  }
0x4c: {  	_ =	shalt  }
0x4d: {  	_ =	shalt  }
0x4e: {  	_ =	shalt  }
0x4f: {  	_ =	shalt  }
0x50: {  	_ =	shalt  }
0x51: {  	_ =	shalt  }
0x52: {  	_ =	shalt  }
0x53: {  	_ =	shalt  }
0x54: {  	_ =	shalt  }
0x55: {  	_ =	shalt  }
0x56: {  	_ =	shalt  }
0x57: {  	_ =	shalt  }
0x58: {  	_ =	shalt  }
0x59: {  	_ =	shalt  }
0x5a: {  	_ =	shalt  }
0x5b: {  	_ =	shalt  }
0x5c: {  	_ =	shalt  }
0x5d: {  	_ =	shalt  }
0x5e: {  	_ =	shalt  }
0x5f: {  	_ =	shalt  }
0x60: {  	_ =	shalt  }
0x61: {  	_ =	shalt  }
0x62: {  	_ =	shalt  }
0x63: {  	_ =	shalt  }
0x64: {  	_ =	shalt  }
0x65: {  	_ =	shalt  }
0x66: {  	_ =	shalt  }
0x67: {  	_ =	shalt  }
0x68: {  	_ =	shalt  }
0x69: {  	_ =	shalt  }
0x6a: {  	_ =	shalt  }
0x6b: {  	_ =	shalt  }
0x6c: {  	_ =	shalt  }
0x6d: {  	_ =	shalt  }
0x6e: {  	_ =	shalt  }
0x6f: {  	_ =	shalt  }
0x70: {  	_ =	shalt  }
0x71: {  	_ =	shalt  }
0x72: {  	_ =	shalt  }
0x73: {  	_ =	shalt  }
0x74: {  	_ =	shalt  }
0x75: {  	_ =	shalt  }
0x76: {  	_ =	shalt  }
0x77: {  	_ =	shalt  }
0x78: {  	_ =	shalt  }
0x79: {  	_ =	shalt  }
0x7a: {  	_ =	shalt  }
0x7b: {  	_ =	shalt  }
0x7c: {  	_ =	shalt  }
0x7d: {  	_ =	shalt  }
0x7e: {  	_ =	shalt  }
0x7f: {  	_ =	shalt  }
0x80: {  	_ =	shalt  }
0x81: {  	_ =	shalt  }
0x82: {  	_ =	shalt  }
0x83: {  	_ =	shalt  }
0x84: {  	_ =	shalt  }
0x85: {  	_ =	shalt  }
0x86: {  	_ =	shalt  }
0x87: {  	_ =	shalt  }
.Lfunc_end0:
.L_simem_size_0:
called_computation.1_lowered:
.L_overlay_start_0:
0x88: {  	s2 =	sld [smem:$0x3FD9]  }
0x89: {  	s3 =	sld [smem:$0x3FFE];
	_ =	sdelay $0x1  }
0x8a: {  	s1 =	srdreg.scid  }
0x8b: {  	s0 =	sand.u32 $0x1, s1  }
0x8c: {  	s18 =	sshll.u32 s0, $0xA;
	s2 =	sadd.s32 s3, s2  }
0x8d: {  	s2 =	sadd.s32 s2, s18  }
0x8e: {  	[smem:$0x3FC7] =	sst s2  }
0x8f: {  	_ = 	snop  }
0x90: {  	s2 =	sld [smem:$0x3FC9]  }
0x91: {  	s19 =	sld [smem:$0x3FD0];
	(tm) =	ssettm $0x1  }
0x92: {  	s4 =	sld [smem:$0x3FFB];
	_ =	sdelay $0x3  }
0x93: {  	_ =	strace s4  }
0x94: {  	s4 =	sld [smem:$0x3FFC];
	_ =	sdelay $0x3  }
0x95: {  	_ =	strace s4  }
0x96: {  	s4 =	sld [smem:$0x3FFD];
	_ =	sdelay $0x3  }
0x97: {  	_ =	strace s4  }
0x98: {  	_ =	strace $0x8FFFFFFF  }
0x99: {  	s20 =	sld [smem:$0x3FDB];
	_ =	sdelay $0x1  }
0x9a: {  	s5 =	simm.s32 $_scs_section_size  }
0x9b: {  	s6 =	simm.s32 $_size__tile_overlayer_lowered;
	s7 =	simm.s32 $_tile_overlayer_lowered  }
0x9c: {  	s23 =	simm.s32 $0x1BFF;
	s22 =	sshll.u32 s7, $0x1;
	s4 =	sadd.s32 s5, s20  }
0x9d: {  	s8 =	simm.s32 $0x0;
	s21 =	sshll.u32 s6, $0x1;
	s6 =	sadd.s32 s22, s4  }
0x9e: {  	[timem:s8], [sflag:s23] =	dma.local [hbm:s6], s21  }
0x9f: {  	_ =	swait.ge [sflag:s23], s21  }
0xa0: {  	s5 =	ssub.s32 $0x0, s21;
	[sflag:s23] =	ssyncset.done $0x0  }
0xa1: {  	[sflag:s23] =	ssyncadd.s32 s5;
	_ =	sdelay $0x1  }
0xa2: {  	s24 =	simm.s32 $0x1B8B  }
0xa3: {  	_ =	swait.ge [sflag:s24], $0x1  }
0xa4: {  	[sflag:s24] =	ssyncset.done $0x0  }
0xa5: {  	s25 =	simm.s32 $0x1B8E;
	[sflag:s24] =	ssyncadd.s32 $0xFFFFFFFF  }
0xa6: {  	s26 =	simm.s32 $execute0_lowered;
	[smem:$0x3FD2] =	sst s25  }
0xa7: {  	s5 =	sshll.u32 s26, $0x1;
	_ =	strace $0x80000046;
	[dreg:$0x1] =	wrdreg $0xFFFFFFFF  }
0xa8: {  	s28 =	simm.s32 $_size_execute0_lowered;
	s4 =	sadd.s32 s4, s5;
	[dreg:$0x0] =	wrdreg $0x0  }
0xa9: {  	s5 =	sshll.u32 s28, $0x1;
	[dreg:$0x2] =	wrdreg s4  }
0xaa: {  	[dreg:$0x3] =	wrdreg s5  }
0xab: {  	[dreg:$0x4] =	wrdreg $0xC0  }
0xac: {  	_ =	task [dreg:s8], $0x5FFFF  }
0xad: {  	[dreg:$0x1] =	wrdreg $0xFFFFFFFF  }
0xae: {  	[dreg:$0x0] =	wrdreg $0x60  }
0xaf: {  	[dreg:$0x2] =	wrdreg s2  }
0xb0: {  	[dreg:$0x3] =	wrdreg s19  }
0xb1: {  	[dreg:$0x4] =	wrdreg $0x9  }
0xb2: {  	_ =	task.clear_ibuf [dreg:s8], $0x5FFFF;
	_ =	strace $0x90000046  }
0xb3: {  	s29 =	simm.s32 $0x9;
	_ =	strace $0x80000048  }
0xb4: {  	_ =	swait.ge [sflag:s29], $0x1  }
0xb5: {  	[sflag:s29] =	ssyncadd.s32 $0xFFFFFFFF  }
0xb6: {  	_ =	strace $0x90000048  }
0xb7: {  	_ =	sfence  }
0xb8: {  	s30 =	sld [smem:$0x0];
	_ =	sdelay $0x2  }
0xb9: {  	s31 =	sshll.u32 s1, $0xD;
	s1 =	sshrl.u32 s1, $0x2  }
0xba: {  	s3 =	sand.u32 $0x4000, s31;
	s1 =	sadd.s32 s1, s30  }
0xbb: {  	s0 =	sor.u32 s3, s0;
	s1 =	sshll.u32 s1, $0x11  }
0xbc: {  	s0 =	sor.u32 s1, s0  }
0xbd: {  	s0 =	sadd.s32 $0x8F2B, s0  }
0xbe: {  	[sflag:s0] =	ssyncadd.remote.s32 $0x1  }
0xbf: {  	_ =	sfence.sel $0xFFFF  }
0xc0: {  	[dreg:$0x0] =	wrdreg $0xFFFFFFFF;
	(pc) =	sbr.abs _section_cstart, $3  }
0xc1: {  	[dreg:$0x1] =	wrdreg $0xFFFFFFFF  }
0xc2: {  	_ =	task.clear_ibuf [dreg:s8], $0x2FFFF;
	_ =	strace $0x9FFFFFFF  }
0xc3: {  	(tm) =	ssettm $0x7FFFFFFF  }
tec
execute0_lowered:
.L_overlay_start_1:
0x0: {  	(tag) =	ssettag $0x1  }
0x1: {  	s1 =	srdreg.scid;
	s2 =	stileid.u32  }
0x2: {  	s0 =	rddreg [dreg:$0x0];
	s1 =	sand.u32 $0x1, s1;
	s3 =	sshll.u32 s2, $0x1  }
0x3: {  	s4 =	rddreg [dreg:$0x1];
	s3 =	sor.u32 s1, s3  }
0x4: {  	s2 =	simm.s32 $0x0;
	s1 =	ssub.s32 $0x2, s1;
	s5 =	smul.u32 $0x9800, s3  }
0x5: {  	s22 =	simm.s32 $0x1;
	[smem:$0x7FF] =	sst s2;
	s6 =	sshrl.u32 s1, $0x1  }
0x6: {  	_ =	strace $0x80000047;
	s23 =	ssub.s32 s1, s6;
	s3 =	sadd.s32 s0, s5  }
0x7: {  	s1 =	simm.s32 $0x0;
	s0 =	smax.u32 s23, $0x1;
	[dreg:$0x3] =	wrdreg s3  }
0x8: {  	s4 =	sadd.s32 s4, s5;
	s24 =	sadd.s32 $0x100, s3;
	[dreg:$0xb] =	wrdreg s0  }
0x9: {  	s23 =	simm.s32 $0x9800;
	s25 =	sadd.s32 $0x200, s3;
	[dreg:$0x4] =	wrdreg s24  }
0xa: {  	s6 =	sadd.s32 $0x26, s4;
	s26 =	sadd.s32 $0x300, s3;
	[dreg:$0x5] =	wrdreg s25  }
0xb: {  	s8 =	sadd.s32 $0x4C, s4;
	s28 =	sadd.s32 $0x400, s3;
	[dreg:$0x6] =	wrdreg s26  }
0xc: {  	v0 =	vlaneseq.u32;
	s10 =	sadd.s32 $0x72, s4;
	s29 =	sadd.s32 $0x500, s3;
	[dreg:$0x7] =	wrdreg s28  }
0xd: {  	v61 =	vmul.u32 $0x138, v0;
	s12 =	sadd.s32 $0x98, s4;
	s30 =	sadd.s32 $0x600, s3;
	[dreg:$0x8] =	wrdreg s29  }
0xe: {  	s14 =	sadd.s32 $0xBE, s4;
	s31 =	sadd.s32 $0x700, s3;
	[dreg:$0x9] =	wrdreg s30  }
0xf: {  	[tilespmem:$0x1FFF0] =	vst v61;
	s16 =	sadd.s32 $0xE4, s4;
	s18 =	sadd.s32 $0x10A, s4;
	[dreg:$0xa] =	wrdreg s31  }
.LBB2_1:
0x10: {  	[dreg:$0xc] =	wrdreg s1  }
0x11: {  	s0 =	rddreg [dreg:$0x3];
	s21 =	simm.s32 $0x800;
	s3 =	simm.s32 $0x4000  }
0x12: {  	[tilespmem:s2], [sflag:$0x1] =	stream.strided.gather [hbm4b:s0+s21], $0x9800, s3, s21, $0x38;
	[tilespmem:$0x13400] =	vst v63  }
0x13: {  	s24 =	simm.s32 $0x0;
	_ =	swait.ge [sflag:s22], $0x9800  }
0x14: {  	s25 =	sand.u32 $0x70, s2;
	s0 =	sand.u32 $0x3FFFFF80, s24;
	[sflag:s22] =	ssyncset.done $0x0  }
0x15: {  	s26 =	sor.u32 s25, s0;
	[sflag:s22] =	ssyncadd.s32 $0xFFFF6800  }
0x16: {  	v20 =	vld [tilespmem:s26+$0x0]  }
0x17: {  	v0 =	vld [tilespmem:s26+$0x800];
	_ =	sdelay $0x1  }
0x18: {  	v23 =	vld [tilespmem:s26+$0x1000];
	_ =	sdelay $0x1  }
0x19: {  	v39 =	vld [tilespmem:s26+$0x1800]  }
0x1a: {  	v1 =	vadd.f32 v0, v20  }
0x1b: {  	s28 =	simm.s32 $0x0;
	v26 =	vld [tilespmem:s26+$0x2000]  }
0x1c: {  	v2 =	vmov s25;
	s28 =	smul.u32 $0x13, s28;
	v1 =	vadd.f32 v23, v1  }
0x1d: {  	v2 =	vmul.u32 $0x138, v2;
	v28 =	vld [tilespmem:s26+$0x2800]  }
0x1e: {  	v9 =	vmov s28;
	s0 =	sadd.s32 $0x1, s28;
	v1 =	vadd.f32 v39, v1  }
0x1f: {  	s29 =	sadd.s32 $0x2, s28;
	s30 =	sadd.s32 $0x3, s28;
	v2 =	vbroadcast v2, $0x0;
	v3 =	vand.u32 $0x1F8, v9;
	v10 =	vmov s0;
	v27 =	vld [tilespmem:s26+$0x3000]  }
0x20: {  	s31 =	sadd.s32 $0x4, s28;
	s1 =	sadd.s32 $0x5, s28;
	s3 =	sadd.s32 $0x6, s28;
	v11 =	vmov s29;
	v14 =	vmov s30;
	v1 =	vadd.f32 v26, v1  }
0x21: {  	s5 =	sadd.s32 $0x7, s28;
	s7 =	sadd.s32 $0x8, s28;
	v15 =	vmov s31;
	v19 =	vmov s1;
	v22 =	vmov s3;
	v29 =	vld [tilespmem:s26+$0x3800]  }
0x22: {  	s9 =	sadd.s32 $0x9, s28;
	s11 =	sadd.s32 $0xA, s28;
	s13 =	sadd.s32 $0xB, s28;
	v24 =	vmov s5;
	v45 =	vmov s7;
	v1 =	vadd.f32 v28, v1  }
0x23: {  	s15 =	sadd.s32 $0xC, s28;
	v46 =	vmov s9;
	v49 =	vmov s11;
	v51 =	vmov s13;
	v30 =	vld [tilespmem:s26+$0x4000]  }
0x24: {  	s17 =	sadd.s32 $0xD, s28;
	v52 =	vmov s15;
	v4 =	vadd.s32 v61, v2;
	v1 =	vadd.f32 v27, v1  }
0x25: {  	v8 =	vmov s17;
	v31 =	vld [tilespmem:s26+$0x4800];
	v2 =	vand.u32 $0x3F8, v10;
	v12 =	vadd.s32 v3, v4  }
0x26: {  	s25 =	simm.s32 $0x10;
	s24 =	sadd.s32 $0x11, s28;
	v13 =	vadd.s32 v2, v4;
	v2 =	vand.u32 $0x3F8, v11;
	v3 =	vadd.f32 v29, v1  }
0x27: {  	s25 =	sand.u32 $0x70, s25;
	v40 =	vmov s24;
	v16 =	vadd.s32 v2, v4;
	v2 =	vand.u32 $0x3F8, v14;
	v1 =	vld [tilespmem:s26+$0x5000]  }
0x28: {  	v58 =	vmov s25;
	v17 =	vadd.s32 v2, v4;
	v2 =	vadd.f32 v30, v3  }
0x29: {  	s29 =	sadd.s32 $0x12, s28;
	s30 =	simm.s32 $0x0;
	v9 =	vand.u32 $0x7, v9;
	v5 =	vand.u32 $0x3F8, v15;
	v32 =	vld [tilespmem:s26+$0x5800];
	v44 =	vand.u32 $0x3F8, v40  }
0x2a: {  	v42 =	vmov s29;
	v58 =	vmul.u32 $0x138, v58;
	s31 =	smul.u32 $0x13, s30;
	v2 =	vadd.f32 v31, v2  }
0x2b: {  	v33 =	vld [tilespmem:s26+$0x6000];
	v10 =	vand.u32 $0x7, v10;
	v21 =	vadd.s32 v5, v4;
	v5 =	vand.u32 $0x3F8, v22  }
0x2c: {  	v58 =	vbroadcast v58, $0x0;
	v60 =	vmov s31;
	v2 =	vadd.f32 v1, v2  }
0x2d: {  	v34 =	vld [tilespmem:s26+$0x6800];
	s1 =	sadd.s32 $0x1, s31;
	v11 =	vand.u32 $0x7, v11;
	v36 =	vadd.s32 v5, v4;
	v5 =	vand.u32 $0x3F8, v46  }
0x2e: {  	[tilespmem:$0x1FF20] =	vst v60;
	v60 =	vand.u32 $0x1F8, v60;
	v62 =	vmov s1;
	v2 =	vadd.f32 v32, v2  }
0x2f: {  	v35 =	vld [tilespmem:s26+$0x7000];
	v9 =	vor.u32 v9, v12;
	v10 =	vor.u32 v10, v13;
	v46 =	vand.u32 $0x7, v46  }
0x30: {  	v50 =	vadd.s32 v5, v4;
	v5 =	vand.u32 $0x3F8, v51;
	v2 =	vadd.f32 v33, v2  }
0x31: {  	s19 =	sadd.s32 $0xE, s28;
	v37 =	vld [tilespmem:s26+$0x7800];
	v11 =	vor.u32 v11, v16;
	v51 =	vand.u32 $0x7, v51;
	v54 =	vadd.s32 v5, v4  }
0x32: {  	v5 =	vmov s19;
	v3 =	vand.u32 $0x3F8, v19;
	v2 =	vadd.f32 v34, v2  }
0x33: {  	v38 =	vld [tilespmem:s26+$0x8000];
	v46 =	vor.u32 v46, v50;
	v25 =	vadd.s32 v3, v4;
	v3 =	vand.u32 $0x3F8, v24  }
0x34: {  	v47 =	vadd.s32 v3, v4;
	v3 =	vand.u32 $0x3F8, v45;
	v7 =	vadd.f32 v35, v2  }
0x35: {  	v18 =	vld [tilespmem:s26+$0x8800];
	v6 =	vand.u32 $0x3F8, v5;
	v48 =	vadd.s32 v3, v4;
	v3 =	vand.u32 $0x3F8, v49  }
0x36: {  	v53 =	vadd.s32 v3, v4;
	v3 =	vand.u32 $0x3F8, v52;
	v7 =	vadd.f32 v37, v7  }
0x37: {  	s20 =	sadd.s32 $0xF, s28;
	v41 =	vld [tilespmem:s26+$0x9000];
	v5 =	vand.u32 $0x7, v5;
	v55 =	vadd.s32 v3, v4;
	v3 =	vand.u32 $0x3F8, v8  }
0x38: {  	s21 =	sadd.s32 $0x10, s28;
	v56 =	vadd.s32 v3, v4;
	v3 =	vmov s20;
	v59 =	vadd.f32 v38, v7  }
0x39: {  	v57 =	vadd.s32 v6, v4;
	v6 =	vand.u32 $0x3F8, v3;
	v2 =	vmov s21  }
0x3a: {  	v6 =	vadd.s32 v6, v4;
	v43 =	vand.u32 $0x3F8, v2;
	v59 =	vadd.f32 v18, v59  }
0x3b: {  	v7 =	vadd.s32 v43, v4;
	v43 =	vadd.s32 v44, v4;
	v44 =	vand.u32 $0x3F8, v42  }
0x3c: {  	v44 =	vadd.s32 v44, v4;
	v4 =	vadd.s32 v61, v58;
	v59 =	vadd.f32 v41, v59  }
0x3d: {  	s3 =	sadd.s32 $0x2, s31;
	[tilespmem:$0x1FF30] =	vst v62;
	v5 =	vor.u32 v5, v57;
	v58 =	vand.u32 $0x3F8, v62;
	v60 =	vadd.s32 v60, v4  }
0x3e: {  	s5 =	sadd.s32 $0x3, s31;
	v62 =	vmov s3;
	v58 =	vadd.s32 v58, v4;
	[tilespmem:$0x1FF40] =	vst v60;
	(erf) = vrcp.f32 v59  }
0x3f: {  	v45 =	vand.u32 $0x7, v45;
	v63 =	vand.u32 $0x3F8, v62;
	[tilespmem:$0x1FF50] =	vst v58;
	v60 =	vmov s5  }
0x40: {  	v8 =	vand.u32 $0x7, v8;
	v58 =	vadd.s32 v63, v4;
	[tilespmem:$0x1FF70] =	vst v60;
	v60 =	vand.u32 $0x3F8, v60  }
0x41: {  	s7 =	sadd.s32 $0x5, s31;
	v45 =	vor.u32 v45, v48;
	v8 =	vor.u32 v8, v56;
	[tilespmem:$0x1FF60] =	vst v58;
	v13 =	vadd.s32 v60, v4  }
0x42: {  	s1 =	sadd.s32 $0x4, s31;
	v2 =	vand.u32 $0x7, v2;
	v63 =	vand.u32 $0x7, v14;
	[tilespmem:$0x1FF90] =	vst v13;
	v13 =	vmov s7  }
0x43: {  	v58 =	vor.u32 v63, v17;
	v59 =	vmov s1;
	[tilespmem:$0x1FFB0] =	vst v13;
	v13 =	vand.u32 $0x3F8, v13  }
0x44: {  	v60 =	vand.u32 $0x7, v19;
	v63 =	vand.u32 $0x3F8, v59;
	v13 =	vadd.s32 v13, v4  }
0x45: {  	s9 =	sadd.s32 $0x6, s31;
	v2 =	vor.u32 v2, v7;
	v60 =	vor.u32 v60, v25;
	[tilespmem:$0x1FF80] =	vst v59;
	v12 =	vadd.s32 v63, v4  }
0x46: {  	v59 =	vand.u32 $0x7, v15;
	v15 =	vand.u32 $0x7, v24;
	[tilespmem:$0x1FFA0] =	vst v12;
	v12 =	vmov s9  }
0x47: {  	v59 =	vor.u32 v59, v21;
	v47 =	vor.u32 v15, v47;
	[tilespmem:$0x1FFC0] =	vst v13;
	v15 =	vand.u32 $0x3F8, v12;
	v13 =	vpop (erf)  }
0x48: {  	s20 =	sadd.s32 $0xC, s31;
	v63 =	vand.u32 $0x7, v22;
	v16 =	vmovc v12;
	v12 =	vadd.s32 v15, v4;
	v24 =	vmul.f32 v13, v20  }
0x49: {  	s11 =	sadd.s32 $0x7, s31;
	v22 =	vmov s20;
	v36 =	vor.u32 v63, v36;
	[tilespmem:$0x1FFD0] =	vst v12;
	v0 =	vmul.f32 v13, v0  }
0x4a: {  	v63 =	vmov s11;
	v15 =	vand.u32 $0x7, v49;
	v14 =	vmul.f32 v13, v23;
	[tilespmem:v9+s23+$0x0] =	vst.idx.msk $0xffff, v24  }
0x4b: {  	v49 =	vor.u32 v51, v54;
	v54 =	vand.u32 $0x7, v52;
	[tilespmem:v10+s23+$0x0] =	vst.idx.msk $0xffff, v0;
	v0 =	vmul.f32 v13, v39  }
0x4c: {  	s15 =	sadd.s32 $0x9, s31;
	v48 =	vand.u32 $0x3F8, v63;
	v12 =	vor.u32 v54, v55;
	v54 =	vmul.f32 v13, v26;
	[tilespmem:v11+s23+$0x0] =	vst.idx.msk $0xffff, v14  }
0x4d: {  	s13 =	sadd.s32 $0x8, s31;
	v50 =	vadd.s32 v48, v4;
	v52 =	vmov s15;
	[tilespmem:v58+s23+$0x0] =	vst.idx.msk $0xffff, v0;
	v0 =	vmul.f32 v13, v28  }
0x4e: {  	v48 =	vor.u32 v15, v53;
	v53 =	vmov s13;
	v56 =	vmul.f32 v13, v27;
	[tilespmem:v59+s23+$0x0] =	vst.idx.msk $0xffff, v54  }
0x4f: {  	s24 =	sadd.s32 $0xE, s31;
	v55 =	vand.u32 $0x3F8, v22;
	v21 =	vand.u32 $0x3F8, v53;
	[tilespmem:v60+s23+$0x0] =	vst.idx.msk $0xffff, v0;
	v0 =	vmul.f32 v13, v29  }
0x50: {  	s17 =	sadd.s32 $0xA, s31;
	v17 =	vadd.s32 v21, v4;
	v27 =	vmov s24;
	v59 =	vmul.f32 v13, v30;
	[tilespmem:v36+s23+$0x0] =	vst.idx.msk $0xffff, v56  }
0x51: {  	v21 =	vmov s17;
	v60 =	vmul.f32 v13, v31;
	[tilespmem:v47+s23+$0x0] =	vst.idx.msk $0xffff, v0;
	v0 =	vand.u32 $0x3F8, v27  }
0x52: {  	v25 =	vand.u32 $0x3F8, v21;
	[tilespmem:v45+s23+$0x0] =	vst.idx.msk $0xffff, v59;
	v30 =	vadd.s32 v0, v4;
	v0 =	vmul.f32 v13, v1  }
0x53: {  	s28 =	sadd.s32 $0xF, s31;
	v20 =	vand.u32 $0x3F8, v52;
	v1 =	vand.u32 $0x7, v3;
	v3 =	vmul.f32 v13, v32;
	[tilespmem:v46+s23+$0x0] =	vst.idx.msk $0xffff, v60  }
0x54: {  	s29 =	sadd.s32 $0x10, s31;
	v31 =	vmov s28;
	v1 =	vor.u32 v1, v6;
	v6 =	vmul.f32 v13, v33;
	[tilespmem:v48+s23+$0x0] =	vst.idx.msk $0xffff, v0  }
0x55: {  	v32 =	vmov s29;
	v0 =	vand.u32 $0x3F8, v31;
	[tilespmem:v49+s23+$0x0] =	vst.idx.msk $0xffff, v3;
	v3 =	vmul.f32 v13, v34  }
0x56: {  	s30 =	sadd.s32 $0x11, s31;
	v33 =	vadd.s32 v0, v4;
	v0 =	vand.u32 $0x3F8, v32;
	[tilespmem:v12+s23+$0x0] =	vst.idx.msk $0xffff, v6;
	v6 =	vmul.f32 v13, v35  }
0x57: {  	s19 =	sadd.s32 $0xB, s31;
	s21 =	sadd.s32 $0xD, s31;
	s31 =	sadd.s32 $0x12, s31;
	v35 =	vmov s30;
	v36 =	vadd.s32 v0, v4;
	v0 =	vmul.f32 v13, v37;
	[tilespmem:v8+s23+$0x0] =	vst.idx.msk $0xffff, v3  }
0x58: {  	v34 =	vmov s31;
	v3 =	vand.u32 $0x3F8, v35;
	[tilespmem:v5+s23+$0x0] =	vst.idx.msk $0xffff, v6;
	v5 =	vmul.f32 v13, v38  }
0x59: {  	v37 =	vadd.s32 v3, v4;
	[tilespmem:v1+s23+$0x0] =	vst.idx.msk $0xffff, v0;
	v0 =	vand.u32 $0x3F8, v34;
	v1 =	vand.u32 $0x7, v40  }
0x5a: {  	v38 =	vadd.s32 v0, v4;
	v3 =	vor.u32 v1, v43;
	v0 =	vand.u32 $0x7, v42  }
0x5b: {  	v23 =	vmov s19;
	v26 =	vadd.s32 v55, v4;
	[tilespmem:v2+s23+$0x0] =	vst.idx.msk $0xffff, v5;
	v2 =	vor.u32 v0, v44  }
0x5c: {  	v20 =	vadd.s32 v20, v4;
	v24 =	vadd.s32 v25, v4;
	v28 =	vmov s21  }
0x5d: {  	v39 =	vand.u32 $0x3F8, v23;
	v58 =	vand.u32 $0x3F8, v28;
	v5 =	vmul.f32 v13, v18  }
0x5e: {  	s0 =	simm.s32 $0x2;
	s26 =	simm.s32 $0x20;
	s1 =	simm.s32 $0x10;
	[tilespmem:$0x1FFE0] =	vst v50;
	v25 =	vadd.s32 v39, v4;
	v29 =	vadd.s32 v58, v4;
	v4 =	vmul.f32 v13, v41  }
.LBB2_2:
0x5f: {  	s1 =	sand.u32 $0x3FFFFF80, s1;
	[tilespmem:v3+s23+$0x0] =	vst.idx.msk $0xffff, v5  }
0x60: {  	s5 =	sand.u32 $0x70, s26;
	v0 =	vmov v36;
	s29 =	smov.u32 s0;
	s30 =	sor.u32 s25, s1;
	[tilespmem:v2+s23+$0x0] =	vst.idx.msk $0xffff, v4  }
0x61: {  	[tilespmem:$0x1FE60] =	vst v0;
	v0 =	vmov s5;
	s19 =	sshrl.u32 s29, $0x3;
	v40 =	vld [tilespmem:s30+$0x0]  }
0x62: {  	v0 =	vmul.u32 $0x138, v0;
	s31 =	smul.u32 $0x13, s19;
	v42 =	vld [tilespmem:s30+$0x800];
	_ =	sdelay $0x1  }
0x63: {  	s28 =	sadd.s32 $0x1, s0;
	p0 =	sne.s32 s0, $0x7F;
	v1 =	vmov v38;
	v41 =	vld [tilespmem:s30+$0x1000];
	v0 =	vbroadcast v0, $0x0;
	v47 =	vmov s31;
	s0 =	sadd.s32 $0x1, s31  }
0x64: {  	v9 =	vmov v30;
	[tilespmem:$0x1FEA0] =	vst v1;
	s20 =	sadd.s32 $0x2, s31;
	s21 =	sadd.s32 $0x3, s31;
	v1 =	vand.u32 $0x1F8, v47;
	v48 =	vmov s0  }
0x65: {  	v3 =	vmovc v37;
	[tilespmem:$0x1FE20] =	vst v9;
	v43 =	vld [tilespmem:s30+$0x1800];
	v51 =	vmov s20;
	v9 =	vmov s21;
	v38 =	vadd.s32 v61, v0  }
0x66: {  	[tilespmem:$0x1FE80] =	vst v3;
	s7 =	sadd.s32 $0x5, s31;
	v0 =	vand.u32 $0x3F8, v48;
	v3 =	vadd.s32 v1, v38;
	v1 =	vadd.f32 v42, v40  }
0x67: {  	v8 =	vmovc v31;
	v39 =	vmovc v53;
	v44 =	vld [tilespmem:s30+$0x2000];
	v53 =	vmov s7;
	v4 =	vadd.s32 v0, v38;
	v0 =	vand.u32 $0x3F8, v51  }
0x68: {  	v6 =	vmovc v33;
	[tilespmem:$0x1FE30] =	vst v8;
	v8 =	vadd.s32 v0, v38;
	v0 =	vand.u32 $0x3F8, v9;
	v1 =	vadd.f32 v41, v1  }
0x69: {  	[tilespmem:$0x1FE40] =	vst v6;
	v45 =	vld [tilespmem:s30+$0x2800];
	s9 =	sadd.s32 $0x6, s31;
	v6 =	vadd.s32 v0, v38;
	v0 =	vand.u32 $0x3F8, v53  }
0x6a: {  	v19 =	vmovc v52;
	v52 =	vmov s9;
	v0 =	vadd.s32 v0, v38;
	v1 =	vadd.f32 v43, v1  }
0x6b: {  	v7 =	vmov v32;
	v46 =	vld [tilespmem:s30+$0x3000];
	s11 =	sadd.s32 $0x7, s31;
	[tilespmem:$0x1FEB0] =	vst v0;
	v0 =	vand.u32 $0x3F8, v52  }
0x6c: {  	[tilespmem:$0x1FE50] =	vst v7;
	s24 =	sadd.s32 $0x4, s31;
	s13 =	sadd.s32 $0x8, s31;
	v57 =	vmov s11;
	v0 =	vadd.s32 v0, v38;
	v1 =	vadd.f32 v44, v1  }
0x6d: {  	v2 =	vmovc v34;
	v49 =	vld [tilespmem:s30+$0x3800];
	v50 =	vmov s24;
	v60 =	vmov s13;
	[tilespmem:$0x1FEC0] =	vst v0;
	v0 =	vand.u32 $0x3F8, v57  }
0x6e: {  	[tilespmem:$0x1FE90] =	vst v2;
	s15 =	sadd.s32 $0x9, s31;
	v2 =	vand.u32 $0x3F8, v50;
	v0 =	vadd.s32 v0, v38;
	v1 =	vadd.f32 v45, v1  }
0x6f: {  	v5 =	vmovc v35;
	v56 =	vmov s15;
	v7 =	vadd.s32 v2, v38;
	v2 =	vld [tilespmem:s30+$0x4000];
	[tilespmem:$0x1FED0] =	vst v0;
	v0 =	vand.u32 $0x3F8, v60  }
0x70: {  	[tilespmem:$0x1FE70] =	vst v5;
	v5 =	vand.u32 $0x3F8, v56;
	v0 =	vadd.s32 v0, v38;
	v59 =	vadd.f32 v46, v1  }
0x71: {  	[tilespmem:$0x1FEE0] =	vst v0;
	v0 =	vadd.s32 v5, v38;
	v5 =	vld [tilespmem:s30+$0x4800]  }
0x72: {  	v10 =	vmov v29;
	v29 =	vadd.f32 v49, v59  }
0x73: {  	v13 =	vmov v26;
	[tilespmem:$0x1FE00] =	vst v10;
	v10 =	vld [tilespmem:s30+$0x5000]  }
0x74: {  	v11 =	vmov v27;
	[tilespmem:$0x1FDE0] =	vst v13;
	s17 =	sadd.s32 $0xA, s31;
	v13 =	vadd.f32 v2, v29  }
0x75: {  	v12 =	vmov v28;
	[tilespmem:$0x1FE10] =	vst v11;
	v11 =	vld [tilespmem:s30+$0x5800];
	s19 =	sadd.s32 $0xB, s31;
	s1 =	sadd.s32 $0x10, s31;
	v58 =	vmov s17  }
0x76: {  	[tilespmem:$0x1FDF0] =	vst v12;
	v32 =	vmov s1;
	v61 =	vmov s19;
	v37 =	vadd.f32 v5, v13  }
0x77: {  	v54 =	vld [tilespmem:s30+$0x6000];
	v55 =	vand.u32 $0x3F8, v32;
	v12 =	vand.u32 $0x3F8, v61;
	[tilespmem:$0x1FEF0] =	vst v0;
	v0 =	vand.u32 $0x3F8, v58  }
0x78: {  	s25 =	smov.u32 s5;
	v36 =	vadd.s32 v55, v38;
	v0 =	vadd.s32 v0, v38;
	v55 =	vadd.f32 v10, v37  }
0x79: {  	s3 =	sadd.s32 $0xC, s31;
	s5 =	sadd.s32 $0xF, s31;
	s20 =	sadd.s32 $0xD, s31;
	[tilespmem:$0x1FF00] =	vst v0;
	v0 =	vadd.s32 v12, v38;
	v12 =	vld [tilespmem:s30+$0x6800]  }
0x7a: {  	s21 =	sadd.s32 $0xE, s31;
	s24 =	sadd.s32 $0x11, s31;
	s31 =	sadd.s32 $0x12, s31;
	v28 =	vmov s20;
	v55 =	vadd.f32 v11, v55  }
0x7b: {  	v27 =	vmov s21;
	v35 =	vmov s24;
	v34 =	vmov s31;
	[tilespmem:$0x1FF10] =	vst v0;
	v0 =	vld [tilespmem:s30+$0x7000]  }
0x7c: {  	v30 =	vand.u32 $0x3F8, v28;
	v31 =	vand.u32 $0x3F8, v27;
	v55 =	vadd.f32 v54, v55  }
0x7d: {  	v29 =	vadd.s32 v30, v38;
	v30 =	vadd.s32 v31, v38;
	v31 =	vmov s5;
	v13 =	vld [tilespmem:s30+$0x7800]  }
0x7e: {  	v1 =	vmov s3;
	v14 =	vand.u32 $0x3F8, v31;
	v55 =	vadd.f32 v12, v55  }
0x7f: {  	v18 =	vld [tilespmem:s30+$0x8000];
	v26 =	vand.u32 $0x3F8, v1;
	v59 =	vand.u32 $0x3F8, v35;
	v33 =	vadd.s32 v14, v38  }
0x80: {  	v37 =	vadd.s32 v59, v38;
	v59 =	vand.u32 $0x3F8, v34;
	v14 =	vadd.f32 v0, v55  }
0x81: {  	v26 =	vadd.s32 v26, v38;
	v38 =	vadd.s32 v59, v38;
	v59 =	vld [tilespmem:s30+$0x8800]  }
0x82: {  	v15 =	vmov v62;
	v62 =	vadd.f32 v13, v14  }
0x83: {  	v55 =	vld [tilespmem:s30+$0x9000]  }
0x84: {  	v62 =	vadd.f32 v18, v62  }
0x85: {  	v14 =	vld [tilespmem:$0x1FF20]  }
0x86: {  	v62 =	vadd.f32 v59, v62;
	_ =	sdelay $0x1  }
0x87: {  	v62 =	vadd.f32 v55, v62;
	_ =	sdelay $0x1  }
0x88: {  	(erf) = vrcp.f32 v62;
	v62 =	vand.u32 $0x7, v14;
	v14 =	vmov v47;
	v47 =	vld [tilespmem:$0x1FF40];
	_ =	sdelay $0x4  }
0x89: {  	v47 =	vor.u32 v62, v47;
	v62 =	vld [tilespmem:$0x1FF30];
	_ =	sdelay $0x2  }
0x8a: {  	[tilespmem:$0x1FF20] =	vst v14;
	v14 =	vmov v48;
	v48 =	vmov v3;
	v3 =	vld [tilespmem:$0x1FF50];
	_ =	sdelay $0x1  }
0x8b: {  	v62 =	vand.u32 $0x7, v62;
	_ =	sdelay $0x2  }
0x8c: {  	[tilespmem:$0x1FF40] =	vst v48;
	v3 =	vor.u32 v62, v3;
	v62 =	vmov v51;
	v51 =	vmov v4;
	v4 =	vld [tilespmem:$0x1FF60]  }
0x8d: {  	[tilespmem:$0x1FF50] =	vst v51;
	v51 =	vld [tilespmem:$0x1FF70]  }
0x8e: {  	v48 =	vand.u32 $0x7, v15;
	[tilespmem:$0x1FF30] =	vst v14;
	v14 =	vld [tilespmem:$0x1FF90];
	_ =	sdelay $0x2  }
0x8f: {  	v4 =	vor.u32 v48, v4;
	v48 =	vmov v8  }
0x90: {  	v15 =	vand.u32 $0x7, v51;
	[tilespmem:$0x1FF60] =	vst v48;
	v48 =	vld [tilespmem:$0x1FF80]  }
0x91: {  	v8 =	vor.u32 v15, v14;
	v15 =	vld [tilespmem:$0x1FFA0];
	_ =	sdelay $0x3  }
0x92: {  	v51 =	vmov v9;
	v9 =	vand.u32 $0x7, v48  }
0x93: {  	[tilespmem:$0x1FF70] =	vst v51;
	v51 =	vld [tilespmem:$0x1FFB0];
	v9 =	vor.u32 v9, v15;
	v15 =	vmov v50  }
0x94: {  	[tilespmem:$0x1FF80] =	vst v15;
	v15 =	vld [tilespmem:$0x1FFC0];
	_ =	sdelay $0x3  }
0x95: {  	v14 =	vand.u32 $0x7, v51  }
0x96: {  	v48 =	vpop (erf);
	v14 =	vor.u32 v14, v15;
	v15 =	vmov v6;
	v6 =	vmov v7;
	v7 =	vld [tilespmem:$0x1FFD0]  }
0x97: {  	v40 =	vmul.f32 v48, v40;
	[tilespmem:$0x1FF90] =	vst v15;
	v15 =	vld [tilespmem:$0x1FFE0]  }
0x98: {  	v42 =	vmul.f32 v48, v42  }
0x99: {  	[tilespmem:v47+s23+$0x0] =	vst.idx.msk $0xffff, v40  }
0x9a: {  	v16 =	vand.u32 $0x7, v16;
	v41 =	vmul.f32 v48, v41;
	[tilespmem:v3+s23+$0x0] =	vst.idx.msk $0xffff, v42  }
0x9b: {  	[tilespmem:$0x1FFA0] =	vst v6;
	v6 =	vmul.f32 v48, v43;
	v7 =	vor.u32 v16, v7;
	v16 =	vand.u32 $0x7, v63  }
0x9c: {  	v3 =	vmul.f32 v48, v44;
	[tilespmem:v4+s23+$0x0] =	vst.idx.msk $0xffff, v41;
	v16 =	vor.u32 v16, v15;
	v15 =	vand.u32 $0x7, v39  }
0x9d: {  	v4 =	vmul.f32 v48, v45;
	[tilespmem:v8+s23+$0x0] =	vst.idx.msk $0xffff, v6;
	v15 =	vor.u32 v15, v17;
	v17 =	vand.u32 $0x7, v19  }
0x9e: {  	v6 =	vmul.f32 v48, v46;
	[tilespmem:v9+s23+$0x0] =	vst.idx.msk $0xffff, v3;
	v40 =	vor.u32 v17, v20;
	v17 =	vand.u32 $0x7, v21  }
0x9f: {  	v3 =	vmul.f32 v48, v49;
	[tilespmem:v14+s23+$0x0] =	vst.idx.msk $0xffff, v4;
	v41 =	vor.u32 v17, v24  }
0xa0: {  	v2 =	vmul.f32 v48, v2;
	v47 =	vld [tilespmem:$0x1FE40];
	[tilespmem:v7+s23+$0x0] =	vst.idx.msk $0xffff, v6  }
0xa1: {  	v5 =	vmul.f32 v48, v5;
	v46 =	vld [tilespmem:$0x1FE30];
	[tilespmem:v16+s23+$0x0] =	vst.idx.msk $0xffff, v3  }
0xa2: {  	v49 =	vld [tilespmem:$0x1FE50];
	v3 =	vmul.f32 v48, v10;
	[tilespmem:v15+s23+$0x0] =	vst.idx.msk $0xffff, v2  }
0xa3: {  	v6 =	vld [tilespmem:$0x1FDE0];
	[tilespmem:v40+s23+$0x0] =	vst.idx.msk $0xffff, v5  }
0xa4: {  	v17 =	vand.u32 $0x7, v23;
	[tilespmem:v41+s23+$0x0] =	vst.idx.msk $0xffff, v3;
	v3 =	vld [tilespmem:$0x1FE60]  }
0xa5: {  	v4 =	vor.u32 v17, v25;
	v7 =	vld [tilespmem:$0x1FDF0]  }
0xa6: {  	v43 =	vld [tilespmem:$0x1FE00]  }
0xa7: {  	v2 =	vmul.f32 v48, v11;
	v11 =	vand.u32 $0x7, v46  }
0xa8: {  	v42 =	vand.u32 $0x7, v22;
	v8 =	vor.u32 v11, v47;
	v11 =	vand.u32 $0x7, v49  }
0xa9: {  	v6 =	vor.u32 v42, v6;
	v11 =	vor.u32 v11, v3;
	v3 =	vld [tilespmem:$0x1FE70]  }
0xaa: {  	v7 =	vand.u32 $0x7, v7;
	[tilespmem:v4+s23+$0x0] =	vst.idx.msk $0xffff, v2;
	v2 =	vld [tilespmem:$0x1FE80]  }
0xab: {  	v7 =	vor.u32 v7, v43  }
0xac: {  	v5 =	vmul.f32 v48, v54;
	_ =	sdelay $0x1  }
0xad: {  	v50 =	vmul.f32 v48, v12;
	[tilespmem:v6+s23+$0x0] =	vst.idx.msk $0xffff, v5;
	v5 =	vld [tilespmem:$0x1FEA0];
	v3 =	vand.u32 $0x7, v3  }
0xae: {  	v3 =	vor.u32 v3, v2;
	v2 =	vld [tilespmem:$0x1FE90]  }
0xaf: {  	[tilespmem:v7+s23+$0x0] =	vst.idx.msk $0xffff, v50;
	v7 =	vld [tilespmem:$0x1FEB0];
	_ =	sdelay $0x3  }
0xb0: {  	v2 =	vand.u32 $0x7, v2  }
0xb1: {  	v2 =	vor.u32 v2, v5;
	v5 =	vmov v7;
	v7 =	vld [tilespmem:$0x1FEC0];
	_ =	sdelay $0x4  }
0xb2: {  	[tilespmem:$0x1FFC0] =	vst v5;
	v5 =	vmul.f32 v48, v59;
	v59 =	vmov v7;
	v7 =	vld [tilespmem:$0x1FED0];
	_ =	sdelay $0x4  }
0xb3: {  	v51 =	vmul.f32 v48, v0;
	v0 =	vmov v7  }
0xb4: {  	[tilespmem:$0x1FFE0] =	vst v0;
	v0 =	vld [tilespmem:$0x1FEE0];
	_ =	sdelay $0x4  }
0xb5: {  	v17 =	vmov v0;
	v0 =	vld [tilespmem:$0x1FEF0]  }
0xb6: {  	v44 =	vld [tilespmem:$0x1FE10]  }
0xb7: {  	v45 =	vld [tilespmem:$0x1FE20];
	_ =	sdelay $0x2  }
0xb8: {  	v20 =	vmov v0;
	v0 =	vld [tilespmem:$0x1FF00]  }
0xb9: {  	v10 =	vand.u32 $0x7, v44  }
0xba: {  	v10 =	vor.u32 v10, v45;
	_ =	sdelay $0x2  }
0xbb: {  	v54 =	vmov v53;
	v24 =	vmov v0;
	v0 =	vld [tilespmem:$0x1FF10]  }
.Ltmp0:
0xbc: {  	[tilespmem:$0x1FFB0] =	vst v54;
	v4 =	vmul.f32 v48, v13;
	(pc) =	sbr.rel @p0 .LBB2_2-.Ltmp0, $4  }
0xbd: {  	v6 =	vmul.f32 v48, v18;
	[tilespmem:v10+s23+$0x0] =	vst.idx.msk $0xffff, v51  }
0xbe: {  	[tilespmem:v8+s23+$0x0] =	vst.idx.msk $0xffff, v4  }
0xbf: {  	v22 =	vmovc v1;
	v63 =	vmov v57;
	v21 =	vmov v58;
	v23 =	vmov v61;
	[tilespmem:v11+s23+$0x0] =	vst.idx.msk $0xffff, v6  }
0xc0: {  	s26 =	sadd.s32 $0x10, s26;
	s1 =	sshll.u32 s29, $0x4;
	s0 =	smov.u32 s28;
	v61 =	vld [tilespmem:$0x1FFF0];
	v16 =	vmovc v52;
	v52 =	vmovc v56;
	v53 =	vmov v60;
	v4 =	vmul.f32 v48, v55;
	[tilespmem:$0x1FFD0] =	vst v59;
	v25 =	vmov v0  }
0xc1: {  	_ =	sdelay $0x3  }
0xc2: {  	s0 =	sand.u32 $0x3FFFFF80, s1;
	[tilespmem:v3+s23+$0x0] =	vst.idx.msk $0xffff, v5  }
0xc3: {  	s0 =	sor.u32 s25, s0;
	[tilespmem:v2+s23+$0x0] =	vst.idx.msk $0xffff, v4  }
0xc4: {  	v0 =	vld [tilespmem:s0+$0x0]  }
0xc5: {  	v1 =	vld [tilespmem:s0+$0x800];
	_ =	sdelay $0x1  }
0xc6: {  	v2 =	vld [tilespmem:s0+$0x1000];
	_ =	sdelay $0x1  }
0xc7: {  	v3 =	vld [tilespmem:s0+$0x1800]  }
0xc8: {  	v44 =	vadd.f32 v1, v0  }
0xc9: {  	v5 =	vld [tilespmem:s0+$0x2000]  }
0xca: {  	v4 =	vadd.f32 v2, v44  }
0xcb: {  	v6 =	vld [tilespmem:s0+$0x2800]  }
0xcc: {  	v4 =	vadd.f32 v3, v4  }
0xcd: {  	v7 =	vld [tilespmem:s0+$0x3000]  }
0xce: {  	v4 =	vadd.f32 v5, v4  }
0xcf: {  	v8 =	vld [tilespmem:s0+$0x3800]  }
0xd0: {  	v4 =	vadd.f32 v6, v4  }
0xd1: {  	v9 =	vld [tilespmem:s0+$0x4000]  }
0xd2: {  	v4 =	vadd.f32 v7, v4  }
0xd3: {  	v10 =	vld [tilespmem:s0+$0x4800]  }
0xd4: {  	v4 =	vadd.f32 v8, v4  }
0xd5: {  	v11 =	vld [tilespmem:s0+$0x5000]  }
0xd6: {  	v4 =	vadd.f32 v9, v4  }
0xd7: {  	v12 =	vld [tilespmem:s0+$0x5800]  }
0xd8: {  	v4 =	vadd.f32 v10, v4  }
0xd9: {  	v13 =	vld [tilespmem:s0+$0x6000]  }
0xda: {  	v4 =	vadd.f32 v11, v4  }
0xdb: {  	v18 =	vld [tilespmem:s0+$0x6800]  }
0xdc: {  	v4 =	vadd.f32 v12, v4  }
0xdd: {  	v40 =	vld [tilespmem:s0+$0x7000]  }
0xde: {  	v4 =	vadd.f32 v13, v4  }
0xdf: {  	v41 =	vld [tilespmem:s0+$0x7800]  }
0xe0: {  	v4 =	vadd.f32 v18, v4  }
0xe1: {  	v42 =	vld [tilespmem:s0+$0x8000]  }
0xe2: {  	v4 =	vadd.f32 v40, v4  }
0xe3: {  	v43 =	vld [tilespmem:s0+$0x8800]  }
0xe4: {  	v4 =	vadd.f32 v41, v4  }
0xe5: {  	v44 =	vld [tilespmem:s0+$0x9000]  }
0xe6: {  	v4 =	vadd.f32 v42, v4;
	_ =	sdelay $0x1  }
0xe7: {  	v4 =	vadd.f32 v43, v4  }
0xe8: {  	v45 =	vld [tilespmem:$0x1FF20]  }
0xe9: {  	v14 =	vld [tilespmem:$0x1FF40];
	v4 =	vadd.f32 v44, v4  }
0xea: {  	v46 =	vld [tilespmem:$0x1FF30]  }
0xeb: {  	v47 =	vld [tilespmem:$0x1FF50];
	(erf) = vrcp.f32 v4  }
0xec: {  	v48 =	vld [tilespmem:$0x1FF60]  }
0xed: {  	v49 =	vld [tilespmem:$0x1FF70]  }
0xee: {  	v50 =	vld [tilespmem:$0x1FF90]  }
0xef: {  	v51 =	vld [tilespmem:$0x1FF80]  }
0xf0: {  	v54 =	vld [tilespmem:$0x1FFB0]  }
0xf1: {  	v15 =	vld [tilespmem:$0x1FFA0];
	v4 =	vand.u32 $0x7, v45  }
0xf2: {  	v55 =	vld [tilespmem:$0x1FFC0];
	v45 =	vand.u32 $0x7, v46;
	v4 =	vor.u32 v4, v14  }
0xf3: {  	v57 =	vld [tilespmem:$0x1FFD0];
	v46 =	vand.u32 $0x7, v62;
	v45 =	vor.u32 v45, v47  }
0xf4: {  	v60 =	vld [tilespmem:$0x1FFE0];
	v46 =	vor.u32 v46, v48;
	v47 =	vand.u32 $0x7, v49;
	v48 =	vpop (erf)  }
0xf5: {  	v49 =	vand.u32 $0x7, v51;
	v47 =	vor.u32 v47, v50;
	v0 =	vmul.f32 v48, v0  }
0xf6: {  	v14 =	vand.u32 $0x7, v54;
	v49 =	vor.u32 v49, v15;
	v1 =	vmul.f32 v48, v1  }
0xf7: {  	v16 =	vand.u32 $0x7, v16;
	v14 =	vor.u32 v14, v55;
	v2 =	vmul.f32 v48, v2;
	[tilespmem:v4+s23+$0x0] =	vst.idx.msk $0xffff, v0  }
0xf8: {  	v58 =	vand.u32 $0x7, v63;
	v56 =	vmul.f32 v48, v3;
	v3 =	vor.u32 v16, v57;
	[tilespmem:v45+s23+$0x0] =	vst.idx.msk $0xffff, v1  }
0xf9: {  	v62 =	vand.u32 $0x7, v53;
	v59 =	vmul.f32 v48, v5;
	v4 =	vor.u32 v58, v60;
	[tilespmem:v46+s23+$0x0] =	vst.idx.msk $0xffff, v2  }
0xfa: {  	v15 =	vand.u32 $0x7, v52;
	v63 =	vmul.f32 v48, v6;
	v5 =	vor.u32 v62, v17;
	[tilespmem:v47+s23+$0x0] =	vst.idx.msk $0xffff, v56  }
0xfb: {  	v16 =	vmul.f32 v48, v7;
	v6 =	vor.u32 v15, v20;
	v17 =	vand.u32 $0x7, v21;
	[tilespmem:v49+s23+$0x0] =	vst.idx.msk $0xffff, v59  }
0xfc: {  	v19 =	vmul.f32 v48, v8;
	v20 =	vand.u32 $0x7, v23;
	v7 =	vor.u32 v17, v24;
	[tilespmem:v14+s23+$0x0] =	vst.idx.msk $0xffff, v63  }
0xfd: {  	v21 =	vmul.f32 v48, v9;
	v23 =	vand.u32 $0x7, v22;
	v8 =	vor.u32 v20, v25;
	[tilespmem:v3+s23+$0x0] =	vst.idx.msk $0xffff, v16  }
0xfe: {  	v24 =	vmul.f32 v48, v10;
	v25 =	vor.u32 v23, v26;
	v26 =	vand.u32 $0x7, v28;
	[tilespmem:v4+s23+$0x0] =	vst.idx.msk $0xffff, v19  }
0xff: {  	v39 =	vand.u32 $0x7, v27;
	v28 =	vmul.f32 v48, v11;
	v29 =	vor.u32 v26, v29;
	[tilespmem:v5+s23+$0x0] =	vst.idx.msk $0xffff, v21  }
0x100: {  	v45 =	vmul.f32 v48, v12;
	v46 =	vor.u32 v39, v30;
	v47 =	vand.u32 $0x7, v31;
	[tilespmem:v6+s23+$0x0] =	vst.idx.msk $0xffff, v24  }
0x101: {  	v51 =	vand.u32 $0x7, v32;
	v49 =	vmul.f32 v48, v13;
	v50 =	vor.u32 v47, v33;
	[tilespmem:v7+s23+$0x0] =	vst.idx.msk $0xffff, v28  }
0x102: {  	v54 =	vand.u32 $0x7, v35;
	v53 =	vor.u32 v51, v36;
	v52 =	vmul.f32 v48, v18;
	[tilespmem:v8+s23+$0x0] =	vst.idx.msk $0xffff, v45  }
0x103: {  	v55 =	vmul.f32 v48, v40;
	v57 =	vand.u32 $0x7, v34;
	v56 =	vor.u32 v54, v37;
	[tilespmem:v25+s23+$0x0] =	vst.idx.msk $0xffff, v49  }
0x104: {  	v58 =	vmul.f32 v48, v41;
	v59 =	vor.u32 v57, v38;
	[tilespmem:v29+s23+$0x0] =	vst.idx.msk $0xffff, v52  }
0x105: {  	v60 =	vmul.f32 v48, v42;
	[tilespmem:v46+s23+$0x0] =	vst.idx.msk $0xffff, v55  }
0x106: {  	v62 =	vmul.f32 v48, v43;
	[tilespmem:v50+s23+$0x0] =	vst.idx.msk $0xffff, v58  }
0x107: {  	v63 =	vmul.f32 v48, v44;
	[tilespmem:v53+s23+$0x0] =	vst.idx.msk $0xffff, v60  }
0x108: {  	s1 =	simm.s32 $0x130;
	[tilespmem:v56+s23+$0x0] =	vst.idx.msk $0xffff, v62  }
0x109: {  	s5 =	simm.s32 $0x9938;
	s25 =	sadd.s32 $0x0, s4;
	s0 =	simm.s32 $0x9800;
	[tilespmem:v59+s23+$0x0] =	vst.idx.msk $0xffff, v63  }
.LBB2_4:
0x10a: {  	[hbm4b:s25+s2] =	stream.linear.scatter [tilespmem:s0], [sflag:$0x1], $0x130, $0x38;
	[tilespmem:$0x13400] =	vst v63  }
0x10b: {  	s3 =	smov.u32 s1;
	s0 =	smov.u32 s5;
	p0 =	sne.s32 s1, $0x96D0  }
.Ltmp1:
0x10c: {  	s1 =	sadd.s32 $0x130, s1;
	(pc) =	sbr.rel @p0 .LBB2_4-.Ltmp1, $2  }
0x10d: {  	_ =	sdelay $0x2  }
0x10e: {  	s5 =	sadd.s32 $0x138, s5;
	s25 =	sadd.s32 s3, s4  }
0x10f: {  	[hbm4b:s25+s2] =	stream.linear.scatter [tilespmem:s0], [sflag:$0x1], $0x130, $0x38;
	[tilespmem:$0x13400] =	vst v63  }
0x110: {  	_ =	swait.ge [sflag:s22], $0x9800  }
0x111: {  	s25 =	simm.s32 $0x0;
	s3 =	simm.s32 $0x800;
	[sflag:s22] =	ssyncset.done $0x0  }
0x112: {  	s5 =	simm.s32 $0x4000;
	s1 =	rddreg [dreg:$0x4];
	[sflag:s22] =	ssyncadd.s32 $0xFFFF6800  }
0x113: {  	[tilespmem:s25], [sflag:$0x1] =	stream.strided.gather [hbm4b:s1+s3], $0x9800, s5, s3, $0x38;
	[tilespmem:$0x13400] =	vst v63  }
0x114: {  	s26 =	simm.s32 $0x0;
	_ =	swait.ge [sflag:s22], $0x9800  }
0x115: {  	s0 =	sand.u32 $0x70, s25;
	s1 =	sand.u32 $0x3FFFFF80, s26;
	[sflag:s22] =	ssyncset.done $0x0  }
0x116: {  	s26 =	sor.u32 s0, s1;
	[sflag:s22] =	ssyncadd.s32 $0xFFFF6800  }
0x117: {  	v20 =	vld [tilespmem:s26+$0x0]  }
0x118: {  	v0 =	vld [tilespmem:s26+$0x800];
	_ =	sdelay $0x1  }
0x119: {  	v23 =	vld [tilespmem:s26+$0x1000];
	_ =	sdelay $0x1  }
0x11a: {  	v39 =	vld [tilespmem:s26+$0x1800]  }
0x11b: {  	v1 =	vadd.f32 v0, v20  }
0x11c: {  	s28 =	simm.s32 $0x0;
	v26 =	vld [tilespmem:s26+$0x2000]  }
0x11d: {  	s28 =	smul.u32 $0x13, s28;
	v1 =	vadd.f32 v23, v1  }
0x11e: {  	v2 =	vmov s0;
	v28 =	vld [tilespmem:s26+$0x2800]  }
0x11f: {  	v2 =	vmul.u32 $0x138, v2;
	v9 =	vmov s28;
	s29 =	sadd.s32 $0x2, s28;
	s30 =	sadd.s32 $0x3, s28;
	v1 =	vadd.f32 v39, v1  }
0x120: {  	s31 =	sadd.s32 $0x4, s28;
	s7 =	sadd.s32 $0x8, s28;
	v3 =	vand.u32 $0x1F8, v9;
	v11 =	vmov s29;
	v14 =	vmov s30;
	v27 =	vld [tilespmem:s26+$0x3000]  }
0x121: {  	s9 =	sadd.s32 $0x9, s28;
	s11 =	sadd.s32 $0xA, s28;
	s13 =	sadd.s32 $0xB, s28;
	v15 =	vmov s31;
	v45 =	vmov s7;
	v1 =	vadd.f32 v26, v1  }
0x122: {  	s15 =	sadd.s32 $0xC, s28;
	v46 =	vmov s9;
	v49 =	vmov s11;
	v51 =	vmov s13;
	v29 =	vld [tilespmem:s26+$0x3800]  }
0x123: {  	s17 =	sadd.s32 $0xD, s28;
	s24 =	sadd.s32 $0x11, s28;
	v52 =	vmov s15;
	v2 =	vbroadcast v2, $0x0;
	v1 =	vadd.f32 v28, v1  }
0x124: {  	v8 =	vmov s17;
	v40 =	vmov s24;
	v9 =	vand.u32 $0x7, v9;
	s0 =	sadd.s32 $0x1, s28;
	v30 =	vld [tilespmem:s26+$0x4000]  }
0x125: {  	v10 =	vmov s0;
	v4 =	vadd.s32 v61, v2;
	v1 =	vadd.f32 v27, v1  }
0x126: {  	v5 =	vand.u32 $0x3F8, v15;
	v2 =	vand.u32 $0x3F8, v10;
	v12 =	vadd.s32 v3, v4;
	v31 =	vld [tilespmem:s26+$0x4800]  }
0x127: {  	s3 =	sadd.s32 $0x6, s28;
	v13 =	vadd.s32 v2, v4;
	v2 =	vand.u32 $0x3F8, v11;
	v3 =	vadd.f32 v29, v1  }
0x128: {  	s5 =	sadd.s32 $0x7, s28;
	s25 =	simm.s32 $0x10;
	v22 =	vmov s3;
	v16 =	vadd.s32 v2, v4;
	v2 =	vand.u32 $0x3F8, v14;
	v1 =	vld [tilespmem:s26+$0x5000]  }
0x129: {  	s29 =	sadd.s32 $0x12, s28;
	s30 =	simm.s32 $0x0;
	v24 =	vmov s5;
	s25 =	sand.u32 $0x70, s25;
	v17 =	vadd.s32 v2, v4;
	v2 =	vadd.f32 v30, v3  }
0x12a: {  	s1 =	sadd.s32 $0x5, s28;
	v44 =	vand.u32 $0x3F8, v40;
	v42 =	vmov s29;
	s31 =	smul.u32 $0x13, s30;
	v58 =	vmov s25;
	v32 =	vld [tilespmem:s26+$0x5800]  }
0x12b: {  	v19 =	vmov s1;
	v58 =	vmul.u32 $0x138, v58;
	v2 =	vadd.f32 v31, v2  }
0x12c: {  	v60 =	vmov s31;
	v10 =	vand.u32 $0x7, v10;
	v21 =	vadd.s32 v5, v4;
	v33 =	vld [tilespmem:s26+$0x6000]  }
0x12d: {  	s1 =	sadd.s32 $0x1, s31;
	v5 =	vand.u32 $0x3F8, v22;
	[tilespmem:$0x1FD10] =	vst v60;
	v60 =	vand.u32 $0x1F8, v60;
	v2 =	vadd.f32 v1, v2  }
0x12e: {  	v34 =	vld [tilespmem:s26+$0x6800];
	v62 =	vmov s1;
	v11 =	vand.u32 $0x7, v11;
	v36 =	vadd.s32 v5, v4  }
0x12f: {  	v5 =	vand.u32 $0x3F8, v46;
	v58 =	vbroadcast v58, $0x0;
	v2 =	vadd.f32 v32, v2  }
0x130: {  	v35 =	vld [tilespmem:s26+$0x7000];
	v9 =	vor.u32 v9, v12;
	v10 =	vor.u32 v10, v13;
	v46 =	vand.u32 $0x7, v46  }
0x131: {  	v50 =	vadd.s32 v5, v4;
	v5 =	vand.u32 $0x3F8, v51;
	v2 =	vadd.f32 v33, v2  }
0x132: {  	s19 =	sadd.s32 $0xE, s28;
	v37 =	vld [tilespmem:s26+$0x7800];
	v11 =	vor.u32 v11, v16;
	v51 =	vand.u32 $0x7, v51;
	v54 =	vadd.s32 v5, v4  }
0x133: {  	v5 =	vmov s19;
	v3 =	vand.u32 $0x3F8, v19;
	v2 =	vadd.f32 v34, v2  }
0x134: {  	v38 =	vld [tilespmem:s26+$0x8000];
	v46 =	vor.u32 v46, v50;
	v25 =	vadd.s32 v3, v4;
	v3 =	vand.u32 $0x3F8, v24  }
0x135: {  	v47 =	vadd.s32 v3, v4;
	v3 =	vand.u32 $0x3F8, v45;
	v7 =	vadd.f32 v35, v2  }
0x136: {  	v18 =	vld [tilespmem:s26+$0x8800];
	v6 =	vand.u32 $0x3F8, v5;
	v48 =	vadd.s32 v3, v4;
	v3 =	vand.u32 $0x3F8, v49  }
0x137: {  	v53 =	vadd.s32 v3, v4;
	v3 =	vand.u32 $0x3F8, v52;
	v7 =	vadd.f32 v37, v7  }
0x138: {  	s20 =	sadd.s32 $0xF, s28;
	v41 =	vld [tilespmem:s26+$0x9000];
	v5 =	vand.u32 $0x7, v5;
	v55 =	vadd.s32 v3, v4;
	v3 =	vand.u32 $0x3F8, v8  }
0x139: {  	s21 =	sadd.s32 $0x10, s28;
	v56 =	vadd.s32 v3, v4;
	v3 =	vmov s20;
	v59 =	vadd.f32 v38, v7  }
0x13a: {  	v57 =	vadd.s32 v6, v4;
	v6 =	vand.u32 $0x3F8, v3;
	v2 =	vmov s21  }
0x13b: {  	v6 =	vadd.s32 v6, v4;
	v43 =	vand.u32 $0x3F8, v2;
	v59 =	vadd.f32 v18, v59  }
0x13c: {  	v7 =	vadd.s32 v43, v4;
	v43 =	vadd.s32 v44, v4;
	v44 =	vand.u32 $0x3F8, v42  }
0x13d: {  	v44 =	vadd.s32 v44, v4;
	v4 =	vadd.s32 v61, v58;
	v59 =	vadd.f32 v41, v59  }
0x13e: {  	s3 =	sadd.s32 $0x2, s31;
	[tilespmem:$0x1FD20] =	vst v62;
	v5 =	vor.u32 v5, v57;
	v58 =	vand.u32 $0x3F8, v62;
	v60 =	vadd.s32 v60, v4  }
0x13f: {  	s5 =	sadd.s32 $0x3, s31;
	v62 =	vmov s3;
	v58 =	vadd.s32 v58, v4;
	[tilespmem:$0x1FD30] =	vst v60;
	(erf) = vrcp.f32 v59  }
0x140: {  	v45 =	vand.u32 $0x7, v45;
	v63 =	vand.u32 $0x3F8, v62;
	[tilespmem:$0x1FD40] =	vst v58;
	v60 =	vmov s5  }
0x141: {  	v8 =	vand.u32 $0x7, v8;
	v58 =	vadd.s32 v63, v4;
	[tilespmem:$0x1FD60] =	vst v60;
	v60 =	vand.u32 $0x3F8, v60  }
0x142: {  	s7 =	sadd.s32 $0x5, s31;
	v45 =	vor.u32 v45, v48;
	v8 =	vor.u32 v8, v56;
	[tilespmem:$0x1FD50] =	vst v58;
	v13 =	vadd.s32 v60, v4  }
0x143: {  	s1 =	sadd.s32 $0x4, s31;
	v2 =	vand.u32 $0x7, v2;
	v63 =	vand.u32 $0x7, v14;
	[tilespmem:$0x1FD80] =	vst v13;
	v13 =	vmov s7  }
0x144: {  	v58 =	vor.u32 v63, v17;
	v59 =	vmov s1;
	[tilespmem:$0x1FDA0] =	vst v13;
	v13 =	vand.u32 $0x3F8, v13  }
0x145: {  	v60 =	vand.u32 $0x7, v19;
	v63 =	vand.u32 $0x3F8, v59;
	v13 =	vadd.s32 v13, v4  }
0x146: {  	s9 =	sadd.s32 $0x6, s31;
	v2 =	vor.u32 v2, v7;
	v60 =	vor.u32 v60, v25;
	[tilespmem:$0x1FD70] =	vst v59;
	v12 =	vadd.s32 v63, v4  }
0x147: {  	v59 =	vand.u32 $0x7, v15;
	v15 =	vand.u32 $0x7, v24;
	[tilespmem:$0x1FD90] =	vst v12;
	v12 =	vmov s9  }
0x148: {  	v59 =	vor.u32 v59, v21;
	v47 =	vor.u32 v15, v47;
	[tilespmem:$0x1FDB0] =	vst v13;
	v15 =	vand.u32 $0x3F8, v12;
	v13 =	vpop (erf)  }
0x149: {  	s20 =	sadd.s32 $0xC, s31;
	v63 =	vand.u32 $0x7, v22;
	v16 =	vmovc v12;
	v12 =	vadd.s32 v15, v4;
	v24 =	vmul.f32 v13, v20  }
0x14a: {  	s11 =	sadd.s32 $0x7, s31;
	v22 =	vmov s20;
	v36 =	vor.u32 v63, v36;
	[tilespmem:$0x1FDC0] =	vst v12;
	v0 =	vmul.f32 v13, v0  }
0x14b: {  	v63 =	vmov s11;
	v15 =	vand.u32 $0x7, v49;
	v14 =	vmul.f32 v13, v23;
	[tilespmem:v9+s23+$0x0] =	vst.idx.msk $0xffff, v24  }
0x14c: {  	v49 =	vor.u32 v51, v54;
	v54 =	vand.u32 $0x7, v52;
	[tilespmem:v10+s23+$0x0] =	vst.idx.msk $0xffff, v0;
	v0 =	vmul.f32 v13, v39  }
0x14d: {  	s15 =	sadd.s32 $0x9, s31;
	v48 =	vand.u32 $0x3F8, v63;
	v12 =	vor.u32 v54, v55;
	v54 =	vmul.f32 v13, v26;
	[tilespmem:v11+s23+$0x0] =	vst.idx.msk $0xffff, v14  }
0x14e: {  	s13 =	sadd.s32 $0x8, s31;
	v50 =	vadd.s32 v48, v4;
	v52 =	vmov s15;
	[tilespmem:v58+s23+$0x0] =	vst.idx.msk $0xffff, v0;
	v0 =	vmul.f32 v13, v28  }
0x14f: {  	v48 =	vor.u32 v15, v53;
	v53 =	vmov s13;
	v56 =	vmul.f32 v13, v27;
	[tilespmem:v59+s23+$0x0] =	vst.idx.msk $0xffff, v54  }
0x150: {  	s24 =	sadd.s32 $0xE, s31;
	v55 =	vand.u32 $0x3F8, v22;
	v21 =	vand.u32 $0x3F8, v53;
	[tilespmem:v60+s23+$0x0] =	vst.idx.msk $0xffff, v0;
	v0 =	vmul.f32 v13, v29  }
0x151: {  	s17 =	sadd.s32 $0xA, s31;
	v17 =	vadd.s32 v21, v4;
	v27 =	vmov s24;
	v59 =	vmul.f32 v13, v30;
	[tilespmem:v36+s23+$0x0] =	vst.idx.msk $0xffff, v56  }
0x152: {  	v21 =	vmov s17;
	v60 =	vmul.f32 v13, v31;
	[tilespmem:v47+s23+$0x0] =	vst.idx.msk $0xffff, v0;
	v0 =	vand.u32 $0x3F8, v27  }
0x153: {  	v25 =	vand.u32 $0x3F8, v21;
	[tilespmem:v45+s23+$0x0] =	vst.idx.msk $0xffff, v59;
	v30 =	vadd.s32 v0, v4;
	v0 =	vmul.f32 v13, v1  }
0x154: {  	s28 =	sadd.s32 $0xF, s31;
	v20 =	vand.u32 $0x3F8, v52;
	v1 =	vand.u32 $0x7, v3;
	v3 =	vmul.f32 v13, v32;
	[tilespmem:v46+s23+$0x0] =	vst.idx.msk $0xffff, v60  }
0x155: {  	s29 =	sadd.s32 $0x10, s31;
	v31 =	vmov s28;
	v1 =	vor.u32 v1, v6;
	v6 =	vmul.f32 v13, v33;
	[tilespmem:v48+s23+$0x0] =	vst.idx.msk $0xffff, v0  }
0x156: {  	v32 =	vmov s29;
	v0 =	vand.u32 $0x3F8, v31;
	[tilespmem:v49+s23+$0x0] =	vst.idx.msk $0xffff, v3;
	v3 =	vmul.f32 v13, v34  }
0x157: {  	s30 =	sadd.s32 $0x11, s31;
	v33 =	vadd.s32 v0, v4;
	v0 =	vand.u32 $0x3F8, v32;
	[tilespmem:v12+s23+$0x0] =	vst.idx.msk $0xffff, v6;
	v6 =	vmul.f32 v13, v35  }
0x158: {  	s19 =	sadd.s32 $0xB, s31;
	s21 =	sadd.s32 $0xD, s31;
	s31 =	sadd.s32 $0x12, s31;
	v35 =	vmov s30;
	v36 =	vadd.s32 v0, v4;
	v0 =	vmul.f32 v13, v37;
	[tilespmem:v8+s23+$0x0] =	vst.idx.msk $0xffff, v3  }
0x159: {  	v34 =	vmov s31;
	v3 =	vand.u32 $0x3F8, v35;
	[tilespmem:v5+s23+$0x0] =	vst.idx.msk $0xffff, v6;
	v5 =	vmul.f32 v13, v38  }
0x15a: {  	v37 =	vadd.s32 v3, v4;
	[tilespmem:v1+s23+$0x0] =	vst.idx.msk $0xffff, v0;
	v0 =	vand.u32 $0x3F8, v34;
	v1 =	vand.u32 $0x7, v40  }
0x15b: {  	v38 =	vadd.s32 v0, v4;
	v3 =	vor.u32 v1, v43;
	v0 =	vand.u32 $0x7, v42  }
0x15c: {  	v23 =	vmov s19;
	v26 =	vadd.s32 v55, v4;
	[tilespmem:v2+s23+$0x0] =	vst.idx.msk $0xffff, v5;
	v2 =	vor.u32 v0, v44  }
0x15d: {  	v20 =	vadd.s32 v20, v4;
	v24 =	vadd.s32 v25, v4;
	v28 =	vmov s21  }
0x15e: {  	v39 =	vand.u32 $0x3F8, v23;
	v58 =	vand.u32 $0x3F8, v28;
	v5 =	vmul.f32 v13, v18  }
0x15f: {  	s0 =	simm.s32 $0x2;
	s26 =	simm.s32 $0x20;
	s1 =	simm.s32 $0x10;
	[tilespmem:$0x1FDD0] =	vst v50;
	v25 =	vadd.s32 v39, v4;
	v29 =	vadd.s32 v58, v4;
	v4 =	vmul.f32 v13, v41  }
.LBB2_6:
0x160: {  	s1 =	sand.u32 $0x3FFFFF80, s1;
	[tilespmem:v3+s23+$0x0] =	vst.idx.msk $0xffff, v5  }
0x161: {  	s3 =	sand.u32 $0x70, s26;
	v0 =	vmov v36;
	s29 =	smov.u32 s0;
	s30 =	sor.u32 s25, s1;
	[tilespmem:v2+s23+$0x0] =	vst.idx.msk $0xffff, v4  }
0x162: {  	[tilespmem:$0x1FC50] =	vst v0;
	v0 =	vmov s3;
	s21 =	sshrl.u32 s29, $0x3;
	v40 =	vld [tilespmem:s30+$0x0]  }
0x163: {  	s25 =	smov.u32 s3;
	v0 =	vmul.u32 $0x138, v0;
	s3 =	smul.u32 $0x13, s21;
	v42 =	vld [tilespmem:s30+$0x800];
	_ =	sdelay $0x1  }
0x164: {  	s28 =	sadd.s32 $0x1, s0;
	p0 =	sne.s32 s0, $0x7F;
	v1 =	vmov v38;
	v41 =	vld [tilespmem:s30+$0x1000];
	v0 =	vbroadcast v0, $0x0;
	v47 =	vmov s3;
	s0 =	sadd.s32 $0x1, s3  }
0x165: {  	v9 =	vmov v30;
	[tilespmem:$0x1FC90] =	vst v1;
	s24 =	sadd.s32 $0x2, s3;
	s5 =	sadd.s32 $0x3, s3;
	v1 =	vand.u32 $0x1F8, v47;
	v48 =	vmov s0  }
0x166: {  	v3 =	vmovc v37;
	[tilespmem:$0x1FC10] =	vst v9;
	v43 =	vld [tilespmem:s30+$0x1800];
	v51 =	vmov s24;
	v9 =	vmov s5;
	v38 =	vadd.s32 v61, v0  }
0x167: {  	[tilespmem:$0x1FC70] =	vst v3;
	s7 =	sadd.s32 $0x5, s3;
	v0 =	vand.u32 $0x3F8, v48;
	v3 =	vadd.s32 v1, v38;
	v1 =	vadd.f32 v42, v40  }
0x168: {  	v8 =	vmovc v31;
	v39 =	vmovc v53;
	v44 =	vld [tilespmem:s30+$0x2000];
	v53 =	vmov s7;
	v4 =	vadd.s32 v0, v38;
	v0 =	vand.u32 $0x3F8, v51  }
0x169: {  	v6 =	vmovc v33;
	[tilespmem:$0x1FC20] =	vst v8;
	v8 =	vadd.s32 v0, v38;
	v0 =	vand.u32 $0x3F8, v9;
	v1 =	vadd.f32 v41, v1  }
0x16a: {  	[tilespmem:$0x1FC30] =	vst v6;
	v45 =	vld [tilespmem:s30+$0x2800];
	s9 =	sadd.s32 $0x6, s3;
	v6 =	vadd.s32 v0, v38;
	v0 =	vand.u32 $0x3F8, v53  }
0x16b: {  	v19 =	vmovc v52;
	v52 =	vmov s9;
	v0 =	vadd.s32 v0, v38;
	v1 =	vadd.f32 v43, v1  }
0x16c: {  	v7 =	vmov v32;
	v46 =	vld [tilespmem:s30+$0x3000];
	s11 =	sadd.s32 $0x7, s3;
	[tilespmem:$0x1FCA0] =	vst v0;
	v0 =	vand.u32 $0x3F8, v52  }
0x16d: {  	[tilespmem:$0x1FC40] =	vst v7;
	s31 =	sadd.s32 $0x4, s3;
	s13 =	sadd.s32 $0x8, s3;
	v57 =	vmov s11;
	v0 =	vadd.s32 v0, v38;
	v1 =	vadd.f32 v44, v1  }
0x16e: {  	v2 =	vmovc v34;
	v49 =	vld [tilespmem:s30+$0x3800];
	v50 =	vmov s31;
	v60 =	vmov s13;
	[tilespmem:$0x1FCB0] =	vst v0;
	v0 =	vand.u32 $0x3F8, v57  }
0x16f: {  	[tilespmem:$0x1FC80] =	vst v2;
	s15 =	sadd.s32 $0x9, s3;
	v2 =	vand.u32 $0x3F8, v50;
	v0 =	vadd.s32 v0, v38;
	v1 =	vadd.f32 v45, v1  }
0x170: {  	v5 =	vmovc v35;
	v56 =	vmov s15;
	v7 =	vadd.s32 v2, v38;
	v2 =	vld [tilespmem:s30+$0x4000];
	[tilespmem:$0x1FCC0] =	vst v0;
	v0 =	vand.u32 $0x3F8, v60  }
0x171: {  	[tilespmem:$0x1FC60] =	vst v5;
	v5 =	vand.u32 $0x3F8, v56;
	v0 =	vadd.s32 v0, v38;
	v59 =	vadd.f32 v46, v1  }
0x172: {  	[tilespmem:$0x1FCD0] =	vst v0;
	v0 =	vadd.s32 v5, v38;
	v5 =	vld [tilespmem:s30+$0x4800]  }
0x173: {  	v10 =	vmov v29;
	v29 =	vadd.f32 v49, v59  }
0x174: {  	v13 =	vmov v26;
	[tilespmem:$0x1FBF0] =	vst v10;
	v10 =	vld [tilespmem:s30+$0x5000]  }
0x175: {  	v11 =	vmov v27;
	[tilespmem:$0x1FBD0] =	vst v13;
	s17 =	sadd.s32 $0xA, s3;
	v13 =	vadd.f32 v2, v29  }
0x176: {  	v12 =	vmov v28;
	[tilespmem:$0x1FC00] =	vst v11;
	v11 =	vld [tilespmem:s30+$0x5800];
	s19 =	sadd.s32 $0xB, s3;
	s5 =	sadd.s32 $0x10, s3;
	v58 =	vmov s17  }
0x177: {  	[tilespmem:$0x1FBE0] =	vst v12;
	v61 =	vmov s19;
	v32 =	vmov s5;
	v37 =	vadd.f32 v5, v13  }
0x178: {  	v54 =	vld [tilespmem:s30+$0x6000];
	v12 =	vand.u32 $0x3F8, v61;
	v55 =	vand.u32 $0x3F8, v32;
	[tilespmem:$0x1FCE0] =	vst v0;
	v0 =	vand.u32 $0x3F8, v58  }
0x179: {  	v36 =	vadd.s32 v55, v38;
	v0 =	vadd.s32 v0, v38;
	v55 =	vadd.f32 v10, v37  }
0x17a: {  	s21 =	sadd.s32 $0xD, s3;
	[tilespmem:$0x1FCF0] =	vst v0;
	v0 =	vadd.s32 v12, v38;
	v12 =	vld [tilespmem:s30+$0x6800]  }
0x17b: {  	s1 =	sadd.s32 $0x11, s3;
	s24 =	sadd.s32 $0xE, s3;
	v28 =	vmov s21;
	v55 =	vadd.f32 v11, v55  }
0x17c: {  	s31 =	sadd.s32 $0x12, s3;
	v35 =	vmov s1;
	v27 =	vmov s24;
	v30 =	vand.u32 $0x3F8, v28;
	[tilespmem:$0x1FD00] =	vst v0;
	v0 =	vld [tilespmem:s30+$0x7000]  }
0x17d: {  	s0 =	sadd.s32 $0xF, s3;
	v34 =	vmov s31;
	v31 =	vand.u32 $0x3F8, v27;
	v55 =	vadd.f32 v54, v55  }
0x17e: {  	s20 =	sadd.s32 $0xC, s3;
	v29 =	vadd.s32 v30, v38;
	v30 =	vadd.s32 v31, v38;
	v31 =	vmov s0;
	v13 =	vld [tilespmem:s30+$0x7800]  }
0x17f: {  	v1 =	vmov s20;
	v14 =	vand.u32 $0x3F8, v31;
	v55 =	vadd.f32 v12, v55  }
0x180: {  	v18 =	vld [tilespmem:s30+$0x8000];
	v26 =	vand.u32 $0x3F8, v1;
	v59 =	vand.u32 $0x3F8, v35;
	v33 =	vadd.s32 v14, v38  }
0x181: {  	v37 =	vadd.s32 v59, v38;
	v59 =	vand.u32 $0x3F8, v34;
	v14 =	vadd.f32 v0, v55  }
0x182: {  	v26 =	vadd.s32 v26, v38;
	v38 =	vadd.s32 v59, v38;
	v59 =	vld [tilespmem:s30+$0x8800]  }
0x183: {  	v15 =	vmov v62;
	v62 =	vadd.f32 v13, v14  }
0x184: {  	v55 =	vld [tilespmem:s30+$0x9000]  }
0x185: {  	v62 =	vadd.f32 v18, v62  }
0x186: {  	v14 =	vld [tilespmem:$0x1FD10]  }
0x187: {  	v62 =	vadd.f32 v59, v62;
	_ =	sdelay $0x1  }
0x188: {  	v62 =	vadd.f32 v55, v62;
	_ =	sdelay $0x1  }
0x189: {  	(erf) = vrcp.f32 v62;
	v62 =	vand.u32 $0x7, v14;
	v14 =	vmov v47;
	v47 =	vld [tilespmem:$0x1FD30];
	_ =	sdelay $0x4  }
0x18a: {  	v47 =	vor.u32 v62, v47;
	v62 =	vld [tilespmem:$0x1FD20];
	_ =	sdelay $0x2  }
0x18b: {  	[tilespmem:$0x1FD10] =	vst v14;
	v14 =	vmov v48;
	v48 =	vmov v3;
	v3 =	vld [tilespmem:$0x1FD40];
	_ =	sdelay $0x1  }
0x18c: {  	v62 =	vand.u32 $0x7, v62;
	_ =	sdelay $0x2  }
0x18d: {  	[tilespmem:$0x1FD30] =	vst v48;
	v3 =	vor.u32 v62, v3;
	v62 =	vmov v51;
	v51 =	vmov v4;
	v4 =	vld [tilespmem:$0x1FD50]  }
0x18e: {  	[tilespmem:$0x1FD40] =	vst v51;
	v51 =	vld [tilespmem:$0x1FD60]  }
0x18f: {  	v48 =	vand.u32 $0x7, v15;
	[tilespmem:$0x1FD20] =	vst v14;
	v14 =	vld [tilespmem:$0x1FD80];
	_ =	sdelay $0x2  }
0x190: {  	v4 =	vor.u32 v48, v4;
	v48 =	vmov v8  }
0x191: {  	v15 =	vand.u32 $0x7, v51;
	[tilespmem:$0x1FD50] =	vst v48;
	v48 =	vld [tilespmem:$0x1FD70]  }
0x192: {  	v8 =	vor.u32 v15, v14;
	v15 =	vld [tilespmem:$0x1FD90];
	_ =	sdelay $0x3  }
0x193: {  	v51 =	vmov v9;
	v9 =	vand.u32 $0x7, v48  }
0x194: {  	[tilespmem:$0x1FD60] =	vst v51;
	v51 =	vld [tilespmem:$0x1FDA0];
	v9 =	vor.u32 v9, v15;
	v15 =	vmov v50  }
0x195: {  	[tilespmem:$0x1FD70] =	vst v15;
	v15 =	vld [tilespmem:$0x1FDB0];
	_ =	sdelay $0x3  }
0x196: {  	v14 =	vand.u32 $0x7, v51  }
0x197: {  	v48 =	vpop (erf);
	v14 =	vor.u32 v14, v15;
	v15 =	vmov v6;
	v6 =	vmov v7;
	v7 =	vld [tilespmem:$0x1FDC0]  }
0x198: {  	v40 =	vmul.f32 v48, v40;
	[tilespmem:$0x1FD80] =	vst v15;
	v15 =	vld [tilespmem:$0x1FDD0]  }
0x199: {  	v42 =	vmul.f32 v48, v42  }
0x19a: {  	[tilespmem:v47+s23+$0x0] =	vst.idx.msk $0xffff, v40  }
0x19b: {  	v16 =	vand.u32 $0x7, v16;
	v41 =	vmul.f32 v48, v41;
	[tilespmem:v3+s23+$0x0] =	vst.idx.msk $0xffff, v42  }
0x19c: {  	[tilespmem:$0x1FD90] =	vst v6;
	v6 =	vmul.f32 v48, v43;
	v7 =	vor.u32 v16, v7;
	v16 =	vand.u32 $0x7, v63  }
0x19d: {  	v3 =	vmul.f32 v48, v44;
	[tilespmem:v4+s23+$0x0] =	vst.idx.msk $0xffff, v41;
	v16 =	vor.u32 v16, v15;
	v15 =	vand.u32 $0x7, v39  }
0x19e: {  	v4 =	vmul.f32 v48, v45;
	[tilespmem:v8+s23+$0x0] =	vst.idx.msk $0xffff, v6;
	v15 =	vor.u32 v15, v17;
	v17 =	vand.u32 $0x7, v19  }
0x19f: {  	v6 =	vmul.f32 v48, v46;
	[tilespmem:v9+s23+$0x0] =	vst.idx.msk $0xffff, v3;
	v40 =	vor.u32 v17, v20;
	v17 =	vand.u32 $0x7, v21  }
0x1a0: {  	v3 =	vmul.f32 v48, v49;
	[tilespmem:v14+s23+$0x0] =	vst.idx.msk $0xffff, v4;
	v41 =	vor.u32 v17, v24  }
0x1a1: {  	v2 =	vmul.f32 v48, v2;
	v47 =	vld [tilespmem:$0x1FC30];
	[tilespmem:v7+s23+$0x0] =	vst.idx.msk $0xffff, v6  }
0x1a2: {  	v5 =	vmul.f32 v48, v5;
	v46 =	vld [tilespmem:$0x1FC20];
	[tilespmem:v16+s23+$0x0] =	vst.idx.msk $0xffff, v3  }
0x1a3: {  	v49 =	vld [tilespmem:$0x1FC40];
	v3 =	vmul.f32 v48, v10;
	[tilespmem:v15+s23+$0x0] =	vst.idx.msk $0xffff, v2  }
0x1a4: {  	v6 =	vld [tilespmem:$0x1FBD0];
	[tilespmem:v40+s23+$0x0] =	vst.idx.msk $0xffff, v5  }
0x1a5: {  	v17 =	vand.u32 $0x7, v23;
	[tilespmem:v41+s23+$0x0] =	vst.idx.msk $0xffff, v3;
	v3 =	vld [tilespmem:$0x1FC50]  }
0x1a6: {  	v4 =	vor.u32 v17, v25;
	v7 =	vld [tilespmem:$0x1FBE0]  }
0x1a7: {  	v43 =	vld [tilespmem:$0x1FBF0]  }
0x1a8: {  	v2 =	vmul.f32 v48, v11;
	v11 =	vand.u32 $0x7, v46  }
0x1a9: {  	v42 =	vand.u32 $0x7, v22;
	v8 =	vor.u32 v11, v47;
	v11 =	vand.u32 $0x7, v49  }
0x1aa: {  	v6 =	vor.u32 v42, v6;
	v11 =	vor.u32 v11, v3;
	v3 =	vld [tilespmem:$0x1FC60]  }
0x1ab: {  	v7 =	vand.u32 $0x7, v7;
	[tilespmem:v4+s23+$0x0] =	vst.idx.msk $0xffff, v2;
	v2 =	vld [tilespmem:$0x1FC70]  }
0x1ac: {  	v7 =	vor.u32 v7, v43  }
0x1ad: {  	v5 =	vmul.f32 v48, v54;
	_ =	sdelay $0x1  }
0x1ae: {  	v50 =	vmul.f32 v48, v12;
	[tilespmem:v6+s23+$0x0] =	vst.idx.msk $0xffff, v5;
	v5 =	vld [tilespmem:$0x1FC90];
	v3 =	vand.u32 $0x7, v3  }
0x1af: {  	v3 =	vor.u32 v3, v2;
	v2 =	vld [tilespmem:$0x1FC80]  }
0x1b0: {  	[tilespmem:v7+s23+$0x0] =	vst.idx.msk $0xffff, v50;
	v7 =	vld [tilespmem:$0x1FCA0];
	_ =	sdelay $0x3  }
0x1b1: {  	v2 =	vand.u32 $0x7, v2  }
0x1b2: {  	v2 =	vor.u32 v2, v5;
	v5 =	vmov v7;
	v7 =	vld [tilespmem:$0x1FCB0];
	_ =	sdelay $0x4  }
0x1b3: {  	[tilespmem:$0x1FDB0] =	vst v5;
	v5 =	vmul.f32 v48, v59;
	v59 =	vmov v7;
	v7 =	vld [tilespmem:$0x1FCC0];
	_ =	sdelay $0x4  }
0x1b4: {  	v51 =	vmul.f32 v48, v0;
	v0 =	vmov v7  }
0x1b5: {  	[tilespmem:$0x1FDD0] =	vst v0;
	v0 =	vld [tilespmem:$0x1FCD0];
	_ =	sdelay $0x4  }
0x1b6: {  	v17 =	vmov v0;
	v0 =	vld [tilespmem:$0x1FCE0]  }
0x1b7: {  	v44 =	vld [tilespmem:$0x1FC00]  }
0x1b8: {  	v45 =	vld [tilespmem:$0x1FC10];
	_ =	sdelay $0x2  }
0x1b9: {  	v20 =	vmov v0;
	v0 =	vld [tilespmem:$0x1FCF0]  }
0x1ba: {  	v10 =	vand.u32 $0x7, v44  }
0x1bb: {  	v10 =	vor.u32 v10, v45;
	_ =	sdelay $0x2  }
0x1bc: {  	v54 =	vmov v53;
	v24 =	vmov v0;
	v0 =	vld [tilespmem:$0x1FD00]  }
.Ltmp2:
0x1bd: {  	[tilespmem:$0x1FDA0] =	vst v54;
	v4 =	vmul.f32 v48, v13;
	(pc) =	sbr.rel @p0 .LBB2_6-.Ltmp2, $4  }
0x1be: {  	v6 =	vmul.f32 v48, v18;
	[tilespmem:v10+s23+$0x0] =	vst.idx.msk $0xffff, v51  }
0x1bf: {  	[tilespmem:v8+s23+$0x0] =	vst.idx.msk $0xffff, v4  }
0x1c0: {  	v22 =	vmovc v1;
	v63 =	vmov v57;
	v21 =	vmov v58;
	v23 =	vmov v61;
	[tilespmem:v11+s23+$0x0] =	vst.idx.msk $0xffff, v6  }
0x1c1: {  	s26 =	sadd.s32 $0x10, s26;
	s1 =	sshll.u32 s29, $0x4;
	s0 =	smov.u32 s28;
	v61 =	vld [tilespmem:$0x1FFF0];
	v16 =	vmovc v52;
	v52 =	vmovc v56;
	v53 =	vmov v60;
	v4 =	vmul.f32 v48, v55;
	[tilespmem:$0x1FDC0] =	vst v59;
	v25 =	vmov v0  }
0x1c2: {  	_ =	sdelay $0x3  }
0x1c3: {  	s0 =	sand.u32 $0x3FFFFF80, s1;
	[tilespmem:v3+s23+$0x0] =	vst.idx.msk $0xffff, v5  }
0x1c4: {  	s0 =	sor.u32 s25, s0;
	[tilespmem:v2+s23+$0x0] =	vst.idx.msk $0xffff, v4  }
0x1c5: {  	v0 =	vld [tilespmem:s0+$0x0]  }
0x1c6: {  	v1 =	vld [tilespmem:s0+$0x800];
	_ =	sdelay $0x1  }
0x1c7: {  	v2 =	vld [tilespmem:s0+$0x1000];
	_ =	sdelay $0x1  }
0x1c8: {  	v3 =	vld [tilespmem:s0+$0x1800]  }
0x1c9: {  	v44 =	vadd.f32 v1, v0  }
0x1ca: {  	v5 =	vld [tilespmem:s0+$0x2000]  }
0x1cb: {  	v4 =	vadd.f32 v2, v44  }
0x1cc: {  	v6 =	vld [tilespmem:s0+$0x2800]  }
0x1cd: {  	v4 =	vadd.f32 v3, v4  }
0x1ce: {  	v7 =	vld [tilespmem:s0+$0x3000]  }
0x1cf: {  	v4 =	vadd.f32 v5, v4  }
0x1d0: {  	v8 =	vld [tilespmem:s0+$0x3800]  }
0x1d1: {  	v4 =	vadd.f32 v6, v4  }
0x1d2: {  	v9 =	vld [tilespmem:s0+$0x4000]  }
0x1d3: {  	v4 =	vadd.f32 v7, v4  }
0x1d4: {  	v10 =	vld [tilespmem:s0+$0x4800]  }
0x1d5: {  	v4 =	vadd.f32 v8, v4  }
0x1d6: {  	v11 =	vld [tilespmem:s0+$0x5000]  }
0x1d7: {  	v4 =	vadd.f32 v9, v4  }
0x1d8: {  	v12 =	vld [tilespmem:s0+$0x5800]  }
0x1d9: {  	v4 =	vadd.f32 v10, v4  }
0x1da: {  	v13 =	vld [tilespmem:s0+$0x6000]  }
0x1db: {  	v4 =	vadd.f32 v11, v4  }
0x1dc: {  	v18 =	vld [tilespmem:s0+$0x6800]  }
0x1dd: {  	v4 =	vadd.f32 v12, v4  }
0x1de: {  	v40 =	vld [tilespmem:s0+$0x7000]  }
0x1df: {  	v4 =	vadd.f32 v13, v4  }
0x1e0: {  	v41 =	vld [tilespmem:s0+$0x7800]  }
0x1e1: {  	v4 =	vadd.f32 v18, v4  }
0x1e2: {  	v42 =	vld [tilespmem:s0+$0x8000]  }
0x1e3: {  	v4 =	vadd.f32 v40, v4  }
0x1e4: {  	v43 =	vld [tilespmem:s0+$0x8800]  }
0x1e5: {  	v4 =	vadd.f32 v41, v4  }
0x1e6: {  	v44 =	vld [tilespmem:s0+$0x9000]  }
0x1e7: {  	v4 =	vadd.f32 v42, v4;
	_ =	sdelay $0x1  }
0x1e8: {  	v4 =	vadd.f32 v43, v4  }
0x1e9: {  	v45 =	vld [tilespmem:$0x1FD10]  }
0x1ea: {  	v14 =	vld [tilespmem:$0x1FD30];
	v4 =	vadd.f32 v44, v4  }
0x1eb: {  	v46 =	vld [tilespmem:$0x1FD20]  }
0x1ec: {  	v47 =	vld [tilespmem:$0x1FD40];
	(erf) = vrcp.f32 v4  }
0x1ed: {  	v48 =	vld [tilespmem:$0x1FD50]  }
0x1ee: {  	v49 =	vld [tilespmem:$0x1FD60]  }
0x1ef: {  	v50 =	vld [tilespmem:$0x1FD80]  }
0x1f0: {  	v51 =	vld [tilespmem:$0x1FD70]  }
0x1f1: {  	v54 =	vld [tilespmem:$0x1FDA0]  }
0x1f2: {  	v15 =	vld [tilespmem:$0x1FD90];
	v4 =	vand.u32 $0x7, v45  }
0x1f3: {  	v55 =	vld [tilespmem:$0x1FDB0];
	v45 =	vand.u32 $0x7, v46;
	v4 =	vor.u32 v4, v14  }
0x1f4: {  	v57 =	vld [tilespmem:$0x1FDC0];
	v46 =	vand.u32 $0x7, v62;
	v45 =	vor.u32 v45, v47  }
0x1f5: {  	v60 =	vld [tilespmem:$0x1FDD0];
	v46 =	vor.u32 v46, v48;
	v47 =	vand.u32 $0x7, v49;
	v48 =	vpop (erf)  }
0x1f6: {  	v49 =	vand.u32 $0x7, v51;
	v47 =	vor.u32 v47, v50;
	v0 =	vmul.f32 v48, v0  }
0x1f7: {  	v14 =	vand.u32 $0x7, v54;
	v49 =	vor.u32 v49, v15;
	v1 =	vmul.f32 v48, v1  }
0x1f8: {  	v16 =	vand.u32 $0x7, v16;
	v14 =	vor.u32 v14, v55;
	v2 =	vmul.f32 v48, v2;
	[tilespmem:v4+s23+$0x0] =	vst.idx.msk $0xffff, v0  }
0x1f9: {  	v58 =	vand.u32 $0x7, v63;
	v56 =	vmul.f32 v48, v3;
	v3 =	vor.u32 v16, v57;
	[tilespmem:v45+s23+$0x0] =	vst.idx.msk $0xffff, v1  }
0x1fa: {  	v62 =	vand.u32 $0x7, v53;
	v59 =	vmul.f32 v48, v5;
	v4 =	vor.u32 v58, v60;
	[tilespmem:v46+s23+$0x0] =	vst.idx.msk $0xffff, v2  }
0x1fb: {  	v15 =	vand.u32 $0x7, v52;
	v63 =	vmul.f32 v48, v6;
	v5 =	vor.u32 v62, v17;
	[tilespmem:v47+s23+$0x0] =	vst.idx.msk $0xffff, v56  }
0x1fc: {  	v16 =	vmul.f32 v48, v7;
	v6 =	vor.u32 v15, v20;
	v17 =	vand.u32 $0x7, v21;
	[tilespmem:v49+s23+$0x0] =	vst.idx.msk $0xffff, v59  }
0x1fd: {  	v19 =	vmul.f32 v48, v8;
	v20 =	vand.u32 $0x7, v23;
	v7 =	vor.u32 v17, v24;
	[tilespmem:v14+s23+$0x0] =	vst.idx.msk $0xffff, v63  }
0x1fe: {  	v21 =	vmul.f32 v48, v9;
	v23 =	vand.u32 $0x7, v22;
	v8 =	vor.u32 v20, v25;
	[tilespmem:v3+s23+$0x0] =	vst.idx.msk $0xffff, v16  }
0x1ff: {  	v24 =	vmul.f32 v48, v10;
	v25 =	vor.u32 v23, v26;
	v26 =	vand.u32 $0x7, v28;
	[tilespmem:v4+s23+$0x0] =	vst.idx.msk $0xffff, v19  }
0x200: {  	v39 =	vand.u32 $0x7, v27;
	v28 =	vmul.f32 v48, v11;
	v29 =	vor.u32 v26, v29;
	[tilespmem:v5+s23+$0x0] =	vst.idx.msk $0xffff, v21  }
0x201: {  	v45 =	vmul.f32 v48, v12;
	v46 =	vor.u32 v39, v30;
	v47 =	vand.u32 $0x7, v31;
	[tilespmem:v6+s23+$0x0] =	vst.idx.msk $0xffff, v24  }
0x202: {  	v51 =	vand.u32 $0x7, v32;
	v49 =	vmul.f32 v48, v13;
	v50 =	vor.u32 v47, v33;
	[tilespmem:v7+s23+$0x0] =	vst.idx.msk $0xffff, v28  }
0x203: {  	v54 =	vand.u32 $0x7, v35;
	v53 =	vor.u32 v51, v36;
	v52 =	vmul.f32 v48, v18;
	[tilespmem:v8+s23+$0x0] =	vst.idx.msk $0xffff, v45  }
0x204: {  	v55 =	vmul.f32 v48, v40;
	v57 =	vand.u32 $0x7, v34;
	v56 =	vor.u32 v54, v37;
	[tilespmem:v25+s23+$0x0] =	vst.idx.msk $0xffff, v49  }
0x205: {  	v58 =	vmul.f32 v48, v41;
	v59 =	vor.u32 v57, v38;
	[tilespmem:v29+s23+$0x0] =	vst.idx.msk $0xffff, v52  }
0x206: {  	v60 =	vmul.f32 v48, v42;
	[tilespmem:v46+s23+$0x0] =	vst.idx.msk $0xffff, v55  }
0x207: {  	v62 =	vmul.f32 v48, v43;
	[tilespmem:v50+s23+$0x0] =	vst.idx.msk $0xffff, v58  }
0x208: {  	v63 =	vmul.f32 v48, v44;
	[tilespmem:v53+s23+$0x0] =	vst.idx.msk $0xffff, v60  }
0x209: {  	s1 =	simm.s32 $0x130;
	[tilespmem:v56+s23+$0x0] =	vst.idx.msk $0xffff, v62  }
0x20a: {  	s5 =	simm.s32 $0x9938;
	s25 =	sadd.s32 $0x0, s6;
	s0 =	simm.s32 $0x9800;
	[tilespmem:v59+s23+$0x0] =	vst.idx.msk $0xffff, v63  }
.LBB2_8:
0x20b: {  	[hbm4b:s25+s2] =	stream.linear.scatter [tilespmem:s0], [sflag:$0x1], $0x130, $0x38;
	[tilespmem:$0x13400] =	vst v63  }
0x20c: {  	s3 =	smov.u32 s1;
	s0 =	smov.u32 s5;
	p0 =	sne.s32 s1, $0x96D0  }
.Ltmp3:
0x20d: {  	s1 =	sadd.s32 $0x130, s1;
	(pc) =	sbr.rel @p0 .LBB2_8-.Ltmp3, $2  }
0x20e: {  	_ =	sdelay $0x2  }
0x20f: {  	s5 =	sadd.s32 $0x138, s5;
	s25 =	sadd.s32 s3, s6  }
0x210: {  	[hbm4b:s25+s2] =	stream.linear.scatter [tilespmem:s0], [sflag:$0x1], $0x130, $0x38;
	[tilespmem:$0x13400] =	vst v63  }
0x211: {  	_ =	swait.ge [sflag:s22], $0x9800  }
0x212: {  	s25 =	simm.s32 $0x0;
	s3 =	simm.s32 $0x800;
	[sflag:s22] =	ssyncset.done $0x0  }
0x213: {  	s5 =	simm.s32 $0x4000;
	s1 =	rddreg [dreg:$0x5];
	[sflag:s22] =	ssyncadd.s32 $0xFFFF6800  }
0x214: {  	[tilespmem:s25], [sflag:$0x1] =	stream.strided.gather [hbm4b:s1+s3], $0x9800, s5, s3, $0x38;
	[tilespmem:$0x13400] =	vst v63  }
0x215: {  	s26 =	simm.s32 $0x0;
	_ =	swait.ge [sflag:s22], $0x9800  }
0x216: {  	s0 =	sand.u32 $0x70, s25;
	s1 =	sand.u32 $0x3FFFFF80, s26;
	[sflag:s22] =	ssyncset.done $0x0  }
0x217: {  	s26 =	sor.u32 s0, s1;
	[sflag:s22] =	ssyncadd.s32 $0xFFFF6800  }
0x218: {  	v20 =	vld [tilespmem:s26+$0x0]  }
0x219: {  	v0 =	vld [tilespmem:s26+$0x800];
	_ =	sdelay $0x1  }
0x21a: {  	v23 =	vld [tilespmem:s26+$0x1000];
	_ =	sdelay $0x1  }
0x21b: {  	v39 =	vld [tilespmem:s26+$0x1800]  }
0x21c: {  	v1 =	vadd.f32 v0, v20  }
0x21d: {  	s28 =	simm.s32 $0x0;
	v26 =	vld [tilespmem:s26+$0x2000]  }
0x21e: {  	s28 =	smul.u32 $0x13, s28;
	v1 =	vadd.f32 v23, v1  }
0x21f: {  	v2 =	vmov s0;
	v28 =	vld [tilespmem:s26+$0x2800]  }
0x220: {  	v2 =	vmul.u32 $0x138, v2;
	v9 =	vmov s28;
	s29 =	sadd.s32 $0x2, s28;
	s30 =	sadd.s32 $0x3, s28;
	v1 =	vadd.f32 v39, v1  }
0x221: {  	s31 =	sadd.s32 $0x4, s28;
	s7 =	sadd.s32 $0x8, s28;
	v3 =	vand.u32 $0x1F8, v9;
	v11 =	vmov s29;
	v14 =	vmov s30;
	v27 =	vld [tilespmem:s26+$0x3000]  }
0x222: {  	s9 =	sadd.s32 $0x9, s28;
	s11 =	sadd.s32 $0xA, s28;
	s13 =	sadd.s32 $0xB, s28;
	v15 =	vmov s31;
	v45 =	vmov s7;
	v1 =	vadd.f32 v26, v1  }
0x223: {  	s15 =	sadd.s32 $0xC, s28;
	v46 =	vmov s9;
	v49 =	vmov s11;
	v51 =	vmov s13;
	v29 =	vld [tilespmem:s26+$0x3800]  }
0x224: {  	s17 =	sadd.s32 $0xD, s28;
	s24 =	sadd.s32 $0x11, s28;
	v52 =	vmov s15;
	v2 =	vbroadcast v2, $0x0;
	v1 =	vadd.f32 v28, v1  }
0x225: {  	v8 =	vmov s17;
	v40 =	vmov s24;
	v9 =	vand.u32 $0x7, v9;
	s0 =	sadd.s32 $0x1, s28;
	v30 =	vld [tilespmem:s26+$0x4000]  }
0x226: {  	v10 =	vmov s0;
	v4 =	vadd.s32 v61, v2;
	v1 =	vadd.f32 v27, v1  }
0x227: {  	v5 =	vand.u32 $0x3F8, v15;
	v2 =	vand.u32 $0x3F8, v10;
	v12 =	vadd.s32 v3, v4;
	v31 =	vld [tilespmem:s26+$0x4800]  }
0x228: {  	s3 =	sadd.s32 $0x6, s28;
	v13 =	vadd.s32 v2, v4;
	v2 =	vand.u32 $0x3F8, v11;
	v3 =	vadd.f32 v29, v1  }
0x229: {  	s5 =	sadd.s32 $0x7, s28;
	s25 =	simm.s32 $0x10;
	v22 =	vmov s3;
	v16 =	vadd.s32 v2, v4;
	v2 =	vand.u32 $0x3F8, v14;
	v1 =	vld [tilespmem:s26+$0x5000]  }
0x22a: {  	s29 =	sadd.s32 $0x12, s28;
	s30 =	simm.s32 $0x0;
	v24 =	vmov s5;
	s25 =	sand.u32 $0x70, s25;
	v17 =	vadd.s32 v2, v4;
	v2 =	vadd.f32 v30, v3  }
0x22b: {  	s1 =	sadd.s32 $0x5, s28;
	v44 =	vand.u32 $0x3F8, v40;
	v42 =	vmov s29;
	s31 =	smul.u32 $0x13, s30;
	v58 =	vmov s25;
	v32 =	vld [tilespmem:s26+$0x5800]  }
0x22c: {  	v19 =	vmov s1;
	v58 =	vmul.u32 $0x138, v58;
	v2 =	vadd.f32 v31, v2  }
0x22d: {  	v60 =	vmov s31;
	v10 =	vand.u32 $0x7, v10;
	v21 =	vadd.s32 v5, v4;
	v33 =	vld [tilespmem:s26+$0x6000]  }
0x22e: {  	s1 =	sadd.s32 $0x1, s31;
	v5 =	vand.u32 $0x3F8, v22;
	[tilespmem:$0x1FB00] =	vst v60;
	v60 =	vand.u32 $0x1F8, v60;
	v2 =	vadd.f32 v1, v2  }
0x22f: {  	v34 =	vld [tilespmem:s26+$0x6800];
	v62 =	vmov s1;
	v11 =	vand.u32 $0x7, v11;
	v36 =	vadd.s32 v5, v4  }
0x230: {  	v5 =	vand.u32 $0x3F8, v46;
	v58 =	vbroadcast v58, $0x0;
	v2 =	vadd.f32 v32, v2  }
0x231: {  	v35 =	vld [tilespmem:s26+$0x7000];
	v9 =	vor.u32 v9, v12;
	v10 =	vor.u32 v10, v13;
	v46 =	vand.u32 $0x7, v46  }
0x232: {  	v50 =	vadd.s32 v5, v4;
	v5 =	vand.u32 $0x3F8, v51;
	v2 =	vadd.f32 v33, v2  }
0x233: {  	s19 =	sadd.s32 $0xE, s28;
	v37 =	vld [tilespmem:s26+$0x7800];
	v11 =	vor.u32 v11, v16;
	v51 =	vand.u32 $0x7, v51;
	v54 =	vadd.s32 v5, v4  }
0x234: {  	v5 =	vmov s19;
	v3 =	vand.u32 $0x3F8, v19;
	v2 =	vadd.f32 v34, v2  }
0x235: {  	v38 =	vld [tilespmem:s26+$0x8000];
	v46 =	vor.u32 v46, v50;
	v25 =	vadd.s32 v3, v4;
	v3 =	vand.u32 $0x3F8, v24  }
0x236: {  	v47 =	vadd.s32 v3, v4;
	v3 =	vand.u32 $0x3F8, v45;
	v7 =	vadd.f32 v35, v2  }
0x237: {  	v18 =	vld [tilespmem:s26+$0x8800];
	v6 =	vand.u32 $0x3F8, v5;
	v48 =	vadd.s32 v3, v4;
	v3 =	vand.u32 $0x3F8, v49  }
0x238: {  	v53 =	vadd.s32 v3, v4;
	v3 =	vand.u32 $0x3F8, v52;
	v7 =	vadd.f32 v37, v7  }
0x239: {  	s20 =	sadd.s32 $0xF, s28;
	v41 =	vld [tilespmem:s26+$0x9000];
	v5 =	vand.u32 $0x7, v5;
	v55 =	vadd.s32 v3, v4;
	v3 =	vand.u32 $0x3F8, v8  }
0x23a: {  	s21 =	sadd.s32 $0x10, s28;
	v56 =	vadd.s32 v3, v4;
	v3 =	vmov s20;
	v59 =	vadd.f32 v38, v7  }
0x23b: {  	v57 =	vadd.s32 v6, v4;
	v6 =	vand.u32 $0x3F8, v3;
	v2 =	vmov s21  }
0x23c: {  	v6 =	vadd.s32 v6, v4;
	v43 =	vand.u32 $0x3F8, v2;
	v59 =	vadd.f32 v18, v59  }
0x23d: {  	v7 =	vadd.s32 v43, v4;
	v43 =	vadd.s32 v44, v4;
	v44 =	vand.u32 $0x3F8, v42  }
0x23e: {  	v44 =	vadd.s32 v44, v4;
	v4 =	vadd.s32 v61, v58;
	v59 =	vadd.f32 v41, v59  }
0x23f: {  	s3 =	sadd.s32 $0x2, s31;
	[tilespmem:$0x1FB10] =	vst v62;
	v5 =	vor.u32 v5, v57;
	v58 =	vand.u32 $0x3F8, v62;
	v60 =	vadd.s32 v60, v4  }
0x240: {  	s5 =	sadd.s32 $0x3, s31;
	v62 =	vmov s3;
	v58 =	vadd.s32 v58, v4;
	[tilespmem:$0x1FB20] =	vst v60;
	(erf) = vrcp.f32 v59  }
0x241: {  	v45 =	vand.u32 $0x7, v45;
	v63 =	vand.u32 $0x3F8, v62;
	[tilespmem:$0x1FB30] =	vst v58;
	v60 =	vmov s5  }
0x242: {  	v8 =	vand.u32 $0x7, v8;
	v58 =	vadd.s32 v63, v4;
	[tilespmem:$0x1FB50] =	vst v60;
	v60 =	vand.u32 $0x3F8, v60  }
0x243: {  	s7 =	sadd.s32 $0x5, s31;
	v45 =	vor.u32 v45, v48;
	v8 =	vor.u32 v8, v56;
	[tilespmem:$0x1FB40] =	vst v58;
	v13 =	vadd.s32 v60, v4  }
0x244: {  	s1 =	sadd.s32 $0x4, s31;
	v2 =	vand.u32 $0x7, v2;
	v63 =	vand.u32 $0x7, v14;
	[tilespmem:$0x1FB70] =	vst v13;
	v13 =	vmov s7  }
0x245: {  	v58 =	vor.u32 v63, v17;
	v59 =	vmov s1;
	[tilespmem:$0x1FB90] =	vst v13;
	v13 =	vand.u32 $0x3F8, v13  }
0x246: {  	v60 =	vand.u32 $0x7, v19;
	v63 =	vand.u32 $0x3F8, v59;
	v13 =	vadd.s32 v13, v4  }
0x247: {  	s9 =	sadd.s32 $0x6, s31;
	v2 =	vor.u32 v2, v7;
	v60 =	vor.u32 v60, v25;
	[tilespmem:$0x1FB60] =	vst v59;
	v12 =	vadd.s32 v63, v4  }
0x248: {  	v59 =	vand.u32 $0x7, v15;
	v15 =	vand.u32 $0x7, v24;
	[tilespmem:$0x1FB80] =	vst v12;
	v12 =	vmov s9  }
0x249: {  	v59 =	vor.u32 v59, v21;
	v47 =	vor.u32 v15, v47;
	[tilespmem:$0x1FBA0] =	vst v13;
	v15 =	vand.u32 $0x3F8, v12;
	v13 =	vpop (erf)  }
0x24a: {  	s20 =	sadd.s32 $0xC, s31;
	v63 =	vand.u32 $0x7, v22;
	v16 =	vmovc v12;
	v12 =	vadd.s32 v15, v4;
	v24 =	vmul.f32 v13, v20  }
0x24b: {  	s11 =	sadd.s32 $0x7, s31;
	v22 =	vmov s20;
	v36 =	vor.u32 v63, v36;
	[tilespmem:$0x1FBB0] =	vst v12;
	v0 =	vmul.f32 v13, v0  }
0x24c: {  	v63 =	vmov s11;
	v15 =	vand.u32 $0x7, v49;
	v14 =	vmul.f32 v13, v23;
	[tilespmem:v9+s23+$0x0] =	vst.idx.msk $0xffff, v24  }
0x24d: {  	v49 =	vor.u32 v51, v54;
	v54 =	vand.u32 $0x7, v52;
	[tilespmem:v10+s23+$0x0] =	vst.idx.msk $0xffff, v0;
	v0 =	vmul.f32 v13, v39  }
0x24e: {  	s15 =	sadd.s32 $0x9, s31;
	v48 =	vand.u32 $0x3F8, v63;
	v12 =	vor.u32 v54, v55;
	v54 =	vmul.f32 v13, v26;
	[tilespmem:v11+s23+$0x0] =	vst.idx.msk $0xffff, v14  }
0x24f: {  	s13 =	sadd.s32 $0x8, s31;
	v50 =	vadd.s32 v48, v4;
	v52 =	vmov s15;
	[tilespmem:v58+s23+$0x0] =	vst.idx.msk $0xffff, v0;
	v0 =	vmul.f32 v13, v28  }
0x250: {  	v48 =	vor.u32 v15, v53;
	v53 =	vmov s13;
	v56 =	vmul.f32 v13, v27;
	[tilespmem:v59+s23+$0x0] =	vst.idx.msk $0xffff, v54  }
0x251: {  	s24 =	sadd.s32 $0xE, s31;
	v55 =	vand.u32 $0x3F8, v22;
	v21 =	vand.u32 $0x3F8, v53;
	[tilespmem:v60+s23+$0x0] =	vst.idx.msk $0xffff, v0;
	v0 =	vmul.f32 v13, v29  }
0x252: {  	s17 =	sadd.s32 $0xA, s31;
	v17 =	vadd.s32 v21, v4;
	v27 =	vmov s24;
	v59 =	vmul.f32 v13, v30;
	[tilespmem:v36+s23+$0x0] =	vst.idx.msk $0xffff, v56  }
0x253: {  	v21 =	vmov s17;
	v60 =	vmul.f32 v13, v31;
	[tilespmem:v47+s23+$0x0] =	vst.idx.msk $0xffff, v0;
	v0 =	vand.u32 $0x3F8, v27  }
0x254: {  	v25 =	vand.u32 $0x3F8, v21;
	[tilespmem:v45+s23+$0x0] =	vst.idx.msk $0xffff, v59;
	v30 =	vadd.s32 v0, v4;
	v0 =	vmul.f32 v13, v1  }
0x255: {  	s28 =	sadd.s32 $0xF, s31;
	v20 =	vand.u32 $0x3F8, v52;
	v1 =	vand.u32 $0x7, v3;
	v3 =	vmul.f32 v13, v32;
	[tilespmem:v46+s23+$0x0] =	vst.idx.msk $0xffff, v60  }
0x256: {  	s29 =	sadd.s32 $0x10, s31;
	v31 =	vmov s28;
	v1 =	vor.u32 v1, v6;
	v6 =	vmul.f32 v13, v33;
	[tilespmem:v48+s23+$0x0] =	vst.idx.msk $0xffff, v0  }
0x257: {  	v32 =	vmov s29;
	v0 =	vand.u32 $0x3F8, v31;
	[tilespmem:v49+s23+$0x0] =	vst.idx.msk $0xffff, v3;
	v3 =	vmul.f32 v13, v34  }
0x258: {  	s30 =	sadd.s32 $0x11, s31;
	v33 =	vadd.s32 v0, v4;
	v0 =	vand.u32 $0x3F8, v32;
	[tilespmem:v12+s23+$0x0] =	vst.idx.msk $0xffff, v6;
	v6 =	vmul.f32 v13, v35  }
0x259: {  	s19 =	sadd.s32 $0xB, s31;
	s21 =	sadd.s32 $0xD, s31;
	s31 =	sadd.s32 $0x12, s31;
	v35 =	vmov s30;
	v36 =	vadd.s32 v0, v4;
	v0 =	vmul.f32 v13, v37;
	[tilespmem:v8+s23+$0x0] =	vst.idx.msk $0xffff, v3  }
0x25a: {  	v34 =	vmov s31;
	v3 =	vand.u32 $0x3F8, v35;
	[tilespmem:v5+s23+$0x0] =	vst.idx.msk $0xffff, v6;
	v5 =	vmul.f32 v13, v38  }
0x25b: {  	v37 =	vadd.s32 v3, v4;
	[tilespmem:v1+s23+$0x0] =	vst.idx.msk $0xffff, v0;
	v0 =	vand.u32 $0x3F8, v34;
	v1 =	vand.u32 $0x7, v40  }
0x25c: {  	v38 =	vadd.s32 v0, v4;
	v3 =	vor.u32 v1, v43;
	v0 =	vand.u32 $0x7, v42  }
0x25d: {  	v23 =	vmov s19;
	v26 =	vadd.s32 v55, v4;
	[tilespmem:v2+s23+$0x0] =	vst.idx.msk $0xffff, v5;
	v2 =	vor.u32 v0, v44  }
0x25e: {  	v20 =	vadd.s32 v20, v4;
	v24 =	vadd.s32 v25, v4;
	v28 =	vmov s21  }
0x25f: {  	v39 =	vand.u32 $0x3F8, v23;
	v58 =	vand.u32 $0x3F8, v28;
	v5 =	vmul.f32 v13, v18  }
0x260: {  	s0 =	simm.s32 $0x2;
	s26 =	simm.s32 $0x20;
	s1 =	simm.s32 $0x10;
	[tilespmem:$0x1FBC0] =	vst v50;
	v25 =	vadd.s32 v39, v4;
	v29 =	vadd.s32 v58, v4;
	v4 =	vmul.f32 v13, v41  }
.LBB2_10:
0x261: {  	s1 =	sand.u32 $0x3FFFFF80, s1;
	[tilespmem:v3+s23+$0x0] =	vst.idx.msk $0xffff, v5  }
0x262: {  	s3 =	sand.u32 $0x70, s26;
	v0 =	vmov v36;
	s29 =	smov.u32 s0;
	s30 =	sor.u32 s25, s1;
	[tilespmem:v2+s23+$0x0] =	vst.idx.msk $0xffff, v4  }
0x263: {  	[tilespmem:$0x1FA40] =	vst v0;
	v0 =	vmov s3;
	s21 =	sshrl.u32 s29, $0x3;
	v40 =	vld [tilespmem:s30+$0x0]  }
0x264: {  	s25 =	smov.u32 s3;
	v0 =	vmul.u32 $0x138, v0;
	s3 =	smul.u32 $0x13, s21;
	v42 =	vld [tilespmem:s30+$0x800];
	_ =	sdelay $0x1  }
0x265: {  	s28 =	sadd.s32 $0x1, s0;
	p0 =	sne.s32 s0, $0x7F;
	v1 =	vmov v38;
	v41 =	vld [tilespmem:s30+$0x1000];
	v0 =	vbroadcast v0, $0x0;
	v47 =	vmov s3;
	s0 =	sadd.s32 $0x1, s3  }
0x266: {  	v9 =	vmov v30;
	[tilespmem:$0x1FA80] =	vst v1;
	s24 =	sadd.s32 $0x2, s3;
	s5 =	sadd.s32 $0x3, s3;
	v1 =	vand.u32 $0x1F8, v47;
	v48 =	vmov s0  }
0x267: {  	v3 =	vmovc v37;
	[tilespmem:$0x1FA00] =	vst v9;
	v43 =	vld [tilespmem:s30+$0x1800];
	v51 =	vmov s24;
	v9 =	vmov s5;
	v38 =	vadd.s32 v61, v0  }
0x268: {  	[tilespmem:$0x1FA60] =	vst v3;
	s7 =	sadd.s32 $0x5, s3;
	v0 =	vand.u32 $0x3F8, v48;
	v3 =	vadd.s32 v1, v38;
	v1 =	vadd.f32 v42, v40  }
0x269: {  	v8 =	vmovc v31;
	v39 =	vmovc v53;
	v44 =	vld [tilespmem:s30+$0x2000];
	v53 =	vmov s7;
	v4 =	vadd.s32 v0, v38;
	v0 =	vand.u32 $0x3F8, v51  }
0x26a: {  	v6 =	vmovc v33;
	[tilespmem:$0x1FA10] =	vst v8;
	v8 =	vadd.s32 v0, v38;
	v0 =	vand.u32 $0x3F8, v9;
	v1 =	vadd.f32 v41, v1  }
0x26b: {  	[tilespmem:$0x1FA20] =	vst v6;
	v45 =	vld [tilespmem:s30+$0x2800];
	s9 =	sadd.s32 $0x6, s3;
	v6 =	vadd.s32 v0, v38;
	v0 =	vand.u32 $0x3F8, v53  }
0x26c: {  	v19 =	vmovc v52;
	v52 =	vmov s9;
	v0 =	vadd.s32 v0, v38;
	v1 =	vadd.f32 v43, v1  }
0x26d: {  	v7 =	vmov v32;
	v46 =	vld [tilespmem:s30+$0x3000];
	s11 =	sadd.s32 $0x7, s3;
	[tilespmem:$0x1FA90] =	vst v0;
	v0 =	vand.u32 $0x3F8, v52  }
0x26e: {  	[tilespmem:$0x1FA30] =	vst v7;
	s31 =	sadd.s32 $0x4, s3;
	s13 =	sadd.s32 $0x8, s3;
	v57 =	vmov s11;
	v0 =	vadd.s32 v0, v38;
	v1 =	vadd.f32 v44, v1  }
0x26f: {  	v2 =	vmovc v34;
	v49 =	vld [tilespmem:s30+$0x3800];
	v50 =	vmov s31;
	v60 =	vmov s13;
	[tilespmem:$0x1FAA0] =	vst v0;
	v0 =	vand.u32 $0x3F8, v57  }
0x270: {  	[tilespmem:$0x1FA70] =	vst v2;
	s15 =	sadd.s32 $0x9, s3;
	v2 =	vand.u32 $0x3F8, v50;
	v0 =	vadd.s32 v0, v38;
	v1 =	vadd.f32 v45, v1  }
0x271: {  	v5 =	vmovc v35;
	v56 =	vmov s15;
	v7 =	vadd.s32 v2, v38;
	v2 =	vld [tilespmem:s30+$0x4000];
	[tilespmem:$0x1FAB0] =	vst v0;
	v0 =	vand.u32 $0x3F8, v60  }
0x272: {  	[tilespmem:$0x1FA50] =	vst v5;
	v5 =	vand.u32 $0x3F8, v56;
	v0 =	vadd.s32 v0, v38;
	v59 =	vadd.f32 v46, v1  }
0x273: {  	[tilespmem:$0x1FAC0] =	vst v0;
	v0 =	vadd.s32 v5, v38;
	v5 =	vld [tilespmem:s30+$0x4800]  }
0x274: {  	v10 =	vmov v29;
	v29 =	vadd.f32 v49, v59  }
0x275: {  	v13 =	vmov v26;
	[tilespmem:$0x1F9E0] =	vst v10;
	v10 =	vld [tilespmem:s30+$0x5000]  }
0x276: {  	v11 =	vmov v27;
	[tilespmem:$0x1F9C0] =	vst v13;
	s17 =	sadd.s32 $0xA, s3;
	v13 =	vadd.f32 v2, v29  }
0x277: {  	v12 =	vmov v28;
	[tilespmem:$0x1F9F0] =	vst v11;
	v11 =	vld [tilespmem:s30+$0x5800];
	s19 =	sadd.s32 $0xB, s3;
	s5 =	sadd.s32 $0x10, s3;
	v58 =	vmov s17  }
0x278: {  	[tilespmem:$0x1F9D0] =	vst v12;
	v61 =	vmov s19;
	v32 =	vmov s5;
	v37 =	vadd.f32 v5, v13  }
0x279: {  	v54 =	vld [tilespmem:s30+$0x6000];
	v12 =	vand.u32 $0x3F8, v61;
	v55 =	vand.u32 $0x3F8, v32;
	[tilespmem:$0x1FAD0] =	vst v0;
	v0 =	vand.u32 $0x3F8, v58  }
0x27a: {  	v36 =	vadd.s32 v55, v38;
	v0 =	vadd.s32 v0, v38;
	v55 =	vadd.f32 v10, v37  }
0x27b: {  	s21 =	sadd.s32 $0xD, s3;
	[tilespmem:$0x1FAE0] =	vst v0;
	v0 =	vadd.s32 v12, v38;
	v12 =	vld [tilespmem:s30+$0x6800]  }
0x27c: {  	s1 =	sadd.s32 $0x11, s3;
	s24 =	sadd.s32 $0xE, s3;
	v28 =	vmov s21;
	v55 =	vadd.f32 v11, v55  }
0x27d: {  	s31 =	sadd.s32 $0x12, s3;
	v35 =	vmov s1;
	v27 =	vmov s24;
	v30 =	vand.u32 $0x3F8, v28;
	[tilespmem:$0x1FAF0] =	vst v0;
	v0 =	vld [tilespmem:s30+$0x7000]  }
0x27e: {  	s0 =	sadd.s32 $0xF, s3;
	v34 =	vmov s31;
	v31 =	vand.u32 $0x3F8, v27;
	v55 =	vadd.f32 v54, v55  }
0x27f: {  	s20 =	sadd.s32 $0xC, s3;
	v29 =	vadd.s32 v30, v38;
	v30 =	vadd.s32 v31, v38;
	v31 =	vmov s0;
	v13 =	vld [tilespmem:s30+$0x7800]  }
0x280: {  	v1 =	vmov s20;
	v14 =	vand.u32 $0x3F8, v31;
	v55 =	vadd.f32 v12, v55  }
0x281: {  	v18 =	vld [tilespmem:s30+$0x8000];
	v26 =	vand.u32 $0x3F8, v1;
	v59 =	vand.u32 $0x3F8, v35;
	v33 =	vadd.s32 v14, v38  }
0x282: {  	v37 =	vadd.s32 v59, v38;
	v59 =	vand.u32 $0x3F8, v34;
	v14 =	vadd.f32 v0, v55  }
0x283: {  	v26 =	vadd.s32 v26, v38;
	v38 =	vadd.s32 v59, v38;
	v59 =	vld [tilespmem:s30+$0x8800]  }
0x284: {  	v15 =	vmov v62;
	v62 =	vadd.f32 v13, v14  }
0x285: {  	v55 =	vld [tilespmem:s30+$0x9000]  }
0x286: {  	v62 =	vadd.f32 v18, v62  }
0x287: {  	v14 =	vld [tilespmem:$0x1FB00]  }
0x288: {  	v62 =	vadd.f32 v59, v62;
	_ =	sdelay $0x1  }
0x289: {  	v62 =	vadd.f32 v55, v62;
	_ =	sdelay $0x1  }
0x28a: {  	(erf) = vrcp.f32 v62;
	v62 =	vand.u32 $0x7, v14;
	v14 =	vmov v47;
	v47 =	vld [tilespmem:$0x1FB20];
	_ =	sdelay $0x4  }
0x28b: {  	v47 =	vor.u32 v62, v47;
	v62 =	vld [tilespmem:$0x1FB10];
	_ =	sdelay $0x2  }
0x28c: {  	[tilespmem:$0x1FB00] =	vst v14;
	v14 =	vmov v48;
	v48 =	vmov v3;
	v3 =	vld [tilespmem:$0x1FB30];
	_ =	sdelay $0x1  }
0x28d: {  	v62 =	vand.u32 $0x7, v62;
	_ =	sdelay $0x2  }
0x28e: {  	[tilespmem:$0x1FB20] =	vst v48;
	v3 =	vor.u32 v62, v3;
	v62 =	vmov v51;
	v51 =	vmov v4;
	v4 =	vld [tilespmem:$0x1FB40]  }
0x28f: {  	[tilespmem:$0x1FB30] =	vst v51;
	v51 =	vld [tilespmem:$0x1FB50]  }
0x290: {  	v48 =	vand.u32 $0x7, v15;
	[tilespmem:$0x1FB10] =	vst v14;
	v14 =	vld [tilespmem:$0x1FB70];
	_ =	sdelay $0x2  }
0x291: {  	v4 =	vor.u32 v48, v4;
	v48 =	vmov v8  }
0x292: {  	v15 =	vand.u32 $0x7, v51;
	[tilespmem:$0x1FB40] =	vst v48;
	v48 =	vld [tilespmem:$0x1FB60]  }
0x293: {  	v8 =	vor.u32 v15, v14;
	v15 =	vld [tilespmem:$0x1FB80];
	_ =	sdelay $0x3  }
0x294: {  	v51 =	vmov v9;
	v9 =	vand.u32 $0x7, v48  }
0x295: {  	[tilespmem:$0x1FB50] =	vst v51;
	v51 =	vld [tilespmem:$0x1FB90];
	v9 =	vor.u32 v9, v15;
	v15 =	vmov v50  }
0x296: {  	[tilespmem:$0x1FB60] =	vst v15;
	v15 =	vld [tilespmem:$0x1FBA0];
	_ =	sdelay $0x3  }
0x297: {  	v14 =	vand.u32 $0x7, v51  }
0x298: {  	v48 =	vpop (erf);
	v14 =	vor.u32 v14, v15;
	v15 =	vmov v6;
	v6 =	vmov v7;
	v7 =	vld [tilespmem:$0x1FBB0]  }
0x299: {  	v40 =	vmul.f32 v48, v40;
	[tilespmem:$0x1FB70] =	vst v15;
	v15 =	vld [tilespmem:$0x1FBC0]  }
0x29a: {  	v42 =	vmul.f32 v48, v42  }
0x29b: {  	[tilespmem:v47+s23+$0x0] =	vst.idx.msk $0xffff, v40  }
0x29c: {  	v16 =	vand.u32 $0x7, v16;
	v41 =	vmul.f32 v48, v41;
	[tilespmem:v3+s23+$0x0] =	vst.idx.msk $0xffff, v42  }
0x29d: {  	[tilespmem:$0x1FB80] =	vst v6;
	v6 =	vmul.f32 v48, v43;
	v7 =	vor.u32 v16, v7;
	v16 =	vand.u32 $0x7, v63  }
0x29e: {  	v3 =	vmul.f32 v48, v44;
	[tilespmem:v4+s23+$0x0] =	vst.idx.msk $0xffff, v41;
	v16 =	vor.u32 v16, v15;
	v15 =	vand.u32 $0x7, v39  }
0x29f: {  	v4 =	vmul.f32 v48, v45;
	[tilespmem:v8+s23+$0x0] =	vst.idx.msk $0xffff, v6;
	v15 =	vor.u32 v15, v17;
	v17 =	vand.u32 $0x7, v19  }
0x2a0: {  	v6 =	vmul.f32 v48, v46;
	[tilespmem:v9+s23+$0x0] =	vst.idx.msk $0xffff, v3;
	v40 =	vor.u32 v17, v20;
	v17 =	vand.u32 $0x7, v21  }
0x2a1: {  	v3 =	vmul.f32 v48, v49;
	[tilespmem:v14+s23+$0x0] =	vst.idx.msk $0xffff, v4;
	v41 =	vor.u32 v17, v24  }
0x2a2: {  	v2 =	vmul.f32 v48, v2;
	v47 =	vld [tilespmem:$0x1FA20];
	[tilespmem:v7+s23+$0x0] =	vst.idx.msk $0xffff, v6  }
0x2a3: {  	v5 =	vmul.f32 v48, v5;
	v46 =	vld [tilespmem:$0x1FA10];
	[tilespmem:v16+s23+$0x0] =	vst.idx.msk $0xffff, v3  }
0x2a4: {  	v49 =	vld [tilespmem:$0x1FA30];
	v3 =	vmul.f32 v48, v10;
	[tilespmem:v15+s23+$0x0] =	vst.idx.msk $0xffff, v2  }
0x2a5: {  	v6 =	vld [tilespmem:$0x1F9C0];
	[tilespmem:v40+s23+$0x0] =	vst.idx.msk $0xffff, v5  }
0x2a6: {  	v17 =	vand.u32 $0x7, v23;
	[tilespmem:v41+s23+$0x0] =	vst.idx.msk $0xffff, v3;
	v3 =	vld [tilespmem:$0x1FA40]  }
0x2a7: {  	v4 =	vor.u32 v17, v25;
	v7 =	vld [tilespmem:$0x1F9D0]  }
0x2a8: {  	v43 =	vld [tilespmem:$0x1F9E0]  }
0x2a9: {  	v2 =	vmul.f32 v48, v11;
	v11 =	vand.u32 $0x7, v46  }
0x2aa: {  	v42 =	vand.u32 $0x7, v22;
	v8 =	vor.u32 v11, v47;
	v11 =	vand.u32 $0x7, v49  }
0x2ab: {  	v6 =	vor.u32 v42, v6;
	v11 =	vor.u32 v11, v3;
	v3 =	vld [tilespmem:$0x1FA50]  }
0x2ac: {  	v7 =	vand.u32 $0x7, v7;
	[tilespmem:v4+s23+$0x0] =	vst.idx.msk $0xffff, v2;
	v2 =	vld [tilespmem:$0x1FA60]  }
0x2ad: {  	v7 =	vor.u32 v7, v43  }
0x2ae: {  	v5 =	vmul.f32 v48, v54;
	_ =	sdelay $0x1  }
0x2af: {  	v50 =	vmul.f32 v48, v12;
	[tilespmem:v6+s23+$0x0] =	vst.idx.msk $0xffff, v5;
	v5 =	vld [tilespmem:$0x1FA80];
	v3 =	vand.u32 $0x7, v3  }
0x2b0: {  	v3 =	vor.u32 v3, v2;
	v2 =	vld [tilespmem:$0x1FA70]  }
0x2b1: {  	[tilespmem:v7+s23+$0x0] =	vst.idx.msk $0xffff, v50;
	v7 =	vld [tilespmem:$0x1FA90];
	_ =	sdelay $0x3  }
0x2b2: {  	v2 =	vand.u32 $0x7, v2  }
0x2b3: {  	v2 =	vor.u32 v2, v5;
	v5 =	vmov v7;
	v7 =	vld [tilespmem:$0x1FAA0];
	_ =	sdelay $0x4  }
0x2b4: {  	[tilespmem:$0x1FBA0] =	vst v5;
	v5 =	vmul.f32 v48, v59;
	v59 =	vmov v7;
	v7 =	vld [tilespmem:$0x1FAB0];
	_ =	sdelay $0x4  }
0x2b5: {  	v51 =	vmul.f32 v48, v0;
	v0 =	vmov v7  }
0x2b6: {  	[tilespmem:$0x1FBC0] =	vst v0;
	v0 =	vld [tilespmem:$0x1FAC0];
	_ =	sdelay $0x4  }
0x2b7: {  	v17 =	vmov v0;
	v0 =	vld [tilespmem:$0x1FAD0]  }
0x2b8: {  	v44 =	vld [tilespmem:$0x1F9F0]  }
0x2b9: {  	v45 =	vld [tilespmem:$0x1FA00];
	_ =	sdelay $0x2  }
0x2ba: {  	v20 =	vmov v0;
	v0 =	vld [tilespmem:$0x1FAE0]  }
0x2bb: {  	v10 =	vand.u32 $0x7, v44  }
0x2bc: {  	v10 =	vor.u32 v10, v45;
	_ =	sdelay $0x2  }
0x2bd: {  	v54 =	vmov v53;
	v24 =	vmov v0;
	v0 =	vld [tilespmem:$0x1FAF0]  }
.Ltmp4:
0x2be: {  	[tilespmem:$0x1FB90] =	vst v54;
	v4 =	vmul.f32 v48, v13;
	(pc) =	sbr.rel @p0 .LBB2_10-.Ltmp4, $4  }
0x2bf: {  	v6 =	vmul.f32 v48, v18;
	[tilespmem:v10+s23+$0x0] =	vst.idx.msk $0xffff, v51  }
0x2c0: {  	[tilespmem:v8+s23+$0x0] =	vst.idx.msk $0xffff, v4  }
0x2c1: {  	v22 =	vmovc v1;
	v63 =	vmov v57;
	v21 =	vmov v58;
	v23 =	vmov v61;
	[tilespmem:v11+s23+$0x0] =	vst.idx.msk $0xffff, v6  }
0x2c2: {  	s26 =	sadd.s32 $0x10, s26;
	s1 =	sshll.u32 s29, $0x4;
	s0 =	smov.u32 s28;
	v61 =	vld [tilespmem:$0x1FFF0];
	v16 =	vmovc v52;
	v52 =	vmovc v56;
	v53 =	vmov v60;
	v4 =	vmul.f32 v48, v55;
	[tilespmem:$0x1FBB0] =	vst v59;
	v25 =	vmov v0  }
0x2c3: {  	_ =	sdelay $0x3  }
0x2c4: {  	s0 =	sand.u32 $0x3FFFFF80, s1;
	[tilespmem:v3+s23+$0x0] =	vst.idx.msk $0xffff, v5  }
0x2c5: {  	s0 =	sor.u32 s25, s0;
	[tilespmem:v2+s23+$0x0] =	vst.idx.msk $0xffff, v4  }
0x2c6: {  	v0 =	vld [tilespmem:s0+$0x0]  }
0x2c7: {  	v1 =	vld [tilespmem:s0+$0x800];
	_ =	sdelay $0x1  }
0x2c8: {  	v2 =	vld [tilespmem:s0+$0x1000];
	_ =	sdelay $0x1  }
0x2c9: {  	v3 =	vld [tilespmem:s0+$0x1800]  }
0x2ca: {  	v44 =	vadd.f32 v1, v0  }
0x2cb: {  	v5 =	vld [tilespmem:s0+$0x2000]  }
0x2cc: {  	v4 =	vadd.f32 v2, v44  }
0x2cd: {  	v6 =	vld [tilespmem:s0+$0x2800]  }
0x2ce: {  	v4 =	vadd.f32 v3, v4  }
0x2cf: {  	v7 =	vld [tilespmem:s0+$0x3000]  }
0x2d0: {  	v4 =	vadd.f32 v5, v4  }
0x2d1: {  	v8 =	vld [tilespmem:s0+$0x3800]  }
0x2d2: {  	v4 =	vadd.f32 v6, v4  }
0x2d3: {  	v9 =	vld [tilespmem:s0+$0x4000]  }
0x2d4: {  	v4 =	vadd.f32 v7, v4  }
0x2d5: {  	v10 =	vld [tilespmem:s0+$0x4800]  }
0x2d6: {  	v4 =	vadd.f32 v8, v4  }
0x2d7: {  	v11 =	vld [tilespmem:s0+$0x5000]  }
0x2d8: {  	v4 =	vadd.f32 v9, v4  }
0x2d9: {  	v12 =	vld [tilespmem:s0+$0x5800]  }
0x2da: {  	v4 =	vadd.f32 v10, v4  }
0x2db: {  	v13 =	vld [tilespmem:s0+$0x6000]  }
0x2dc: {  	v4 =	vadd.f32 v11, v4  }
0x2dd: {  	v18 =	vld [tilespmem:s0+$0x6800]  }
0x2de: {  	v4 =	vadd.f32 v12, v4  }
0x2df: {  	v40 =	vld [tilespmem:s0+$0x7000]  }
0x2e0: {  	v4 =	vadd.f32 v13, v4  }
0x2e1: {  	v41 =	vld [tilespmem:s0+$0x7800]  }
0x2e2: {  	v4 =	vadd.f32 v18, v4  }
0x2e3: {  	v42 =	vld [tilespmem:s0+$0x8000]  }
0x2e4: {  	v4 =	vadd.f32 v40, v4  }
0x2e5: {  	v43 =	vld [tilespmem:s0+$0x8800]  }
0x2e6: {  	v4 =	vadd.f32 v41, v4  }
0x2e7: {  	v44 =	vld [tilespmem:s0+$0x9000]  }
0x2e8: {  	v4 =	vadd.f32 v42, v4;
	_ =	sdelay $0x1  }
0x2e9: {  	v4 =	vadd.f32 v43, v4  }
0x2ea: {  	v45 =	vld [tilespmem:$0x1FB00]  }
0x2eb: {  	v14 =	vld [tilespmem:$0x1FB20];
	v4 =	vadd.f32 v44, v4  }
0x2ec: {  	v46 =	vld [tilespmem:$0x1FB10]  }
0x2ed: {  	v47 =	vld [tilespmem:$0x1FB30];
	(erf) = vrcp.f32 v4  }
0x2ee: {  	v48 =	vld [tilespmem:$0x1FB40]  }
0x2ef: {  	v49 =	vld [tilespmem:$0x1FB50]  }
0x2f0: {  	v50 =	vld [tilespmem:$0x1FB70]  }
0x2f1: {  	v51 =	vld [tilespmem:$0x1FB60]  }
0x2f2: {  	v54 =	vld [tilespmem:$0x1FB90]  }
0x2f3: {  	v15 =	vld [tilespmem:$0x1FB80];
	v4 =	vand.u32 $0x7, v45  }
0x2f4: {  	v55 =	vld [tilespmem:$0x1FBA0];
	v45 =	vand.u32 $0x7, v46;
	v4 =	vor.u32 v4, v14  }
0x2f5: {  	v57 =	vld [tilespmem:$0x1FBB0];
	v46 =	vand.u32 $0x7, v62;
	v45 =	vor.u32 v45, v47  }
0x2f6: {  	v60 =	vld [tilespmem:$0x1FBC0];
	v46 =	vor.u32 v46, v48;
	v47 =	vand.u32 $0x7, v49;
	v48 =	vpop (erf)  }
0x2f7: {  	v49 =	vand.u32 $0x7, v51;
	v47 =	vor.u32 v47, v50;
	v0 =	vmul.f32 v48, v0  }
0x2f8: {  	v14 =	vand.u32 $0x7, v54;
	v49 =	vor.u32 v49, v15;
	v1 =	vmul.f32 v48, v1  }
0x2f9: {  	v16 =	vand.u32 $0x7, v16;
	v14 =	vor.u32 v14, v55;
	v2 =	vmul.f32 v48, v2;
	[tilespmem:v4+s23+$0x0] =	vst.idx.msk $0xffff, v0  }
0x2fa: {  	v58 =	vand.u32 $0x7, v63;
	v56 =	vmul.f32 v48, v3;
	v3 =	vor.u32 v16, v57;
	[tilespmem:v45+s23+$0x0] =	vst.idx.msk $0xffff, v1  }
0x2fb: {  	v62 =	vand.u32 $0x7, v53;
	v59 =	vmul.f32 v48, v5;
	v4 =	vor.u32 v58, v60;
	[tilespmem:v46+s23+$0x0] =	vst.idx.msk $0xffff, v2  }
0x2fc: {  	v15 =	vand.u32 $0x7, v52;
	v63 =	vmul.f32 v48, v6;
	v5 =	vor.u32 v62, v17;
	[tilespmem:v47+s23+$0x0] =	vst.idx.msk $0xffff, v56  }
0x2fd: {  	v16 =	vmul.f32 v48, v7;
	v6 =	vor.u32 v15, v20;
	v17 =	vand.u32 $0x7, v21;
	[tilespmem:v49+s23+$0x0] =	vst.idx.msk $0xffff, v59  }
0x2fe: {  	v19 =	vmul.f32 v48, v8;
	v20 =	vand.u32 $0x7, v23;
	v7 =	vor.u32 v17, v24;
	[tilespmem:v14+s23+$0x0] =	vst.idx.msk $0xffff, v63  }
0x2ff: {  	v21 =	vmul.f32 v48, v9;
	v23 =	vand.u32 $0x7, v22;
	v8 =	vor.u32 v20, v25;
	[tilespmem:v3+s23+$0x0] =	vst.idx.msk $0xffff, v16  }
0x300: {  	v24 =	vmul.f32 v48, v10;
	v25 =	vor.u32 v23, v26;
	v26 =	vand.u32 $0x7, v28;
	[tilespmem:v4+s23+$0x0] =	vst.idx.msk $0xffff, v19  }
0x301: {  	v39 =	vand.u32 $0x7, v27;
	v28 =	vmul.f32 v48, v11;
	v29 =	vor.u32 v26, v29;
	[tilespmem:v5+s23+$0x0] =	vst.idx.msk $0xffff, v21  }
0x302: {  	v45 =	vmul.f32 v48, v12;
	v46 =	vor.u32 v39, v30;
	v47 =	vand.u32 $0x7, v31;
	[tilespmem:v6+s23+$0x0] =	vst.idx.msk $0xffff, v24  }
0x303: {  	v51 =	vand.u32 $0x7, v32;
	v49 =	vmul.f32 v48, v13;
	v50 =	vor.u32 v47, v33;
	[tilespmem:v7+s23+$0x0] =	vst.idx.msk $0xffff, v28  }
0x304: {  	v54 =	vand.u32 $0x7, v35;
	v53 =	vor.u32 v51, v36;
	v52 =	vmul.f32 v48, v18;
	[tilespmem:v8+s23+$0x0] =	vst.idx.msk $0xffff, v45  }
0x305: {  	v55 =	vmul.f32 v48, v40;
	v57 =	vand.u32 $0x7, v34;
	v56 =	vor.u32 v54, v37;
	[tilespmem:v25+s23+$0x0] =	vst.idx.msk $0xffff, v49  }
0x306: {  	v58 =	vmul.f32 v48, v41;
	v59 =	vor.u32 v57, v38;
	[tilespmem:v29+s23+$0x0] =	vst.idx.msk $0xffff, v52  }
0x307: {  	v60 =	vmul.f32 v48, v42;
	[tilespmem:v46+s23+$0x0] =	vst.idx.msk $0xffff, v55  }
0x308: {  	v62 =	vmul.f32 v48, v43;
	[tilespmem:v50+s23+$0x0] =	vst.idx.msk $0xffff, v58  }
0x309: {  	v63 =	vmul.f32 v48, v44;
	[tilespmem:v53+s23+$0x0] =	vst.idx.msk $0xffff, v60  }
0x30a: {  	s1 =	simm.s32 $0x130;
	[tilespmem:v56+s23+$0x0] =	vst.idx.msk $0xffff, v62  }
0x30b: {  	s5 =	simm.s32 $0x9938;
	s25 =	sadd.s32 $0x0, s8;
	s0 =	simm.s32 $0x9800;
	[tilespmem:v59+s23+$0x0] =	vst.idx.msk $0xffff, v63  }
.LBB2_12:
0x30c: {  	[hbm4b:s25+s2] =	stream.linear.scatter [tilespmem:s0], [sflag:$0x1], $0x130, $0x38;
	[tilespmem:$0x13400] =	vst v63  }
0x30d: {  	s3 =	smov.u32 s1;
	s0 =	smov.u32 s5;
	p0 =	sne.s32 s1, $0x96D0  }
.Ltmp5:
0x30e: {  	s1 =	sadd.s32 $0x130, s1;
	(pc) =	sbr.rel @p0 .LBB2_12-.Ltmp5, $2  }
0x30f: {  	_ =	sdelay $0x2  }
0x310: {  	s5 =	sadd.s32 $0x138, s5;
	s25 =	sadd.s32 s3, s8  }
0x311: {  	[hbm4b:s25+s2] =	stream.linear.scatter [tilespmem:s0], [sflag:$0x1], $0x130, $0x38;
	[tilespmem:$0x13400] =	vst v63  }
0x312: {  	_ =	swait.ge [sflag:s22], $0x9800  }
0x313: {  	s25 =	simm.s32 $0x0;
	s3 =	simm.s32 $0x800;
	[sflag:s22] =	ssyncset.done $0x0  }
0x314: {  	s5 =	simm.s32 $0x4000;
	s1 =	rddreg [dreg:$0x6];
	[sflag:s22] =	ssyncadd.s32 $0xFFFF6800  }
0x315: {  	[tilespmem:s25], [sflag:$0x1] =	stream.strided.gather [hbm4b:s1+s3], $0x9800, s5, s3, $0x38;
	[tilespmem:$0x13400] =	vst v63  }
0x316: {  	s26 =	simm.s32 $0x0;
	_ =	swait.ge [sflag:s22], $0x9800  }
0x317: {  	s0 =	sand.u32 $0x70, s25;
	s1 =	sand.u32 $0x3FFFFF80, s26;
	[sflag:s22] =	ssyncset.done $0x0  }
0x318: {  	s26 =	sor.u32 s0, s1;
	[sflag:s22] =	ssyncadd.s32 $0xFFFF6800  }
0x319: {  	v20 =	vld [tilespmem:s26+$0x0]  }
0x31a: {  	v0 =	vld [tilespmem:s26+$0x800];
	_ =	sdelay $0x1  }
0x31b: {  	v23 =	vld [tilespmem:s26+$0x1000];
	_ =	sdelay $0x1  }
0x31c: {  	v39 =	vld [tilespmem:s26+$0x1800]  }
0x31d: {  	v1 =	vadd.f32 v0, v20  }
0x31e: {  	s28 =	simm.s32 $0x0;
	v26 =	vld [tilespmem:s26+$0x2000]  }
0x31f: {  	s28 =	smul.u32 $0x13, s28;
	v1 =	vadd.f32 v23, v1  }
0x320: {  	v2 =	vmov s0;
	v28 =	vld [tilespmem:s26+$0x2800]  }
0x321: {  	v2 =	vmul.u32 $0x138, v2;
	v9 =	vmov s28;
	s29 =	sadd.s32 $0x2, s28;
	s30 =	sadd.s32 $0x3, s28;
	v1 =	vadd.f32 v39, v1  }
0x322: {  	s31 =	sadd.s32 $0x4, s28;
	s7 =	sadd.s32 $0x8, s28;
	v3 =	vand.u32 $0x1F8, v9;
	v11 =	vmov s29;
	v14 =	vmov s30;
	v27 =	vld [tilespmem:s26+$0x3000]  }
0x323: {  	s9 =	sadd.s32 $0x9, s28;
	s11 =	sadd.s32 $0xA, s28;
	s13 =	sadd.s32 $0xB, s28;
	v15 =	vmov s31;
	v45 =	vmov s7;
	v1 =	vadd.f32 v26, v1  }
0x324: {  	s15 =	sadd.s32 $0xC, s28;
	v46 =	vmov s9;
	v49 =	vmov s11;
	v51 =	vmov s13;
	v29 =	vld [tilespmem:s26+$0x3800]  }
0x325: {  	s17 =	sadd.s32 $0xD, s28;
	s24 =	sadd.s32 $0x11, s28;
	v52 =	vmov s15;
	v2 =	vbroadcast v2, $0x0;
	v1 =	vadd.f32 v28, v1  }
0x326: {  	v8 =	vmov s17;
	v40 =	vmov s24;
	v9 =	vand.u32 $0x7, v9;
	s0 =	sadd.s32 $0x1, s28;
	v30 =	vld [tilespmem:s26+$0x4000]  }
0x327: {  	v10 =	vmov s0;
	v4 =	vadd.s32 v61, v2;
	v1 =	vadd.f32 v27, v1  }
0x328: {  	v5 =	vand.u32 $0x3F8, v15;
	v2 =	vand.u32 $0x3F8, v10;
	v12 =	vadd.s32 v3, v4;
	v31 =	vld [tilespmem:s26+$0x4800]  }
0x329: {  	s3 =	sadd.s32 $0x6, s28;
	v13 =	vadd.s32 v2, v4;
	v2 =	vand.u32 $0x3F8, v11;
	v3 =	vadd.f32 v29, v1  }
0x32a: {  	s5 =	sadd.s32 $0x7, s28;
	s25 =	simm.s32 $0x10;
	v22 =	vmov s3;
	v16 =	vadd.s32 v2, v4;
	v2 =	vand.u32 $0x3F8, v14;
	v1 =	vld [tilespmem:s26+$0x5000]  }
0x32b: {  	s29 =	sadd.s32 $0x12, s28;
	s30 =	simm.s32 $0x0;
	v24 =	vmov s5;
	s25 =	sand.u32 $0x70, s25;
	v17 =	vadd.s32 v2, v4;
	v2 =	vadd.f32 v30, v3  }
0x32c: {  	s1 =	sadd.s32 $0x5, s28;
	v44 =	vand.u32 $0x3F8, v40;
	v42 =	vmov s29;
	s31 =	smul.u32 $0x13, s30;
	v58 =	vmov s25;
	v32 =	vld [tilespmem:s26+$0x5800]  }
0x32d: {  	v19 =	vmov s1;
	v58 =	vmul.u32 $0x138, v58;
	v2 =	vadd.f32 v31, v2  }
0x32e: {  	v60 =	vmov s31;
	v10 =	vand.u32 $0x7, v10;
	v21 =	vadd.s32 v5, v4;
	v33 =	vld [tilespmem:s26+$0x6000]  }
0x32f: {  	s1 =	sadd.s32 $0x1, s31;
	v5 =	vand.u32 $0x3F8, v22;
	[tilespmem:$0x1F8F0] =	vst v60;
	v60 =	vand.u32 $0x1F8, v60;
	v2 =	vadd.f32 v1, v2  }
0x330: {  	v34 =	vld [tilespmem:s26+$0x6800];
	v62 =	vmov s1;
	v11 =	vand.u32 $0x7, v11;
	v36 =	vadd.s32 v5, v4  }
0x331: {  	v5 =	vand.u32 $0x3F8, v46;
	v58 =	vbroadcast v58, $0x0;
	v2 =	vadd.f32 v32, v2  }
0x332: {  	v35 =	vld [tilespmem:s26+$0x7000];
	v9 =	vor.u32 v9, v12;
	v10 =	vor.u32 v10, v13;
	v46 =	vand.u32 $0x7, v46  }
0x333: {  	v50 =	vadd.s32 v5, v4;
	v5 =	vand.u32 $0x3F8, v51;
	v2 =	vadd.f32 v33, v2  }
0x334: {  	s19 =	sadd.s32 $0xE, s28;
	v37 =	vld [tilespmem:s26+$0x7800];
	v11 =	vor.u32 v11, v16;
	v51 =	vand.u32 $0x7, v51;
	v54 =	vadd.s32 v5, v4  }
0x335: {  	v5 =	vmov s19;
	v3 =	vand.u32 $0x3F8, v19;
	v2 =	vadd.f32 v34, v2  }
0x336: {  	v38 =	vld [tilespmem:s26+$0x8000];
	v46 =	vor.u32 v46, v50;
	v25 =	vadd.s32 v3, v4;
	v3 =	vand.u32 $0x3F8, v24  }
0x337: {  	v47 =	vadd.s32 v3, v4;
	v3 =	vand.u32 $0x3F8, v45;
	v7 =	vadd.f32 v35, v2  }
0x338: {  	v18 =	vld [tilespmem:s26+$0x8800];
	v6 =	vand.u32 $0x3F8, v5;
	v48 =	vadd.s32 v3, v4;
	v3 =	vand.u32 $0x3F8, v49  }
0x339: {  	v53 =	vadd.s32 v3, v4;
	v3 =	vand.u32 $0x3F8, v52;
	v7 =	vadd.f32 v37, v7  }
0x33a: {  	s20 =	sadd.s32 $0xF, s28;
	v41 =	vld [tilespmem:s26+$0x9000];
	v5 =	vand.u32 $0x7, v5;
	v55 =	vadd.s32 v3, v4;
	v3 =	vand.u32 $0x3F8, v8  }
0x33b: {  	s21 =	sadd.s32 $0x10, s28;
	v56 =	vadd.s32 v3, v4;
	v3 =	vmov s20;
	v59 =	vadd.f32 v38, v7  }
0x33c: {  	v57 =	vadd.s32 v6, v4;
	v6 =	vand.u32 $0x3F8, v3;
	v2 =	vmov s21  }
0x33d: {  	v6 =	vadd.s32 v6, v4;
	v43 =	vand.u32 $0x3F8, v2;
	v59 =	vadd.f32 v18, v59  }
0x33e: {  	v7 =	vadd.s32 v43, v4;
	v43 =	vadd.s32 v44, v4;
	v44 =	vand.u32 $0x3F8, v42  }
0x33f: {  	v44 =	vadd.s32 v44, v4;
	v4 =	vadd.s32 v61, v58;
	v59 =	vadd.f32 v41, v59  }
0x340: {  	s3 =	sadd.s32 $0x2, s31;
	[tilespmem:$0x1F900] =	vst v62;
	v5 =	vor.u32 v5, v57;
	v58 =	vand.u32 $0x3F8, v62;
	v60 =	vadd.s32 v60, v4  }
0x341: {  	s5 =	sadd.s32 $0x3, s31;
	v62 =	vmov s3;
	v58 =	vadd.s32 v58, v4;
	[tilespmem:$0x1F910] =	vst v60;
	(erf) = vrcp.f32 v59  }
0x342: {  	v45 =	vand.u32 $0x7, v45;
	v63 =	vand.u32 $0x3F8, v62;
	[tilespmem:$0x1F920] =	vst v58;
	v60 =	vmov s5  }
0x343: {  	v8 =	vand.u32 $0x7, v8;
	v58 =	vadd.s32 v63, v4;
	[tilespmem:$0x1F940] =	vst v60;
	v60 =	vand.u32 $0x3F8, v60  }
0x344: {  	s7 =	sadd.s32 $0x5, s31;
	v45 =	vor.u32 v45, v48;
	v8 =	vor.u32 v8, v56;
	[tilespmem:$0x1F930] =	vst v58;
	v13 =	vadd.s32 v60, v4  }
0x345: {  	s1 =	sadd.s32 $0x4, s31;
	v2 =	vand.u32 $0x7, v2;
	v63 =	vand.u32 $0x7, v14;
	[tilespmem:$0x1F960] =	vst v13;
	v13 =	vmov s7  }
0x346: {  	v58 =	vor.u32 v63, v17;
	v59 =	vmov s1;
	[tilespmem:$0x1F980] =	vst v13;
	v13 =	vand.u32 $0x3F8, v13  }
0x347: {  	v60 =	vand.u32 $0x7, v19;
	v63 =	vand.u32 $0x3F8, v59;
	v13 =	vadd.s32 v13, v4  }
0x348: {  	s9 =	sadd.s32 $0x6, s31;
	v2 =	vor.u32 v2, v7;
	v60 =	vor.u32 v60, v25;
	[tilespmem:$0x1F950] =	vst v59;
	v12 =	vadd.s32 v63, v4  }
0x349: {  	v59 =	vand.u32 $0x7, v15;
	v15 =	vand.u32 $0x7, v24;
	[tilespmem:$0x1F970] =	vst v12;
	v12 =	vmov s9  }
0x34a: {  	v59 =	vor.u32 v59, v21;
	v47 =	vor.u32 v15, v47;
	[tilespmem:$0x1F990] =	vst v13;
	v15 =	vand.u32 $0x3F8, v12;
	v13 =	vpop (erf)  }
0x34b: {  	s20 =	sadd.s32 $0xC, s31;
	v63 =	vand.u32 $0x7, v22;
	v16 =	vmovc v12;
	v12 =	vadd.s32 v15, v4;
	v24 =	vmul.f32 v13, v20  }
0x34c: {  	s11 =	sadd.s32 $0x7, s31;
	v22 =	vmov s20;
	v36 =	vor.u32 v63, v36;
	[tilespmem:$0x1F9A0] =	vst v12;
	v0 =	vmul.f32 v13, v0  }
0x34d: {  	v63 =	vmov s11;
	v15 =	vand.u32 $0x7, v49;
	v14 =	vmul.f32 v13, v23;
	[tilespmem:v9+s23+$0x0] =	vst.idx.msk $0xffff, v24  }
0x34e: {  	v49 =	vor.u32 v51, v54;
	v54 =	vand.u32 $0x7, v52;
	[tilespmem:v10+s23+$0x0] =	vst.idx.msk $0xffff, v0;
	v0 =	vmul.f32 v13, v39  }
0x34f: {  	s15 =	sadd.s32 $0x9, s31;
	v48 =	vand.u32 $0x3F8, v63;
	v12 =	vor.u32 v54, v55;
	v54 =	vmul.f32 v13, v26;
	[tilespmem:v11+s23+$0x0] =	vst.idx.msk $0xffff, v14  }
0x350: {  	s13 =	sadd.s32 $0x8, s31;
	v50 =	vadd.s32 v48, v4;
	v52 =	vmov s15;
	[tilespmem:v58+s23+$0x0] =	vst.idx.msk $0xffff, v0;
	v0 =	vmul.f32 v13, v28  }
0x351: {  	v48 =	vor.u32 v15, v53;
	v53 =	vmov s13;
	v56 =	vmul.f32 v13, v27;
	[tilespmem:v59+s23+$0x0] =	vst.idx.msk $0xffff, v54  }
0x352: {  	s24 =	sadd.s32 $0xE, s31;
	v55 =	vand.u32 $0x3F8, v22;
	v21 =	vand.u32 $0x3F8, v53;
	[tilespmem:v60+s23+$0x0] =	vst.idx.msk $0xffff, v0;
	v0 =	vmul.f32 v13, v29  }
0x353: {  	s17 =	sadd.s32 $0xA, s31;
	v17 =	vadd.s32 v21, v4;
	v27 =	vmov s24;
	v59 =	vmul.f32 v13, v30;
	[tilespmem:v36+s23+$0x0] =	vst.idx.msk $0xffff, v56  }
0x354: {  	v21 =	vmov s17;
	v60 =	vmul.f32 v13, v31;
	[tilespmem:v47+s23+$0x0] =	vst.idx.msk $0xffff, v0;
	v0 =	vand.u32 $0x3F8, v27  }
0x355: {  	v25 =	vand.u32 $0x3F8, v21;
	[tilespmem:v45+s23+$0x0] =	vst.idx.msk $0xffff, v59;
	v30 =	vadd.s32 v0, v4;
	v0 =	vmul.f32 v13, v1  }
0x356: {  	s28 =	sadd.s32 $0xF, s31;
	v20 =	vand.u32 $0x3F8, v52;
	v1 =	vand.u32 $0x7, v3;
	v3 =	vmul.f32 v13, v32;
	[tilespmem:v46+s23+$0x0] =	vst.idx.msk $0xffff, v60  }
0x357: {  	s29 =	sadd.s32 $0x10, s31;
	v31 =	vmov s28;
	v1 =	vor.u32 v1, v6;
	v6 =	vmul.f32 v13, v33;
	[tilespmem:v48+s23+$0x0] =	vst.idx.msk $0xffff, v0  }
0x358: {  	v32 =	vmov s29;
	v0 =	vand.u32 $0x3F8, v31;
	[tilespmem:v49+s23+$0x0] =	vst.idx.msk $0xffff, v3;
	v3 =	vmul.f32 v13, v34  }
0x359: {  	s30 =	sadd.s32 $0x11, s31;
	v33 =	vadd.s32 v0, v4;
	v0 =	vand.u32 $0x3F8, v32;
	[tilespmem:v12+s23+$0x0] =	vst.idx.msk $0xffff, v6;
	v6 =	vmul.f32 v13, v35  }
0x35a: {  	s19 =	sadd.s32 $0xB, s31;
	s21 =	sadd.s32 $0xD, s31;
	s31 =	sadd.s32 $0x12, s31;
	v35 =	vmov s30;
	v36 =	vadd.s32 v0, v4;
	v0 =	vmul.f32 v13, v37;
	[tilespmem:v8+s23+$0x0] =	vst.idx.msk $0xffff, v3  }
0x35b: {  	v34 =	vmov s31;
	v3 =	vand.u32 $0x3F8, v35;
	[tilespmem:v5+s23+$0x0] =	vst.idx.msk $0xffff, v6;
	v5 =	vmul.f32 v13, v38  }
0x35c: {  	v37 =	vadd.s32 v3, v4;
	[tilespmem:v1+s23+$0x0] =	vst.idx.msk $0xffff, v0;
	v0 =	vand.u32 $0x3F8, v34;
	v1 =	vand.u32 $0x7, v40  }
0x35d: {  	v38 =	vadd.s32 v0, v4;
	v3 =	vor.u32 v1, v43;
	v0 =	vand.u32 $0x7, v42  }
0x35e: {  	v23 =	vmov s19;
	v26 =	vadd.s32 v55, v4;
	[tilespmem:v2+s23+$0x0] =	vst.idx.msk $0xffff, v5;
	v2 =	vor.u32 v0, v44  }
0x35f: {  	v20 =	vadd.s32 v20, v4;
	v24 =	vadd.s32 v25, v4;
	v28 =	vmov s21  }
0x360: {  	v39 =	vand.u32 $0x3F8, v23;
	v58 =	vand.u32 $0x3F8, v28;
	v5 =	vmul.f32 v13, v18  }
0x361: {  	s0 =	simm.s32 $0x2;
	s26 =	simm.s32 $0x20;
	s1 =	simm.s32 $0x10;
	[tilespmem:$0x1F9B0] =	vst v50;
	v25 =	vadd.s32 v39, v4;
	v29 =	vadd.s32 v58, v4;
	v4 =	vmul.f32 v13, v41  }
.LBB2_14:
0x362: {  	s1 =	sand.u32 $0x3FFFFF80, s1;
	[tilespmem:v3+s23+$0x0] =	vst.idx.msk $0xffff, v5  }
0x363: {  	s3 =	sand.u32 $0x70, s26;
	v0 =	vmov v36;
	s29 =	smov.u32 s0;
	s30 =	sor.u32 s25, s1;
	[tilespmem:v2+s23+$0x0] =	vst.idx.msk $0xffff, v4  }
0x364: {  	[tilespmem:$0x1F830] =	vst v0;
	v0 =	vmov s3;
	s21 =	sshrl.u32 s29, $0x3;
	v40 =	vld [tilespmem:s30+$0x0]  }
0x365: {  	s25 =	smov.u32 s3;
	v0 =	vmul.u32 $0x138, v0;
	s3 =	smul.u32 $0x13, s21;
	v42 =	vld [tilespmem:s30+$0x800];
	_ =	sdelay $0x1  }
0x366: {  	s28 =	sadd.s32 $0x1, s0;
	p0 =	sne.s32 s0, $0x7F;
	v1 =	vmov v38;
	v41 =	vld [tilespmem:s30+$0x1000];
	v0 =	vbroadcast v0, $0x0;
	v47 =	vmov s3;
	s0 =	sadd.s32 $0x1, s3  }
0x367: {  	v9 =	vmov v30;
	[tilespmem:$0x1F870] =	vst v1;
	s24 =	sadd.s32 $0x2, s3;
	s5 =	sadd.s32 $0x3, s3;
	v1 =	vand.u32 $0x1F8, v47;
	v48 =	vmov s0  }
0x368: {  	v3 =	vmovc v37;
	[tilespmem:$0x1F7F0] =	vst v9;
	v43 =	vld [tilespmem:s30+$0x1800];
	v51 =	vmov s24;
	v9 =	vmov s5;
	v38 =	vadd.s32 v61, v0  }
0x369: {  	[tilespmem:$0x1F850] =	vst v3;
	s7 =	sadd.s32 $0x5, s3;
	v0 =	vand.u32 $0x3F8, v48;
	v3 =	vadd.s32 v1, v38;
	v1 =	vadd.f32 v42, v40  }
0x36a: {  	v8 =	vmovc v31;
	v39 =	vmovc v53;
	v44 =	vld [tilespmem:s30+$0x2000];
	v53 =	vmov s7;
	v4 =	vadd.s32 v0, v38;
	v0 =	vand.u32 $0x3F8, v51  }
0x36b: {  	v6 =	vmovc v33;
	[tilespmem:$0x1F800] =	vst v8;
	v8 =	vadd.s32 v0, v38;
	v0 =	vand.u32 $0x3F8, v9;
	v1 =	vadd.f32 v41, v1  }
0x36c: {  	[tilespmem:$0x1F810] =	vst v6;
	v45 =	vld [tilespmem:s30+$0x2800];
	s9 =	sadd.s32 $0x6, s3;
	v6 =	vadd.s32 v0, v38;
	v0 =	vand.u32 $0x3F8, v53  }
0x36d: {  	v19 =	vmovc v52;
	v52 =	vmov s9;
	v0 =	vadd.s32 v0, v38;
	v1 =	vadd.f32 v43, v1  }
0x36e: {  	v7 =	vmov v32;
	v46 =	vld [tilespmem:s30+$0x3000];
	s11 =	sadd.s32 $0x7, s3;
	[tilespmem:$0x1F880] =	vst v0;
	v0 =	vand.u32 $0x3F8, v52  }
0x36f: {  	[tilespmem:$0x1F820] =	vst v7;
	s31 =	sadd.s32 $0x4, s3;
	s13 =	sadd.s32 $0x8, s3;
	v57 =	vmov s11;
	v0 =	vadd.s32 v0, v38;
	v1 =	vadd.f32 v44, v1  }
0x370: {  	v2 =	vmovc v34;
	v49 =	vld [tilespmem:s30+$0x3800];
	v50 =	vmov s31;
	v60 =	vmov s13;
	[tilespmem:$0x1F890] =	vst v0;
	v0 =	vand.u32 $0x3F8, v57  }
0x371: {  	[tilespmem:$0x1F860] =	vst v2;
	s15 =	sadd.s32 $0x9, s3;
	v2 =	vand.u32 $0x3F8, v50;
	v0 =	vadd.s32 v0, v38;
	v1 =	vadd.f32 v45, v1  }
0x372: {  	v5 =	vmovc v35;
	v56 =	vmov s15;
	v7 =	vadd.s32 v2, v38;
	v2 =	vld [tilespmem:s30+$0x4000];
	[tilespmem:$0x1F8A0] =	vst v0;
	v0 =	vand.u32 $0x3F8, v60  }
0x373: {  	[tilespmem:$0x1F840] =	vst v5;
	v5 =	vand.u32 $0x3F8, v56;
	v0 =	vadd.s32 v0, v38;
	v59 =	vadd.f32 v46, v1  }
0x374: {  	[tilespmem:$0x1F8B0] =	vst v0;
	v0 =	vadd.s32 v5, v38;
	v5 =	vld [tilespmem:s30+$0x4800]  }
0x375: {  	v10 =	vmov v29;
	v29 =	vadd.f32 v49, v59  }
0x376: {  	v13 =	vmov v26;
	[tilespmem:$0x1F7D0] =	vst v10;
	v10 =	vld [tilespmem:s30+$0x5000]  }
0x377: {  	v11 =	vmov v27;
	[tilespmem:$0x1F7B0] =	vst v13;
	s17 =	sadd.s32 $0xA, s3;
	v13 =	vadd.f32 v2, v29  }
0x378: {  	v12 =	vmov v28;
	[tilespmem:$0x1F7E0] =	vst v11;
	v11 =	vld [tilespmem:s30+$0x5800];
	s19 =	sadd.s32 $0xB, s3;
	s5 =	sadd.s32 $0x10, s3;
	v58 =	vmov s17  }
0x379: {  	[tilespmem:$0x1F7C0] =	vst v12;
	v61 =	vmov s19;
	v32 =	vmov s5;
	v37 =	vadd.f32 v5, v13  }
0x37a: {  	v54 =	vld [tilespmem:s30+$0x6000];
	v12 =	vand.u32 $0x3F8, v61;
	v55 =	vand.u32 $0x3F8, v32;
	[tilespmem:$0x1F8C0] =	vst v0;
	v0 =	vand.u32 $0x3F8, v58  }
0x37b: {  	v36 =	vadd.s32 v55, v38;
	v0 =	vadd.s32 v0, v38;
	v55 =	vadd.f32 v10, v37  }
0x37c: {  	s21 =	sadd.s32 $0xD, s3;
	[tilespmem:$0x1F8D0] =	vst v0;
	v0 =	vadd.s32 v12, v38;
	v12 =	vld [tilespmem:s30+$0x6800]  }
0x37d: {  	s1 =	sadd.s32 $0x11, s3;
	s24 =	sadd.s32 $0xE, s3;
	v28 =	vmov s21;
	v55 =	vadd.f32 v11, v55  }
0x37e: {  	s31 =	sadd.s32 $0x12, s3;
	v35 =	vmov s1;
	v27 =	vmov s24;
	v30 =	vand.u32 $0x3F8, v28;
	[tilespmem:$0x1F8E0] =	vst v0;
	v0 =	vld [tilespmem:s30+$0x7000]  }
0x37f: {  	s0 =	sadd.s32 $0xF, s3;
	v34 =	vmov s31;
	v31 =	vand.u32 $0x3F8, v27;
	v55 =	vadd.f32 v54, v55  }
0x380: {  	s20 =	sadd.s32 $0xC, s3;
	v29 =	vadd.s32 v30, v38;
	v30 =	vadd.s32 v31, v38;
	v31 =	vmov s0;
	v13 =	vld [tilespmem:s30+$0x7800]  }
0x381: {  	v1 =	vmov s20;
	v14 =	vand.u32 $0x3F8, v31;
	v55 =	vadd.f32 v12, v55  }
0x382: {  	v18 =	vld [tilespmem:s30+$0x8000];
	v26 =	vand.u32 $0x3F8, v1;
	v59 =	vand.u32 $0x3F8, v35;
	v33 =	vadd.s32 v14, v38  }
0x383: {  	v37 =	vadd.s32 v59, v38;
	v59 =	vand.u32 $0x3F8, v34;
	v14 =	vadd.f32 v0, v55  }
0x384: {  	v26 =	vadd.s32 v26, v38;
	v38 =	vadd.s32 v59, v38;
	v59 =	vld [tilespmem:s30+$0x8800]  }
0x385: {  	v15 =	vmov v62;
	v62 =	vadd.f32 v13, v14  }
0x386: {  	v55 =	vld [tilespmem:s30+$0x9000]  }
0x387: {  	v62 =	vadd.f32 v18, v62  }
0x388: {  	v14 =	vld [tilespmem:$0x1F8F0]  }
0x389: {  	v62 =	vadd.f32 v59, v62;
	_ =	sdelay $0x1  }
0x38a: {  	v62 =	vadd.f32 v55, v62;
	_ =	sdelay $0x1  }
0x38b: {  	(erf) = vrcp.f32 v62;
	v62 =	vand.u32 $0x7, v14;
	v14 =	vmov v47;
	v47 =	vld [tilespmem:$0x1F910];
	_ =	sdelay $0x4  }
0x38c: {  	v47 =	vor.u32 v62, v47;
	v62 =	vld [tilespmem:$0x1F900];
	_ =	sdelay $0x2  }
0x38d: {  	[tilespmem:$0x1F8F0] =	vst v14;
	v14 =	vmov v48;
	v48 =	vmov v3;
	v3 =	vld [tilespmem:$0x1F920];
	_ =	sdelay $0x1  }
0x38e: {  	v62 =	vand.u32 $0x7, v62;
	_ =	sdelay $0x2  }
0x38f: {  	[tilespmem:$0x1F910] =	vst v48;
	v3 =	vor.u32 v62, v3;
	v62 =	vmov v51;
	v51 =	vmov v4;
	v4 =	vld [tilespmem:$0x1F930]  }
0x390: {  	[tilespmem:$0x1F920] =	vst v51;
	v51 =	vld [tilespmem:$0x1F940]  }
0x391: {  	v48 =	vand.u32 $0x7, v15;
	[tilespmem:$0x1F900] =	vst v14;
	v14 =	vld [tilespmem:$0x1F960];
	_ =	sdelay $0x2  }
0x392: {  	v4 =	vor.u32 v48, v4;
	v48 =	vmov v8  }
0x393: {  	v15 =	vand.u32 $0x7, v51;
	[tilespmem:$0x1F930] =	vst v48;
	v48 =	vld [tilespmem:$0x1F950]  }
0x394: {  	v8 =	vor.u32 v15, v14;
	v15 =	vld [tilespmem:$0x1F970];
	_ =	sdelay $0x3  }
0x395: {  	v51 =	vmov v9;
	v9 =	vand.u32 $0x7, v48  }
0x396: {  	[tilespmem:$0x1F940] =	vst v51;
	v51 =	vld [tilespmem:$0x1F980];
	v9 =	vor.u32 v9, v15;
	v15 =	vmov v50  }
0x397: {  	[tilespmem:$0x1F950] =	vst v15;
	v15 =	vld [tilespmem:$0x1F990];
	_ =	sdelay $0x3  }
0x398: {  	v14 =	vand.u32 $0x7, v51  }
0x399: {  	v48 =	vpop (erf);
	v14 =	vor.u32 v14, v15;
	v15 =	vmov v6;
	v6 =	vmov v7;
	v7 =	vld [tilespmem:$0x1F9A0]  }
0x39a: {  	v40 =	vmul.f32 v48, v40;
	[tilespmem:$0x1F960] =	vst v15;
	v15 =	vld [tilespmem:$0x1F9B0]  }
0x39b: {  	v42 =	vmul.f32 v48, v42  }
0x39c: {  	[tilespmem:v47+s23+$0x0] =	vst.idx.msk $0xffff, v40  }
0x39d: {  	v16 =	vand.u32 $0x7, v16;
	v41 =	vmul.f32 v48, v41;
	[tilespmem:v3+s23+$0x0] =	vst.idx.msk $0xffff, v42  }
0x39e: {  	[tilespmem:$0x1F970] =	vst v6;
	v6 =	vmul.f32 v48, v43;
	v7 =	vor.u32 v16, v7;
	v16 =	vand.u32 $0x7, v63  }
0x39f: {  	v3 =	vmul.f32 v48, v44;
	[tilespmem:v4+s23+$0x0] =	vst.idx.msk $0xffff, v41;
	v16 =	vor.u32 v16, v15;
	v15 =	vand.u32 $0x7, v39  }
0x3a0: {  	v4 =	vmul.f32 v48, v45;
	[tilespmem:v8+s23+$0x0] =	vst.idx.msk $0xffff, v6;
	v15 =	vor.u32 v15, v17;
	v17 =	vand.u32 $0x7, v19  }
0x3a1: {  	v6 =	vmul.f32 v48, v46;
	[tilespmem:v9+s23+$0x0] =	vst.idx.msk $0xffff, v3;
	v40 =	vor.u32 v17, v20;
	v17 =	vand.u32 $0x7, v21  }
0x3a2: {  	v3 =	vmul.f32 v48, v49;
	[tilespmem:v14+s23+$0x0] =	vst.idx.msk $0xffff, v4;
	v41 =	vor.u32 v17, v24  }
0x3a3: {  	v2 =	vmul.f32 v48, v2;
	v47 =	vld [tilespmem:$0x1F810];
	[tilespmem:v7+s23+$0x0] =	vst.idx.msk $0xffff, v6  }
0x3a4: {  	v5 =	vmul.f32 v48, v5;
	v46 =	vld [tilespmem:$0x1F800];
	[tilespmem:v16+s23+$0x0] =	vst.idx.msk $0xffff, v3  }
0x3a5: {  	v49 =	vld [tilespmem:$0x1F820];
	v3 =	vmul.f32 v48, v10;
	[tilespmem:v15+s23+$0x0] =	vst.idx.msk $0xffff, v2  }
0x3a6: {  	v6 =	vld [tilespmem:$0x1F7B0];
	[tilespmem:v40+s23+$0x0] =	vst.idx.msk $0xffff, v5  }
0x3a7: {  	v17 =	vand.u32 $0x7, v23;
	[tilespmem:v41+s23+$0x0] =	vst.idx.msk $0xffff, v3;
	v3 =	vld [tilespmem:$0x1F830]  }
0x3a8: {  	v4 =	vor.u32 v17, v25;
	v7 =	vld [tilespmem:$0x1F7C0]  }
0x3a9: {  	v43 =	vld [tilespmem:$0x1F7D0]  }
0x3aa: {  	v2 =	vmul.f32 v48, v11;
	v11 =	vand.u32 $0x7, v46  }
0x3ab: {  	v42 =	vand.u32 $0x7, v22;
	v8 =	vor.u32 v11, v47;
	v11 =	vand.u32 $0x7, v49  }
0x3ac: {  	v6 =	vor.u32 v42, v6;
	v11 =	vor.u32 v11, v3;
	v3 =	vld [tilespmem:$0x1F840]  }
0x3ad: {  	v7 =	vand.u32 $0x7, v7;
	[tilespmem:v4+s23+$0x0] =	vst.idx.msk $0xffff, v2;
	v2 =	vld [tilespmem:$0x1F850]  }
0x3ae: {  	v7 =	vor.u32 v7, v43  }
0x3af: {  	v5 =	vmul.f32 v48, v54;
	_ =	sdelay $0x1  }
0x3b0: {  	v50 =	vmul.f32 v48, v12;
	[tilespmem:v6+s23+$0x0] =	vst.idx.msk $0xffff, v5;
	v5 =	vld [tilespmem:$0x1F870];
	v3 =	vand.u32 $0x7, v3  }
0x3b1: {  	v3 =	vor.u32 v3, v2;
	v2 =	vld [tilespmem:$0x1F860]  }
0x3b2: {  	[tilespmem:v7+s23+$0x0] =	vst.idx.msk $0xffff, v50;
	v7 =	vld [tilespmem:$0x1F880];
	_ =	sdelay $0x3  }
0x3b3: {  	v2 =	vand.u32 $0x7, v2  }
0x3b4: {  	v2 =	vor.u32 v2, v5;
	v5 =	vmov v7;
	v7 =	vld [tilespmem:$0x1F890];
	_ =	sdelay $0x4  }
0x3b5: {  	[tilespmem:$0x1F990] =	vst v5;
	v5 =	vmul.f32 v48, v59;
	v59 =	vmov v7;
	v7 =	vld [tilespmem:$0x1F8A0];
	_ =	sdelay $0x4  }
0x3b6: {  	v51 =	vmul.f32 v48, v0;
	v0 =	vmov v7  }
0x3b7: {  	[tilespmem:$0x1F9B0] =	vst v0;
	v0 =	vld [tilespmem:$0x1F8B0];
	_ =	sdelay $0x4  }
0x3b8: {  	v17 =	vmov v0;
	v0 =	vld [tilespmem:$0x1F8C0]  }
0x3b9: {  	v44 =	vld [tilespmem:$0x1F7E0]  }
0x3ba: {  	v45 =	vld [tilespmem:$0x1F7F0];
	_ =	sdelay $0x2  }
0x3bb: {  	v20 =	vmov v0;
	v0 =	vld [tilespmem:$0x1F8D0]  }
0x3bc: {  	v10 =	vand.u32 $0x7, v44  }
0x3bd: {  	v10 =	vor.u32 v10, v45;
	_ =	sdelay $0x2  }
0x3be: {  	v54 =	vmov v53;
	v24 =	vmov v0;
	v0 =	vld [tilespmem:$0x1F8E0]  }
.Ltmp6:
0x3bf: {  	[tilespmem:$0x1F980] =	vst v54;
	v4 =	vmul.f32 v48, v13;
	(pc) =	sbr.rel @p0 .LBB2_14-.Ltmp6, $4  }
0x3c0: {  	v6 =	vmul.f32 v48, v18;
	[tilespmem:v10+s23+$0x0] =	vst.idx.msk $0xffff, v51  }
0x3c1: {  	[tilespmem:v8+s23+$0x0] =	vst.idx.msk $0xffff, v4  }
0x3c2: {  	v22 =	vmovc v1;
	v63 =	vmov v57;
	v21 =	vmov v58;
	v23 =	vmov v61;
	[tilespmem:v11+s23+$0x0] =	vst.idx.msk $0xffff, v6  }
0x3c3: {  	s26 =	sadd.s32 $0x10, s26;
	s1 =	sshll.u32 s29, $0x4;
	s0 =	smov.u32 s28;
	v61 =	vld [tilespmem:$0x1FFF0];
	v16 =	vmovc v52;
	v52 =	vmovc v56;
	v53 =	vmov v60;
	v4 =	vmul.f32 v48, v55;
	[tilespmem:$0x1F9A0] =	vst v59;
	v25 =	vmov v0  }
0x3c4: {  	_ =	sdelay $0x3  }
0x3c5: {  	s0 =	sand.u32 $0x3FFFFF80, s1;
	[tilespmem:v3+s23+$0x0] =	vst.idx.msk $0xffff, v5  }
0x3c6: {  	s0 =	sor.u32 s25, s0;
	[tilespmem:v2+s23+$0x0] =	vst.idx.msk $0xffff, v4  }
0x3c7: {  	v0 =	vld [tilespmem:s0+$0x0]  }
0x3c8: {  	v1 =	vld [tilespmem:s0+$0x800];
	_ =	sdelay $0x1  }
0x3c9: {  	v2 =	vld [tilespmem:s0+$0x1000];
	_ =	sdelay $0x1  }
0x3ca: {  	v3 =	vld [tilespmem:s0+$0x1800]  }
0x3cb: {  	v44 =	vadd.f32 v1, v0  }
0x3cc: {  	v5 =	vld [tilespmem:s0+$0x2000]  }
0x3cd: {  	v4 =	vadd.f32 v2, v44  }
0x3ce: {  	v6 =	vld [tilespmem:s0+$0x2800]  }
0x3cf: {  	v4 =	vadd.f32 v3, v4  }
0x3d0: {  	v7 =	vld [tilespmem:s0+$0x3000]  }
0x3d1: {  	v4 =	vadd.f32 v5, v4  }
0x3d2: {  	v8 =	vld [tilespmem:s0+$0x3800]  }
0x3d3: {  	v4 =	vadd.f32 v6, v4  }
0x3d4: {  	v9 =	vld [tilespmem:s0+$0x4000]  }
0x3d5: {  	v4 =	vadd.f32 v7, v4  }
0x3d6: {  	v10 =	vld [tilespmem:s0+$0x4800]  }
0x3d7: {  	v4 =	vadd.f32 v8, v4  }
0x3d8: {  	v11 =	vld [tilespmem:s0+$0x5000]  }
0x3d9: {  	v4 =	vadd.f32 v9, v4  }
0x3da: {  	v12 =	vld [tilespmem:s0+$0x5800]  }
0x3db: {  	v4 =	vadd.f32 v10, v4  }
0x3dc: {  	v13 =	vld [tilespmem:s0+$0x6000]  }
0x3dd: {  	v4 =	vadd.f32 v11, v4  }
0x3de: {  	v18 =	vld [tilespmem:s0+$0x6800]  }
0x3df: {  	v4 =	vadd.f32 v12, v4  }
0x3e0: {  	v40 =	vld [tilespmem:s0+$0x7000]  }
0x3e1: {  	v4 =	vadd.f32 v13, v4  }
0x3e2: {  	v41 =	vld [tilespmem:s0+$0x7800]  }
0x3e3: {  	v4 =	vadd.f32 v18, v4  }
0x3e4: {  	v42 =	vld [tilespmem:s0+$0x8000]  }
0x3e5: {  	v4 =	vadd.f32 v40, v4  }
0x3e6: {  	v43 =	vld [tilespmem:s0+$0x8800]  }
0x3e7: {  	v4 =	vadd.f32 v41, v4  }
0x3e8: {  	v44 =	vld [tilespmem:s0+$0x9000]  }
0x3e9: {  	v4 =	vadd.f32 v42, v4;
	_ =	sdelay $0x1  }
0x3ea: {  	v4 =	vadd.f32 v43, v4  }
0x3eb: {  	v45 =	vld [tilespmem:$0x1F8F0]  }
0x3ec: {  	v14 =	vld [tilespmem:$0x1F910];
	v4 =	vadd.f32 v44, v4  }
0x3ed: {  	v46 =	vld [tilespmem:$0x1F900]  }
0x3ee: {  	v47 =	vld [tilespmem:$0x1F920];
	(erf) = vrcp.f32 v4  }
0x3ef: {  	v48 =	vld [tilespmem:$0x1F930]  }
0x3f0: {  	v49 =	vld [tilespmem:$0x1F940]  }
0x3f1: {  	v50 =	vld [tilespmem:$0x1F960]  }
0x3f2: {  	v51 =	vld [tilespmem:$0x1F950]  }
0x3f3: {  	v54 =	vld [tilespmem:$0x1F980]  }
0x3f4: {  	v15 =	vld [tilespmem:$0x1F970];
	v4 =	vand.u32 $0x7, v45  }
0x3f5: {  	v55 =	vld [tilespmem:$0x1F990];
	v45 =	vand.u32 $0x7, v46;
	v4 =	vor.u32 v4, v14  }
0x3f6: {  	v57 =	vld [tilespmem:$0x1F9A0];
	v46 =	vand.u32 $0x7, v62;
	v45 =	vor.u32 v45, v47  }
0x3f7: {  	v60 =	vld [tilespmem:$0x1F9B0];
	v46 =	vor.u32 v46, v48;
	v47 =	vand.u32 $0x7, v49;
	v48 =	vpop (erf)  }
0x3f8: {  	v49 =	vand.u32 $0x7, v51;
	v47 =	vor.u32 v47, v50;
	v0 =	vmul.f32 v48, v0  }
0x3f9: {  	v14 =	vand.u32 $0x7, v54;
	v49 =	vor.u32 v49, v15;
	v1 =	vmul.f32 v48, v1  }
0x3fa: {  	v16 =	vand.u32 $0x7, v16;
	v14 =	vor.u32 v14, v55;
	v2 =	vmul.f32 v48, v2;
	[tilespmem:v4+s23+$0x0] =	vst.idx.msk $0xffff, v0  }
0x3fb: {  	v58 =	vand.u32 $0x7, v63;
	v56 =	vmul.f32 v48, v3;
	v3 =	vor.u32 v16, v57;
	[tilespmem:v45+s23+$0x0] =	vst.idx.msk $0xffff, v1  }
0x3fc: {  	v62 =	vand.u32 $0x7, v53;
	v59 =	vmul.f32 v48, v5;
	v4 =	vor.u32 v58, v60;
	[tilespmem:v46+s23+$0x0] =	vst.idx.msk $0xffff, v2  }
0x3fd: {  	v15 =	vand.u32 $0x7, v52;
	v63 =	vmul.f32 v48, v6;
	v5 =	vor.u32 v62, v17;
	[tilespmem:v47+s23+$0x0] =	vst.idx.msk $0xffff, v56  }
0x3fe: {  	v16 =	vmul.f32 v48, v7;
	v6 =	vor.u32 v15, v20;
	v17 =	vand.u32 $0x7, v21;
	[tilespmem:v49+s23+$0x0] =	vst.idx.msk $0xffff, v59  }
0x3ff: {  	v19 =	vmul.f32 v48, v8;
	v20 =	vand.u32 $0x7, v23;
	v7 =	vor.u32 v17, v24;
	[tilespmem:v14+s23+$0x0] =	vst.idx.msk $0xffff, v63  }
0x400: {  	v21 =	vmul.f32 v48, v9;
	v23 =	vand.u32 $0x7, v22;
	v8 =	vor.u32 v20, v25;
	[tilespmem:v3+s23+$0x0] =	vst.idx.msk $0xffff, v16  }
0x401: {  	v24 =	vmul.f32 v48, v10;
	v25 =	vor.u32 v23, v26;
	v26 =	vand.u32 $0x7, v28;
	[tilespmem:v4+s23+$0x0] =	vst.idx.msk $0xffff, v19  }
0x402: {  	v39 =	vand.u32 $0x7, v27;
	v28 =	vmul.f32 v48, v11;
	v29 =	vor.u32 v26, v29;
	[tilespmem:v5+s23+$0x0] =	vst.idx.msk $0xffff, v21  }
0x403: {  	v45 =	vmul.f32 v48, v12;
	v46 =	vor.u32 v39, v30;
	v47 =	vand.u32 $0x7, v31;
	[tilespmem:v6+s23+$0x0] =	vst.idx.msk $0xffff, v24  }
0x404: {  	v51 =	vand.u32 $0x7, v32;
	v49 =	vmul.f32 v48, v13;
	v50 =	vor.u32 v47, v33;
	[tilespmem:v7+s23+$0x0] =	vst.idx.msk $0xffff, v28  }
0x405: {  	v54 =	vand.u32 $0x7, v35;
	v53 =	vor.u32 v51, v36;
	v52 =	vmul.f32 v48, v18;
	[tilespmem:v8+s23+$0x0] =	vst.idx.msk $0xffff, v45  }
0x406: {  	v55 =	vmul.f32 v48, v40;
	v57 =	vand.u32 $0x7, v34;
	v56 =	vor.u32 v54, v37;
	[tilespmem:v25+s23+$0x0] =	vst.idx.msk $0xffff, v49  }
0x407: {  	v58 =	vmul.f32 v48, v41;
	v59 =	vor.u32 v57, v38;
	[tilespmem:v29+s23+$0x0] =	vst.idx.msk $0xffff, v52  }
0x408: {  	v60 =	vmul.f32 v48, v42;
	[tilespmem:v46+s23+$0x0] =	vst.idx.msk $0xffff, v55  }
0x409: {  	v62 =	vmul.f32 v48, v43;
	[tilespmem:v50+s23+$0x0] =	vst.idx.msk $0xffff, v58  }
0x40a: {  	v63 =	vmul.f32 v48, v44;
	[tilespmem:v53+s23+$0x0] =	vst.idx.msk $0xffff, v60  }
0x40b: {  	s1 =	simm.s32 $0x130;
	[tilespmem:v56+s23+$0x0] =	vst.idx.msk $0xffff, v62  }
0x40c: {  	s5 =	simm.s32 $0x9938;
	s25 =	sadd.s32 $0x0, s10;
	s0 =	simm.s32 $0x9800;
	[tilespmem:v59+s23+$0x0] =	vst.idx.msk $0xffff, v63  }
.LBB2_16:
0x40d: {  	[hbm4b:s25+s2] =	stream.linear.scatter [tilespmem:s0], [sflag:$0x1], $0x130, $0x38;
	[tilespmem:$0x13400] =	vst v63  }
0x40e: {  	s3 =	smov.u32 s1;
	s0 =	smov.u32 s5;
	p0 =	sne.s32 s1, $0x96D0  }
.Ltmp7:
0x40f: {  	s1 =	sadd.s32 $0x130, s1;
	(pc) =	sbr.rel @p0 .LBB2_16-.Ltmp7, $2  }
0x410: {  	_ =	sdelay $0x2  }
0x411: {  	s5 =	sadd.s32 $0x138, s5;
	s25 =	sadd.s32 s3, s10  }
0x412: {  	[hbm4b:s25+s2] =	stream.linear.scatter [tilespmem:s0], [sflag:$0x1], $0x130, $0x38;
	[tilespmem:$0x13400] =	vst v63  }
0x413: {  	_ =	swait.ge [sflag:s22], $0x9800  }
0x414: {  	s25 =	simm.s32 $0x0;
	s3 =	simm.s32 $0x800;
	[sflag:s22] =	ssyncset.done $0x0  }
0x415: {  	s5 =	simm.s32 $0x4000;
	s1 =	rddreg [dreg:$0x7];
	[sflag:s22] =	ssyncadd.s32 $0xFFFF6800  }
0x416: {  	[tilespmem:s25], [sflag:$0x1] =	stream.strided.gather [hbm4b:s1+s3], $0x9800, s5, s3, $0x38;
	[tilespmem:$0x13400] =	vst v63  }
0x417: {  	s26 =	simm.s32 $0x0;
	_ =	swait.ge [sflag:s22], $0x9800  }
0x418: {  	s0 =	sand.u32 $0x70, s25;
	s1 =	sand.u32 $0x3FFFFF80, s26;
	[sflag:s22] =	ssyncset.done $0x0  }
0x419: {  	s26 =	sor.u32 s0, s1;
	[sflag:s22] =	ssyncadd.s32 $0xFFFF6800  }
0x41a: {  	v20 =	vld [tilespmem:s26+$0x0]  }
0x41b: {  	v0 =	vld [tilespmem:s26+$0x800];
	_ =	sdelay $0x1  }
0x41c: {  	v23 =	vld [tilespmem:s26+$0x1000];
	_ =	sdelay $0x1  }
0x41d: {  	v39 =	vld [tilespmem:s26+$0x1800]  }
0x41e: {  	v1 =	vadd.f32 v0, v20  }
0x41f: {  	s28 =	simm.s32 $0x0;
	v26 =	vld [tilespmem:s26+$0x2000]  }
0x420: {  	s28 =	smul.u32 $0x13, s28;
	v1 =	vadd.f32 v23, v1  }
0x421: {  	v2 =	vmov s0;
	v28 =	vld [tilespmem:s26+$0x2800]  }
0x422: {  	v2 =	vmul.u32 $0x138, v2;
	v9 =	vmov s28;
	s29 =	sadd.s32 $0x2, s28;
	s30 =	sadd.s32 $0x3, s28;
	v1 =	vadd.f32 v39, v1  }
0x423: {  	s31 =	sadd.s32 $0x4, s28;
	s7 =	sadd.s32 $0x8, s28;
	v3 =	vand.u32 $0x1F8, v9;
	v11 =	vmov s29;
	v14 =	vmov s30;
	v27 =	vld [tilespmem:s26+$0x3000]  }
0x424: {  	s9 =	sadd.s32 $0x9, s28;
	s11 =	sadd.s32 $0xA, s28;
	s13 =	sadd.s32 $0xB, s28;
	v15 =	vmov s31;
	v45 =	vmov s7;
	v1 =	vadd.f32 v26, v1  }
0x425: {  	s15 =	sadd.s32 $0xC, s28;
	v46 =	vmov s9;
	v49 =	vmov s11;
	v51 =	vmov s13;
	v29 =	vld [tilespmem:s26+$0x3800]  }
0x426: {  	s17 =	sadd.s32 $0xD, s28;
	s24 =	sadd.s32 $0x11, s28;
	v52 =	vmov s15;
	v2 =	vbroadcast v2, $0x0;
	v1 =	vadd.f32 v28, v1  }
0x427: {  	v8 =	vmov s17;
	v40 =	vmov s24;
	v9 =	vand.u32 $0x7, v9;
	s0 =	sadd.s32 $0x1, s28;
	v30 =	vld [tilespmem:s26+$0x4000]  }
0x428: {  	v10 =	vmov s0;
	v4 =	vadd.s32 v61, v2;
	v1 =	vadd.f32 v27, v1  }
0x429: {  	v5 =	vand.u32 $0x3F8, v15;
	v2 =	vand.u32 $0x3F8, v10;
	v12 =	vadd.s32 v3, v4;
	v31 =	vld [tilespmem:s26+$0x4800]  }
0x42a: {  	s3 =	sadd.s32 $0x6, s28;
	v13 =	vadd.s32 v2, v4;
	v2 =	vand.u32 $0x3F8, v11;
	v3 =	vadd.f32 v29, v1  }
0x42b: {  	s5 =	sadd.s32 $0x7, s28;
	s25 =	simm.s32 $0x10;
	v22 =	vmov s3;
	v16 =	vadd.s32 v2, v4;
	v2 =	vand.u32 $0x3F8, v14;
	v1 =	vld [tilespmem:s26+$0x5000]  }
0x42c: {  	s29 =	sadd.s32 $0x12, s28;
	s30 =	simm.s32 $0x0;
	v24 =	vmov s5;
	s25 =	sand.u32 $0x70, s25;
	v17 =	vadd.s32 v2, v4;
	v2 =	vadd.f32 v30, v3  }
0x42d: {  	s1 =	sadd.s32 $0x5, s28;
	v44 =	vand.u32 $0x3F8, v40;
	v42 =	vmov s29;
	s31 =	smul.u32 $0x13, s30;
	v58 =	vmov s25;
	v32 =	vld [tilespmem:s26+$0x5800]  }
0x42e: {  	v19 =	vmov s1;
	v58 =	vmul.u32 $0x138, v58;
	v2 =	vadd.f32 v31, v2  }
0x42f: {  	v60 =	vmov s31;
	v10 =	vand.u32 $0x7, v10;
	v21 =	vadd.s32 v5, v4;
	v33 =	vld [tilespmem:s26+$0x6000]  }
0x430: {  	s1 =	sadd.s32 $0x1, s31;
	v5 =	vand.u32 $0x3F8, v22;
	[tilespmem:$0x1F6E0] =	vst v60;
	v60 =	vand.u32 $0x1F8, v60;
	v2 =	vadd.f32 v1, v2  }
0x431: {  	v34 =	vld [tilespmem:s26+$0x6800];
	v62 =	vmov s1;
	v11 =	vand.u32 $0x7, v11;
	v36 =	vadd.s32 v5, v4  }
0x432: {  	v5 =	vand.u32 $0x3F8, v46;
	v58 =	vbroadcast v58, $0x0;
	v2 =	vadd.f32 v32, v2  }
0x433: {  	v35 =	vld [tilespmem:s26+$0x7000];
	v9 =	vor.u32 v9, v12;
	v10 =	vor.u32 v10, v13;
	v46 =	vand.u32 $0x7, v46  }
0x434: {  	v50 =	vadd.s32 v5, v4;
	v5 =	vand.u32 $0x3F8, v51;
	v2 =	vadd.f32 v33, v2  }
0x435: {  	s19 =	sadd.s32 $0xE, s28;
	v37 =	vld [tilespmem:s26+$0x7800];
	v11 =	vor.u32 v11, v16;
	v51 =	vand.u32 $0x7, v51;
	v54 =	vadd.s32 v5, v4  }
0x436: {  	v5 =	vmov s19;
	v3 =	vand.u32 $0x3F8, v19;
	v2 =	vadd.f32 v34, v2  }
0x437: {  	v38 =	vld [tilespmem:s26+$0x8000];
	v46 =	vor.u32 v46, v50;
	v25 =	vadd.s32 v3, v4;
	v3 =	vand.u32 $0x3F8, v24  }
0x438: {  	v47 =	vadd.s32 v3, v4;
	v3 =	vand.u32 $0x3F8, v45;
	v7 =	vadd.f32 v35, v2  }
0x439: {  	v18 =	vld [tilespmem:s26+$0x8800];
	v6 =	vand.u32 $0x3F8, v5;
	v48 =	vadd.s32 v3, v4;
	v3 =	vand.u32 $0x3F8, v49  }
0x43a: {  	v53 =	vadd.s32 v3, v4;
	v3 =	vand.u32 $0x3F8, v52;
	v7 =	vadd.f32 v37, v7  }
0x43b: {  	s20 =	sadd.s32 $0xF, s28;
	v41 =	vld [tilespmem:s26+$0x9000];
	v5 =	vand.u32 $0x7, v5;
	v55 =	vadd.s32 v3, v4;
	v3 =	vand.u32 $0x3F8, v8  }
0x43c: {  	s21 =	sadd.s32 $0x10, s28;
	v56 =	vadd.s32 v3, v4;
	v3 =	vmov s20;
	v59 =	vadd.f32 v38, v7  }
0x43d: {  	v57 =	vadd.s32 v6, v4;
	v6 =	vand.u32 $0x3F8, v3;
	v2 =	vmov s21  }
0x43e: {  	v6 =	vadd.s32 v6, v4;
	v43 =	vand.u32 $0x3F8, v2;
	v59 =	vadd.f32 v18, v59  }
0x43f: {  	v7 =	vadd.s32 v43, v4;
	v43 =	vadd.s32 v44, v4;
	v44 =	vand.u32 $0x3F8, v42  }
0x440: {  	v44 =	vadd.s32 v44, v4;
	v4 =	vadd.s32 v61, v58;
	v59 =	vadd.f32 v41, v59  }
0x441: {  	s3 =	sadd.s32 $0x2, s31;
	[tilespmem:$0x1F6F0] =	vst v62;
	v5 =	vor.u32 v5, v57;
	v58 =	vand.u32 $0x3F8, v62;
	v60 =	vadd.s32 v60, v4  }
0x442: {  	s5 =	sadd.s32 $0x3, s31;
	v62 =	vmov s3;
	v58 =	vadd.s32 v58, v4;
	[tilespmem:$0x1F700] =	vst v60;
	(erf) = vrcp.f32 v59  }
0x443: {  	v45 =	vand.u32 $0x7, v45;
	v63 =	vand.u32 $0x3F8, v62;
	[tilespmem:$0x1F710] =	vst v58;
	v60 =	vmov s5  }
0x444: {  	v8 =	vand.u32 $0x7, v8;
	v58 =	vadd.s32 v63, v4;
	[tilespmem:$0x1F730] =	vst v60;
	v60 =	vand.u32 $0x3F8, v60  }
0x445: {  	s7 =	sadd.s32 $0x5, s31;
	v45 =	vor.u32 v45, v48;
	v8 =	vor.u32 v8, v56;
	[tilespmem:$0x1F720] =	vst v58;
	v13 =	vadd.s32 v60, v4  }
0x446: {  	s1 =	sadd.s32 $0x4, s31;
	v2 =	vand.u32 $0x7, v2;
	v63 =	vand.u32 $0x7, v14;
	[tilespmem:$0x1F750] =	vst v13;
	v13 =	vmov s7  }
0x447: {  	v58 =	vor.u32 v63, v17;
	v59 =	vmov s1;
	[tilespmem:$0x1F770] =	vst v13;
	v13 =	vand.u32 $0x3F8, v13  }
0x448: {  	v60 =	vand.u32 $0x7, v19;
	v63 =	vand.u32 $0x3F8, v59;
	v13 =	vadd.s32 v13, v4  }
0x449: {  	s9 =	sadd.s32 $0x6, s31;
	v2 =	vor.u32 v2, v7;
	v60 =	vor.u32 v60, v25;
	[tilespmem:$0x1F740] =	vst v59;
	v12 =	vadd.s32 v63, v4  }
0x44a: {  	v59 =	vand.u32 $0x7, v15;
	v15 =	vand.u32 $0x7, v24;
	[tilespmem:$0x1F760] =	vst v12;
	v12 =	vmov s9  }
0x44b: {  	v59 =	vor.u32 v59, v21;
	v47 =	vor.u32 v15, v47;
	[tilespmem:$0x1F780] =	vst v13;
	v15 =	vand.u32 $0x3F8, v12;
	v13 =	vpop (erf)  }
0x44c: {  	s20 =	sadd.s32 $0xC, s31;
	v63 =	vand.u32 $0x7, v22;
	v16 =	vmovc v12;
	v12 =	vadd.s32 v15, v4;
	v24 =	vmul.f32 v13, v20  }
0x44d: {  	s11 =	sadd.s32 $0x7, s31;
	v22 =	vmov s20;
	v36 =	vor.u32 v63, v36;
	[tilespmem:$0x1F790] =	vst v12;
	v0 =	vmul.f32 v13, v0  }
0x44e: {  	v63 =	vmov s11;
	v15 =	vand.u32 $0x7, v49;
	v14 =	vmul.f32 v13, v23;
	[tilespmem:v9+s23+$0x0] =	vst.idx.msk $0xffff, v24  }
0x44f: {  	v49 =	vor.u32 v51, v54;
	v54 =	vand.u32 $0x7, v52;
	[tilespmem:v10+s23+$0x0] =	vst.idx.msk $0xffff, v0;
	v0 =	vmul.f32 v13, v39  }
0x450: {  	s15 =	sadd.s32 $0x9, s31;
	v48 =	vand.u32 $0x3F8, v63;
	v12 =	vor.u32 v54, v55;
	v54 =	vmul.f32 v13, v26;
	[tilespmem:v11+s23+$0x0] =	vst.idx.msk $0xffff, v14  }
0x451: {  	s13 =	sadd.s32 $0x8, s31;
	v50 =	vadd.s32 v48, v4;
	v52 =	vmov s15;
	[tilespmem:v58+s23+$0x0] =	vst.idx.msk $0xffff, v0;
	v0 =	vmul.f32 v13, v28  }
0x452: {  	v48 =	vor.u32 v15, v53;
	v53 =	vmov s13;
	v56 =	vmul.f32 v13, v27;
	[tilespmem:v59+s23+$0x0] =	vst.idx.msk $0xffff, v54  }
0x453: {  	s24 =	sadd.s32 $0xE, s31;
	v55 =	vand.u32 $0x3F8, v22;
	v21 =	vand.u32 $0x3F8, v53;
	[tilespmem:v60+s23+$0x0] =	vst.idx.msk $0xffff, v0;
	v0 =	vmul.f32 v13, v29  }
0x454: {  	s17 =	sadd.s32 $0xA, s31;
	v17 =	vadd.s32 v21, v4;
	v27 =	vmov s24;
	v59 =	vmul.f32 v13, v30;
	[tilespmem:v36+s23+$0x0] =	vst.idx.msk $0xffff, v56  }
0x455: {  	v21 =	vmov s17;
	v60 =	vmul.f32 v13, v31;
	[tilespmem:v47+s23+$0x0] =	vst.idx.msk $0xffff, v0;
	v0 =	vand.u32 $0x3F8, v27  }
0x456: {  	v25 =	vand.u32 $0x3F8, v21;
	[tilespmem:v45+s23+$0x0] =	vst.idx.msk $0xffff, v59;
	v30 =	vadd.s32 v0, v4;
	v0 =	vmul.f32 v13, v1  }
0x457: {  	s28 =	sadd.s32 $0xF, s31;
	v20 =	vand.u32 $0x3F8, v52;
	v1 =	vand.u32 $0x7, v3;
	v3 =	vmul.f32 v13, v32;
	[tilespmem:v46+s23+$0x0] =	vst.idx.msk $0xffff, v60  }
0x458: {  	s29 =	sadd.s32 $0x10, s31;
	v31 =	vmov s28;
	v1 =	vor.u32 v1, v6;
	v6 =	vmul.f32 v13, v33;
	[tilespmem:v48+s23+$0x0] =	vst.idx.msk $0xffff, v0  }
0x459: {  	v32 =	vmov s29;
	v0 =	vand.u32 $0x3F8, v31;
	[tilespmem:v49+s23+$0x0] =	vst.idx.msk $0xffff, v3;
	v3 =	vmul.f32 v13, v34  }
0x45a: {  	s30 =	sadd.s32 $0x11, s31;
	v33 =	vadd.s32 v0, v4;
	v0 =	vand.u32 $0x3F8, v32;
	[tilespmem:v12+s23+$0x0] =	vst.idx.msk $0xffff, v6;
	v6 =	vmul.f32 v13, v35  }
0x45b: {  	s19 =	sadd.s32 $0xB, s31;
	s21 =	sadd.s32 $0xD, s31;
	s31 =	sadd.s32 $0x12, s31;
	v35 =	vmov s30;
	v36 =	vadd.s32 v0, v4;
	v0 =	vmul.f32 v13, v37;
	[tilespmem:v8+s23+$0x0] =	vst.idx.msk $0xffff, v3  }
0x45c: {  	v34 =	vmov s31;
	v3 =	vand.u32 $0x3F8, v35;
	[tilespmem:v5+s23+$0x0] =	vst.idx.msk $0xffff, v6;
	v5 =	vmul.f32 v13, v38  }
0x45d: {  	v37 =	vadd.s32 v3, v4;
	[tilespmem:v1+s23+$0x0] =	vst.idx.msk $0xffff, v0;
	v0 =	vand.u32 $0x3F8, v34;
	v1 =	vand.u32 $0x7, v40  }
0x45e: {  	v38 =	vadd.s32 v0, v4;
	v3 =	vor.u32 v1, v43;
	v0 =	vand.u32 $0x7, v42  }
0x45f: {  	v23 =	vmov s19;
	v26 =	vadd.s32 v55, v4;
	[tilespmem:v2+s23+$0x0] =	vst.idx.msk $0xffff, v5;
	v2 =	vor.u32 v0, v44  }
0x460: {  	v20 =	vadd.s32 v20, v4;
	v24 =	vadd.s32 v25, v4;
	v28 =	vmov s21  }
0x461: {  	v39 =	vand.u32 $0x3F8, v23;
	v58 =	vand.u32 $0x3F8, v28;
	v5 =	vmul.f32 v13, v18  }
0x462: {  	s0 =	simm.s32 $0x2;
	s26 =	simm.s32 $0x20;
	s1 =	simm.s32 $0x10;
	[tilespmem:$0x1F7A0] =	vst v50;
	v25 =	vadd.s32 v39, v4;
	v29 =	vadd.s32 v58, v4;
	v4 =	vmul.f32 v13, v41  }
.LBB2_18:
0x463: {  	s1 =	sand.u32 $0x3FFFFF80, s1;
	[tilespmem:v3+s23+$0x0] =	vst.idx.msk $0xffff, v5  }
0x464: {  	s3 =	sand.u32 $0x70, s26;
	v0 =	vmov v36;
	s29 =	smov.u32 s0;
	s30 =	sor.u32 s25, s1;
	[tilespmem:v2+s23+$0x0] =	vst.idx.msk $0xffff, v4  }
0x465: {  	[tilespmem:$0x1F620] =	vst v0;
	v0 =	vmov s3;
	s21 =	sshrl.u32 s29, $0x3;
	v40 =	vld [tilespmem:s30+$0x0]  }
0x466: {  	s25 =	smov.u32 s3;
	v0 =	vmul.u32 $0x138, v0;
	s3 =	smul.u32 $0x13, s21;
	v42 =	vld [tilespmem:s30+$0x800];
	_ =	sdelay $0x1  }
0x467: {  	s28 =	sadd.s32 $0x1, s0;
	p0 =	sne.s32 s0, $0x7F;
	v1 =	vmov v38;
	v41 =	vld [tilespmem:s30+$0x1000];
	v0 =	vbroadcast v0, $0x0;
	v47 =	vmov s3;
	s0 =	sadd.s32 $0x1, s3  }
0x468: {  	v9 =	vmov v30;
	[tilespmem:$0x1F660] =	vst v1;
	s24 =	sadd.s32 $0x2, s3;
	s5 =	sadd.s32 $0x3, s3;
	v1 =	vand.u32 $0x1F8, v47;
	v48 =	vmov s0  }
0x469: {  	v3 =	vmovc v37;
	[tilespmem:$0x1F5E0] =	vst v9;
	v43 =	vld [tilespmem:s30+$0x1800];
	v51 =	vmov s24;
	v9 =	vmov s5;
	v38 =	vadd.s32 v61, v0  }
0x46a: {  	[tilespmem:$0x1F640] =	vst v3;
	s7 =	sadd.s32 $0x5, s3;
	v0 =	vand.u32 $0x3F8, v48;
	v3 =	vadd.s32 v1, v38;
	v1 =	vadd.f32 v42, v40  }
0x46b: {  	v8 =	vmovc v31;
	v39 =	vmovc v53;
	v44 =	vld [tilespmem:s30+$0x2000];
	v53 =	vmov s7;
	v4 =	vadd.s32 v0, v38;
	v0 =	vand.u32 $0x3F8, v51  }
0x46c: {  	v6 =	vmovc v33;
	[tilespmem:$0x1F5F0] =	vst v8;
	v8 =	vadd.s32 v0, v38;
	v0 =	vand.u32 $0x3F8, v9;
	v1 =	vadd.f32 v41, v1  }
0x46d: {  	[tilespmem:$0x1F600] =	vst v6;
	v45 =	vld [tilespmem:s30+$0x2800];
	s9 =	sadd.s32 $0x6, s3;
	v6 =	vadd.s32 v0, v38;
	v0 =	vand.u32 $0x3F8, v53  }
0x46e: {  	v19 =	vmovc v52;
	v52 =	vmov s9;
	v0 =	vadd.s32 v0, v38;
	v1 =	vadd.f32 v43, v1  }
0x46f: {  	v7 =	vmov v32;
	v46 =	vld [tilespmem:s30+$0x3000];
	s11 =	sadd.s32 $0x7, s3;
	[tilespmem:$0x1F670] =	vst v0;
	v0 =	vand.u32 $0x3F8, v52  }
0x470: {  	[tilespmem:$0x1F610] =	vst v7;
	s31 =	sadd.s32 $0x4, s3;
	s13 =	sadd.s32 $0x8, s3;
	v57 =	vmov s11;
	v0 =	vadd.s32 v0, v38;
	v1 =	vadd.f32 v44, v1  }
0x471: {  	v2 =	vmovc v34;
	v49 =	vld [tilespmem:s30+$0x3800];
	v50 =	vmov s31;
	v60 =	vmov s13;
	[tilespmem:$0x1F680] =	vst v0;
	v0 =	vand.u32 $0x3F8, v57  }
0x472: {  	[tilespmem:$0x1F650] =	vst v2;
	s15 =	sadd.s32 $0x9, s3;
	v2 =	vand.u32 $0x3F8, v50;
	v0 =	vadd.s32 v0, v38;
	v1 =	vadd.f32 v45, v1  }
0x473: {  	v5 =	vmovc v35;
	v56 =	vmov s15;
	v7 =	vadd.s32 v2, v38;
	v2 =	vld [tilespmem:s30+$0x4000];
	[tilespmem:$0x1F690] =	vst v0;
	v0 =	vand.u32 $0x3F8, v60  }
0x474: {  	[tilespmem:$0x1F630] =	vst v5;
	v5 =	vand.u32 $0x3F8, v56;
	v0 =	vadd.s32 v0, v38;
	v59 =	vadd.f32 v46, v1  }
0x475: {  	[tilespmem:$0x1F6A0] =	vst v0;
	v0 =	vadd.s32 v5, v38;
	v5 =	vld [tilespmem:s30+$0x4800]  }
0x476: {  	v10 =	vmov v29;
	v29 =	vadd.f32 v49, v59  }
0x477: {  	v13 =	vmov v26;
	[tilespmem:$0x1F5C0] =	vst v10;
	v10 =	vld [tilespmem:s30+$0x5000]  }
0x478: {  	v11 =	vmov v27;
	[tilespmem:$0x1F5A0] =	vst v13;
	s17 =	sadd.s32 $0xA, s3;
	v13 =	vadd.f32 v2, v29  }
0x479: {  	v12 =	vmov v28;
	[tilespmem:$0x1F5D0] =	vst v11;
	v11 =	vld [tilespmem:s30+$0x5800];
	s19 =	sadd.s32 $0xB, s3;
	s5 =	sadd.s32 $0x10, s3;
	v58 =	vmov s17  }
0x47a: {  	[tilespmem:$0x1F5B0] =	vst v12;
	v61 =	vmov s19;
	v32 =	vmov s5;
	v37 =	vadd.f32 v5, v13  }
0x47b: {  	v54 =	vld [tilespmem:s30+$0x6000];
	v12 =	vand.u32 $0x3F8, v61;
	v55 =	vand.u32 $0x3F8, v32;
	[tilespmem:$0x1F6B0] =	vst v0;
	v0 =	vand.u32 $0x3F8, v58  }
0x47c: {  	v36 =	vadd.s32 v55, v38;
	v0 =	vadd.s32 v0, v38;
	v55 =	vadd.f32 v10, v37  }
0x47d: {  	s21 =	sadd.s32 $0xD, s3;
	[tilespmem:$0x1F6C0] =	vst v0;
	v0 =	vadd.s32 v12, v38;
	v12 =	vld [tilespmem:s30+$0x6800]  }
0x47e: {  	s1 =	sadd.s32 $0x11, s3;
	s24 =	sadd.s32 $0xE, s3;
	v28 =	vmov s21;
	v55 =	vadd.f32 v11, v55  }
0x47f: {  	s31 =	sadd.s32 $0x12, s3;
	v35 =	vmov s1;
	v27 =	vmov s24;
	v30 =	vand.u32 $0x3F8, v28;
	[tilespmem:$0x1F6D0] =	vst v0;
	v0 =	vld [tilespmem:s30+$0x7000]  }
0x480: {  	s0 =	sadd.s32 $0xF, s3;
	v34 =	vmov s31;
	v31 =	vand.u32 $0x3F8, v27;
	v55 =	vadd.f32 v54, v55  }
0x481: {  	s20 =	sadd.s32 $0xC, s3;
	v29 =	vadd.s32 v30, v38;
	v30 =	vadd.s32 v31, v38;
	v31 =	vmov s0;
	v13 =	vld [tilespmem:s30+$0x7800]  }
0x482: {  	v1 =	vmov s20;
	v14 =	vand.u32 $0x3F8, v31;
	v55 =	vadd.f32 v12, v55  }
0x483: {  	v18 =	vld [tilespmem:s30+$0x8000];
	v26 =	vand.u32 $0x3F8, v1;
	v59 =	vand.u32 $0x3F8, v35;
	v33 =	vadd.s32 v14, v38  }
0x484: {  	v37 =	vadd.s32 v59, v38;
	v59 =	vand.u32 $0x3F8, v34;
	v14 =	vadd.f32 v0, v55  }
0x485: {  	v26 =	vadd.s32 v26, v38;
	v38 =	vadd.s32 v59, v38;
	v59 =	vld [tilespmem:s30+$0x8800]  }
0x486: {  	v15 =	vmov v62;
	v62 =	vadd.f32 v13, v14  }
0x487: {  	v55 =	vld [tilespmem:s30+$0x9000]  }
0x488: {  	v62 =	vadd.f32 v18, v62  }
0x489: {  	v14 =	vld [tilespmem:$0x1F6E0]  }
0x48a: {  	v62 =	vadd.f32 v59, v62;
	_ =	sdelay $0x1  }
0x48b: {  	v62 =	vadd.f32 v55, v62;
	_ =	sdelay $0x1  }
0x48c: {  	(erf) = vrcp.f32 v62;
	v62 =	vand.u32 $0x7, v14;
	v14 =	vmov v47;
	v47 =	vld [tilespmem:$0x1F700];
	_ =	sdelay $0x4  }
0x48d: {  	v47 =	vor.u32 v62, v47;
	v62 =	vld [tilespmem:$0x1F6F0];
	_ =	sdelay $0x2  }
0x48e: {  	[tilespmem:$0x1F6E0] =	vst v14;
	v14 =	vmov v48;
	v48 =	vmov v3;
	v3 =	vld [tilespmem:$0x1F710];
	_ =	sdelay $0x1  }
0x48f: {  	v62 =	vand.u32 $0x7, v62;
	_ =	sdelay $0x2  }
0x490: {  	[tilespmem:$0x1F700] =	vst v48;
	v3 =	vor.u32 v62, v3;
	v62 =	vmov v51;
	v51 =	vmov v4;
	v4 =	vld [tilespmem:$0x1F720]  }
0x491: {  	[tilespmem:$0x1F710] =	vst v51;
	v51 =	vld [tilespmem:$0x1F730]  }
0x492: {  	v48 =	vand.u32 $0x7, v15;
	[tilespmem:$0x1F6F0] =	vst v14;
	v14 =	vld [tilespmem:$0x1F750];
	_ =	sdelay $0x2  }
0x493: {  	v4 =	vor.u32 v48, v4;
	v48 =	vmov v8  }
0x494: {  	v15 =	vand.u32 $0x7, v51;
	[tilespmem:$0x1F720] =	vst v48;
	v48 =	vld [tilespmem:$0x1F740]  }
0x495: {  	v8 =	vor.u32 v15, v14;
	v15 =	vld [tilespmem:$0x1F760];
	_ =	sdelay $0x3  }
0x496: {  	v51 =	vmov v9;
	v9 =	vand.u32 $0x7, v48  }
0x497: {  	[tilespmem:$0x1F730] =	vst v51;
	v51 =	vld [tilespmem:$0x1F770];
	v9 =	vor.u32 v9, v15;
	v15 =	vmov v50  }
0x498: {  	[tilespmem:$0x1F740] =	vst v15;
	v15 =	vld [tilespmem:$0x1F780];
	_ =	sdelay $0x3  }
0x499: {  	v14 =	vand.u32 $0x7, v51  }
0x49a: {  	v48 =	vpop (erf);
	v14 =	vor.u32 v14, v15;
	v15 =	vmov v6;
	v6 =	vmov v7;
	v7 =	vld [tilespmem:$0x1F790]  }
0x49b: {  	v40 =	vmul.f32 v48, v40;
	[tilespmem:$0x1F750] =	vst v15;
	v15 =	vld [tilespmem:$0x1F7A0]  }
0x49c: {  	v42 =	vmul.f32 v48, v42  }
0x49d: {  	[tilespmem:v47+s23+$0x0] =	vst.idx.msk $0xffff, v40  }
0x49e: {  	v16 =	vand.u32 $0x7, v16;
	v41 =	vmul.f32 v48, v41;
	[tilespmem:v3+s23+$0x0] =	vst.idx.msk $0xffff, v42  }
0x49f: {  	[tilespmem:$0x1F760] =	vst v6;
	v6 =	vmul.f32 v48, v43;
	v7 =	vor.u32 v16, v7;
	v16 =	vand.u32 $0x7, v63  }
0x4a0: {  	v3 =	vmul.f32 v48, v44;
	[tilespmem:v4+s23+$0x0] =	vst.idx.msk $0xffff, v41;
	v16 =	vor.u32 v16, v15;
	v15 =	vand.u32 $0x7, v39  }
0x4a1: {  	v4 =	vmul.f32 v48, v45;
	[tilespmem:v8+s23+$0x0] =	vst.idx.msk $0xffff, v6;
	v15 =	vor.u32 v15, v17;
	v17 =	vand.u32 $0x7, v19  }
0x4a2: {  	v6 =	vmul.f32 v48, v46;
	[tilespmem:v9+s23+$0x0] =	vst.idx.msk $0xffff, v3;
	v40 =	vor.u32 v17, v20;
	v17 =	vand.u32 $0x7, v21  }
0x4a3: {  	v3 =	vmul.f32 v48, v49;
	[tilespmem:v14+s23+$0x0] =	vst.idx.msk $0xffff, v4;
	v41 =	vor.u32 v17, v24  }
0x4a4: {  	v2 =	vmul.f32 v48, v2;
	v47 =	vld [tilespmem:$0x1F600];
	[tilespmem:v7+s23+$0x0] =	vst.idx.msk $0xffff, v6  }
0x4a5: {  	v5 =	vmul.f32 v48, v5;
	v46 =	vld [tilespmem:$0x1F5F0];
	[tilespmem:v16+s23+$0x0] =	vst.idx.msk $0xffff, v3  }
0x4a6: {  	v49 =	vld [tilespmem:$0x1F610];
	v3 =	vmul.f32 v48, v10;
	[tilespmem:v15+s23+$0x0] =	vst.idx.msk $0xffff, v2  }
0x4a7: {  	v6 =	vld [tilespmem:$0x1F5A0];
	[tilespmem:v40+s23+$0x0] =	vst.idx.msk $0xffff, v5  }
0x4a8: {  	v17 =	vand.u32 $0x7, v23;
	[tilespmem:v41+s23+$0x0] =	vst.idx.msk $0xffff, v3;
	v3 =	vld [tilespmem:$0x1F620]  }
0x4a9: {  	v4 =	vor.u32 v17, v25;
	v7 =	vld [tilespmem:$0x1F5B0]  }
0x4aa: {  	v43 =	vld [tilespmem:$0x1F5C0]  }
0x4ab: {  	v2 =	vmul.f32 v48, v11;
	v11 =	vand.u32 $0x7, v46  }
0x4ac: {  	v42 =	vand.u32 $0x7, v22;
	v8 =	vor.u32 v11, v47;
	v11 =	vand.u32 $0x7, v49  }
0x4ad: {  	v6 =	vor.u32 v42, v6;
	v11 =	vor.u32 v11, v3;
	v3 =	vld [tilespmem:$0x1F630]  }
0x4ae: {  	v7 =	vand.u32 $0x7, v7;
	[tilespmem:v4+s23+$0x0] =	vst.idx.msk $0xffff, v2;
	v2 =	vld [tilespmem:$0x1F640]  }
0x4af: {  	v7 =	vor.u32 v7, v43  }
0x4b0: {  	v5 =	vmul.f32 v48, v54;
	_ =	sdelay $0x1  }
0x4b1: {  	v50 =	vmul.f32 v48, v12;
	[tilespmem:v6+s23+$0x0] =	vst.idx.msk $0xffff, v5;
	v5 =	vld [tilespmem:$0x1F660];
	v3 =	vand.u32 $0x7, v3  }
0x4b2: {  	v3 =	vor.u32 v3, v2;
	v2 =	vld [tilespmem:$0x1F650]  }
0x4b3: {  	[tilespmem:v7+s23+$0x0] =	vst.idx.msk $0xffff, v50;
	v7 =	vld [tilespmem:$0x1F670];
	_ =	sdelay $0x3  }
0x4b4: {  	v2 =	vand.u32 $0x7, v2  }
0x4b5: {  	v2 =	vor.u32 v2, v5;
	v5 =	vmov v7;
	v7 =	vld [tilespmem:$0x1F680];
	_ =	sdelay $0x4  }
0x4b6: {  	[tilespmem:$0x1F780] =	vst v5;
	v5 =	vmul.f32 v48, v59;
	v59 =	vmov v7;
	v7 =	vld [tilespmem:$0x1F690];
	_ =	sdelay $0x4  }
0x4b7: {  	v51 =	vmul.f32 v48, v0;
	v0 =	vmov v7  }
0x4b8: {  	[tilespmem:$0x1F7A0] =	vst v0;
	v0 =	vld [tilespmem:$0x1F6A0];
	_ =	sdelay $0x4  }
0x4b9: {  	v17 =	vmov v0;
	v0 =	vld [tilespmem:$0x1F6B0]  }
0x4ba: {  	v44 =	vld [tilespmem:$0x1F5D0]  }
0x4bb: {  	v45 =	vld [tilespmem:$0x1F5E0];
	_ =	sdelay $0x2  }
0x4bc: {  	v20 =	vmov v0;
	v0 =	vld [tilespmem:$0x1F6C0]  }
0x4bd: {  	v10 =	vand.u32 $0x7, v44  }
0x4be: {  	v10 =	vor.u32 v10, v45;
	_ =	sdelay $0x2  }
0x4bf: {  	v54 =	vmov v53;
	v24 =	vmov v0;
	v0 =	vld [tilespmem:$0x1F6D0]  }
.Ltmp8:
0x4c0: {  	[tilespmem:$0x1F770] =	vst v54;
	v4 =	vmul.f32 v48, v13;
	(pc) =	sbr.rel @p0 .LBB2_18-.Ltmp8, $4  }
0x4c1: {  	v6 =	vmul.f32 v48, v18;
	[tilespmem:v10+s23+$0x0] =	vst.idx.msk $0xffff, v51  }
0x4c2: {  	[tilespmem:v8+s23+$0x0] =	vst.idx.msk $0xffff, v4  }
0x4c3: {  	v22 =	vmovc v1;
	v63 =	vmov v57;
	v21 =	vmov v58;
	v23 =	vmov v61;
	[tilespmem:v11+s23+$0x0] =	vst.idx.msk $0xffff, v6  }
0x4c4: {  	s26 =	sadd.s32 $0x10, s26;
	s1 =	sshll.u32 s29, $0x4;
	s0 =	smov.u32 s28;
	v61 =	vld [tilespmem:$0x1FFF0];
	v16 =	vmovc v52;
	v52 =	vmovc v56;
	v53 =	vmov v60;
	v4 =	vmul.f32 v48, v55;
	[tilespmem:$0x1F790] =	vst v59;
	v25 =	vmov v0  }
0x4c5: {  	_ =	sdelay $0x3  }
0x4c6: {  	s0 =	sand.u32 $0x3FFFFF80, s1;
	[tilespmem:v3+s23+$0x0] =	vst.idx.msk $0xffff, v5  }
0x4c7: {  	s0 =	sor.u32 s25, s0;
	[tilespmem:v2+s23+$0x0] =	vst.idx.msk $0xffff, v4  }
0x4c8: {  	v0 =	vld [tilespmem:s0+$0x0]  }
0x4c9: {  	v1 =	vld [tilespmem:s0+$0x800];
	_ =	sdelay $0x1  }
0x4ca: {  	v2 =	vld [tilespmem:s0+$0x1000];
	_ =	sdelay $0x1  }
0x4cb: {  	v3 =	vld [tilespmem:s0+$0x1800]  }
0x4cc: {  	v44 =	vadd.f32 v1, v0  }
0x4cd: {  	v5 =	vld [tilespmem:s0+$0x2000]  }
0x4ce: {  	v4 =	vadd.f32 v2, v44  }
0x4cf: {  	v6 =	vld [tilespmem:s0+$0x2800]  }
0x4d0: {  	v4 =	vadd.f32 v3, v4  }
0x4d1: {  	v7 =	vld [tilespmem:s0+$0x3000]  }
0x4d2: {  	v4 =	vadd.f32 v5, v4  }
0x4d3: {  	v8 =	vld [tilespmem:s0+$0x3800]  }
0x4d4: {  	v4 =	vadd.f32 v6, v4  }
0x4d5: {  	v9 =	vld [tilespmem:s0+$0x4000]  }
0x4d6: {  	v4 =	vadd.f32 v7, v4  }
0x4d7: {  	v10 =	vld [tilespmem:s0+$0x4800]  }
0x4d8: {  	v4 =	vadd.f32 v8, v4  }
0x4d9: {  	v11 =	vld [tilespmem:s0+$0x5000]  }
0x4da: {  	v4 =	vadd.f32 v9, v4  }
0x4db: {  	v12 =	vld [tilespmem:s0+$0x5800]  }
0x4dc: {  	v4 =	vadd.f32 v10, v4  }
0x4dd: {  	v13 =	vld [tilespmem:s0+$0x6000]  }
0x4de: {  	v4 =	vadd.f32 v11, v4  }
0x4df: {  	v18 =	vld [tilespmem:s0+$0x6800]  }
0x4e0: {  	v4 =	vadd.f32 v12, v4  }
0x4e1: {  	v40 =	vld [tilespmem:s0+$0x7000]  }
0x4e2: {  	v4 =	vadd.f32 v13, v4  }
0x4e3: {  	v41 =	vld [tilespmem:s0+$0x7800]  }
0x4e4: {  	v4 =	vadd.f32 v18, v4  }
0x4e5: {  	v42 =	vld [tilespmem:s0+$0x8000]  }
0x4e6: {  	v4 =	vadd.f32 v40, v4  }
0x4e7: {  	v43 =	vld [tilespmem:s0+$0x8800]  }
0x4e8: {  	v4 =	vadd.f32 v41, v4  }
0x4e9: {  	v44 =	vld [tilespmem:s0+$0x9000]  }
0x4ea: {  	v4 =	vadd.f32 v42, v4;
	_ =	sdelay $0x1  }
0x4eb: {  	v4 =	vadd.f32 v43, v4  }
0x4ec: {  	v45 =	vld [tilespmem:$0x1F6E0]  }
0x4ed: {  	v14 =	vld [tilespmem:$0x1F700];
	v4 =	vadd.f32 v44, v4  }
0x4ee: {  	v46 =	vld [tilespmem:$0x1F6F0]  }
0x4ef: {  	v47 =	vld [tilespmem:$0x1F710];
	(erf) = vrcp.f32 v4  }
0x4f0: {  	v48 =	vld [tilespmem:$0x1F720]  }
0x4f1: {  	v49 =	vld [tilespmem:$0x1F730]  }
0x4f2: {  	v50 =	vld [tilespmem:$0x1F750]  }
0x4f3: {  	v51 =	vld [tilespmem:$0x1F740]  }
0x4f4: {  	v54 =	vld [tilespmem:$0x1F770]  }
0x4f5: {  	v15 =	vld [tilespmem:$0x1F760];
	v4 =	vand.u32 $0x7, v45  }
0x4f6: {  	v55 =	vld [tilespmem:$0x1F780];
	v45 =	vand.u32 $0x7, v46;
	v4 =	vor.u32 v4, v14  }
0x4f7: {  	v57 =	vld [tilespmem:$0x1F790];
	v46 =	vand.u32 $0x7, v62;
	v45 =	vor.u32 v45, v47  }
0x4f8: {  	v60 =	vld [tilespmem:$0x1F7A0];
	v46 =	vor.u32 v46, v48;
	v47 =	vand.u32 $0x7, v49;
	v48 =	vpop (erf)  }
0x4f9: {  	v49 =	vand.u32 $0x7, v51;
	v47 =	vor.u32 v47, v50;
	v0 =	vmul.f32 v48, v0  }
0x4fa: {  	v14 =	vand.u32 $0x7, v54;
	v49 =	vor.u32 v49, v15;
	v1 =	vmul.f32 v48, v1  }
0x4fb: {  	v16 =	vand.u32 $0x7, v16;
	v14 =	vor.u32 v14, v55;
	v2 =	vmul.f32 v48, v2;
	[tilespmem:v4+s23+$0x0] =	vst.idx.msk $0xffff, v0  }
0x4fc: {  	v58 =	vand.u32 $0x7, v63;
	v56 =	vmul.f32 v48, v3;
	v3 =	vor.u32 v16, v57;
	[tilespmem:v45+s23+$0x0] =	vst.idx.msk $0xffff, v1  }
0x4fd: {  	v62 =	vand.u32 $0x7, v53;
	v59 =	vmul.f32 v48, v5;
	v4 =	vor.u32 v58, v60;
	[tilespmem:v46+s23+$0x0] =	vst.idx.msk $0xffff, v2  }
0x4fe: {  	v15 =	vand.u32 $0x7, v52;
	v63 =	vmul.f32 v48, v6;
	v5 =	vor.u32 v62, v17;
	[tilespmem:v47+s23+$0x0] =	vst.idx.msk $0xffff, v56  }
0x4ff: {  	v16 =	vmul.f32 v48, v7;
	v6 =	vor.u32 v15, v20;
	v17 =	vand.u32 $0x7, v21;
	[tilespmem:v49+s23+$0x0] =	vst.idx.msk $0xffff, v59  }
0x500: {  	v19 =	vmul.f32 v48, v8;
	v20 =	vand.u32 $0x7, v23;
	v7 =	vor.u32 v17, v24;
	[tilespmem:v14+s23+$0x0] =	vst.idx.msk $0xffff, v63  }
0x501: {  	v21 =	vmul.f32 v48, v9;
	v23 =	vand.u32 $0x7, v22;
	v8 =	vor.u32 v20, v25;
	[tilespmem:v3+s23+$0x0] =	vst.idx.msk $0xffff, v16  }
0x502: {  	v24 =	vmul.f32 v48, v10;
	v25 =	vor.u32 v23, v26;
	v26 =	vand.u32 $0x7, v28;
	[tilespmem:v4+s23+$0x0] =	vst.idx.msk $0xffff, v19  }
0x503: {  	v39 =	vand.u32 $0x7, v27;
	v28 =	vmul.f32 v48, v11;
	v29 =	vor.u32 v26, v29;
	[tilespmem:v5+s23+$0x0] =	vst.idx.msk $0xffff, v21  }
0x504: {  	v45 =	vmul.f32 v48, v12;
	v46 =	vor.u32 v39, v30;
	v47 =	vand.u32 $0x7, v31;
	[tilespmem:v6+s23+$0x0] =	vst.idx.msk $0xffff, v24  }
0x505: {  	v51 =	vand.u32 $0x7, v32;
	v49 =	vmul.f32 v48, v13;
	v50 =	vor.u32 v47, v33;
	[tilespmem:v7+s23+$0x0] =	vst.idx.msk $0xffff, v28  }
0x506: {  	v54 =	vand.u32 $0x7, v35;
	v53 =	vor.u32 v51, v36;
	v52 =	vmul.f32 v48, v18;
	[tilespmem:v8+s23+$0x0] =	vst.idx.msk $0xffff, v45  }
0x507: {  	v55 =	vmul.f32 v48, v40;
	v57 =	vand.u32 $0x7, v34;
	v56 =	vor.u32 v54, v37;
	[tilespmem:v25+s23+$0x0] =	vst.idx.msk $0xffff, v49  }
0x508: {  	v58 =	vmul.f32 v48, v41;
	v59 =	vor.u32 v57, v38;
	[tilespmem:v29+s23+$0x0] =	vst.idx.msk $0xffff, v52  }
0x509: {  	v60 =	vmul.f32 v48, v42;
	[tilespmem:v46+s23+$0x0] =	vst.idx.msk $0xffff, v55  }
0x50a: {  	v62 =	vmul.f32 v48, v43;
	[tilespmem:v50+s23+$0x0] =	vst.idx.msk $0xffff, v58  }
0x50b: {  	v63 =	vmul.f32 v48, v44;
	[tilespmem:v53+s23+$0x0] =	vst.idx.msk $0xffff, v60  }
0x50c: {  	s1 =	simm.s32 $0x130;
	[tilespmem:v56+s23+$0x0] =	vst.idx.msk $0xffff, v62  }
0x50d: {  	s5 =	simm.s32 $0x9938;
	s25 =	sadd.s32 $0x0, s12;
	s0 =	simm.s32 $0x9800;
	[tilespmem:v59+s23+$0x0] =	vst.idx.msk $0xffff, v63  }
.LBB2_20:
0x50e: {  	[hbm4b:s25+s2] =	stream.linear.scatter [tilespmem:s0], [sflag:$0x1], $0x130, $0x38;
	[tilespmem:$0x13400] =	vst v63  }
0x50f: {  	s3 =	smov.u32 s1;
	s0 =	smov.u32 s5;
	p0 =	sne.s32 s1, $0x96D0  }
.Ltmp9:
0x510: {  	s1 =	sadd.s32 $0x130, s1;
	(pc) =	sbr.rel @p0 .LBB2_20-.Ltmp9, $2  }
0x511: {  	_ =	sdelay $0x2  }
0x512: {  	s5 =	sadd.s32 $0x138, s5;
	s25 =	sadd.s32 s3, s12  }
0x513: {  	[hbm4b:s25+s2] =	stream.linear.scatter [tilespmem:s0], [sflag:$0x1], $0x130, $0x38;
	[tilespmem:$0x13400] =	vst v63  }
0x514: {  	_ =	swait.ge [sflag:s22], $0x9800  }
0x515: {  	s25 =	simm.s32 $0x0;
	s3 =	simm.s32 $0x800;
	[sflag:s22] =	ssyncset.done $0x0  }
0x516: {  	s5 =	simm.s32 $0x4000;
	s1 =	rddreg [dreg:$0x8];
	[sflag:s22] =	ssyncadd.s32 $0xFFFF6800  }
0x517: {  	[tilespmem:s25], [sflag:$0x1] =	stream.strided.gather [hbm4b:s1+s3], $0x9800, s5, s3, $0x38;
	[tilespmem:$0x13400] =	vst v63  }
0x518: {  	s26 =	simm.s32 $0x0;
	_ =	swait.ge [sflag:s22], $0x9800  }
0x519: {  	s0 =	sand.u32 $0x70, s25;
	s1 =	sand.u32 $0x3FFFFF80, s26;
	[sflag:s22] =	ssyncset.done $0x0  }
0x51a: {  	s26 =	sor.u32 s0, s1;
	[sflag:s22] =	ssyncadd.s32 $0xFFFF6800  }
0x51b: {  	v20 =	vld [tilespmem:s26+$0x0]  }
0x51c: {  	v0 =	vld [tilespmem:s26+$0x800];
	_ =	sdelay $0x1  }
0x51d: {  	v23 =	vld [tilespmem:s26+$0x1000];
	_ =	sdelay $0x1  }
0x51e: {  	v39 =	vld [tilespmem:s26+$0x1800]  }
0x51f: {  	v1 =	vadd.f32 v0, v20  }
0x520: {  	s28 =	simm.s32 $0x0;
	v26 =	vld [tilespmem:s26+$0x2000]  }
0x521: {  	s28 =	smul.u32 $0x13, s28;
	v1 =	vadd.f32 v23, v1  }
0x522: {  	v2 =	vmov s0;
	v28 =	vld [tilespmem:s26+$0x2800]  }
0x523: {  	v2 =	vmul.u32 $0x138, v2;
	v9 =	vmov s28;
	s29 =	sadd.s32 $0x2, s28;
	s30 =	sadd.s32 $0x3, s28;
	v1 =	vadd.f32 v39, v1  }
0x524: {  	s31 =	sadd.s32 $0x4, s28;
	s7 =	sadd.s32 $0x8, s28;
	v3 =	vand.u32 $0x1F8, v9;
	v11 =	vmov s29;
	v14 =	vmov s30;
	v27 =	vld [tilespmem:s26+$0x3000]  }
0x525: {  	s9 =	sadd.s32 $0x9, s28;
	s11 =	sadd.s32 $0xA, s28;
	s13 =	sadd.s32 $0xB, s28;
	v15 =	vmov s31;
	v45 =	vmov s7;
	v1 =	vadd.f32 v26, v1  }
0x526: {  	s15 =	sadd.s32 $0xC, s28;
	v46 =	vmov s9;
	v49 =	vmov s11;
	v51 =	vmov s13;
	v29 =	vld [tilespmem:s26+$0x3800]  }
0x527: {  	s17 =	sadd.s32 $0xD, s28;
	s24 =	sadd.s32 $0x11, s28;
	v52 =	vmov s15;
	v2 =	vbroadcast v2, $0x0;
	v1 =	vadd.f32 v28, v1  }
0x528: {  	v8 =	vmov s17;
	v40 =	vmov s24;
	v9 =	vand.u32 $0x7, v9;
	s0 =	sadd.s32 $0x1, s28;
	v30 =	vld [tilespmem:s26+$0x4000]  }
0x529: {  	v10 =	vmov s0;
	v4 =	vadd.s32 v61, v2;
	v1 =	vadd.f32 v27, v1  }
0x52a: {  	v5 =	vand.u32 $0x3F8, v15;
	v2 =	vand.u32 $0x3F8, v10;
	v12 =	vadd.s32 v3, v4;
	v31 =	vld [tilespmem:s26+$0x4800]  }
0x52b: {  	s3 =	sadd.s32 $0x6, s28;
	v13 =	vadd.s32 v2, v4;
	v2 =	vand.u32 $0x3F8, v11;
	v3 =	vadd.f32 v29, v1  }
0x52c: {  	s5 =	sadd.s32 $0x7, s28;
	s25 =	simm.s32 $0x10;
	v22 =	vmov s3;
	v16 =	vadd.s32 v2, v4;
	v2 =	vand.u32 $0x3F8, v14;
	v1 =	vld [tilespmem:s26+$0x5000]  }
0x52d: {  	s29 =	sadd.s32 $0x12, s28;
	s30 =	simm.s32 $0x0;
	v24 =	vmov s5;
	s25 =	sand.u32 $0x70, s25;
	v17 =	vadd.s32 v2, v4;
	v2 =	vadd.f32 v30, v3  }
0x52e: {  	s1 =	sadd.s32 $0x5, s28;
	v44 =	vand.u32 $0x3F8, v40;
	v42 =	vmov s29;
	s31 =	smul.u32 $0x13, s30;
	v58 =	vmov s25;
	v32 =	vld [tilespmem:s26+$0x5800]  }
0x52f: {  	v19 =	vmov s1;
	v58 =	vmul.u32 $0x138, v58;
	v2 =	vadd.f32 v31, v2  }
0x530: {  	v60 =	vmov s31;
	v10 =	vand.u32 $0x7, v10;
	v21 =	vadd.s32 v5, v4;
	v33 =	vld [tilespmem:s26+$0x6000]  }
0x531: {  	s1 =	sadd.s32 $0x1, s31;
	v5 =	vand.u32 $0x3F8, v22;
	[tilespmem:$0x1F4D0] =	vst v60;
	v60 =	vand.u32 $0x1F8, v60;
	v2 =	vadd.f32 v1, v2  }
0x532: {  	v34 =	vld [tilespmem:s26+$0x6800];
	v62 =	vmov s1;
	v11 =	vand.u32 $0x7, v11;
	v36 =	vadd.s32 v5, v4  }
0x533: {  	v5 =	vand.u32 $0x3F8, v46;
	v58 =	vbroadcast v58, $0x0;
	v2 =	vadd.f32 v32, v2  }
0x534: {  	v35 =	vld [tilespmem:s26+$0x7000];
	v9 =	vor.u32 v9, v12;
	v10 =	vor.u32 v10, v13;
	v46 =	vand.u32 $0x7, v46  }
0x535: {  	v50 =	vadd.s32 v5, v4;
	v5 =	vand.u32 $0x3F8, v51;
	v2 =	vadd.f32 v33, v2  }
0x536: {  	s19 =	sadd.s32 $0xE, s28;
	v37 =	vld [tilespmem:s26+$0x7800];
	v11 =	vor.u32 v11, v16;
	v51 =	vand.u32 $0x7, v51;
	v54 =	vadd.s32 v5, v4  }
0x537: {  	v5 =	vmov s19;
	v3 =	vand.u32 $0x3F8, v19;
	v2 =	vadd.f32 v34, v2  }
0x538: {  	v38 =	vld [tilespmem:s26+$0x8000];
	v46 =	vor.u32 v46, v50;
	v25 =	vadd.s32 v3, v4;
	v3 =	vand.u32 $0x3F8, v24  }
0x539: {  	v47 =	vadd.s32 v3, v4;
	v3 =	vand.u32 $0x3F8, v45;
	v7 =	vadd.f32 v35, v2  }
0x53a: {  	v18 =	vld [tilespmem:s26+$0x8800];
	v6 =	vand.u32 $0x3F8, v5;
	v48 =	vadd.s32 v3, v4;
	v3 =	vand.u32 $0x3F8, v49  }
0x53b: {  	v53 =	vadd.s32 v3, v4;
	v3 =	vand.u32 $0x3F8, v52;
	v7 =	vadd.f32 v37, v7  }
0x53c: {  	s20 =	sadd.s32 $0xF, s28;
	v41 =	vld [tilespmem:s26+$0x9000];
	v5 =	vand.u32 $0x7, v5;
	v55 =	vadd.s32 v3, v4;
	v3 =	vand.u32 $0x3F8, v8  }
0x53d: {  	s21 =	sadd.s32 $0x10, s28;
	v56 =	vadd.s32 v3, v4;
	v3 =	vmov s20;
	v59 =	vadd.f32 v38, v7  }
0x53e: {  	v57 =	vadd.s32 v6, v4;
	v6 =	vand.u32 $0x3F8, v3;
	v2 =	vmov s21  }
0x53f: {  	v6 =	vadd.s32 v6, v4;
	v43 =	vand.u32 $0x3F8, v2;
	v59 =	vadd.f32 v18, v59  }
0x540: {  	v7 =	vadd.s32 v43, v4;
	v43 =	vadd.s32 v44, v4;
	v44 =	vand.u32 $0x3F8, v42  }
0x541: {  	v44 =	vadd.s32 v44, v4;
	v4 =	vadd.s32 v61, v58;
	v59 =	vadd.f32 v41, v59  }
0x542: {  	s3 =	sadd.s32 $0x2, s31;
	[tilespmem:$0x1F4E0] =	vst v62;
	v5 =	vor.u32 v5, v57;
	v58 =	vand.u32 $0x3F8, v62;
	v60 =	vadd.s32 v60, v4  }
0x543: {  	s5 =	sadd.s32 $0x3, s31;
	v62 =	vmov s3;
	v58 =	vadd.s32 v58, v4;
	[tilespmem:$0x1F4F0] =	vst v60;
	(erf) = vrcp.f32 v59  }
0x544: {  	v45 =	vand.u32 $0x7, v45;
	v63 =	vand.u32 $0x3F8, v62;
	[tilespmem:$0x1F500] =	vst v58;
	v60 =	vmov s5  }
0x545: {  	v8 =	vand.u32 $0x7, v8;
	v58 =	vadd.s32 v63, v4;
	[tilespmem:$0x1F520] =	vst v60;
	v60 =	vand.u32 $0x3F8, v60  }
0x546: {  	s7 =	sadd.s32 $0x5, s31;
	v45 =	vor.u32 v45, v48;
	v8 =	vor.u32 v8, v56;
	[tilespmem:$0x1F510] =	vst v58;
	v13 =	vadd.s32 v60, v4  }
0x547: {  	s1 =	sadd.s32 $0x4, s31;
	v2 =	vand.u32 $0x7, v2;
	v63 =	vand.u32 $0x7, v14;
	[tilespmem:$0x1F540] =	vst v13;
	v13 =	vmov s7  }
0x548: {  	v58 =	vor.u32 v63, v17;
	v59 =	vmov s1;
	[tilespmem:$0x1F560] =	vst v13;
	v13 =	vand.u32 $0x3F8, v13  }
0x549: {  	v60 =	vand.u32 $0x7, v19;
	v63 =	vand.u32 $0x3F8, v59;
	v13 =	vadd.s32 v13, v4  }
0x54a: {  	s9 =	sadd.s32 $0x6, s31;
	v2 =	vor.u32 v2, v7;
	v60 =	vor.u32 v60, v25;
	[tilespmem:$0x1F530] =	vst v59;
	v12 =	vadd.s32 v63, v4  }
0x54b: {  	v59 =	vand.u32 $0x7, v15;
	v15 =	vand.u32 $0x7, v24;
	[tilespmem:$0x1F550] =	vst v12;
	v12 =	vmov s9  }
0x54c: {  	v59 =	vor.u32 v59, v21;
	v47 =	vor.u32 v15, v47;
	[tilespmem:$0x1F570] =	vst v13;
	v15 =	vand.u32 $0x3F8, v12;
	v13 =	vpop (erf)  }
0x54d: {  	s20 =	sadd.s32 $0xC, s31;
	v63 =	vand.u32 $0x7, v22;
	v16 =	vmovc v12;
	v12 =	vadd.s32 v15, v4;
	v24 =	vmul.f32 v13, v20  }
0x54e: {  	s11 =	sadd.s32 $0x7, s31;
	v22 =	vmov s20;
	v36 =	vor.u32 v63, v36;
	[tilespmem:$0x1F580] =	vst v12;
	v0 =	vmul.f32 v13, v0  }
0x54f: {  	v63 =	vmov s11;
	v15 =	vand.u32 $0x7, v49;
	v14 =	vmul.f32 v13, v23;
	[tilespmem:v9+s23+$0x0] =	vst.idx.msk $0xffff, v24  }
0x550: {  	v49 =	vor.u32 v51, v54;
	v54 =	vand.u32 $0x7, v52;
	[tilespmem:v10+s23+$0x0] =	vst.idx.msk $0xffff, v0;
	v0 =	vmul.f32 v13, v39  }
0x551: {  	s15 =	sadd.s32 $0x9, s31;
	v48 =	vand.u32 $0x3F8, v63;
	v12 =	vor.u32 v54, v55;
	v54 =	vmul.f32 v13, v26;
	[tilespmem:v11+s23+$0x0] =	vst.idx.msk $0xffff, v14  }
0x552: {  	s13 =	sadd.s32 $0x8, s31;
	v50 =	vadd.s32 v48, v4;
	v52 =	vmov s15;
	[tilespmem:v58+s23+$0x0] =	vst.idx.msk $0xffff, v0;
	v0 =	vmul.f32 v13, v28  }
0x553: {  	v48 =	vor.u32 v15, v53;
	v53 =	vmov s13;
	v56 =	vmul.f32 v13, v27;
	[tilespmem:v59+s23+$0x0] =	vst.idx.msk $0xffff, v54  }
0x554: {  	s24 =	sadd.s32 $0xE, s31;
	v55 =	vand.u32 $0x3F8, v22;
	v21 =	vand.u32 $0x3F8, v53;
	[tilespmem:v60+s23+$0x0] =	vst.idx.msk $0xffff, v0;
	v0 =	vmul.f32 v13, v29  }
0x555: {  	s17 =	sadd.s32 $0xA, s31;
	v17 =	vadd.s32 v21, v4;
	v27 =	vmov s24;
	v59 =	vmul.f32 v13, v30;
	[tilespmem:v36+s23+$0x0] =	vst.idx.msk $0xffff, v56  }
0x556: {  	v21 =	vmov s17;
	v60 =	vmul.f32 v13, v31;
	[tilespmem:v47+s23+$0x0] =	vst.idx.msk $0xffff, v0;
	v0 =	vand.u32 $0x3F8, v27  }
0x557: {  	v25 =	vand.u32 $0x3F8, v21;
	[tilespmem:v45+s23+$0x0] =	vst.idx.msk $0xffff, v59;
	v30 =	vadd.s32 v0, v4;
	v0 =	vmul.f32 v13, v1  }
0x558: {  	s28 =	sadd.s32 $0xF, s31;
	v20 =	vand.u32 $0x3F8, v52;
	v1 =	vand.u32 $0x7, v3;
	v3 =	vmul.f32 v13, v32;
	[tilespmem:v46+s23+$0x0] =	vst.idx.msk $0xffff, v60  }
0x559: {  	s29 =	sadd.s32 $0x10, s31;
	v31 =	vmov s28;
	v1 =	vor.u32 v1, v6;
	v6 =	vmul.f32 v13, v33;
	[tilespmem:v48+s23+$0x0] =	vst.idx.msk $0xffff, v0  }
0x55a: {  	v32 =	vmov s29;
	v0 =	vand.u32 $0x3F8, v31;
	[tilespmem:v49+s23+$0x0] =	vst.idx.msk $0xffff, v3;
	v3 =	vmul.f32 v13, v34  }
0x55b: {  	s30 =	sadd.s32 $0x11, s31;
	v33 =	vadd.s32 v0, v4;
	v0 =	vand.u32 $0x3F8, v32;
	[tilespmem:v12+s23+$0x0] =	vst.idx.msk $0xffff, v6;
	v6 =	vmul.f32 v13, v35  }
0x55c: {  	s19 =	sadd.s32 $0xB, s31;
	s21 =	sadd.s32 $0xD, s31;
	s31 =	sadd.s32 $0x12, s31;
	v35 =	vmov s30;
	v36 =	vadd.s32 v0, v4;
	v0 =	vmul.f32 v13, v37;
	[tilespmem:v8+s23+$0x0] =	vst.idx.msk $0xffff, v3  }
0x55d: {  	v34 =	vmov s31;
	v3 =	vand.u32 $0x3F8, v35;
	[tilespmem:v5+s23+$0x0] =	vst.idx.msk $0xffff, v6;
	v5 =	vmul.f32 v13, v38  }
0x55e: {  	v37 =	vadd.s32 v3, v4;
	[tilespmem:v1+s23+$0x0] =	vst.idx.msk $0xffff, v0;
	v0 =	vand.u32 $0x3F8, v34;
	v1 =	vand.u32 $0x7, v40  }
0x55f: {  	v38 =	vadd.s32 v0, v4;
	v3 =	vor.u32 v1, v43;
	v0 =	vand.u32 $0x7, v42  }
0x560: {  	v23 =	vmov s19;
	v26 =	vadd.s32 v55, v4;
	[tilespmem:v2+s23+$0x0] =	vst.idx.msk $0xffff, v5;
	v2 =	vor.u32 v0, v44  }
0x561: {  	v20 =	vadd.s32 v20, v4;
	v24 =	vadd.s32 v25, v4;
	v28 =	vmov s21  }
0x562: {  	v39 =	vand.u32 $0x3F8, v23;
	v58 =	vand.u32 $0x3F8, v28;
	v5 =	vmul.f32 v13, v18  }
0x563: {  	s0 =	simm.s32 $0x2;
	s26 =	simm.s32 $0x20;
	s1 =	simm.s32 $0x10;
	[tilespmem:$0x1F590] =	vst v50;
	v25 =	vadd.s32 v39, v4;
	v29 =	vadd.s32 v58, v4;
	v4 =	vmul.f32 v13, v41  }
.LBB2_22:
0x564: {  	s1 =	sand.u32 $0x3FFFFF80, s1;
	[tilespmem:v3+s23+$0x0] =	vst.idx.msk $0xffff, v5  }
0x565: {  	s3 =	sand.u32 $0x70, s26;
	v0 =	vmov v36;
	s29 =	smov.u32 s0;
	s30 =	sor.u32 s25, s1;
	[tilespmem:v2+s23+$0x0] =	vst.idx.msk $0xffff, v4  }
0x566: {  	[tilespmem:$0x1F410] =	vst v0;
	v0 =	vmov s3;
	s21 =	sshrl.u32 s29, $0x3;
	v40 =	vld [tilespmem:s30+$0x0]  }
0x567: {  	s25 =	smov.u32 s3;
	v0 =	vmul.u32 $0x138, v0;
	s3 =	smul.u32 $0x13, s21;
	v42 =	vld [tilespmem:s30+$0x800];
	_ =	sdelay $0x1  }
0x568: {  	s28 =	sadd.s32 $0x1, s0;
	p0 =	sne.s32 s0, $0x7F;
	v1 =	vmov v38;
	v41 =	vld [tilespmem:s30+$0x1000];
	v0 =	vbroadcast v0, $0x0;
	v47 =	vmov s3;
	s0 =	sadd.s32 $0x1, s3  }
0x569: {  	v9 =	vmov v30;
	[tilespmem:$0x1F450] =	vst v1;
	s24 =	sadd.s32 $0x2, s3;
	s5 =	sadd.s32 $0x3, s3;
	v1 =	vand.u32 $0x1F8, v47;
	v48 =	vmov s0  }
0x56a: {  	v3 =	vmovc v37;
	[tilespmem:$0x1F3D0] =	vst v9;
	v43 =	vld [tilespmem:s30+$0x1800];
	v51 =	vmov s24;
	v9 =	vmov s5;
	v38 =	vadd.s32 v61, v0  }
0x56b: {  	[tilespmem:$0x1F430] =	vst v3;
	s7 =	sadd.s32 $0x5, s3;
	v0 =	vand.u32 $0x3F8, v48;
	v3 =	vadd.s32 v1, v38;
	v1 =	vadd.f32 v42, v40  }
0x56c: {  	v8 =	vmovc v31;
	v39 =	vmovc v53;
	v44 =	vld [tilespmem:s30+$0x2000];
	v53 =	vmov s7;
	v4 =	vadd.s32 v0, v38;
	v0 =	vand.u32 $0x3F8, v51  }
0x56d: {  	v6 =	vmovc v33;
	[tilespmem:$0x1F3E0] =	vst v8;
	v8 =	vadd.s32 v0, v38;
	v0 =	vand.u32 $0x3F8, v9;
	v1 =	vadd.f32 v41, v1  }
0x56e: {  	[tilespmem:$0x1F3F0] =	vst v6;
	v45 =	vld [tilespmem:s30+$0x2800];
	s9 =	sadd.s32 $0x6, s3;
	v6 =	vadd.s32 v0, v38;
	v0 =	vand.u32 $0x3F8, v53  }
0x56f: {  	v19 =	vmovc v52;
	v52 =	vmov s9;
	v0 =	vadd.s32 v0, v38;
	v1 =	vadd.f32 v43, v1  }
0x570: {  	v7 =	vmov v32;
	v46 =	vld [tilespmem:s30+$0x3000];
	s11 =	sadd.s32 $0x7, s3;
	[tilespmem:$0x1F460] =	vst v0;
	v0 =	vand.u32 $0x3F8, v52  }
0x571: {  	[tilespmem:$0x1F400] =	vst v7;
	s31 =	sadd.s32 $0x4, s3;
	s13 =	sadd.s32 $0x8, s3;
	v57 =	vmov s11;
	v0 =	vadd.s32 v0, v38;
	v1 =	vadd.f32 v44, v1  }
0x572: {  	v2 =	vmovc v34;
	v49 =	vld [tilespmem:s30+$0x3800];
	v50 =	vmov s31;
	v60 =	vmov s13;
	[tilespmem:$0x1F470] =	vst v0;
	v0 =	vand.u32 $0x3F8, v57  }
0x573: {  	[tilespmem:$0x1F440] =	vst v2;
	s15 =	sadd.s32 $0x9, s3;
	v2 =	vand.u32 $0x3F8, v50;
	v0 =	vadd.s32 v0, v38;
	v1 =	vadd.f32 v45, v1  }
0x574: {  	v5 =	vmovc v35;
	v56 =	vmov s15;
	v7 =	vadd.s32 v2, v38;
	v2 =	vld [tilespmem:s30+$0x4000];
	[tilespmem:$0x1F480] =	vst v0;
	v0 =	vand.u32 $0x3F8, v60  }
0x575: {  	[tilespmem:$0x1F420] =	vst v5;
	v5 =	vand.u32 $0x3F8, v56;
	v0 =	vadd.s32 v0, v38;
	v59 =	vadd.f32 v46, v1  }
0x576: {  	[tilespmem:$0x1F490] =	vst v0;
	v0 =	vadd.s32 v5, v38;
	v5 =	vld [tilespmem:s30+$0x4800]  }
0x577: {  	v10 =	vmov v29;
	v29 =	vadd.f32 v49, v59  }
0x578: {  	v13 =	vmov v26;
	[tilespmem:$0x1F3B0] =	vst v10;
	v10 =	vld [tilespmem:s30+$0x5000]  }
0x579: {  	v11 =	vmov v27;
	[tilespmem:$0x1F390] =	vst v13;
	s17 =	sadd.s32 $0xA, s3;
	v13 =	vadd.f32 v2, v29  }
0x57a: {  	v12 =	vmov v28;
	[tilespmem:$0x1F3C0] =	vst v11;
	v11 =	vld [tilespmem:s30+$0x5800];
	s19 =	sadd.s32 $0xB, s3;
	s5 =	sadd.s32 $0x10, s3;
	v58 =	vmov s17  }
0x57b: {  	[tilespmem:$0x1F3A0] =	vst v12;
	v61 =	vmov s19;
	v32 =	vmov s5;
	v37 =	vadd.f32 v5, v13  }
0x57c: {  	v54 =	vld [tilespmem:s30+$0x6000];
	v12 =	vand.u32 $0x3F8, v61;
	v55 =	vand.u32 $0x3F8, v32;
	[tilespmem:$0x1F4A0] =	vst v0;
	v0 =	vand.u32 $0x3F8, v58  }
0x57d: {  	v36 =	vadd.s32 v55, v38;
	v0 =	vadd.s32 v0, v38;
	v55 =	vadd.f32 v10, v37  }
0x57e: {  	s21 =	sadd.s32 $0xD, s3;
	[tilespmem:$0x1F4B0] =	vst v0;
	v0 =	vadd.s32 v12, v38;
	v12 =	vld [tilespmem:s30+$0x6800]  }
0x57f: {  	s1 =	sadd.s32 $0x11, s3;
	s24 =	sadd.s32 $0xE, s3;
	v28 =	vmov s21;
	v55 =	vadd.f32 v11, v55  }
0x580: {  	s31 =	sadd.s32 $0x12, s3;
	v35 =	vmov s1;
	v27 =	vmov s24;
	v30 =	vand.u32 $0x3F8, v28;
	[tilespmem:$0x1F4C0] =	vst v0;
	v0 =	vld [tilespmem:s30+$0x7000]  }
0x581: {  	s0 =	sadd.s32 $0xF, s3;
	v34 =	vmov s31;
	v31 =	vand.u32 $0x3F8, v27;
	v55 =	vadd.f32 v54, v55  }
0x582: {  	s20 =	sadd.s32 $0xC, s3;
	v29 =	vadd.s32 v30, v38;
	v30 =	vadd.s32 v31, v38;
	v31 =	vmov s0;
	v13 =	vld [tilespmem:s30+$0x7800]  }
0x583: {  	v1 =	vmov s20;
	v14 =	vand.u32 $0x3F8, v31;
	v55 =	vadd.f32 v12, v55  }
0x584: {  	v18 =	vld [tilespmem:s30+$0x8000];
	v26 =	vand.u32 $0x3F8, v1;
	v59 =	vand.u32 $0x3F8, v35;
	v33 =	vadd.s32 v14, v38  }
0x585: {  	v37 =	vadd.s32 v59, v38;
	v59 =	vand.u32 $0x3F8, v34;
	v14 =	vadd.f32 v0, v55  }
0x586: {  	v26 =	vadd.s32 v26, v38;
	v38 =	vadd.s32 v59, v38;
	v59 =	vld [tilespmem:s30+$0x8800]  }
0x587: {  	v15 =	vmov v62;
	v62 =	vadd.f32 v13, v14  }
0x588: {  	v55 =	vld [tilespmem:s30+$0x9000]  }
0x589: {  	v62 =	vadd.f32 v18, v62  }
0x58a: {  	v14 =	vld [tilespmem:$0x1F4D0]  }
0x58b: {  	v62 =	vadd.f32 v59, v62;
	_ =	sdelay $0x1  }
0x58c: {  	v62 =	vadd.f32 v55, v62;
	_ =	sdelay $0x1  }
0x58d: {  	(erf) = vrcp.f32 v62;
	v62 =	vand.u32 $0x7, v14;
	v14 =	vmov v47;
	v47 =	vld [tilespmem:$0x1F4F0];
	_ =	sdelay $0x4  }
0x58e: {  	v47 =	vor.u32 v62, v47;
	v62 =	vld [tilespmem:$0x1F4E0];
	_ =	sdelay $0x2  }
0x58f: {  	[tilespmem:$0x1F4D0] =	vst v14;
	v14 =	vmov v48;
	v48 =	vmov v3;
	v3 =	vld [tilespmem:$0x1F500];
	_ =	sdelay $0x1  }
0x590: {  	v62 =	vand.u32 $0x7, v62;
	_ =	sdelay $0x2  }
0x591: {  	[tilespmem:$0x1F4F0] =	vst v48;
	v3 =	vor.u32 v62, v3;
	v62 =	vmov v51;
	v51 =	vmov v4;
	v4 =	vld [tilespmem:$0x1F510]  }
0x592: {  	[tilespmem:$0x1F500] =	vst v51;
	v51 =	vld [tilespmem:$0x1F520]  }
0x593: {  	v48 =	vand.u32 $0x7, v15;
	[tilespmem:$0x1F4E0] =	vst v14;
	v14 =	vld [tilespmem:$0x1F540];
	_ =	sdelay $0x2  }
0x594: {  	v4 =	vor.u32 v48, v4;
	v48 =	vmov v8  }
0x595: {  	v15 =	vand.u32 $0x7, v51;
	[tilespmem:$0x1F510] =	vst v48;
	v48 =	vld [tilespmem:$0x1F530]  }
0x596: {  	v8 =	vor.u32 v15, v14;
	v15 =	vld [tilespmem:$0x1F550];
	_ =	sdelay $0x3  }
0x597: {  	v51 =	vmov v9;
	v9 =	vand.u32 $0x7, v48  }
0x598: {  	[tilespmem:$0x1F520] =	vst v51;
	v51 =	vld [tilespmem:$0x1F560];
	v9 =	vor.u32 v9, v15;
	v15 =	vmov v50  }
0x599: {  	[tilespmem:$0x1F530] =	vst v15;
	v15 =	vld [tilespmem:$0x1F570];
	_ =	sdelay $0x3  }
0x59a: {  	v14 =	vand.u32 $0x7, v51  }
0x59b: {  	v48 =	vpop (erf);
	v14 =	vor.u32 v14, v15;
	v15 =	vmov v6;
	v6 =	vmov v7;
	v7 =	vld [tilespmem:$0x1F580]  }
0x59c: {  	v40 =	vmul.f32 v48, v40;
	[tilespmem:$0x1F540] =	vst v15;
	v15 =	vld [tilespmem:$0x1F590]  }
0x59d: {  	v42 =	vmul.f32 v48, v42  }
0x59e: {  	[tilespmem:v47+s23+$0x0] =	vst.idx.msk $0xffff, v40  }
0x59f: {  	v16 =	vand.u32 $0x7, v16;
	v41 =	vmul.f32 v48, v41;
	[tilespmem:v3+s23+$0x0] =	vst.idx.msk $0xffff, v42  }
0x5a0: {  	[tilespmem:$0x1F550] =	vst v6;
	v6 =	vmul.f32 v48, v43;
	v7 =	vor.u32 v16, v7;
	v16 =	vand.u32 $0x7, v63  }
0x5a1: {  	v3 =	vmul.f32 v48, v44;
	[tilespmem:v4+s23+$0x0] =	vst.idx.msk $0xffff, v41;
	v16 =	vor.u32 v16, v15;
	v15 =	vand.u32 $0x7, v39  }
0x5a2: {  	v4 =	vmul.f32 v48, v45;
	[tilespmem:v8+s23+$0x0] =	vst.idx.msk $0xffff, v6;
	v15 =	vor.u32 v15, v17;
	v17 =	vand.u32 $0x7, v19  }
0x5a3: {  	v6 =	vmul.f32 v48, v46;
	[tilespmem:v9+s23+$0x0] =	vst.idx.msk $0xffff, v3;
	v40 =	vor.u32 v17, v20;
	v17 =	vand.u32 $0x7, v21  }
0x5a4: {  	v3 =	vmul.f32 v48, v49;
	[tilespmem:v14+s23+$0x0] =	vst.idx.msk $0xffff, v4;
	v41 =	vor.u32 v17, v24  }
0x5a5: {  	v2 =	vmul.f32 v48, v2;
	v47 =	vld [tilespmem:$0x1F3F0];
	[tilespmem:v7+s23+$0x0] =	vst.idx.msk $0xffff, v6  }
0x5a6: {  	v5 =	vmul.f32 v48, v5;
	v46 =	vld [tilespmem:$0x1F3E0];
	[tilespmem:v16+s23+$0x0] =	vst.idx.msk $0xffff, v3  }
0x5a7: {  	v49 =	vld [tilespmem:$0x1F400];
	v3 =	vmul.f32 v48, v10;
	[tilespmem:v15+s23+$0x0] =	vst.idx.msk $0xffff, v2  }
0x5a8: {  	v6 =	vld [tilespmem:$0x1F390];
	[tilespmem:v40+s23+$0x0] =	vst.idx.msk $0xffff, v5  }
0x5a9: {  	v17 =	vand.u32 $0x7, v23;
	[tilespmem:v41+s23+$0x0] =	vst.idx.msk $0xffff, v3;
	v3 =	vld [tilespmem:$0x1F410]  }
0x5aa: {  	v4 =	vor.u32 v17, v25;
	v7 =	vld [tilespmem:$0x1F3A0]  }
0x5ab: {  	v43 =	vld [tilespmem:$0x1F3B0]  }
0x5ac: {  	v2 =	vmul.f32 v48, v11;
	v11 =	vand.u32 $0x7, v46  }
0x5ad: {  	v42 =	vand.u32 $0x7, v22;
	v8 =	vor.u32 v11, v47;
	v11 =	vand.u32 $0x7, v49  }
0x5ae: {  	v6 =	vor.u32 v42, v6;
	v11 =	vor.u32 v11, v3;
	v3 =	vld [tilespmem:$0x1F420]  }
0x5af: {  	v7 =	vand.u32 $0x7, v7;
	[tilespmem:v4+s23+$0x0] =	vst.idx.msk $0xffff, v2;
	v2 =	vld [tilespmem:$0x1F430]  }
0x5b0: {  	v7 =	vor.u32 v7, v43  }
0x5b1: {  	v5 =	vmul.f32 v48, v54;
	_ =	sdelay $0x1  }
0x5b2: {  	v50 =	vmul.f32 v48, v12;
	[tilespmem:v6+s23+$0x0] =	vst.idx.msk $0xffff, v5;
	v5 =	vld [tilespmem:$0x1F450];
	v3 =	vand.u32 $0x7, v3  }
0x5b3: {  	v3 =	vor.u32 v3, v2;
	v2 =	vld [tilespmem:$0x1F440]  }
0x5b4: {  	[tilespmem:v7+s23+$0x0] =	vst.idx.msk $0xffff, v50;
	v7 =	vld [tilespmem:$0x1F460];
	_ =	sdelay $0x3  }
0x5b5: {  	v2 =	vand.u32 $0x7, v2  }
0x5b6: {  	v2 =	vor.u32 v2, v5;
	v5 =	vmov v7;
	v7 =	vld [tilespmem:$0x1F470];
	_ =	sdelay $0x4  }
0x5b7: {  	[tilespmem:$0x1F570] =	vst v5;
	v5 =	vmul.f32 v48, v59;
	v59 =	vmov v7;
	v7 =	vld [tilespmem:$0x1F480];
	_ =	sdelay $0x4  }
0x5b8: {  	v51 =	vmul.f32 v48, v0;
	v0 =	vmov v7  }
0x5b9: {  	[tilespmem:$0x1F590] =	vst v0;
	v0 =	vld [tilespmem:$0x1F490];
	_ =	sdelay $0x4  }
0x5ba: {  	v17 =	vmov v0;
	v0 =	vld [tilespmem:$0x1F4A0]  }
0x5bb: {  	v44 =	vld [tilespmem:$0x1F3C0]  }
0x5bc: {  	v45 =	vld [tilespmem:$0x1F3D0];
	_ =	sdelay $0x2  }
0x5bd: {  	v20 =	vmov v0;
	v0 =	vld [tilespmem:$0x1F4B0]  }
0x5be: {  	v10 =	vand.u32 $0x7, v44  }
0x5bf: {  	v10 =	vor.u32 v10, v45;
	_ =	sdelay $0x2  }
0x5c0: {  	v54 =	vmov v53;
	v24 =	vmov v0;
	v0 =	vld [tilespmem:$0x1F4C0]  }
.Ltmp10:
0x5c1: {  	[tilespmem:$0x1F560] =	vst v54;
	v4 =	vmul.f32 v48, v13;
	(pc) =	sbr.rel @p0 .LBB2_22-.Ltmp10, $4  }
0x5c2: {  	v6 =	vmul.f32 v48, v18;
	[tilespmem:v10+s23+$0x0] =	vst.idx.msk $0xffff, v51  }
0x5c3: {  	[tilespmem:v8+s23+$0x0] =	vst.idx.msk $0xffff, v4  }
0x5c4: {  	v22 =	vmovc v1;
	v63 =	vmov v57;
	v21 =	vmov v58;
	v23 =	vmov v61;
	[tilespmem:v11+s23+$0x0] =	vst.idx.msk $0xffff, v6  }
0x5c5: {  	s26 =	sadd.s32 $0x10, s26;
	s1 =	sshll.u32 s29, $0x4;
	s0 =	smov.u32 s28;
	v61 =	vld [tilespmem:$0x1FFF0];
	v16 =	vmovc v52;
	v52 =	vmovc v56;
	v53 =	vmov v60;
	v4 =	vmul.f32 v48, v55;
	[tilespmem:$0x1F580] =	vst v59;
	v25 =	vmov v0  }
0x5c6: {  	_ =	sdelay $0x3  }
0x5c7: {  	s0 =	sand.u32 $0x3FFFFF80, s1;
	[tilespmem:v3+s23+$0x0] =	vst.idx.msk $0xffff, v5  }
0x5c8: {  	s0 =	sor.u32 s25, s0;
	[tilespmem:v2+s23+$0x0] =	vst.idx.msk $0xffff, v4  }
0x5c9: {  	v0 =	vld [tilespmem:s0+$0x0]  }
0x5ca: {  	v1 =	vld [tilespmem:s0+$0x800];
	_ =	sdelay $0x1  }
0x5cb: {  	v2 =	vld [tilespmem:s0+$0x1000];
	_ =	sdelay $0x1  }
0x5cc: {  	v3 =	vld [tilespmem:s0+$0x1800]  }
0x5cd: {  	v44 =	vadd.f32 v1, v0  }
0x5ce: {  	v5 =	vld [tilespmem:s0+$0x2000]  }
0x5cf: {  	v4 =	vadd.f32 v2, v44  }
0x5d0: {  	v6 =	vld [tilespmem:s0+$0x2800]  }
0x5d1: {  	v4 =	vadd.f32 v3, v4  }
0x5d2: {  	v7 =	vld [tilespmem:s0+$0x3000]  }
0x5d3: {  	v4 =	vadd.f32 v5, v4  }
0x5d4: {  	v8 =	vld [tilespmem:s0+$0x3800]  }
0x5d5: {  	v4 =	vadd.f32 v6, v4  }
0x5d6: {  	v9 =	vld [tilespmem:s0+$0x4000]  }
0x5d7: {  	v4 =	vadd.f32 v7, v4  }
0x5d8: {  	v10 =	vld [tilespmem:s0+$0x4800]  }
0x5d9: {  	v4 =	vadd.f32 v8, v4  }
0x5da: {  	v11 =	vld [tilespmem:s0+$0x5000]  }
0x5db: {  	v4 =	vadd.f32 v9, v4  }
0x5dc: {  	v12 =	vld [tilespmem:s0+$0x5800]  }
0x5dd: {  	v4 =	vadd.f32 v10, v4  }
0x5de: {  	v13 =	vld [tilespmem:s0+$0x6000]  }
0x5df: {  	v4 =	vadd.f32 v11, v4  }
0x5e0: {  	v18 =	vld [tilespmem:s0+$0x6800]  }
0x5e1: {  	v4 =	vadd.f32 v12, v4  }
0x5e2: {  	v40 =	vld [tilespmem:s0+$0x7000]  }
0x5e3: {  	v4 =	vadd.f32 v13, v4  }
0x5e4: {  	v41 =	vld [tilespmem:s0+$0x7800]  }
0x5e5: {  	v4 =	vadd.f32 v18, v4  }
0x5e6: {  	v42 =	vld [tilespmem:s0+$0x8000]  }
0x5e7: {  	v4 =	vadd.f32 v40, v4  }
0x5e8: {  	v43 =	vld [tilespmem:s0+$0x8800]  }
0x5e9: {  	v4 =	vadd.f32 v41, v4  }
0x5ea: {  	v44 =	vld [tilespmem:s0+$0x9000]  }
0x5eb: {  	v4 =	vadd.f32 v42, v4;
	_ =	sdelay $0x1  }
0x5ec: {  	v4 =	vadd.f32 v43, v4  }
0x5ed: {  	v45 =	vld [tilespmem:$0x1F4D0]  }
0x5ee: {  	v14 =	vld [tilespmem:$0x1F4F0];
	v4 =	vadd.f32 v44, v4  }
0x5ef: {  	v46 =	vld [tilespmem:$0x1F4E0]  }
0x5f0: {  	v47 =	vld [tilespmem:$0x1F500];
	(erf) = vrcp.f32 v4  }
0x5f1: {  	v48 =	vld [tilespmem:$0x1F510]  }
0x5f2: {  	v49 =	vld [tilespmem:$0x1F520]  }
0x5f3: {  	v50 =	vld [tilespmem:$0x1F540]  }
0x5f4: {  	v51 =	vld [tilespmem:$0x1F530]  }
0x5f5: {  	v54 =	vld [tilespmem:$0x1F560]  }
0x5f6: {  	v15 =	vld [tilespmem:$0x1F550];
	v4 =	vand.u32 $0x7, v45  }
0x5f7: {  	v55 =	vld [tilespmem:$0x1F570];
	v45 =	vand.u32 $0x7, v46;
	v4 =	vor.u32 v4, v14  }
0x5f8: {  	v57 =	vld [tilespmem:$0x1F580];
	v46 =	vand.u32 $0x7, v62;
	v45 =	vor.u32 v45, v47  }
0x5f9: {  	v60 =	vld [tilespmem:$0x1F590];
	v46 =	vor.u32 v46, v48;
	v47 =	vand.u32 $0x7, v49;
	v48 =	vpop (erf)  }
0x5fa: {  	v49 =	vand.u32 $0x7, v51;
	v47 =	vor.u32 v47, v50;
	v0 =	vmul.f32 v48, v0  }
0x5fb: {  	v14 =	vand.u32 $0x7, v54;
	v49 =	vor.u32 v49, v15;
	v1 =	vmul.f32 v48, v1  }
0x5fc: {  	v16 =	vand.u32 $0x7, v16;
	v14 =	vor.u32 v14, v55;
	v2 =	vmul.f32 v48, v2;
	[tilespmem:v4+s23+$0x0] =	vst.idx.msk $0xffff, v0  }
0x5fd: {  	v58 =	vand.u32 $0x7, v63;
	v56 =	vmul.f32 v48, v3;
	v3 =	vor.u32 v16, v57;
	[tilespmem:v45+s23+$0x0] =	vst.idx.msk $0xffff, v1  }
0x5fe: {  	v62 =	vand.u32 $0x7, v53;
	v59 =	vmul.f32 v48, v5;
	v4 =	vor.u32 v58, v60;
	[tilespmem:v46+s23+$0x0] =	vst.idx.msk $0xffff, v2  }
0x5ff: {  	v15 =	vand.u32 $0x7, v52;
	v63 =	vmul.f32 v48, v6;
	v5 =	vor.u32 v62, v17;
	[tilespmem:v47+s23+$0x0] =	vst.idx.msk $0xffff, v56  }
0x600: {  	v16 =	vmul.f32 v48, v7;
	v6 =	vor.u32 v15, v20;
	v17 =	vand.u32 $0x7, v21;
	[tilespmem:v49+s23+$0x0] =	vst.idx.msk $0xffff, v59  }
0x601: {  	v19 =	vmul.f32 v48, v8;
	v20 =	vand.u32 $0x7, v23;
	v7 =	vor.u32 v17, v24;
	[tilespmem:v14+s23+$0x0] =	vst.idx.msk $0xffff, v63  }
0x602: {  	v21 =	vmul.f32 v48, v9;
	v23 =	vand.u32 $0x7, v22;
	v8 =	vor.u32 v20, v25;
	[tilespmem:v3+s23+$0x0] =	vst.idx.msk $0xffff, v16  }
0x603: {  	v24 =	vmul.f32 v48, v10;
	v25 =	vor.u32 v23, v26;
	v26 =	vand.u32 $0x7, v28;
	[tilespmem:v4+s23+$0x0] =	vst.idx.msk $0xffff, v19  }
0x604: {  	v39 =	vand.u32 $0x7, v27;
	v28 =	vmul.f32 v48, v11;
	v29 =	vor.u32 v26, v29;
	[tilespmem:v5+s23+$0x0] =	vst.idx.msk $0xffff, v21  }
0x605: {  	v45 =	vmul.f32 v48, v12;
	v46 =	vor.u32 v39, v30;
	v47 =	vand.u32 $0x7, v31;
	[tilespmem:v6+s23+$0x0] =	vst.idx.msk $0xffff, v24  }
0x606: {  	v51 =	vand.u32 $0x7, v32;
	v49 =	vmul.f32 v48, v13;
	v50 =	vor.u32 v47, v33;
	[tilespmem:v7+s23+$0x0] =	vst.idx.msk $0xffff, v28  }
0x607: {  	v54 =	vand.u32 $0x7, v35;
	v53 =	vor.u32 v51, v36;
	v52 =	vmul.f32 v48, v18;
	[tilespmem:v8+s23+$0x0] =	vst.idx.msk $0xffff, v45  }
0x608: {  	v55 =	vmul.f32 v48, v40;
	v57 =	vand.u32 $0x7, v34;
	v56 =	vor.u32 v54, v37;
	[tilespmem:v25+s23+$0x0] =	vst.idx.msk $0xffff, v49  }
0x609: {  	v58 =	vmul.f32 v48, v41;
	v59 =	vor.u32 v57, v38;
	[tilespmem:v29+s23+$0x0] =	vst.idx.msk $0xffff, v52  }
0x60a: {  	v60 =	vmul.f32 v48, v42;
	[tilespmem:v46+s23+$0x0] =	vst.idx.msk $0xffff, v55  }
0x60b: {  	v62 =	vmul.f32 v48, v43;
	[tilespmem:v50+s23+$0x0] =	vst.idx.msk $0xffff, v58  }
0x60c: {  	v63 =	vmul.f32 v48, v44;
	[tilespmem:v53+s23+$0x0] =	vst.idx.msk $0xffff, v60  }
0x60d: {  	s1 =	simm.s32 $0x130;
	[tilespmem:v56+s23+$0x0] =	vst.idx.msk $0xffff, v62  }
0x60e: {  	s5 =	simm.s32 $0x9938;
	s25 =	sadd.s32 $0x0, s14;
	s0 =	simm.s32 $0x9800;
	[tilespmem:v59+s23+$0x0] =	vst.idx.msk $0xffff, v63  }
.LBB2_24:
0x60f: {  	[hbm4b:s25+s2] =	stream.linear.scatter [tilespmem:s0], [sflag:$0x1], $0x130, $0x38;
	[tilespmem:$0x13400] =	vst v63  }
0x610: {  	s3 =	smov.u32 s1;
	s0 =	smov.u32 s5;
	p0 =	sne.s32 s1, $0x96D0  }
.Ltmp11:
0x611: {  	s1 =	sadd.s32 $0x130, s1;
	(pc) =	sbr.rel @p0 .LBB2_24-.Ltmp11, $2  }
0x612: {  	_ =	sdelay $0x2  }
0x613: {  	s5 =	sadd.s32 $0x138, s5;
	s25 =	sadd.s32 s3, s14  }
0x614: {  	[hbm4b:s25+s2] =	stream.linear.scatter [tilespmem:s0], [sflag:$0x1], $0x130, $0x38;
	[tilespmem:$0x13400] =	vst v63  }
0x615: {  	_ =	swait.ge [sflag:s22], $0x9800  }
0x616: {  	s25 =	simm.s32 $0x0;
	s3 =	simm.s32 $0x800;
	[sflag:s22] =	ssyncset.done $0x0  }
0x617: {  	s5 =	simm.s32 $0x4000;
	s1 =	rddreg [dreg:$0x9];
	[sflag:s22] =	ssyncadd.s32 $0xFFFF6800  }
0x618: {  	[tilespmem:s25], [sflag:$0x1] =	stream.strided.gather [hbm4b:s1+s3], $0x9800, s5, s3, $0x38;
	[tilespmem:$0x13400] =	vst v63  }
0x619: {  	s26 =	simm.s32 $0x0;
	_ =	swait.ge [sflag:s22], $0x9800  }
0x61a: {  	s0 =	sand.u32 $0x70, s25;
	s1 =	sand.u32 $0x3FFFFF80, s26;
	[sflag:s22] =	ssyncset.done $0x0  }
0x61b: {  	s26 =	sor.u32 s0, s1;
	[sflag:s22] =	ssyncadd.s32 $0xFFFF6800  }
0x61c: {  	v20 =	vld [tilespmem:s26+$0x0]  }
0x61d: {  	v0 =	vld [tilespmem:s26+$0x800];
	_ =	sdelay $0x1  }
0x61e: {  	v23 =	vld [tilespmem:s26+$0x1000];
	_ =	sdelay $0x1  }
0x61f: {  	v39 =	vld [tilespmem:s26+$0x1800]  }
0x620: {  	v1 =	vadd.f32 v0, v20  }
0x621: {  	s28 =	simm.s32 $0x0;
	v26 =	vld [tilespmem:s26+$0x2000]  }
0x622: {  	s28 =	smul.u32 $0x13, s28;
	v1 =	vadd.f32 v23, v1  }
0x623: {  	v2 =	vmov s0;
	v28 =	vld [tilespmem:s26+$0x2800]  }
0x624: {  	v2 =	vmul.u32 $0x138, v2;
	v9 =	vmov s28;
	s29 =	sadd.s32 $0x2, s28;
	s30 =	sadd.s32 $0x3, s28;
	v1 =	vadd.f32 v39, v1  }
0x625: {  	s31 =	sadd.s32 $0x4, s28;
	s7 =	sadd.s32 $0x8, s28;
	v3 =	vand.u32 $0x1F8, v9;
	v11 =	vmov s29;
	v14 =	vmov s30;
	v27 =	vld [tilespmem:s26+$0x3000]  }
0x626: {  	s9 =	sadd.s32 $0x9, s28;
	s11 =	sadd.s32 $0xA, s28;
	s13 =	sadd.s32 $0xB, s28;
	v15 =	vmov s31;
	v45 =	vmov s7;
	v1 =	vadd.f32 v26, v1  }
0x627: {  	s15 =	sadd.s32 $0xC, s28;
	v46 =	vmov s9;
	v49 =	vmov s11;
	v51 =	vmov s13;
	v29 =	vld [tilespmem:s26+$0x3800]  }
0x628: {  	s17 =	sadd.s32 $0xD, s28;
	s24 =	sadd.s32 $0x11, s28;
	v52 =	vmov s15;
	v2 =	vbroadcast v2, $0x0;
	v1 =	vadd.f32 v28, v1  }
0x629: {  	v8 =	vmov s17;
	v40 =	vmov s24;
	v9 =	vand.u32 $0x7, v9;
	s0 =	sadd.s32 $0x1, s28;
	v30 =	vld [tilespmem:s26+$0x4000]  }
0x62a: {  	v10 =	vmov s0;
	v4 =	vadd.s32 v61, v2;
	v1 =	vadd.f32 v27, v1  }
0x62b: {  	v5 =	vand.u32 $0x3F8, v15;
	v2 =	vand.u32 $0x3F8, v10;
	v12 =	vadd.s32 v3, v4;
	v31 =	vld [tilespmem:s26+$0x4800]  }
0x62c: {  	s3 =	sadd.s32 $0x6, s28;
	v13 =	vadd.s32 v2, v4;
	v2 =	vand.u32 $0x3F8, v11;
	v3 =	vadd.f32 v29, v1  }
0x62d: {  	s5 =	sadd.s32 $0x7, s28;
	s25 =	simm.s32 $0x10;
	v22 =	vmov s3;
	v16 =	vadd.s32 v2, v4;
	v2 =	vand.u32 $0x3F8, v14;
	v1 =	vld [tilespmem:s26+$0x5000]  }
0x62e: {  	s29 =	sadd.s32 $0x12, s28;
	s30 =	simm.s32 $0x0;
	v24 =	vmov s5;
	s25 =	sand.u32 $0x70, s25;
	v17 =	vadd.s32 v2, v4;
	v2 =	vadd.f32 v30, v3  }
0x62f: {  	s1 =	sadd.s32 $0x5, s28;
	v44 =	vand.u32 $0x3F8, v40;
	v42 =	vmov s29;
	s31 =	smul.u32 $0x13, s30;
	v58 =	vmov s25;
	v32 =	vld [tilespmem:s26+$0x5800]  }
0x630: {  	v19 =	vmov s1;
	v58 =	vmul.u32 $0x138, v58;
	v2 =	vadd.f32 v31, v2  }
0x631: {  	v60 =	vmov s31;
	v10 =	vand.u32 $0x7, v10;
	v21 =	vadd.s32 v5, v4;
	v33 =	vld [tilespmem:s26+$0x6000]  }
0x632: {  	s1 =	sadd.s32 $0x1, s31;
	v5 =	vand.u32 $0x3F8, v22;
	[tilespmem:$0x1F2C0] =	vst v60;
	v60 =	vand.u32 $0x1F8, v60;
	v2 =	vadd.f32 v1, v2  }
0x633: {  	v34 =	vld [tilespmem:s26+$0x6800];
	v62 =	vmov s1;
	v11 =	vand.u32 $0x7, v11;
	v36 =	vadd.s32 v5, v4  }
0x634: {  	v5 =	vand.u32 $0x3F8, v46;
	v58 =	vbroadcast v58, $0x0;
	v2 =	vadd.f32 v32, v2  }
0x635: {  	v35 =	vld [tilespmem:s26+$0x7000];
	v9 =	vor.u32 v9, v12;
	v10 =	vor.u32 v10, v13;
	v46 =	vand.u32 $0x7, v46  }
0x636: {  	v50 =	vadd.s32 v5, v4;
	v5 =	vand.u32 $0x3F8, v51;
	v2 =	vadd.f32 v33, v2  }
0x637: {  	s19 =	sadd.s32 $0xE, s28;
	v37 =	vld [tilespmem:s26+$0x7800];
	v11 =	vor.u32 v11, v16;
	v51 =	vand.u32 $0x7, v51;
	v54 =	vadd.s32 v5, v4  }
0x638: {  	v5 =	vmov s19;
	v3 =	vand.u32 $0x3F8, v19;
	v2 =	vadd.f32 v34, v2  }
0x639: {  	v38 =	vld [tilespmem:s26+$0x8000];
	v46 =	vor.u32 v46, v50;
	v25 =	vadd.s32 v3, v4;
	v3 =	vand.u32 $0x3F8, v24  }
0x63a: {  	v47 =	vadd.s32 v3, v4;
	v3 =	vand.u32 $0x3F8, v45;
	v7 =	vadd.f32 v35, v2  }
0x63b: {  	v18 =	vld [tilespmem:s26+$0x8800];
	v6 =	vand.u32 $0x3F8, v5;
	v48 =	vadd.s32 v3, v4;
	v3 =	vand.u32 $0x3F8, v49  }
0x63c: {  	v53 =	vadd.s32 v3, v4;
	v3 =	vand.u32 $0x3F8, v52;
	v7 =	vadd.f32 v37, v7  }
0x63d: {  	s20 =	sadd.s32 $0xF, s28;
	v41 =	vld [tilespmem:s26+$0x9000];
	v5 =	vand.u32 $0x7, v5;
	v55 =	vadd.s32 v3, v4;
	v3 =	vand.u32 $0x3F8, v8  }
0x63e: {  	s21 =	sadd.s32 $0x10, s28;
	v56 =	vadd.s32 v3, v4;
	v3 =	vmov s20;
	v59 =	vadd.f32 v38, v7  }
0x63f: {  	v57 =	vadd.s32 v6, v4;
	v6 =	vand.u32 $0x3F8, v3;
	v2 =	vmov s21  }
0x640: {  	v6 =	vadd.s32 v6, v4;
	v43 =	vand.u32 $0x3F8, v2;
	v59 =	vadd.f32 v18, v59  }
0x641: {  	v7 =	vadd.s32 v43, v4;
	v43 =	vadd.s32 v44, v4;
	v44 =	vand.u32 $0x3F8, v42  }
0x642: {  	v44 =	vadd.s32 v44, v4;
	v4 =	vadd.s32 v61, v58;
	v59 =	vadd.f32 v41, v59  }
0x643: {  	s3 =	sadd.s32 $0x2, s31;
	[tilespmem:$0x1F2D0] =	vst v62;
	v5 =	vor.u32 v5, v57;
	v58 =	vand.u32 $0x3F8, v62;
	v60 =	vadd.s32 v60, v4  }
0x644: {  	s5 =	sadd.s32 $0x3, s31;
	v62 =	vmov s3;
	v58 =	vadd.s32 v58, v4;
	[tilespmem:$0x1F2E0] =	vst v60;
	(erf) = vrcp.f32 v59  }
0x645: {  	v45 =	vand.u32 $0x7, v45;
	v63 =	vand.u32 $0x3F8, v62;
	[tilespmem:$0x1F2F0] =	vst v58;
	v60 =	vmov s5  }
0x646: {  	v8 =	vand.u32 $0x7, v8;
	v58 =	vadd.s32 v63, v4;
	[tilespmem:$0x1F310] =	vst v60;
	v60 =	vand.u32 $0x3F8, v60  }
0x647: {  	s7 =	sadd.s32 $0x5, s31;
	v45 =	vor.u32 v45, v48;
	v8 =	vor.u32 v8, v56;
	[tilespmem:$0x1F300] =	vst v58;
	v13 =	vadd.s32 v60, v4  }
0x648: {  	s1 =	sadd.s32 $0x4, s31;
	v2 =	vand.u32 $0x7, v2;
	v63 =	vand.u32 $0x7, v14;
	[tilespmem:$0x1F330] =	vst v13;
	v13 =	vmov s7  }
0x649: {  	v58 =	vor.u32 v63, v17;
	v59 =	vmov s1;
	[tilespmem:$0x1F350] =	vst v13;
	v13 =	vand.u32 $0x3F8, v13  }
0x64a: {  	v60 =	vand.u32 $0x7, v19;
	v63 =	vand.u32 $0x3F8, v59;
	v13 =	vadd.s32 v13, v4  }
0x64b: {  	s9 =	sadd.s32 $0x6, s31;
	v2 =	vor.u32 v2, v7;
	v60 =	vor.u32 v60, v25;
	[tilespmem:$0x1F320] =	vst v59;
	v12 =	vadd.s32 v63, v4  }
0x64c: {  	v59 =	vand.u32 $0x7, v15;
	v15 =	vand.u32 $0x7, v24;
	[tilespmem:$0x1F340] =	vst v12;
	v12 =	vmov s9  }
0x64d: {  	v59 =	vor.u32 v59, v21;
	v47 =	vor.u32 v15, v47;
	[tilespmem:$0x1F360] =	vst v13;
	v15 =	vand.u32 $0x3F8, v12;
	v13 =	vpop (erf)  }
0x64e: {  	s20 =	sadd.s32 $0xC, s31;
	v63 =	vand.u32 $0x7, v22;
	v16 =	vmovc v12;
	v12 =	vadd.s32 v15, v4;
	v24 =	vmul.f32 v13, v20  }
0x64f: {  	s11 =	sadd.s32 $0x7, s31;
	v22 =	vmov s20;
	v36 =	vor.u32 v63, v36;
	[tilespmem:$0x1F370] =	vst v12;
	v0 =	vmul.f32 v13, v0  }
0x650: {  	v63 =	vmov s11;
	v15 =	vand.u32 $0x7, v49;
	v14 =	vmul.f32 v13, v23;
	[tilespmem:v9+s23+$0x0] =	vst.idx.msk $0xffff, v24  }
0x651: {  	v49 =	vor.u32 v51, v54;
	v54 =	vand.u32 $0x7, v52;
	[tilespmem:v10+s23+$0x0] =	vst.idx.msk $0xffff, v0;
	v0 =	vmul.f32 v13, v39  }
0x652: {  	s15 =	sadd.s32 $0x9, s31;
	v48 =	vand.u32 $0x3F8, v63;
	v12 =	vor.u32 v54, v55;
	v54 =	vmul.f32 v13, v26;
	[tilespmem:v11+s23+$0x0] =	vst.idx.msk $0xffff, v14  }
0x653: {  	s13 =	sadd.s32 $0x8, s31;
	v50 =	vadd.s32 v48, v4;
	v52 =	vmov s15;
	[tilespmem:v58+s23+$0x0] =	vst.idx.msk $0xffff, v0;
	v0 =	vmul.f32 v13, v28  }
0x654: {  	v48 =	vor.u32 v15, v53;
	v53 =	vmov s13;
	v56 =	vmul.f32 v13, v27;
	[tilespmem:v59+s23+$0x0] =	vst.idx.msk $0xffff, v54  }
0x655: {  	s24 =	sadd.s32 $0xE, s31;
	v55 =	vand.u32 $0x3F8, v22;
	v21 =	vand.u32 $0x3F8, v53;
	[tilespmem:v60+s23+$0x0] =	vst.idx.msk $0xffff, v0;
	v0 =	vmul.f32 v13, v29  }
0x656: {  	s17 =	sadd.s32 $0xA, s31;
	v17 =	vadd.s32 v21, v4;
	v27 =	vmov s24;
	v59 =	vmul.f32 v13, v30;
	[tilespmem:v36+s23+$0x0] =	vst.idx.msk $0xffff, v56  }
0x657: {  	v21 =	vmov s17;
	v60 =	vmul.f32 v13, v31;
	[tilespmem:v47+s23+$0x0] =	vst.idx.msk $0xffff, v0;
	v0 =	vand.u32 $0x3F8, v27  }
0x658: {  	v25 =	vand.u32 $0x3F8, v21;
	[tilespmem:v45+s23+$0x0] =	vst.idx.msk $0xffff, v59;
	v30 =	vadd.s32 v0, v4;
	v0 =	vmul.f32 v13, v1  }
0x659: {  	s28 =	sadd.s32 $0xF, s31;
	v20 =	vand.u32 $0x3F8, v52;
	v1 =	vand.u32 $0x7, v3;
	v3 =	vmul.f32 v13, v32;
	[tilespmem:v46+s23+$0x0] =	vst.idx.msk $0xffff, v60  }
0x65a: {  	s29 =	sadd.s32 $0x10, s31;
	v31 =	vmov s28;
	v1 =	vor.u32 v1, v6;
	v6 =	vmul.f32 v13, v33;
	[tilespmem:v48+s23+$0x0] =	vst.idx.msk $0xffff, v0  }
0x65b: {  	v32 =	vmov s29;
	v0 =	vand.u32 $0x3F8, v31;
	[tilespmem:v49+s23+$0x0] =	vst.idx.msk $0xffff, v3;
	v3 =	vmul.f32 v13, v34  }
0x65c: {  	s30 =	sadd.s32 $0x11, s31;
	v33 =	vadd.s32 v0, v4;
	v0 =	vand.u32 $0x3F8, v32;
	[tilespmem:v12+s23+$0x0] =	vst.idx.msk $0xffff, v6;
	v6 =	vmul.f32 v13, v35  }
0x65d: {  	s19 =	sadd.s32 $0xB, s31;
	s21 =	sadd.s32 $0xD, s31;
	s31 =	sadd.s32 $0x12, s31;
	v35 =	vmov s30;
	v36 =	vadd.s32 v0, v4;
	v0 =	vmul.f32 v13, v37;
	[tilespmem:v8+s23+$0x0] =	vst.idx.msk $0xffff, v3  }
0x65e: {  	v34 =	vmov s31;
	v3 =	vand.u32 $0x3F8, v35;
	[tilespmem:v5+s23+$0x0] =	vst.idx.msk $0xffff, v6;
	v5 =	vmul.f32 v13, v38  }
0x65f: {  	v37 =	vadd.s32 v3, v4;
	[tilespmem:v1+s23+$0x0] =	vst.idx.msk $0xffff, v0;
	v0 =	vand.u32 $0x3F8, v34;
	v1 =	vand.u32 $0x7, v40  }
0x660: {  	v38 =	vadd.s32 v0, v4;
	v3 =	vor.u32 v1, v43;
	v0 =	vand.u32 $0x7, v42  }
0x661: {  	v23 =	vmov s19;
	v26 =	vadd.s32 v55, v4;
	[tilespmem:v2+s23+$0x0] =	vst.idx.msk $0xffff, v5;
	v2 =	vor.u32 v0, v44  }
0x662: {  	v20 =	vadd.s32 v20, v4;
	v24 =	vadd.s32 v25, v4;
	v28 =	vmov s21  }
0x663: {  	v39 =	vand.u32 $0x3F8, v23;
	v58 =	vand.u32 $0x3F8, v28;
	v5 =	vmul.f32 v13, v18  }
0x664: {  	s0 =	simm.s32 $0x2;
	s26 =	simm.s32 $0x20;
	s1 =	simm.s32 $0x10;
	[tilespmem:$0x1F380] =	vst v50;
	v25 =	vadd.s32 v39, v4;
	v29 =	vadd.s32 v58, v4;
	v4 =	vmul.f32 v13, v41  }
.LBB2_26:
0x665: {  	s1 =	sand.u32 $0x3FFFFF80, s1;
	[tilespmem:v3+s23+$0x0] =	vst.idx.msk $0xffff, v5  }
0x666: {  	s3 =	sand.u32 $0x70, s26;
	v0 =	vmov v36;
	s29 =	smov.u32 s0;
	s30 =	sor.u32 s25, s1;
	[tilespmem:v2+s23+$0x0] =	vst.idx.msk $0xffff, v4  }
0x667: {  	[tilespmem:$0x1F200] =	vst v0;
	v0 =	vmov s3;
	s21 =	sshrl.u32 s29, $0x3;
	v40 =	vld [tilespmem:s30+$0x0]  }
0x668: {  	s25 =	smov.u32 s3;
	v0 =	vmul.u32 $0x138, v0;
	s3 =	smul.u32 $0x13, s21;
	v42 =	vld [tilespmem:s30+$0x800];
	_ =	sdelay $0x1  }
0x669: {  	s28 =	sadd.s32 $0x1, s0;
	p0 =	sne.s32 s0, $0x7F;
	v1 =	vmov v38;
	v41 =	vld [tilespmem:s30+$0x1000];
	v0 =	vbroadcast v0, $0x0;
	v47 =	vmov s3;
	s0 =	sadd.s32 $0x1, s3  }
0x66a: {  	v9 =	vmov v30;
	[tilespmem:$0x1F240] =	vst v1;
	s24 =	sadd.s32 $0x2, s3;
	s5 =	sadd.s32 $0x3, s3;
	v1 =	vand.u32 $0x1F8, v47;
	v48 =	vmov s0  }
0x66b: {  	v3 =	vmovc v37;
	[tilespmem:$0x1F1C0] =	vst v9;
	v43 =	vld [tilespmem:s30+$0x1800];
	v51 =	vmov s24;
	v9 =	vmov s5;
	v38 =	vadd.s32 v61, v0  }
0x66c: {  	[tilespmem:$0x1F220] =	vst v3;
	s7 =	sadd.s32 $0x5, s3;
	v0 =	vand.u32 $0x3F8, v48;
	v3 =	vadd.s32 v1, v38;
	v1 =	vadd.f32 v42, v40  }
0x66d: {  	v8 =	vmovc v31;
	v39 =	vmovc v53;
	v44 =	vld [tilespmem:s30+$0x2000];
	v53 =	vmov s7;
	v4 =	vadd.s32 v0, v38;
	v0 =	vand.u32 $0x3F8, v51  }
0x66e: {  	v6 =	vmovc v33;
	[tilespmem:$0x1F1D0] =	vst v8;
	v8 =	vadd.s32 v0, v38;
	v0 =	vand.u32 $0x3F8, v9;
	v1 =	vadd.f32 v41, v1  }
0x66f: {  	[tilespmem:$0x1F1E0] =	vst v6;
	v45 =	vld [tilespmem:s30+$0x2800];
	s9 =	sadd.s32 $0x6, s3;
	v6 =	vadd.s32 v0, v38;
	v0 =	vand.u32 $0x3F8, v53  }
0x670: {  	v19 =	vmovc v52;
	v52 =	vmov s9;
	v0 =	vadd.s32 v0, v38;
	v1 =	vadd.f32 v43, v1  }
0x671: {  	v7 =	vmov v32;
	v46 =	vld [tilespmem:s30+$0x3000];
	s11 =	sadd.s32 $0x7, s3;
	[tilespmem:$0x1F250] =	vst v0;
	v0 =	vand.u32 $0x3F8, v52  }
0x672: {  	[tilespmem:$0x1F1F0] =	vst v7;
	s31 =	sadd.s32 $0x4, s3;
	s13 =	sadd.s32 $0x8, s3;
	v57 =	vmov s11;
	v0 =	vadd.s32 v0, v38;
	v1 =	vadd.f32 v44, v1  }
0x673: {  	v2 =	vmovc v34;
	v49 =	vld [tilespmem:s30+$0x3800];
	v50 =	vmov s31;
	v60 =	vmov s13;
	[tilespmem:$0x1F260] =	vst v0;
	v0 =	vand.u32 $0x3F8, v57  }
0x674: {  	[tilespmem:$0x1F230] =	vst v2;
	s15 =	sadd.s32 $0x9, s3;
	v2 =	vand.u32 $0x3F8, v50;
	v0 =	vadd.s32 v0, v38;
	v1 =	vadd.f32 v45, v1  }
0x675: {  	v5 =	vmovc v35;
	v56 =	vmov s15;
	v7 =	vadd.s32 v2, v38;
	v2 =	vld [tilespmem:s30+$0x4000];
	[tilespmem:$0x1F270] =	vst v0;
	v0 =	vand.u32 $0x3F8, v60  }
0x676: {  	[tilespmem:$0x1F210] =	vst v5;
	v5 =	vand.u32 $0x3F8, v56;
	v0 =	vadd.s32 v0, v38;
	v59 =	vadd.f32 v46, v1  }
0x677: {  	[tilespmem:$0x1F280] =	vst v0;
	v0 =	vadd.s32 v5, v38;
	v5 =	vld [tilespmem:s30+$0x4800]  }
0x678: {  	v10 =	vmov v29;
	v29 =	vadd.f32 v49, v59  }
0x679: {  	v13 =	vmov v26;
	[tilespmem:$0x1F1A0] =	vst v10;
	v10 =	vld [tilespmem:s30+$0x5000]  }
0x67a: {  	v11 =	vmov v27;
	[tilespmem:$0x1F180] =	vst v13;
	s17 =	sadd.s32 $0xA, s3;
	v13 =	vadd.f32 v2, v29  }
0x67b: {  	v12 =	vmov v28;
	[tilespmem:$0x1F1B0] =	vst v11;
	v11 =	vld [tilespmem:s30+$0x5800];
	s19 =	sadd.s32 $0xB, s3;
	s5 =	sadd.s32 $0x10, s3;
	v58 =	vmov s17  }
0x67c: {  	[tilespmem:$0x1F190] =	vst v12;
	v61 =	vmov s19;
	v32 =	vmov s5;
	v37 =	vadd.f32 v5, v13  }
0x67d: {  	v54 =	vld [tilespmem:s30+$0x6000];
	v12 =	vand.u32 $0x3F8, v61;
	v55 =	vand.u32 $0x3F8, v32;
	[tilespmem:$0x1F290] =	vst v0;
	v0 =	vand.u32 $0x3F8, v58  }
0x67e: {  	v36 =	vadd.s32 v55, v38;
	v0 =	vadd.s32 v0, v38;
	v55 =	vadd.f32 v10, v37  }
0x67f: {  	s21 =	sadd.s32 $0xD, s3;
	[tilespmem:$0x1F2A0] =	vst v0;
	v0 =	vadd.s32 v12, v38;
	v12 =	vld [tilespmem:s30+$0x6800]  }
0x680: {  	s1 =	sadd.s32 $0x11, s3;
	s24 =	sadd.s32 $0xE, s3;
	v28 =	vmov s21;
	v55 =	vadd.f32 v11, v55  }
0x681: {  	s31 =	sadd.s32 $0x12, s3;
	v35 =	vmov s1;
	v27 =	vmov s24;
	v30 =	vand.u32 $0x3F8, v28;
	[tilespmem:$0x1F2B0] =	vst v0;
	v0 =	vld [tilespmem:s30+$0x7000]  }
0x682: {  	s0 =	sadd.s32 $0xF, s3;
	v34 =	vmov s31;
	v31 =	vand.u32 $0x3F8, v27;
	v55 =	vadd.f32 v54, v55  }
0x683: {  	s20 =	sadd.s32 $0xC, s3;
	v29 =	vadd.s32 v30, v38;
	v30 =	vadd.s32 v31, v38;
	v31 =	vmov s0;
	v13 =	vld [tilespmem:s30+$0x7800]  }
0x684: {  	v1 =	vmov s20;
	v14 =	vand.u32 $0x3F8, v31;
	v55 =	vadd.f32 v12, v55  }
0x685: {  	v18 =	vld [tilespmem:s30+$0x8000];
	v26 =	vand.u32 $0x3F8, v1;
	v59 =	vand.u32 $0x3F8, v35;
	v33 =	vadd.s32 v14, v38  }
0x686: {  	v37 =	vadd.s32 v59, v38;
	v59 =	vand.u32 $0x3F8, v34;
	v14 =	vadd.f32 v0, v55  }
0x687: {  	v26 =	vadd.s32 v26, v38;
	v38 =	vadd.s32 v59, v38;
	v59 =	vld [tilespmem:s30+$0x8800]  }
0x688: {  	v15 =	vmov v62;
	v62 =	vadd.f32 v13, v14  }
0x689: {  	v55 =	vld [tilespmem:s30+$0x9000]  }
0x68a: {  	v62 =	vadd.f32 v18, v62  }
0x68b: {  	v14 =	vld [tilespmem:$0x1F2C0]  }
0x68c: {  	v62 =	vadd.f32 v59, v62;
	_ =	sdelay $0x1  }
0x68d: {  	v62 =	vadd.f32 v55, v62;
	_ =	sdelay $0x1  }
0x68e: {  	(erf) = vrcp.f32 v62;
	v62 =	vand.u32 $0x7, v14;
	v14 =	vmov v47;
	v47 =	vld [tilespmem:$0x1F2E0];
	_ =	sdelay $0x4  }
0x68f: {  	v47 =	vor.u32 v62, v47;
	v62 =	vld [tilespmem:$0x1F2D0];
	_ =	sdelay $0x2  }
0x690: {  	[tilespmem:$0x1F2C0] =	vst v14;
	v14 =	vmov v48;
	v48 =	vmov v3;
	v3 =	vld [tilespmem:$0x1F2F0];
	_ =	sdelay $0x1  }
0x691: {  	v62 =	vand.u32 $0x7, v62;
	_ =	sdelay $0x2  }
0x692: {  	[tilespmem:$0x1F2E0] =	vst v48;
	v3 =	vor.u32 v62, v3;
	v62 =	vmov v51;
	v51 =	vmov v4;
	v4 =	vld [tilespmem:$0x1F300]  }
0x693: {  	[tilespmem:$0x1F2F0] =	vst v51;
	v51 =	vld [tilespmem:$0x1F310]  }
0x694: {  	v48 =	vand.u32 $0x7, v15;
	[tilespmem:$0x1F2D0] =	vst v14;
	v14 =	vld [tilespmem:$0x1F330];
	_ =	sdelay $0x2  }
0x695: {  	v4 =	vor.u32 v48, v4;
	v48 =	vmov v8  }
0x696: {  	v15 =	vand.u32 $0x7, v51;
	[tilespmem:$0x1F300] =	vst v48;
	v48 =	vld [tilespmem:$0x1F320]  }
0x697: {  	v8 =	vor.u32 v15, v14;
	v15 =	vld [tilespmem:$0x1F340];
	_ =	sdelay $0x3  }
0x698: {  	v51 =	vmov v9;
	v9 =	vand.u32 $0x7, v48  }
0x699: {  	[tilespmem:$0x1F310] =	vst v51;
	v51 =	vld [tilespmem:$0x1F350];
	v9 =	vor.u32 v9, v15;
	v15 =	vmov v50  }
0x69a: {  	[tilespmem:$0x1F320] =	vst v15;
	v15 =	vld [tilespmem:$0x1F360];
	_ =	sdelay $0x3  }
0x69b: {  	v14 =	vand.u32 $0x7, v51  }
0x69c: {  	v48 =	vpop (erf);
	v14 =	vor.u32 v14, v15;
	v15 =	vmov v6;
	v6 =	vmov v7;
	v7 =	vld [tilespmem:$0x1F370]  }
0x69d: {  	v40 =	vmul.f32 v48, v40;
	[tilespmem:$0x1F330] =	vst v15;
	v15 =	vld [tilespmem:$0x1F380]  }
0x69e: {  	v42 =	vmul.f32 v48, v42  }
0x69f: {  	[tilespmem:v47+s23+$0x0] =	vst.idx.msk $0xffff, v40  }
0x6a0: {  	v16 =	vand.u32 $0x7, v16;
	v41 =	vmul.f32 v48, v41;
	[tilespmem:v3+s23+$0x0] =	vst.idx.msk $0xffff, v42  }
0x6a1: {  	[tilespmem:$0x1F340] =	vst v6;
	v6 =	vmul.f32 v48, v43;
	v7 =	vor.u32 v16, v7;
	v16 =	vand.u32 $0x7, v63  }
0x6a2: {  	v3 =	vmul.f32 v48, v44;
	[tilespmem:v4+s23+$0x0] =	vst.idx.msk $0xffff, v41;
	v16 =	vor.u32 v16, v15;
	v15 =	vand.u32 $0x7, v39  }
0x6a3: {  	v4 =	vmul.f32 v48, v45;
	[tilespmem:v8+s23+$0x0] =	vst.idx.msk $0xffff, v6;
	v15 =	vor.u32 v15, v17;
	v17 =	vand.u32 $0x7, v19  }
0x6a4: {  	v6 =	vmul.f32 v48, v46;
	[tilespmem:v9+s23+$0x0] =	vst.idx.msk $0xffff, v3;
	v40 =	vor.u32 v17, v20;
	v17 =	vand.u32 $0x7, v21  }
0x6a5: {  	v3 =	vmul.f32 v48, v49;
	[tilespmem:v14+s23+$0x0] =	vst.idx.msk $0xffff, v4;
	v41 =	vor.u32 v17, v24  }
0x6a6: {  	v2 =	vmul.f32 v48, v2;
	v47 =	vld [tilespmem:$0x1F1E0];
	[tilespmem:v7+s23+$0x0] =	vst.idx.msk $0xffff, v6  }
0x6a7: {  	v5 =	vmul.f32 v48, v5;
	v46 =	vld [tilespmem:$0x1F1D0];
	[tilespmem:v16+s23+$0x0] =	vst.idx.msk $0xffff, v3  }
0x6a8: {  	v49 =	vld [tilespmem:$0x1F1F0];
	v3 =	vmul.f32 v48, v10;
	[tilespmem:v15+s23+$0x0] =	vst.idx.msk $0xffff, v2  }
0x6a9: {  	v6 =	vld [tilespmem:$0x1F180];
	[tilespmem:v40+s23+$0x0] =	vst.idx.msk $0xffff, v5  }
0x6aa: {  	v17 =	vand.u32 $0x7, v23;
	[tilespmem:v41+s23+$0x0] =	vst.idx.msk $0xffff, v3;
	v3 =	vld [tilespmem:$0x1F200]  }
0x6ab: {  	v4 =	vor.u32 v17, v25;
	v7 =	vld [tilespmem:$0x1F190]  }
0x6ac: {  	v43 =	vld [tilespmem:$0x1F1A0]  }
0x6ad: {  	v2 =	vmul.f32 v48, v11;
	v11 =	vand.u32 $0x7, v46  }
0x6ae: {  	v42 =	vand.u32 $0x7, v22;
	v8 =	vor.u32 v11, v47;
	v11 =	vand.u32 $0x7, v49  }
0x6af: {  	v6 =	vor.u32 v42, v6;
	v11 =	vor.u32 v11, v3;
	v3 =	vld [tilespmem:$0x1F210]  }
0x6b0: {  	v7 =	vand.u32 $0x7, v7;
	[tilespmem:v4+s23+$0x0] =	vst.idx.msk $0xffff, v2;
	v2 =	vld [tilespmem:$0x1F220]  }
0x6b1: {  	v7 =	vor.u32 v7, v43  }
0x6b2: {  	v5 =	vmul.f32 v48, v54;
	_ =	sdelay $0x1  }
0x6b3: {  	v50 =	vmul.f32 v48, v12;
	[tilespmem:v6+s23+$0x0] =	vst.idx.msk $0xffff, v5;
	v5 =	vld [tilespmem:$0x1F240];
	v3 =	vand.u32 $0x7, v3  }
0x6b4: {  	v3 =	vor.u32 v3, v2;
	v2 =	vld [tilespmem:$0x1F230]  }
0x6b5: {  	[tilespmem:v7+s23+$0x0] =	vst.idx.msk $0xffff, v50;
	v7 =	vld [tilespmem:$0x1F250];
	_ =	sdelay $0x3  }
0x6b6: {  	v2 =	vand.u32 $0x7, v2  }
0x6b7: {  	v2 =	vor.u32 v2, v5;
	v5 =	vmov v7;
	v7 =	vld [tilespmem:$0x1F260];
	_ =	sdelay $0x4  }
0x6b8: {  	[tilespmem:$0x1F360] =	vst v5;
	v5 =	vmul.f32 v48, v59;
	v59 =	vmov v7;
	v7 =	vld [tilespmem:$0x1F270];
	_ =	sdelay $0x4  }
0x6b9: {  	v51 =	vmul.f32 v48, v0;
	v0 =	vmov v7  }
0x6ba: {  	[tilespmem:$0x1F380] =	vst v0;
	v0 =	vld [tilespmem:$0x1F280];
	_ =	sdelay $0x4  }
0x6bb: {  	v17 =	vmov v0;
	v0 =	vld [tilespmem:$0x1F290]  }
0x6bc: {  	v44 =	vld [tilespmem:$0x1F1B0]  }
0x6bd: {  	v45 =	vld [tilespmem:$0x1F1C0];
	_ =	sdelay $0x2  }
0x6be: {  	v20 =	vmov v0;
	v0 =	vld [tilespmem:$0x1F2A0]  }
0x6bf: {  	v10 =	vand.u32 $0x7, v44  }
0x6c0: {  	v10 =	vor.u32 v10, v45;
	_ =	sdelay $0x2  }
0x6c1: {  	v54 =	vmov v53;
	v24 =	vmov v0;
	v0 =	vld [tilespmem:$0x1F2B0]  }
.Ltmp12:
0x6c2: {  	[tilespmem:$0x1F350] =	vst v54;
	v4 =	vmul.f32 v48, v13;
	(pc) =	sbr.rel @p0 .LBB2_26-.Ltmp12, $4  }
0x6c3: {  	v6 =	vmul.f32 v48, v18;
	[tilespmem:v10+s23+$0x0] =	vst.idx.msk $0xffff, v51  }
0x6c4: {  	[tilespmem:v8+s23+$0x0] =	vst.idx.msk $0xffff, v4  }
0x6c5: {  	v22 =	vmovc v1;
	v63 =	vmov v57;
	v21 =	vmov v58;
	v23 =	vmov v61;
	[tilespmem:v11+s23+$0x0] =	vst.idx.msk $0xffff, v6  }
0x6c6: {  	s26 =	sadd.s32 $0x10, s26;
	s1 =	sshll.u32 s29, $0x4;
	s0 =	smov.u32 s28;
	v61 =	vld [tilespmem:$0x1FFF0];
	v16 =	vmovc v52;
	v52 =	vmovc v56;
	v53 =	vmov v60;
	v4 =	vmul.f32 v48, v55;
	[tilespmem:$0x1F370] =	vst v59;
	v25 =	vmov v0  }
0x6c7: {  	_ =	sdelay $0x3  }
0x6c8: {  	s0 =	sand.u32 $0x3FFFFF80, s1;
	[tilespmem:v3+s23+$0x0] =	vst.idx.msk $0xffff, v5  }
0x6c9: {  	s0 =	sor.u32 s25, s0;
	[tilespmem:v2+s23+$0x0] =	vst.idx.msk $0xffff, v4  }
0x6ca: {  	v0 =	vld [tilespmem:s0+$0x0]  }
0x6cb: {  	v1 =	vld [tilespmem:s0+$0x800];
	_ =	sdelay $0x1  }
0x6cc: {  	v2 =	vld [tilespmem:s0+$0x1000];
	_ =	sdelay $0x1  }
0x6cd: {  	v3 =	vld [tilespmem:s0+$0x1800]  }
0x6ce: {  	v44 =	vadd.f32 v1, v0  }
0x6cf: {  	v5 =	vld [tilespmem:s0+$0x2000]  }
0x6d0: {  	v4 =	vadd.f32 v2, v44  }
0x6d1: {  	v6 =	vld [tilespmem:s0+$0x2800]  }
0x6d2: {  	v4 =	vadd.f32 v3, v4  }
0x6d3: {  	v7 =	vld [tilespmem:s0+$0x3000]  }
0x6d4: {  	v4 =	vadd.f32 v5, v4  }
0x6d5: {  	v8 =	vld [tilespmem:s0+$0x3800]  }
0x6d6: {  	v4 =	vadd.f32 v6, v4  }
0x6d7: {  	v9 =	vld [tilespmem:s0+$0x4000]  }
0x6d8: {  	v4 =	vadd.f32 v7, v4  }
0x6d9: {  	v10 =	vld [tilespmem:s0+$0x4800]  }
0x6da: {  	v4 =	vadd.f32 v8, v4  }
0x6db: {  	v11 =	vld [tilespmem:s0+$0x5000]  }
0x6dc: {  	v4 =	vadd.f32 v9, v4  }
0x6dd: {  	v12 =	vld [tilespmem:s0+$0x5800]  }
0x6de: {  	v4 =	vadd.f32 v10, v4  }
0x6df: {  	v13 =	vld [tilespmem:s0+$0x6000]  }
0x6e0: {  	v4 =	vadd.f32 v11, v4  }
0x6e1: {  	v18 =	vld [tilespmem:s0+$0x6800]  }
0x6e2: {  	v4 =	vadd.f32 v12, v4  }
0x6e3: {  	v40 =	vld [tilespmem:s0+$0x7000]  }
0x6e4: {  	v4 =	vadd.f32 v13, v4  }
0x6e5: {  	v41 =	vld [tilespmem:s0+$0x7800]  }
0x6e6: {  	v4 =	vadd.f32 v18, v4  }
0x6e7: {  	v42 =	vld [tilespmem:s0+$0x8000]  }
0x6e8: {  	v4 =	vadd.f32 v40, v4  }
0x6e9: {  	v43 =	vld [tilespmem:s0+$0x8800]  }
0x6ea: {  	v4 =	vadd.f32 v41, v4  }
0x6eb: {  	v44 =	vld [tilespmem:s0+$0x9000]  }
0x6ec: {  	v4 =	vadd.f32 v42, v4;
	_ =	sdelay $0x1  }
0x6ed: {  	v4 =	vadd.f32 v43, v4  }
0x6ee: {  	v45 =	vld [tilespmem:$0x1F2C0]  }
0x6ef: {  	v14 =	vld [tilespmem:$0x1F2E0];
	v4 =	vadd.f32 v44, v4  }
0x6f0: {  	v46 =	vld [tilespmem:$0x1F2D0]  }
0x6f1: {  	v47 =	vld [tilespmem:$0x1F2F0];
	(erf) = vrcp.f32 v4  }
0x6f2: {  	v48 =	vld [tilespmem:$0x1F300]  }
0x6f3: {  	v49 =	vld [tilespmem:$0x1F310]  }
0x6f4: {  	v50 =	vld [tilespmem:$0x1F330]  }
0x6f5: {  	v51 =	vld [tilespmem:$0x1F320]  }
0x6f6: {  	v54 =	vld [tilespmem:$0x1F350]  }
0x6f7: {  	v15 =	vld [tilespmem:$0x1F340];
	v4 =	vand.u32 $0x7, v45  }
0x6f8: {  	v55 =	vld [tilespmem:$0x1F360];
	v45 =	vand.u32 $0x7, v46;
	v4 =	vor.u32 v4, v14  }
0x6f9: {  	v57 =	vld [tilespmem:$0x1F370];
	v46 =	vand.u32 $0x7, v62;
	v45 =	vor.u32 v45, v47  }
0x6fa: {  	v60 =	vld [tilespmem:$0x1F380];
	v46 =	vor.u32 v46, v48;
	v47 =	vand.u32 $0x7, v49;
	v48 =	vpop (erf)  }
0x6fb: {  	v49 =	vand.u32 $0x7, v51;
	v47 =	vor.u32 v47, v50;
	v0 =	vmul.f32 v48, v0  }
0x6fc: {  	v14 =	vand.u32 $0x7, v54;
	v49 =	vor.u32 v49, v15;
	v1 =	vmul.f32 v48, v1  }
0x6fd: {  	v16 =	vand.u32 $0x7, v16;
	v14 =	vor.u32 v14, v55;
	v2 =	vmul.f32 v48, v2;
	[tilespmem:v4+s23+$0x0] =	vst.idx.msk $0xffff, v0  }
0x6fe: {  	v58 =	vand.u32 $0x7, v63;
	v56 =	vmul.f32 v48, v3;
	v3 =	vor.u32 v16, v57;
	[tilespmem:v45+s23+$0x0] =	vst.idx.msk $0xffff, v1  }
0x6ff: {  	v62 =	vand.u32 $0x7, v53;
	v59 =	vmul.f32 v48, v5;
	v4 =	vor.u32 v58, v60;
	[tilespmem:v46+s23+$0x0] =	vst.idx.msk $0xffff, v2  }
0x700: {  	v15 =	vand.u32 $0x7, v52;
	v63 =	vmul.f32 v48, v6;
	v5 =	vor.u32 v62, v17;
	[tilespmem:v47+s23+$0x0] =	vst.idx.msk $0xffff, v56  }
0x701: {  	v16 =	vmul.f32 v48, v7;
	v6 =	vor.u32 v15, v20;
	v17 =	vand.u32 $0x7, v21;
	[tilespmem:v49+s23+$0x0] =	vst.idx.msk $0xffff, v59  }
0x702: {  	v19 =	vmul.f32 v48, v8;
	v20 =	vand.u32 $0x7, v23;
	v7 =	vor.u32 v17, v24;
	[tilespmem:v14+s23+$0x0] =	vst.idx.msk $0xffff, v63  }
0x703: {  	v21 =	vmul.f32 v48, v9;
	v23 =	vand.u32 $0x7, v22;
	v8 =	vor.u32 v20, v25;
	[tilespmem:v3+s23+$0x0] =	vst.idx.msk $0xffff, v16  }
0x704: {  	v24 =	vmul.f32 v48, v10;
	v25 =	vor.u32 v23, v26;
	v26 =	vand.u32 $0x7, v28;
	[tilespmem:v4+s23+$0x0] =	vst.idx.msk $0xffff, v19  }
0x705: {  	v39 =	vand.u32 $0x7, v27;
	v28 =	vmul.f32 v48, v11;
	v29 =	vor.u32 v26, v29;
	[tilespmem:v5+s23+$0x0] =	vst.idx.msk $0xffff, v21  }
0x706: {  	v45 =	vmul.f32 v48, v12;
	v46 =	vor.u32 v39, v30;
	v47 =	vand.u32 $0x7, v31;
	[tilespmem:v6+s23+$0x0] =	vst.idx.msk $0xffff, v24  }
0x707: {  	v51 =	vand.u32 $0x7, v32;
	v49 =	vmul.f32 v48, v13;
	v50 =	vor.u32 v47, v33;
	[tilespmem:v7+s23+$0x0] =	vst.idx.msk $0xffff, v28  }
0x708: {  	v54 =	vand.u32 $0x7, v35;
	v53 =	vor.u32 v51, v36;
	v52 =	vmul.f32 v48, v18;
	[tilespmem:v8+s23+$0x0] =	vst.idx.msk $0xffff, v45  }
0x709: {  	v55 =	vmul.f32 v48, v40;
	v57 =	vand.u32 $0x7, v34;
	v56 =	vor.u32 v54, v37;
	[tilespmem:v25+s23+$0x0] =	vst.idx.msk $0xffff, v49  }
0x70a: {  	v58 =	vmul.f32 v48, v41;
	v59 =	vor.u32 v57, v38;
	[tilespmem:v29+s23+$0x0] =	vst.idx.msk $0xffff, v52  }
0x70b: {  	v60 =	vmul.f32 v48, v42;
	[tilespmem:v46+s23+$0x0] =	vst.idx.msk $0xffff, v55  }
0x70c: {  	v62 =	vmul.f32 v48, v43;
	[tilespmem:v50+s23+$0x0] =	vst.idx.msk $0xffff, v58  }
0x70d: {  	v63 =	vmul.f32 v48, v44;
	[tilespmem:v53+s23+$0x0] =	vst.idx.msk $0xffff, v60  }
0x70e: {  	s1 =	simm.s32 $0x130;
	[tilespmem:v56+s23+$0x0] =	vst.idx.msk $0xffff, v62  }
0x70f: {  	s5 =	simm.s32 $0x9938;
	s25 =	sadd.s32 $0x0, s16;
	s0 =	simm.s32 $0x9800;
	[tilespmem:v59+s23+$0x0] =	vst.idx.msk $0xffff, v63  }
.LBB2_28:
0x710: {  	[hbm4b:s25+s2] =	stream.linear.scatter [tilespmem:s0], [sflag:$0x1], $0x130, $0x38;
	[tilespmem:$0x13400] =	vst v63  }
0x711: {  	s3 =	smov.u32 s1;
	s0 =	smov.u32 s5;
	p0 =	sne.s32 s1, $0x96D0  }
.Ltmp13:
0x712: {  	s1 =	sadd.s32 $0x130, s1;
	(pc) =	sbr.rel @p0 .LBB2_28-.Ltmp13, $2  }
0x713: {  	_ =	sdelay $0x2  }
0x714: {  	s5 =	sadd.s32 $0x138, s5;
	s25 =	sadd.s32 s3, s16  }
0x715: {  	[hbm4b:s25+s2] =	stream.linear.scatter [tilespmem:s0], [sflag:$0x1], $0x130, $0x38;
	[tilespmem:$0x13400] =	vst v63  }
0x716: {  	_ =	swait.ge [sflag:s22], $0x9800  }
0x717: {  	s25 =	simm.s32 $0x0;
	s3 =	simm.s32 $0x800;
	[sflag:s22] =	ssyncset.done $0x0  }
0x718: {  	s5 =	simm.s32 $0x4000;
	s1 =	rddreg [dreg:$0xa];
	[sflag:s22] =	ssyncadd.s32 $0xFFFF6800  }
0x719: {  	[tilespmem:s25], [sflag:$0x1] =	stream.strided.gather [hbm4b:s1+s3], $0x9800, s5, s3, $0x38;
	[tilespmem:$0x13400] =	vst v63  }
0x71a: {  	s26 =	simm.s32 $0x0;
	_ =	swait.ge [sflag:s22], $0x9800  }
0x71b: {  	s0 =	sand.u32 $0x70, s25;
	s1 =	sand.u32 $0x3FFFFF80, s26;
	[sflag:s22] =	ssyncset.done $0x0  }
0x71c: {  	s26 =	sor.u32 s0, s1;
	[sflag:s22] =	ssyncadd.s32 $0xFFFF6800  }
0x71d: {  	v20 =	vld [tilespmem:s26+$0x0]  }
0x71e: {  	v0 =	vld [tilespmem:s26+$0x800];
	_ =	sdelay $0x1  }
0x71f: {  	v23 =	vld [tilespmem:s26+$0x1000];
	_ =	sdelay $0x1  }
0x720: {  	v39 =	vld [tilespmem:s26+$0x1800]  }
0x721: {  	v1 =	vadd.f32 v0, v20  }
0x722: {  	s28 =	simm.s32 $0x0;
	v26 =	vld [tilespmem:s26+$0x2000]  }
0x723: {  	s28 =	smul.u32 $0x13, s28;
	v1 =	vadd.f32 v23, v1  }
0x724: {  	v2 =	vmov s0;
	v28 =	vld [tilespmem:s26+$0x2800]  }
0x725: {  	v2 =	vmul.u32 $0x138, v2;
	v9 =	vmov s28;
	s29 =	sadd.s32 $0x2, s28;
	s30 =	sadd.s32 $0x3, s28;
	v1 =	vadd.f32 v39, v1  }
0x726: {  	s31 =	sadd.s32 $0x4, s28;
	s7 =	sadd.s32 $0x8, s28;
	v3 =	vand.u32 $0x1F8, v9;
	v11 =	vmov s29;
	v14 =	vmov s30;
	v27 =	vld [tilespmem:s26+$0x3000]  }
0x727: {  	s9 =	sadd.s32 $0x9, s28;
	s11 =	sadd.s32 $0xA, s28;
	s13 =	sadd.s32 $0xB, s28;
	v15 =	vmov s31;
	v45 =	vmov s7;
	v1 =	vadd.f32 v26, v1  }
0x728: {  	s15 =	sadd.s32 $0xC, s28;
	v46 =	vmov s9;
	v49 =	vmov s11;
	v51 =	vmov s13;
	v29 =	vld [tilespmem:s26+$0x3800]  }
0x729: {  	s17 =	sadd.s32 $0xD, s28;
	s24 =	sadd.s32 $0x11, s28;
	v52 =	vmov s15;
	v2 =	vbroadcast v2, $0x0;
	v1 =	vadd.f32 v28, v1  }
0x72a: {  	v8 =	vmov s17;
	v40 =	vmov s24;
	v9 =	vand.u32 $0x7, v9;
	s0 =	sadd.s32 $0x1, s28;
	v30 =	vld [tilespmem:s26+$0x4000]  }
0x72b: {  	v10 =	vmov s0;
	v4 =	vadd.s32 v61, v2;
	v1 =	vadd.f32 v27, v1  }
0x72c: {  	v5 =	vand.u32 $0x3F8, v15;
	v2 =	vand.u32 $0x3F8, v10;
	v12 =	vadd.s32 v3, v4;
	v31 =	vld [tilespmem:s26+$0x4800]  }
0x72d: {  	s3 =	sadd.s32 $0x6, s28;
	v13 =	vadd.s32 v2, v4;
	v2 =	vand.u32 $0x3F8, v11;
	v3 =	vadd.f32 v29, v1  }
0x72e: {  	s5 =	sadd.s32 $0x7, s28;
	s25 =	simm.s32 $0x10;
	v22 =	vmov s3;
	v16 =	vadd.s32 v2, v4;
	v2 =	vand.u32 $0x3F8, v14;
	v1 =	vld [tilespmem:s26+$0x5000]  }
0x72f: {  	s29 =	sadd.s32 $0x12, s28;
	s30 =	simm.s32 $0x0;
	v24 =	vmov s5;
	s25 =	sand.u32 $0x70, s25;
	v17 =	vadd.s32 v2, v4;
	v2 =	vadd.f32 v30, v3  }
0x730: {  	s1 =	sadd.s32 $0x5, s28;
	v44 =	vand.u32 $0x3F8, v40;
	v42 =	vmov s29;
	s31 =	smul.u32 $0x13, s30;
	v58 =	vmov s25;
	v32 =	vld [tilespmem:s26+$0x5800]  }
0x731: {  	v19 =	vmov s1;
	v58 =	vmul.u32 $0x138, v58;
	v2 =	vadd.f32 v31, v2  }
0x732: {  	v60 =	vmov s31;
	v10 =	vand.u32 $0x7, v10;
	v21 =	vadd.s32 v5, v4;
	v33 =	vld [tilespmem:s26+$0x6000]  }
0x733: {  	s1 =	sadd.s32 $0x1, s31;
	v5 =	vand.u32 $0x3F8, v22;
	[tilespmem:$0x1F0B0] =	vst v60;
	v60 =	vand.u32 $0x1F8, v60;
	v2 =	vadd.f32 v1, v2  }
0x734: {  	v34 =	vld [tilespmem:s26+$0x6800];
	v62 =	vmov s1;
	v11 =	vand.u32 $0x7, v11;
	v36 =	vadd.s32 v5, v4  }
0x735: {  	v5 =	vand.u32 $0x3F8, v46;
	v58 =	vbroadcast v58, $0x0;
	v2 =	vadd.f32 v32, v2  }
0x736: {  	v35 =	vld [tilespmem:s26+$0x7000];
	v9 =	vor.u32 v9, v12;
	v10 =	vor.u32 v10, v13;
	v46 =	vand.u32 $0x7, v46  }
0x737: {  	v50 =	vadd.s32 v5, v4;
	v5 =	vand.u32 $0x3F8, v51;
	v2 =	vadd.f32 v33, v2  }
0x738: {  	s19 =	sadd.s32 $0xE, s28;
	v37 =	vld [tilespmem:s26+$0x7800];
	v11 =	vor.u32 v11, v16;
	v51 =	vand.u32 $0x7, v51;
	v54 =	vadd.s32 v5, v4  }
0x739: {  	v5 =	vmov s19;
	v3 =	vand.u32 $0x3F8, v19;
	v2 =	vadd.f32 v34, v2  }
0x73a: {  	v38 =	vld [tilespmem:s26+$0x8000];
	v46 =	vor.u32 v46, v50;
	v25 =	vadd.s32 v3, v4;
	v3 =	vand.u32 $0x3F8, v24  }
0x73b: {  	v47 =	vadd.s32 v3, v4;
	v3 =	vand.u32 $0x3F8, v45;
	v7 =	vadd.f32 v35, v2  }
0x73c: {  	v18 =	vld [tilespmem:s26+$0x8800];
	v6 =	vand.u32 $0x3F8, v5;
	v48 =	vadd.s32 v3, v4;
	v3 =	vand.u32 $0x3F8, v49  }
0x73d: {  	v53 =	vadd.s32 v3, v4;
	v3 =	vand.u32 $0x3F8, v52;
	v7 =	vadd.f32 v37, v7  }
0x73e: {  	s20 =	sadd.s32 $0xF, s28;
	v41 =	vld [tilespmem:s26+$0x9000];
	v5 =	vand.u32 $0x7, v5;
	v55 =	vadd.s32 v3, v4;
	v3 =	vand.u32 $0x3F8, v8  }
0x73f: {  	s21 =	sadd.s32 $0x10, s28;
	v56 =	vadd.s32 v3, v4;
	v3 =	vmov s20;
	v59 =	vadd.f32 v38, v7  }
0x740: {  	v57 =	vadd.s32 v6, v4;
	v6 =	vand.u32 $0x3F8, v3;
	v2 =	vmov s21  }
0x741: {  	v6 =	vadd.s32 v6, v4;
	v43 =	vand.u32 $0x3F8, v2;
	v59 =	vadd.f32 v18, v59  }
0x742: {  	v7 =	vadd.s32 v43, v4;
	v43 =	vadd.s32 v44, v4;
	v44 =	vand.u32 $0x3F8, v42  }
0x743: {  	v44 =	vadd.s32 v44, v4;
	v4 =	vadd.s32 v61, v58;
	v59 =	vadd.f32 v41, v59  }
0x744: {  	s3 =	sadd.s32 $0x2, s31;
	[tilespmem:$0x1F0C0] =	vst v62;
	v5 =	vor.u32 v5, v57;
	v58 =	vand.u32 $0x3F8, v62;
	v60 =	vadd.s32 v60, v4  }
0x745: {  	s5 =	sadd.s32 $0x3, s31;
	v62 =	vmov s3;
	v58 =	vadd.s32 v58, v4;
	[tilespmem:$0x1F0D0] =	vst v60;
	(erf) = vrcp.f32 v59  }
0x746: {  	v45 =	vand.u32 $0x7, v45;
	v63 =	vand.u32 $0x3F8, v62;
	[tilespmem:$0x1F0E0] =	vst v58;
	v60 =	vmov s5  }
0x747: {  	v8 =	vand.u32 $0x7, v8;
	v58 =	vadd.s32 v63, v4;
	[tilespmem:$0x1F100] =	vst v60;
	v60 =	vand.u32 $0x3F8, v60  }
0x748: {  	s7 =	sadd.s32 $0x5, s31;
	v45 =	vor.u32 v45, v48;
	v8 =	vor.u32 v8, v56;
	[tilespmem:$0x1F0F0] =	vst v58;
	v13 =	vadd.s32 v60, v4  }
0x749: {  	s1 =	sadd.s32 $0x4, s31;
	v2 =	vand.u32 $0x7, v2;
	v63 =	vand.u32 $0x7, v14;
	[tilespmem:$0x1F120] =	vst v13;
	v13 =	vmov s7  }
0x74a: {  	v58 =	vor.u32 v63, v17;
	v59 =	vmov s1;
	[tilespmem:$0x1F140] =	vst v13;
	v13 =	vand.u32 $0x3F8, v13  }
0x74b: {  	v60 =	vand.u32 $0x7, v19;
	v63 =	vand.u32 $0x3F8, v59;
	v13 =	vadd.s32 v13, v4  }
0x74c: {  	s9 =	sadd.s32 $0x6, s31;
	v2 =	vor.u32 v2, v7;
	v60 =	vor.u32 v60, v25;
	[tilespmem:$0x1F110] =	vst v59;
	v12 =	vadd.s32 v63, v4  }
0x74d: {  	v59 =	vand.u32 $0x7, v15;
	v15 =	vand.u32 $0x7, v24;
	[tilespmem:$0x1F130] =	vst v12;
	v12 =	vmov s9  }
0x74e: {  	v59 =	vor.u32 v59, v21;
	v47 =	vor.u32 v15, v47;
	[tilespmem:$0x1F150] =	vst v13;
	v15 =	vand.u32 $0x3F8, v12;
	v13 =	vpop (erf)  }
0x74f: {  	s20 =	sadd.s32 $0xC, s31;
	v63 =	vand.u32 $0x7, v22;
	v16 =	vmovc v12;
	v12 =	vadd.s32 v15, v4;
	v24 =	vmul.f32 v13, v20  }
0x750: {  	s11 =	sadd.s32 $0x7, s31;
	v22 =	vmov s20;
	v36 =	vor.u32 v63, v36;
	[tilespmem:$0x1F160] =	vst v12;
	v0 =	vmul.f32 v13, v0  }
0x751: {  	v63 =	vmov s11;
	v15 =	vand.u32 $0x7, v49;
	v14 =	vmul.f32 v13, v23;
	[tilespmem:v9+s23+$0x0] =	vst.idx.msk $0xffff, v24  }
0x752: {  	v49 =	vor.u32 v51, v54;
	v54 =	vand.u32 $0x7, v52;
	[tilespmem:v10+s23+$0x0] =	vst.idx.msk $0xffff, v0;
	v0 =	vmul.f32 v13, v39  }
0x753: {  	s15 =	sadd.s32 $0x9, s31;
	v48 =	vand.u32 $0x3F8, v63;
	v12 =	vor.u32 v54, v55;
	v54 =	vmul.f32 v13, v26;
	[tilespmem:v11+s23+$0x0] =	vst.idx.msk $0xffff, v14  }
0x754: {  	s13 =	sadd.s32 $0x8, s31;
	v50 =	vadd.s32 v48, v4;
	v52 =	vmov s15;
	[tilespmem:v58+s23+$0x0] =	vst.idx.msk $0xffff, v0;
	v0 =	vmul.f32 v13, v28  }
0x755: {  	v48 =	vor.u32 v15, v53;
	v53 =	vmov s13;
	v56 =	vmul.f32 v13, v27;
	[tilespmem:v59+s23+$0x0] =	vst.idx.msk $0xffff, v54  }
0x756: {  	s24 =	sadd.s32 $0xE, s31;
	v55 =	vand.u32 $0x3F8, v22;
	v21 =	vand.u32 $0x3F8, v53;
	[tilespmem:v60+s23+$0x0] =	vst.idx.msk $0xffff, v0;
	v0 =	vmul.f32 v13, v29  }
0x757: {  	s17 =	sadd.s32 $0xA, s31;
	v17 =	vadd.s32 v21, v4;
	v27 =	vmov s24;
	v59 =	vmul.f32 v13, v30;
	[tilespmem:v36+s23+$0x0] =	vst.idx.msk $0xffff, v56  }
0x758: {  	v21 =	vmov s17;
	v60 =	vmul.f32 v13, v31;
	[tilespmem:v47+s23+$0x0] =	vst.idx.msk $0xffff, v0;
	v0 =	vand.u32 $0x3F8, v27  }
0x759: {  	v25 =	vand.u32 $0x3F8, v21;
	[tilespmem:v45+s23+$0x0] =	vst.idx.msk $0xffff, v59;
	v30 =	vadd.s32 v0, v4;
	v0 =	vmul.f32 v13, v1  }
0x75a: {  	s28 =	sadd.s32 $0xF, s31;
	v20 =	vand.u32 $0x3F8, v52;
	v1 =	vand.u32 $0x7, v3;
	v3 =	vmul.f32 v13, v32;
	[tilespmem:v46+s23+$0x0] =	vst.idx.msk $0xffff, v60  }
0x75b: {  	s29 =	sadd.s32 $0x10, s31;
	v31 =	vmov s28;
	v1 =	vor.u32 v1, v6;
	v6 =	vmul.f32 v13, v33;
	[tilespmem:v48+s23+$0x0] =	vst.idx.msk $0xffff, v0  }
0x75c: {  	v32 =	vmov s29;
	v0 =	vand.u32 $0x3F8, v31;
	[tilespmem:v49+s23+$0x0] =	vst.idx.msk $0xffff, v3;
	v3 =	vmul.f32 v13, v34  }
0x75d: {  	s30 =	sadd.s32 $0x11, s31;
	v33 =	vadd.s32 v0, v4;
	v0 =	vand.u32 $0x3F8, v32;
	[tilespmem:v12+s23+$0x0] =	vst.idx.msk $0xffff, v6;
	v6 =	vmul.f32 v13, v35  }
0x75e: {  	s19 =	sadd.s32 $0xB, s31;
	s21 =	sadd.s32 $0xD, s31;
	s31 =	sadd.s32 $0x12, s31;
	v35 =	vmov s30;
	v36 =	vadd.s32 v0, v4;
	v0 =	vmul.f32 v13, v37;
	[tilespmem:v8+s23+$0x0] =	vst.idx.msk $0xffff, v3  }
0x75f: {  	v34 =	vmov s31;
	v3 =	vand.u32 $0x3F8, v35;
	[tilespmem:v5+s23+$0x0] =	vst.idx.msk $0xffff, v6;
	v5 =	vmul.f32 v13, v38  }
0x760: {  	v37 =	vadd.s32 v3, v4;
	[tilespmem:v1+s23+$0x0] =	vst.idx.msk $0xffff, v0;
	v0 =	vand.u32 $0x3F8, v34;
	v1 =	vand.u32 $0x7, v40  }
0x761: {  	v38 =	vadd.s32 v0, v4;
	v3 =	vor.u32 v1, v43;
	v0 =	vand.u32 $0x7, v42  }
0x762: {  	v23 =	vmov s19;
	v26 =	vadd.s32 v55, v4;
	[tilespmem:v2+s23+$0x0] =	vst.idx.msk $0xffff, v5;
	v2 =	vor.u32 v0, v44  }
0x763: {  	v20 =	vadd.s32 v20, v4;
	v24 =	vadd.s32 v25, v4;
	v28 =	vmov s21  }
0x764: {  	v39 =	vand.u32 $0x3F8, v23;
	v58 =	vand.u32 $0x3F8, v28;
	v5 =	vmul.f32 v13, v18  }
0x765: {  	s0 =	simm.s32 $0x2;
	s26 =	simm.s32 $0x20;
	s1 =	simm.s32 $0x10;
	[tilespmem:$0x1F170] =	vst v50;
	v25 =	vadd.s32 v39, v4;
	v29 =	vadd.s32 v58, v4;
	v4 =	vmul.f32 v13, v41  }
.LBB2_30:
0x766: {  	s1 =	sand.u32 $0x3FFFFF80, s1;
	[tilespmem:v3+s23+$0x0] =	vst.idx.msk $0xffff, v5  }
0x767: {  	s3 =	sand.u32 $0x70, s26;
	v0 =	vmov v36;
	s29 =	smov.u32 s0;
	s30 =	sor.u32 s25, s1;
	[tilespmem:v2+s23+$0x0] =	vst.idx.msk $0xffff, v4  }
0x768: {  	[tilespmem:$0x1EFF0] =	vst v0;
	v0 =	vmov s3;
	s21 =	sshrl.u32 s29, $0x3;
	v40 =	vld [tilespmem:s30+$0x0]  }
0x769: {  	s25 =	smov.u32 s3;
	v0 =	vmul.u32 $0x138, v0;
	s3 =	smul.u32 $0x13, s21;
	v42 =	vld [tilespmem:s30+$0x800];
	_ =	sdelay $0x1  }
0x76a: {  	s28 =	sadd.s32 $0x1, s0;
	p0 =	sne.s32 s0, $0x7F;
	v1 =	vmov v38;
	v41 =	vld [tilespmem:s30+$0x1000];
	v0 =	vbroadcast v0, $0x0;
	v47 =	vmov s3;
	s0 =	sadd.s32 $0x1, s3  }
0x76b: {  	v9 =	vmov v30;
	[tilespmem:$0x1F030] =	vst v1;
	s24 =	sadd.s32 $0x2, s3;
	s5 =	sadd.s32 $0x3, s3;
	v1 =	vand.u32 $0x1F8, v47;
	v48 =	vmov s0  }
0x76c: {  	v3 =	vmovc v37;
	[tilespmem:$0x1EFB0] =	vst v9;
	v43 =	vld [tilespmem:s30+$0x1800];
	v51 =	vmov s24;
	v9 =	vmov s5;
	v38 =	vadd.s32 v61, v0  }
0x76d: {  	[tilespmem:$0x1F010] =	vst v3;
	s7 =	sadd.s32 $0x5, s3;
	v0 =	vand.u32 $0x3F8, v48;
	v3 =	vadd.s32 v1, v38;
	v1 =	vadd.f32 v42, v40  }
0x76e: {  	v8 =	vmovc v31;
	v39 =	vmovc v53;
	v44 =	vld [tilespmem:s30+$0x2000];
	v53 =	vmov s7;
	v4 =	vadd.s32 v0, v38;
	v0 =	vand.u32 $0x3F8, v51  }
0x76f: {  	v6 =	vmovc v33;
	[tilespmem:$0x1EFC0] =	vst v8;
	v8 =	vadd.s32 v0, v38;
	v0 =	vand.u32 $0x3F8, v9;
	v1 =	vadd.f32 v41, v1  }
0x770: {  	[tilespmem:$0x1EFD0] =	vst v6;
	v45 =	vld [tilespmem:s30+$0x2800];
	s9 =	sadd.s32 $0x6, s3;
	v6 =	vadd.s32 v0, v38;
	v0 =	vand.u32 $0x3F8, v53  }
0x771: {  	v19 =	vmovc v52;
	v52 =	vmov s9;
	v0 =	vadd.s32 v0, v38;
	v1 =	vadd.f32 v43, v1  }
0x772: {  	v7 =	vmov v32;
	v46 =	vld [tilespmem:s30+$0x3000];
	s11 =	sadd.s32 $0x7, s3;
	[tilespmem:$0x1F040] =	vst v0;
	v0 =	vand.u32 $0x3F8, v52  }
0x773: {  	[tilespmem:$0x1EFE0] =	vst v7;
	s31 =	sadd.s32 $0x4, s3;
	s13 =	sadd.s32 $0x8, s3;
	v57 =	vmov s11;
	v0 =	vadd.s32 v0, v38;
	v1 =	vadd.f32 v44, v1  }
0x774: {  	v2 =	vmovc v34;
	v49 =	vld [tilespmem:s30+$0x3800];
	v50 =	vmov s31;
	v60 =	vmov s13;
	[tilespmem:$0x1F050] =	vst v0;
	v0 =	vand.u32 $0x3F8, v57  }
0x775: {  	[tilespmem:$0x1F020] =	vst v2;
	s15 =	sadd.s32 $0x9, s3;
	v2 =	vand.u32 $0x3F8, v50;
	v0 =	vadd.s32 v0, v38;
	v1 =	vadd.f32 v45, v1  }
0x776: {  	v5 =	vmovc v35;
	v56 =	vmov s15;
	v7 =	vadd.s32 v2, v38;
	v2 =	vld [tilespmem:s30+$0x4000];
	[tilespmem:$0x1F060] =	vst v0;
	v0 =	vand.u32 $0x3F8, v60  }
0x777: {  	[tilespmem:$0x1F000] =	vst v5;
	v5 =	vand.u32 $0x3F8, v56;
	v0 =	vadd.s32 v0, v38;
	v59 =	vadd.f32 v46, v1  }
0x778: {  	[tilespmem:$0x1F070] =	vst v0;
	v0 =	vadd.s32 v5, v38;
	v5 =	vld [tilespmem:s30+$0x4800]  }
0x779: {  	v10 =	vmov v29;
	v29 =	vadd.f32 v49, v59  }
0x77a: {  	v13 =	vmov v26;
	[tilespmem:$0x1EF90] =	vst v10;
	v10 =	vld [tilespmem:s30+$0x5000]  }
0x77b: {  	v11 =	vmov v27;
	[tilespmem:$0x1EF70] =	vst v13;
	s17 =	sadd.s32 $0xA, s3;
	v13 =	vadd.f32 v2, v29  }
0x77c: {  	v12 =	vmov v28;
	[tilespmem:$0x1EFA0] =	vst v11;
	v11 =	vld [tilespmem:s30+$0x5800];
	s19 =	sadd.s32 $0xB, s3;
	s5 =	sadd.s32 $0x10, s3;
	v58 =	vmov s17  }
0x77d: {  	[tilespmem:$0x1EF80] =	vst v12;
	v61 =	vmov s19;
	v32 =	vmov s5;
	v37 =	vadd.f32 v5, v13  }
0x77e: {  	v54 =	vld [tilespmem:s30+$0x6000];
	v12 =	vand.u32 $0x3F8, v61;
	v55 =	vand.u32 $0x3F8, v32;
	[tilespmem:$0x1F080] =	vst v0;
	v0 =	vand.u32 $0x3F8, v58  }
0x77f: {  	v36 =	vadd.s32 v55, v38;
	v0 =	vadd.s32 v0, v38;
	v55 =	vadd.f32 v10, v37  }
0x780: {  	s21 =	sadd.s32 $0xD, s3;
	[tilespmem:$0x1F090] =	vst v0;
	v0 =	vadd.s32 v12, v38;
	v12 =	vld [tilespmem:s30+$0x6800]  }
0x781: {  	s1 =	sadd.s32 $0x11, s3;
	s24 =	sadd.s32 $0xE, s3;
	v28 =	vmov s21;
	v55 =	vadd.f32 v11, v55  }
0x782: {  	s31 =	sadd.s32 $0x12, s3;
	v35 =	vmov s1;
	v27 =	vmov s24;
	v30 =	vand.u32 $0x3F8, v28;
	[tilespmem:$0x1F0A0] =	vst v0;
	v0 =	vld [tilespmem:s30+$0x7000]  }
0x783: {  	s0 =	sadd.s32 $0xF, s3;
	v34 =	vmov s31;
	v31 =	vand.u32 $0x3F8, v27;
	v55 =	vadd.f32 v54, v55  }
0x784: {  	s20 =	sadd.s32 $0xC, s3;
	v29 =	vadd.s32 v30, v38;
	v30 =	vadd.s32 v31, v38;
	v31 =	vmov s0;
	v13 =	vld [tilespmem:s30+$0x7800]  }
0x785: {  	v1 =	vmov s20;
	v14 =	vand.u32 $0x3F8, v31;
	v55 =	vadd.f32 v12, v55  }
0x786: {  	v18 =	vld [tilespmem:s30+$0x8000];
	v26 =	vand.u32 $0x3F8, v1;
	v59 =	vand.u32 $0x3F8, v35;
	v33 =	vadd.s32 v14, v38  }
0x787: {  	v37 =	vadd.s32 v59, v38;
	v59 =	vand.u32 $0x3F8, v34;
	v14 =	vadd.f32 v0, v55  }
0x788: {  	v26 =	vadd.s32 v26, v38;
	v38 =	vadd.s32 v59, v38;
	v59 =	vld [tilespmem:s30+$0x8800]  }
0x789: {  	v15 =	vmov v62;
	v62 =	vadd.f32 v13, v14  }
0x78a: {  	v55 =	vld [tilespmem:s30+$0x9000]  }
0x78b: {  	v62 =	vadd.f32 v18, v62  }
0x78c: {  	v14 =	vld [tilespmem:$0x1F0B0]  }
0x78d: {  	v62 =	vadd.f32 v59, v62;
	_ =	sdelay $0x1  }
0x78e: {  	v62 =	vadd.f32 v55, v62;
	_ =	sdelay $0x1  }
0x78f: {  	(erf) = vrcp.f32 v62;
	v62 =	vand.u32 $0x7, v14;
	v14 =	vmov v47;
	v47 =	vld [tilespmem:$0x1F0D0];
	_ =	sdelay $0x4  }
0x790: {  	v47 =	vor.u32 v62, v47;
	v62 =	vld [tilespmem:$0x1F0C0];
	_ =	sdelay $0x2  }
0x791: {  	[tilespmem:$0x1F0B0] =	vst v14;
	v14 =	vmov v48;
	v48 =	vmov v3;
	v3 =	vld [tilespmem:$0x1F0E0];
	_ =	sdelay $0x1  }
0x792: {  	v62 =	vand.u32 $0x7, v62;
	_ =	sdelay $0x2  }
0x793: {  	[tilespmem:$0x1F0D0] =	vst v48;
	v3 =	vor.u32 v62, v3;
	v62 =	vmov v51;
	v51 =	vmov v4;
	v4 =	vld [tilespmem:$0x1F0F0]  }
0x794: {  	[tilespmem:$0x1F0E0] =	vst v51;
	v51 =	vld [tilespmem:$0x1F100]  }
0x795: {  	v48 =	vand.u32 $0x7, v15;
	[tilespmem:$0x1F0C0] =	vst v14;
	v14 =	vld [tilespmem:$0x1F120];
	_ =	sdelay $0x2  }
0x796: {  	v4 =	vor.u32 v48, v4;
	v48 =	vmov v8  }
0x797: {  	v15 =	vand.u32 $0x7, v51;
	[tilespmem:$0x1F0F0] =	vst v48;
	v48 =	vld [tilespmem:$0x1F110]  }
0x798: {  	v8 =	vor.u32 v15, v14;
	v15 =	vld [tilespmem:$0x1F130];
	_ =	sdelay $0x3  }
0x799: {  	v51 =	vmov v9;
	v9 =	vand.u32 $0x7, v48  }
0x79a: {  	[tilespmem:$0x1F100] =	vst v51;
	v51 =	vld [tilespmem:$0x1F140];
	v9 =	vor.u32 v9, v15;
	v15 =	vmov v50  }
0x79b: {  	[tilespmem:$0x1F110] =	vst v15;
	v15 =	vld [tilespmem:$0x1F150];
	_ =	sdelay $0x3  }
0x79c: {  	v14 =	vand.u32 $0x7, v51  }
0x79d: {  	v48 =	vpop (erf);
	v14 =	vor.u32 v14, v15;
	v15 =	vmov v6;
	v6 =	vmov v7;
	v7 =	vld [tilespmem:$0x1F160]  }
0x79e: {  	v40 =	vmul.f32 v48, v40;
	[tilespmem:$0x1F120] =	vst v15;
	v15 =	vld [tilespmem:$0x1F170]  }
0x79f: {  	v42 =	vmul.f32 v48, v42  }
0x7a0: {  	[tilespmem:v47+s23+$0x0] =	vst.idx.msk $0xffff, v40  }
0x7a1: {  	v16 =	vand.u32 $0x7, v16;
	v41 =	vmul.f32 v48, v41;
	[tilespmem:v3+s23+$0x0] =	vst.idx.msk $0xffff, v42  }
0x7a2: {  	[tilespmem:$0x1F130] =	vst v6;
	v6 =	vmul.f32 v48, v43;
	v7 =	vor.u32 v16, v7;
	v16 =	vand.u32 $0x7, v63  }
0x7a3: {  	v3 =	vmul.f32 v48, v44;
	[tilespmem:v4+s23+$0x0] =	vst.idx.msk $0xffff, v41;
	v16 =	vor.u32 v16, v15;
	v15 =	vand.u32 $0x7, v39  }
0x7a4: {  	v4 =	vmul.f32 v48, v45;
	[tilespmem:v8+s23+$0x0] =	vst.idx.msk $0xffff, v6;
	v15 =	vor.u32 v15, v17;
	v17 =	vand.u32 $0x7, v19  }
0x7a5: {  	v6 =	vmul.f32 v48, v46;
	[tilespmem:v9+s23+$0x0] =	vst.idx.msk $0xffff, v3;
	v40 =	vor.u32 v17, v20;
	v17 =	vand.u32 $0x7, v21  }
0x7a6: {  	v3 =	vmul.f32 v48, v49;
	[tilespmem:v14+s23+$0x0] =	vst.idx.msk $0xffff, v4;
	v41 =	vor.u32 v17, v24  }
0x7a7: {  	v2 =	vmul.f32 v48, v2;
	v47 =	vld [tilespmem:$0x1EFD0];
	[tilespmem:v7+s23+$0x0] =	vst.idx.msk $0xffff, v6  }
0x7a8: {  	v5 =	vmul.f32 v48, v5;
	v46 =	vld [tilespmem:$0x1EFC0];
	[tilespmem:v16+s23+$0x0] =	vst.idx.msk $0xffff, v3  }
0x7a9: {  	v49 =	vld [tilespmem:$0x1EFE0];
	v3 =	vmul.f32 v48, v10;
	[tilespmem:v15+s23+$0x0] =	vst.idx.msk $0xffff, v2  }
0x7aa: {  	v6 =	vld [tilespmem:$0x1EF70];
	[tilespmem:v40+s23+$0x0] =	vst.idx.msk $0xffff, v5  }
0x7ab: {  	v17 =	vand.u32 $0x7, v23;
	[tilespmem:v41+s23+$0x0] =	vst.idx.msk $0xffff, v3;
	v3 =	vld [tilespmem:$0x1EFF0]  }
0x7ac: {  	v4 =	vor.u32 v17, v25;
	v7 =	vld [tilespmem:$0x1EF80]  }
0x7ad: {  	v43 =	vld [tilespmem:$0x1EF90]  }
0x7ae: {  	v2 =	vmul.f32 v48, v11;
	v11 =	vand.u32 $0x7, v46  }
0x7af: {  	v42 =	vand.u32 $0x7, v22;
	v8 =	vor.u32 v11, v47;
	v11 =	vand.u32 $0x7, v49  }
0x7b0: {  	v6 =	vor.u32 v42, v6;
	v11 =	vor.u32 v11, v3;
	v3 =	vld [tilespmem:$0x1F000]  }
0x7b1: {  	v7 =	vand.u32 $0x7, v7;
	[tilespmem:v4+s23+$0x0] =	vst.idx.msk $0xffff, v2;
	v2 =	vld [tilespmem:$0x1F010]  }
0x7b2: {  	v7 =	vor.u32 v7, v43  }
0x7b3: {  	v5 =	vmul.f32 v48, v54;
	_ =	sdelay $0x1  }
0x7b4: {  	v50 =	vmul.f32 v48, v12;
	[tilespmem:v6+s23+$0x0] =	vst.idx.msk $0xffff, v5;
	v5 =	vld [tilespmem:$0x1F030];
	v3 =	vand.u32 $0x7, v3  }
0x7b5: {  	v3 =	vor.u32 v3, v2;
	v2 =	vld [tilespmem:$0x1F020]  }
0x7b6: {  	[tilespmem:v7+s23+$0x0] =	vst.idx.msk $0xffff, v50;
	v7 =	vld [tilespmem:$0x1F040];
	_ =	sdelay $0x3  }
0x7b7: {  	v2 =	vand.u32 $0x7, v2  }
0x7b8: {  	v2 =	vor.u32 v2, v5;
	v5 =	vmov v7;
	v7 =	vld [tilespmem:$0x1F050];
	_ =	sdelay $0x4  }
0x7b9: {  	[tilespmem:$0x1F150] =	vst v5;
	v5 =	vmul.f32 v48, v59;
	v59 =	vmov v7;
	v7 =	vld [tilespmem:$0x1F060];
	_ =	sdelay $0x4  }
0x7ba: {  	v51 =	vmul.f32 v48, v0;
	v0 =	vmov v7  }
0x7bb: {  	[tilespmem:$0x1F170] =	vst v0;
	v0 =	vld [tilespmem:$0x1F070];
	_ =	sdelay $0x4  }
0x7bc: {  	v17 =	vmov v0;
	v0 =	vld [tilespmem:$0x1F080]  }
0x7bd: {  	v44 =	vld [tilespmem:$0x1EFA0]  }
0x7be: {  	v45 =	vld [tilespmem:$0x1EFB0];
	_ =	sdelay $0x2  }
0x7bf: {  	v20 =	vmov v0;
	v0 =	vld [tilespmem:$0x1F090]  }
0x7c0: {  	v10 =	vand.u32 $0x7, v44  }
0x7c1: {  	v10 =	vor.u32 v10, v45;
	_ =	sdelay $0x2  }
0x7c2: {  	v54 =	vmov v53;
	v24 =	vmov v0;
	v0 =	vld [tilespmem:$0x1F0A0]  }
.Ltmp14:
0x7c3: {  	[tilespmem:$0x1F140] =	vst v54;
	v4 =	vmul.f32 v48, v13;
	(pc) =	sbr.rel @p0 .LBB2_30-.Ltmp14, $4  }
0x7c4: {  	v6 =	vmul.f32 v48, v18;
	[tilespmem:v10+s23+$0x0] =	vst.idx.msk $0xffff, v51  }
0x7c5: {  	[tilespmem:v8+s23+$0x0] =	vst.idx.msk $0xffff, v4  }
0x7c6: {  	v22 =	vmovc v1;
	v63 =	vmov v57;
	v21 =	vmov v58;
	v23 =	vmov v61;
	[tilespmem:v11+s23+$0x0] =	vst.idx.msk $0xffff, v6  }
0x7c7: {  	s26 =	sadd.s32 $0x10, s26;
	s1 =	sshll.u32 s29, $0x4;
	s0 =	smov.u32 s28;
	v61 =	vld [tilespmem:$0x1FFF0];
	v16 =	vmovc v52;
	v52 =	vmovc v56;
	v53 =	vmov v60;
	v4 =	vmul.f32 v48, v55;
	[tilespmem:$0x1F160] =	vst v59;
	v25 =	vmov v0  }
0x7c8: {  	_ =	sdelay $0x3  }
0x7c9: {  	s0 =	sand.u32 $0x3FFFFF80, s1;
	[tilespmem:v3+s23+$0x0] =	vst.idx.msk $0xffff, v5  }
0x7ca: {  	s0 =	sor.u32 s25, s0;
	[tilespmem:v2+s23+$0x0] =	vst.idx.msk $0xffff, v4  }
0x7cb: {  	v0 =	vld [tilespmem:s0+$0x0]  }
0x7cc: {  	v1 =	vld [tilespmem:s0+$0x800];
	_ =	sdelay $0x1  }
0x7cd: {  	v2 =	vld [tilespmem:s0+$0x1000];
	_ =	sdelay $0x1  }
0x7ce: {  	v3 =	vld [tilespmem:s0+$0x1800]  }
0x7cf: {  	v44 =	vadd.f32 v1, v0  }
0x7d0: {  	v5 =	vld [tilespmem:s0+$0x2000]  }
0x7d1: {  	v4 =	vadd.f32 v2, v44  }
0x7d2: {  	v6 =	vld [tilespmem:s0+$0x2800]  }
0x7d3: {  	v4 =	vadd.f32 v3, v4  }
0x7d4: {  	v7 =	vld [tilespmem:s0+$0x3000]  }
0x7d5: {  	v4 =	vadd.f32 v5, v4  }
0x7d6: {  	v8 =	vld [tilespmem:s0+$0x3800]  }
0x7d7: {  	v4 =	vadd.f32 v6, v4  }
0x7d8: {  	v9 =	vld [tilespmem:s0+$0x4000]  }
0x7d9: {  	v4 =	vadd.f32 v7, v4  }
0x7da: {  	v10 =	vld [tilespmem:s0+$0x4800]  }
0x7db: {  	v4 =	vadd.f32 v8, v4  }
0x7dc: {  	v11 =	vld [tilespmem:s0+$0x5000]  }
0x7dd: {  	v4 =	vadd.f32 v9, v4  }
0x7de: {  	v12 =	vld [tilespmem:s0+$0x5800]  }
0x7df: {  	v4 =	vadd.f32 v10, v4  }
0x7e0: {  	v13 =	vld [tilespmem:s0+$0x6000]  }
0x7e1: {  	v4 =	vadd.f32 v11, v4  }
0x7e2: {  	v18 =	vld [tilespmem:s0+$0x6800]  }
0x7e3: {  	v4 =	vadd.f32 v12, v4  }
0x7e4: {  	v40 =	vld [tilespmem:s0+$0x7000]  }
0x7e5: {  	v4 =	vadd.f32 v13, v4  }
0x7e6: {  	v41 =	vld [tilespmem:s0+$0x7800]  }
0x7e7: {  	v4 =	vadd.f32 v18, v4  }
0x7e8: {  	v42 =	vld [tilespmem:s0+$0x8000]  }
0x7e9: {  	v4 =	vadd.f32 v40, v4  }
0x7ea: {  	v43 =	vld [tilespmem:s0+$0x8800]  }
0x7eb: {  	v4 =	vadd.f32 v41, v4  }
0x7ec: {  	v44 =	vld [tilespmem:s0+$0x9000]  }
0x7ed: {  	v4 =	vadd.f32 v42, v4;
	_ =	sdelay $0x1  }
0x7ee: {  	v4 =	vadd.f32 v43, v4  }
0x7ef: {  	v45 =	vld [tilespmem:$0x1F0B0]  }
0x7f0: {  	v14 =	vld [tilespmem:$0x1F0D0];
	v4 =	vadd.f32 v44, v4  }
0x7f1: {  	v46 =	vld [tilespmem:$0x1F0C0]  }
0x7f2: {  	v47 =	vld [tilespmem:$0x1F0E0];
	(erf) = vrcp.f32 v4  }
0x7f3: {  	v48 =	vld [tilespmem:$0x1F0F0]  }
0x7f4: {  	v49 =	vld [tilespmem:$0x1F100]  }
0x7f5: {  	v50 =	vld [tilespmem:$0x1F120]  }
0x7f6: {  	v51 =	vld [tilespmem:$0x1F110]  }
0x7f7: {  	v54 =	vld [tilespmem:$0x1F140]  }
0x7f8: {  	v15 =	vld [tilespmem:$0x1F130];
	v4 =	vand.u32 $0x7, v45  }
0x7f9: {  	v55 =	vld [tilespmem:$0x1F150];
	v45 =	vand.u32 $0x7, v46;
	v4 =	vor.u32 v4, v14  }
0x7fa: {  	v57 =	vld [tilespmem:$0x1F160];
	v46 =	vand.u32 $0x7, v62;
	v45 =	vor.u32 v45, v47  }
0x7fb: {  	v60 =	vld [tilespmem:$0x1F170];
	v46 =	vor.u32 v46, v48;
	v47 =	vand.u32 $0x7, v49;
	v48 =	vpop (erf)  }
0x7fc: {  	v49 =	vand.u32 $0x7, v51;
	v47 =	vor.u32 v47, v50;
	v0 =	vmul.f32 v48, v0  }
0x7fd: {  	v14 =	vand.u32 $0x7, v54;
	v49 =	vor.u32 v49, v15;
	v1 =	vmul.f32 v48, v1  }
0x7fe: {  	v16 =	vand.u32 $0x7, v16;
	v14 =	vor.u32 v14, v55;
	v2 =	vmul.f32 v48, v2;
	[tilespmem:v4+s23+$0x0] =	vst.idx.msk $0xffff, v0  }
0x7ff: {  	v58 =	vand.u32 $0x7, v63;
	v56 =	vmul.f32 v48, v3;
	v3 =	vor.u32 v16, v57;
	[tilespmem:v45+s23+$0x0] =	vst.idx.msk $0xffff, v1  }
0x800: {  	v62 =	vand.u32 $0x7, v53;
	v59 =	vmul.f32 v48, v5;
	v4 =	vor.u32 v58, v60;
	[tilespmem:v46+s23+$0x0] =	vst.idx.msk $0xffff, v2  }
0x801: {  	v15 =	vand.u32 $0x7, v52;
	v63 =	vmul.f32 v48, v6;
	v5 =	vor.u32 v62, v17;
	[tilespmem:v47+s23+$0x0] =	vst.idx.msk $0xffff, v56  }
0x802: {  	v16 =	vmul.f32 v48, v7;
	v6 =	vor.u32 v15, v20;
	v17 =	vand.u32 $0x7, v21;
	[tilespmem:v49+s23+$0x0] =	vst.idx.msk $0xffff, v59  }
0x803: {  	v19 =	vmul.f32 v48, v8;
	v20 =	vand.u32 $0x7, v23;
	v7 =	vor.u32 v17, v24;
	[tilespmem:v14+s23+$0x0] =	vst.idx.msk $0xffff, v63  }
0x804: {  	v21 =	vmul.f32 v48, v9;
	v23 =	vand.u32 $0x7, v22;
	v8 =	vor.u32 v20, v25;
	[tilespmem:v3+s23+$0x0] =	vst.idx.msk $0xffff, v16  }
0x805: {  	v24 =	vmul.f32 v48, v10;
	v25 =	vor.u32 v23, v26;
	v26 =	vand.u32 $0x7, v28;
	[tilespmem:v4+s23+$0x0] =	vst.idx.msk $0xffff, v19  }
0x806: {  	v39 =	vand.u32 $0x7, v27;
	v28 =	vmul.f32 v48, v11;
	v29 =	vor.u32 v26, v29;
	[tilespmem:v5+s23+$0x0] =	vst.idx.msk $0xffff, v21  }
0x807: {  	v45 =	vmul.f32 v48, v12;
	v46 =	vor.u32 v39, v30;
	v47 =	vand.u32 $0x7, v31;
	[tilespmem:v6+s23+$0x0] =	vst.idx.msk $0xffff, v24  }
0x808: {  	v51 =	vand.u32 $0x7, v32;
	v49 =	vmul.f32 v48, v13;
	v50 =	vor.u32 v47, v33;
	[tilespmem:v7+s23+$0x0] =	vst.idx.msk $0xffff, v28  }
0x809: {  	v54 =	vand.u32 $0x7, v35;
	v53 =	vor.u32 v51, v36;
	v52 =	vmul.f32 v48, v18;
	[tilespmem:v8+s23+$0x0] =	vst.idx.msk $0xffff, v45  }
0x80a: {  	v55 =	vmul.f32 v48, v40;
	v57 =	vand.u32 $0x7, v34;
	v56 =	vor.u32 v54, v37;
	[tilespmem:v25+s23+$0x0] =	vst.idx.msk $0xffff, v49  }
0x80b: {  	v58 =	vmul.f32 v48, v41;
	v59 =	vor.u32 v57, v38;
	[tilespmem:v29+s23+$0x0] =	vst.idx.msk $0xffff, v52  }
0x80c: {  	v60 =	vmul.f32 v48, v42;
	[tilespmem:v46+s23+$0x0] =	vst.idx.msk $0xffff, v55  }
0x80d: {  	v62 =	vmul.f32 v48, v43;
	[tilespmem:v50+s23+$0x0] =	vst.idx.msk $0xffff, v58  }
0x80e: {  	v63 =	vmul.f32 v48, v44;
	[tilespmem:v53+s23+$0x0] =	vst.idx.msk $0xffff, v60  }
0x80f: {  	s1 =	simm.s32 $0x130;
	[tilespmem:v56+s23+$0x0] =	vst.idx.msk $0xffff, v62  }
0x810: {  	s5 =	simm.s32 $0x9938;
	s25 =	sadd.s32 $0x0, s18;
	s0 =	simm.s32 $0x9800;
	[tilespmem:v59+s23+$0x0] =	vst.idx.msk $0xffff, v63  }
.LBB2_32:
0x811: {  	[hbm4b:s25+s2] =	stream.linear.scatter [tilespmem:s0], [sflag:$0x1], $0x130, $0x38;
	[tilespmem:$0x13400] =	vst v63  }
0x812: {  	s3 =	smov.u32 s1;
	s0 =	smov.u32 s5;
	p0 =	sne.s32 s1, $0x96D0  }
.Ltmp15:
0x813: {  	s1 =	sadd.s32 $0x130, s1;
	(pc) =	sbr.rel @p0 .LBB2_32-.Ltmp15, $2  }
0x814: {  	_ =	sdelay $0x2  }
0x815: {  	s5 =	sadd.s32 $0x138, s5;
	s25 =	sadd.s32 s3, s18  }
0x816: {  	[hbm4b:s25+s2] =	stream.linear.scatter [tilespmem:s0], [sflag:$0x1], $0x130, $0x38;
	[tilespmem:$0x13400] =	vst v63  }
0x817: {  	_ =	swait.ge [sflag:s22], $0x9800  }
0x818: {  	s1 =	rddreg [dreg:$0xc]  }
0x819: {  	s31 =	rddreg [dreg:$0xb];
	s1 =	sadd.s32 $0x1, s1  }
0x81a: {  	p0 =	sne.s32 s1, s31  }
.Ltmp16:
0x81b: {  	_ = 	snop;
	(pc) =	sbr.rel @p0 .LBB2_1-.Ltmp16, $3  }
0x81c: {  	_ =	sdelay $0x1  }
0x81d: {  	[sflag:s22] =	ssyncset.done $0x0  }
0x81e: {  	[sflag:s22] =	ssyncadd.s32 $0xFFFF6800  }
0x81f: {  	_ =	sfence.sel $0x180000  }
0x820: {  	[bflag:$0x0] =	sbarrier.arrive $0xFFFF  }
0x821: {  	_ =	strace $0x90000047  }
0x822: {  	s0 =	stileid.u32;
	[bflag:$0x2] =	sbarrier.arrive $0xFFFF  }
0x823: {  	p0 =	sne.s32 s0, $0x0;
	s0 =	rddreg [dreg:$0x2]  }
0x824: {  	s0 =	sadd.s32 @!p0 $0x100000, s0  }
0x825: {  	[sflag:s0] =	ssyncadd.tile.s32 @!p0 $0x1;
	_ =	shalt  }
.Lfunc_end2:
_tile_overlayer_lowered:
.L_overlay_start_2:
0x826: {  	(tag) =	ssettag $0x2  }
0x827: {  	s0 =	rddreg [dreg:$0x0];
	s2 =	stileid.u32  }
0x828: {  	s1 =	rddreg [dreg:$0x1];
	p0 =	sne.s32 s2, $0x0  }
0x829: {  	s3 =	rddreg [dreg:$0x2];
	[bflag:$0x3] =	sbarrier.arrive $0xFFFF;
	s2 =	simm.s32 @!p0 $0x1C01  }
0x82a: {  	[timem:s3], [sflag:s2] =	dma.local @!p0 [hbm:s0], s1  }
0x82b: {  	s0 =	simm.s32 @!p0 $0x1  }
0x82c: {  	_ =	swait.ge @!p0 [sflag:s0], s1  }
0x82d: {  	s1 =	ssub.s32 @!p0 $0x0, s1;
	[sflag:s0] =	ssyncset.done @!p0 $0x0  }
0x82e: {  	[sflag:s0] =	ssyncadd.s32 @!p0 s1  }
0x82f: {  	[bflag:$0x3] =	sbarrier.arrive $0xFFFF  }
0x830: {  	_ =	shalt  }

// kernel: sparse-core-data-format-call.cloned.1.call-start
scs
called_computation_lowered:
.L_overlay_start_0:
0x0: {  	s2 =	sld [smem:$0x3FD9]  }
0x1: {  	s3 =	sld [smem:$0x3FFE];
	_ =	sdelay $0x1  }
0x2: {  	s1 =	srdreg.scid  }
0x3: {  	s0 =	sand.u32 $0x1, s1  }
0x4: {  	s18 =	sshll.u32 s0, $0xA;
	s2 =	sadd.s32 s3, s2  }
0x5: {  	s2 =	sadd.s32 s2, s18  }
0x6: {  	[smem:$0x3FC7] =	sst s2  }
0x7: {  	_ = 	snop  }
0x8: {  	s2 =	sld [smem:$0x3FD0];
	(tm) =	ssettm $0x1  }
0x9: {  	s19 =	sld [smem:$0x3FFB];
	_ =	sdelay $0x3  }
0xa: {  	_ =	strace s19  }
0xb: {  	s3 =	sld [smem:$0x3FFC];
	_ =	sdelay $0x3  }
0xc: {  	_ =	strace s3  }
0xd: {  	s3 =	sld [smem:$0x3FFD];
	_ =	sdelay $0x3  }
0xe: {  	_ =	strace s3  }
0xf: {  	_ =	strace $0x8FFFFFFF  }
0x10: {  	s20 =	sld [smem:$0x3FDB];
	_ =	sdelay $0x1  }
0x11: {  	s4 =	simm.s32 $_scs_section_size  }
0x12: {  	s5 =	simm.s32 $_size__tile_overlayer_lowered;
	s6 =	simm.s32 $_tile_overlayer_lowered  }
0x13: {  	s23 =	simm.s32 $0x1BFF;
	s22 =	sshll.u32 s6, $0x1;
	s3 =	sadd.s32 s4, s20  }
0x14: {  	s7 =	simm.s32 $0x0;
	s21 =	sshll.u32 s5, $0x1;
	s5 =	sadd.s32 s22, s3  }
0x15: {  	[timem:s7], [sflag:s23] =	dma.local [hbm:s5], s21  }
0x16: {  	_ =	swait.ge [sflag:s23], s21  }
0x17: {  	s4 =	ssub.s32 $0x0, s21;
	[sflag:s23] =	ssyncset.done $0x0  }
0x18: {  	[sflag:s23] =	ssyncadd.s32 s4;
	_ =	sdelay $0x1  }
0x19: {  	s24 =	simm.s32 $0x1B8B  }
0x1a: {  	_ =	swait.ge [sflag:s24], $0x1  }
0x1b: {  	[sflag:s24] =	ssyncset.done $0x0  }
0x1c: {  	s26 =	simm.s32 $0x1B8E;
	s25 =	sld [smem:$0x3FFE];
	[sflag:s24] =	ssyncadd.s32 $0xFFFFFFFF  }
0x1d: {  	s27 =	simm.s32 $execute0_lowered;
	[smem:$0x3FD2] =	sst s26  }
0x1e: {  	s5 =	sshll.u32 s27, $0x1;
	_ =	strace $0x80000049;
	[dreg:$0x1] =	wrdreg $0xFFFFFFFF  }
0x1f: {  	s28 =	simm.s32 $_size_execute0_lowered;
	s3 =	sadd.s32 s3, s5;
	[dreg:$0x0] =	wrdreg $0x0  }
0x20: {  	s5 =	sshll.u32 s28, $0x1;
	[dreg:$0x2] =	wrdreg s3  }
0x21: {  	[dreg:$0x3] =	wrdreg s5  }
0x22: {  	[dreg:$0x4] =	wrdreg $0xC0  }
0x23: {  	_ =	task [dreg:s7], $0x5FFFF  }
0x24: {  	[dreg:$0x1] =	wrdreg $0xFFFFFFFF  }
0x25: {  	[dreg:$0x0] =	wrdreg $0x60  }
0x26: {  	[dreg:$0x2] =	wrdreg s25  }
0x27: {  	[dreg:$0x3] =	wrdreg s2  }
0x28: {  	[dreg:$0x4] =	wrdreg $0x9  }
0x29: {  	_ =	task.clear_ibuf [dreg:s7], $0x5FFFF;
	_ =	strace $0x90000049  }
0x2a: {  	s29 =	simm.s32 $0x9;
	_ =	strace $0x8000004B  }
0x2b: {  	_ =	swait.ge [sflag:s29], $0x1  }
0x2c: {  	[sflag:s29] =	ssyncadd.s32 $0xFFFFFFFF  }
0x2d: {  	_ =	strace $0x9000004B  }
0x2e: {  	_ =	sfence  }
0x2f: {  	s30 =	sld [smem:$0x0];
	_ =	sdelay $0x2  }
0x30: {  	s31 =	sshll.u32 s1, $0xD;
	s1 =	sshrl.u32 s1, $0x2  }
0x31: {  	s3 =	sand.u32 $0x4000, s31;
	s1 =	sadd.s32 s1, s30  }
0x32: {  	s0 =	sor.u32 s3, s0;
	s1 =	sshll.u32 s1, $0x11  }
0x33: {  	s0 =	sor.u32 s1, s0  }
0x34: {  	s0 =	sadd.s32 $0x8F2B, s0  }
0x35: {  	[sflag:s0] =	ssyncadd.remote.s32 $0x1  }
0x36: {  	_ =	sfence.sel $0xFFFF  }
0x37: {  	[dreg:$0x0] =	wrdreg $0xFFFFFFFF;
	(pc) =	sbr.abs _section_cstart, $3  }
0x38: {  	[dreg:$0x1] =	wrdreg $0xFFFFFFFF  }
0x39: {  	_ =	task.clear_ibuf [dreg:s7], $0x2FFFF;
	_ =	strace $0x9FFFFFFF  }
0x3a: {  	(tm) =	ssettm $0x7FFFFFFF  }
0x3b: {  	_ =	shalt  }
tec
execute0_lowered:
.L_overlay_start_1:
0x0: {  	(tag) =	ssettag $0x1  }
0x1: {  	s0 =	srdreg.scid  }
0x2: {  	s1 =	sshll.u32 s0, $0x4  }
0x3: {  	s0 =	stileid.u32;
	s1 =	sand.u32 $0x10, s1  }
0x4: {  	s1 =	sor.u32 s0, s1  }
0x5: {  	s6 =	rddreg [dreg:$0x0];
	s2 =	sshll.u32 s1, $0x7  }
0x6: {  	s3 =	rddreg [dreg:$0x1];
	s5 =	simm.s32 $0x1;
	s4 =	ssub.s32 $0x80000, s2  }
0x7: {  	s31 =	simm.s32 $0x2;
	s12 =	simm.s32 $0x0;
	s30 =	sand.u32 $0xF80, s4  }
0x8: {  	s11 =	simm.s32 $0x0;
	s8 =	simm.s32 $0x0;
	p0 =	sne.s32 s30, $0x0  }
.Ltmp0:
0x9: {  	s7 =	sshrl.u32 s4, $0xC;
	s5 =	simm.s32 @!p0 $0x0;
	(pc) =	sbr.rel .LBB1_1-.Ltmp0, $4  }
0xa: {  	s10 =	simm.s32 $0x0;
	s1 =	rddreg [dreg:$0x2];
	s5 =	sadd.s32 s5, s7  }
0xb: {  	_ =	strace $0x8000004A;
	s4 =	simm.s32 $0x1;
	s5 =	smul.u32 $0x3, s5  }
0xc: {  	s6 =	sadd.s32 $0x800, s6;
	s9 =	smov.u32 s2;
	[sflag:s4] =	ssyncpa.u1 $0x0  }
0xd: {  	[sflag:s31] =	ssyncpa.u1 $0x0;
	p0 =	por $0x0, $0x0;
	s7 =	sadd.s32 $0x1, s5  }
.LBB1_4:
0xe: {  	[tilespmem:s22+$0xFFFFFFFA ss:$0x81] =	vst.msk $0xff, v4  }
0xf: {  	v4 =	vld.msk [tilespmem:s24+$0xFFFFFFF0], $0xff;
	_ =	sdelay $0x3  }
0x10: {  	[tilespmem:s19+$0xFFFFFFFB ss:$0x81] =	vst.msk $0xff, v3  }
0x11: {  	v3 =	vld.msk [tilespmem:s21+$0xFFFFFFF8], $0xff;
	[tilespmem:s22+$0xFFFFFFFB ss:$0x81] =	vst.msk $0xff, v4  }
0x12: {  	v4 =	vld.msk [tilespmem:s24+$0xFFFFFFF8], $0xff;
	_ =	sdelay $0x3  }
0x13: {  	v5 =	vld.msk [tilespmem:s20+$0x0], $0xff;
	[tilespmem:s19+$0xFFFFFFFC ss:$0x81] =	vst.msk $0xff, v3  }
0x14: {  	v3 =	vld.msk [tilespmem:s21+$0x0], $0xff;
	[tilespmem:s22+$0xFFFFFFFC ss:$0x81] =	vst.msk $0xff, v4  }
0x15: {  	v4 =	vld.msk [tilespmem:s24+$0x0], $0xff;
	_ =	sdelay $0x2  }
0x16: {  	[tilespmem:s17+$0xFFFFFFFD ss:$0x81] =	vst.msk $0xff, v5  }
0x17: {  	v5 =	vld.msk [tilespmem:s20+$0x8], $0xff;
	[tilespmem:s19+$0xFFFFFFFD ss:$0x81] =	vst.msk $0xff, v3  }
0x18: {  	v3 =	vld.msk [tilespmem:s21+$0x8], $0xff;
	[tilespmem:s22+$0xFFFFFFFD ss:$0x81] =	vst.msk $0xff, v4  }
0x19: {  	v4 =	vld.msk [tilespmem:s24+$0x8], $0xff;
	_ =	sdelay $0x1  }
0x1a: {  	[tilespmem:s15+$0xFFFFFFFE ss:$0x81] =	vst.msk $0xff, v2  }
0x1b: {  	v2 =	vld.msk [tilespmem:s18+$0x10], $0xff;
	[tilespmem:s17+$0xFFFFFFFE ss:$0x81] =	vst.msk $0xff, v5  }
0x1c: {  	v5 =	vld.msk [tilespmem:s20+$0x10], $0xff;
	[tilespmem:s19+$0xFFFFFFFE ss:$0x81] =	vst.msk $0xff, v3  }
0x1d: {  	v3 =	vld.msk [tilespmem:s21+$0x10], $0xff;
	[tilespmem:s22+$0xFFFFFFFE ss:$0x81] =	vst.msk $0xff, v4  }
0x1e: {  	s25 =	sshll.u32 s12, $0x13;
	s26 =	sshll.u32 s11, $0x3;
	v4 =	vld.msk [tilespmem:s24+$0x10], $0xff  }
0x1f: {  	[tilespmem:s14+$0xFFFFFFFF ss:$0x81] =	vst.msk $0xff, v1;
	s25 =	sand.u32 $0xFFC00000, s25;
	s27 =	sand.u32 $0xFFFFFC00, s26  }
0x20: {  	v1 =	vld.msk [tilespmem:s16+$0x18], $0xff;
	s31 =	sadd.s32 s27, s25;
	[tilespmem:s15+$0xFFFFFFFF ss:$0x81] =	vst.msk $0xff, v2  }
0x21: {  	s16 =	sshrl.u32 s31, $0x13;
	v2 =	vld.msk [tilespmem:s18+$0x18], $0xff;
	[tilespmem:s17+$0xFFFFFFFF ss:$0x81] =	vst.msk $0xff, v5  }
0x22: {  	v61 =	vld.msk [tilespmem:s20+$0x18], $0xff;
	s20 =	smul.u32 $0xAAB, s16;
	[tilespmem:s19+$0xFFFFFFFF ss:$0x81] =	vst.msk $0xff, v3  }
0x23: {  	s28 =	sand.u32 $0x7FC00, s26;
	v62 =	vld.msk [tilespmem:s21+$0x18], $0xff;
	[tilespmem:s22+$0xFFFFFFFF ss:$0x81] =	vst.msk $0xff, v4  }
0x24: {  	[tilespmem:s13+$0x0 ss:$0x81] =	vst.msk $0xff, v0;
	s25 =	sand.u32 $0x78, s11;
	s27 =	sshll.u32 s12, $0x7;
	s18 =	sshrl.u32 s20, $0x10;
	v63 =	vld.msk [tilespmem:s24+$0x18], $0xff  }
0x25: {  	s12 =	sand.u32 $0x380, s27;
	s13 =	sor.u32 s25, s28;
	[tilespmem:s14+$0x0 ss:$0x81] =	vst.msk $0xff, v1;
	s29 =	smul.u32 $0x18, s18  }
0x26: {  	s12 =	sor.u32 s12, s13;
	[tilespmem:s15+$0x0 ss:$0x81] =	vst.msk $0xff, v2  }
0x27: {  	s12 =	sshrl.u32 s12, $0x3;
	[tilespmem:s17+$0x0 ss:$0x81] =	vst.msk $0xff, v61;
	s30 =	ssub.s32 s16, s29  }
0x28: {  	s12 =	sadd.s32 s3, s12;
	s13 =	sshll.u32 s30, $0x10;
	[tilespmem:s19+$0x0 ss:$0x81] =	vst.msk $0xff, v62  }
0x29: {  	s31 =	sand.u32 $0x7, s11;
	s12 =	sadd.s32 s13, s12;
	[tilespmem:s22+$0x0 ss:$0x81] =	vst.msk $0xff, v63  }
0x2a: {  	[hbm4b:s12+s31] =	stream.linear.scatter [tilespmem:s23], [sflag:$0x2], $0x400, $0x20;
	[tilespmem:$0x1010] =	vst v63  }
.LBB1_5:
0x2b: {  	s13 =	sadd.s32 $0x8, s8  }
0x2c: {  	s11 =	sadd.s32 $0x1000, s9;
	s15 =	smov.u32 s9;
	p2 =	sgt.s32 s13, $0x12  }
0x2d: {  	s15 =	smov.u32 @p2 s11  }
0x2e: {  	s13 =	simm.s32 @p2 $0x0;
	p2 =	sgt.s32 s15, $0x7FFFF  }
0x2f: {  	s15 =	smov.u32 @p2 s2;
	p2 =	sne.s32 s10, s7  }
.Ltmp1:
0x30: {  	p1 =	slt.u32 s10, $0x2;
	(pc) =	sbr.rel @!p2 .LBB1_6-.Ltmp1, $4  }
0x31: {  	s14 =	simm.s32 @!p1 $0x2  }
0x32: {  	s12 =	smov.u32 s8;
	p0 =	por !p0, !p0;
	_ =	swait.ge @!p1 [sflag:s14], $0x400  }
0x33: {  	s11 =	smov.u32 s9;
	[sflag:s14] =	ssyncset.done @!p1 $0x0;
	s8 =	smov.u32 s13  }
0x34: {  	s10 =	sadd.s32 $0x1, s10;
	[sflag:s14] =	ssyncadd.s32 @!p1 $0xFFFFFC00;
	s9 =	smov.u32 s15  }
.LBB1_1:
0x35: {  	p1 =	sge.u32 s10, s5  }
0x36: {  	s31 =	sadd.s32 $0xFFFFFFFF, s10;
	s13 =	sshll.u32 @!p1 s9, $0x7;
	s14 =	sshll.u32 @!p1 s8, $0x3  }
0x37: {  	s15 =	sxor.u32 @!p1 $0xFFFFFFFF, s10;
	s16 =	sand.u32 @!p1 $0x3FFFC00, s13;
	s14 =	sand.u32 @!p1 $0x3FFFC00, s14  }
0x38: {  	s15 =	sshll.u32 @!p1 s15, $0xA;
	s13 =	sand.u32 @!p1 $0x380, s13;
	s14 =	sadd.s32 @!p1 s16, s14  }
0x39: {  	s15 =	sand.u32 @!p1 $0x400, s15;
	s13 =	sor.u32 @!p1 s13, s14;
	s14 =	sshrl.u32 @!p1 s8, $0x3  }
0x3a: {  	s16 =	sand.u32 @!p1 $0x7, s8;
	s13 =	sshrl.u32 @!p1 s13, $0x3;
	s14 =	sand.u32 @!p1 $0xF, s14  }
0x3b: {  	s16 =	sshll.u32 @!p1 s16, $0x12;
	s13 =	sand.u32 @!p1 $0x7FFFF0, s13;
	s14 =	sadd.s32 @!p1 s6, s14  }
0x3c: {  	s13 =	sadd.s32 @!p1 s13, s14;
	s14 =	sor.u32 @!p1 $0x8, s16;
	s16 =	simm.s32 @!p1 $0x80  }
0x3d: {  	[tilespmem:s15], [sflag:$0x1] =	stream.strided.gather @!p1 [hbm4b:s13+s14], $0x400, s16, s14, $0x38;
	[tilespmem:$0x1010] =	vst v63  }
0x3e: {  	p1 =	sge.u32 s31, s5  }
.Ltmp2:
0x3f: {  	_ = 	snop;
	(pc) =	sbr.rel @p1 .LBB1_5-.Ltmp2, $1  }
0x40: {  	_ =	sdelay $0x3  }
0x41: {  	s13 =	simm.s32 $0x1  }
0x42: {  	_ =	swait.ge [sflag:s4], $0x400;
	s13 =	simm.s32 @!p0 $0x0  }
0x43: {  	[sflag:s4] =	ssyncset.done $0x0;
	s14 =	sshll.u32 s13, $0xA  }
0x44: {  	[sflag:s4] =	ssyncadd.s32 $0xFFFFFC00;
	s22 =	sor.u32 $0x20, s14  }
0x45: {  	v0 =	vld.msk [tilespmem:s22+$0xFFFFFFE0], $0xff  }
0x46: {  	s13 =	smul.u32 $0x1020, s13;
	_ =	sdelay $0x1  }
0x47: {  	s13 =	sshrl.u32 s13, $0x2  }
0x48: {  	s13 =	sor.u32 $0x807, s13  }
0x49: {  	[tilespmem:s13+$0xFFFFFFF9 ss:$0x81] =	vst.msk $0xff, v0  }
0x4a: {  	v0 =	vld.msk [tilespmem:s22+$0xFFFFFFE8], $0xff  }
0x4b: {  	s16 =	sadd.s32 $0x40, s22  }
0x4c: {  	v1 =	vld.msk [tilespmem:s16+$0xFFFFFFE0], $0xff;
	_ =	sdelay $0x2  }
0x4d: {  	[tilespmem:s13+$0xFFFFFFFA ss:$0x81] =	vst.msk $0xff, v0  }
0x4e: {  	s14 =	sadd.s32 $0x8, s13;
	v0 =	vld.msk [tilespmem:s22+$0xFFFFFFF0], $0xff  }
0x4f: {  	[tilespmem:s14+$0xFFFFFFF9 ss:$0x81] =	vst.msk $0xff, v1  }
0x50: {  	v1 =	vld.msk [tilespmem:s16+$0xFFFFFFE8], $0xff  }
0x51: {  	s18 =	sadd.s32 $0x40, s16  }
0x52: {  	v2 =	vld.msk [tilespmem:s18+$0xFFFFFFE0], $0xff  }
0x53: {  	[tilespmem:s13+$0xFFFFFFFB ss:$0x81] =	vst.msk $0xff, v0  }
0x54: {  	v0 =	vld.msk [tilespmem:s22+$0xFFFFFFF8], $0xff  }
0x55: {  	[tilespmem:s14+$0xFFFFFFFA ss:$0x81] =	vst.msk $0xff, v1  }
0x56: {  	s15 =	sadd.s32 $0x8, s14;
	v1 =	vld.msk [tilespmem:s16+$0xFFFFFFF0], $0xff  }
0x57: {  	[tilespmem:s15+$0xFFFFFFF9 ss:$0x81] =	vst.msk $0xff, v2  }
0x58: {  	s20 =	sadd.s32 $0x40, s18;
	v2 =	vld.msk [tilespmem:s18+$0xFFFFFFE8], $0xff  }
0x59: {  	[tilespmem:s13+$0xFFFFFFFC ss:$0x81] =	vst.msk $0xff, v0;
	v0 =	vld.msk [tilespmem:s20+$0xFFFFFFE0], $0xff  }
0x5a: {  	v3 =	vld.msk [tilespmem:s22+$0x0], $0xff  }
0x5b: {  	[tilespmem:s14+$0xFFFFFFFB ss:$0x81] =	vst.msk $0xff, v1  }
0x5c: {  	v1 =	vld.msk [tilespmem:s16+$0xFFFFFFF8], $0xff  }
0x5d: {  	s17 =	sadd.s32 $0x8, s15;
	[tilespmem:s15+$0xFFFFFFFA ss:$0x81] =	vst.msk $0xff, v2  }
0x5e: {  	v2 =	vld.msk [tilespmem:s18+$0xFFFFFFF0], $0xff;
	[tilespmem:s17+$0xFFFFFFF9 ss:$0x81] =	vst.msk $0xff, v0  }
0x5f: {  	v0 =	vld.msk [tilespmem:s20+$0xFFFFFFE8], $0xff;
	[tilespmem:s13+$0xFFFFFFFD ss:$0x81] =	vst.msk $0xff, v3  }
0x60: {  	s21 =	sadd.s32 $0x40, s20;
	v3 =	vld.msk [tilespmem:s22+$0x8], $0xff  }
0x61: {  	[tilespmem:s14+$0xFFFFFFFC ss:$0x81] =	vst.msk $0xff, v1;
	v1 =	vld.msk [tilespmem:s21+$0xFFFFFFE0], $0xff  }
0x62: {  	v4 =	vld.msk [tilespmem:s16+$0x0], $0xff  }
0x63: {  	[tilespmem:s15+$0xFFFFFFFB ss:$0x81] =	vst.msk $0xff, v2  }
0x64: {  	v2 =	vld.msk [tilespmem:s18+$0xFFFFFFF8], $0xff;
	[tilespmem:s17+$0xFFFFFFFA ss:$0x81] =	vst.msk $0xff, v0  }
0x65: {  	s19 =	sadd.s32 $0x8, s17;
	v0 =	vld.msk [tilespmem:s20+$0xFFFFFFF0], $0xff;
	[tilespmem:s13+$0xFFFFFFFE ss:$0x81] =	vst.msk $0xff, v3  }
0x66: {  	[tilespmem:s19+$0xFFFFFFF9 ss:$0x81] =	vst.msk $0xff, v1;
	v1 =	vld.msk [tilespmem:s22+$0x10], $0xff  }
0x67: {  	[tilespmem:s14+$0xFFFFFFFD ss:$0x81] =	vst.msk $0xff, v4;
	v3 =	vld.msk [tilespmem:s21+$0xFFFFFFE8], $0xff  }
0x68: {  	s24 =	sadd.s32 $0x40, s21;
	v4 =	vld.msk [tilespmem:s16+$0x8], $0xff  }
0x69: {  	[tilespmem:s15+$0xFFFFFFFC ss:$0x81] =	vst.msk $0xff, v2;
	v2 =	vld.msk [tilespmem:s24+$0xFFFFFFE0], $0xff  }
0x6a: {  	v5 =	vld.msk [tilespmem:s18+$0x0], $0xff;
	[tilespmem:s17+$0xFFFFFFFB ss:$0x81] =	vst.msk $0xff, v0  }
0x6b: {  	v6 =	vld.msk [tilespmem:s20+$0xFFFFFFF8], $0xff;
	[tilespmem:s13+$0xFFFFFFFF ss:$0x81] =	vst.msk $0xff, v1  }
0x6c: {  	s23 =	sand.u32 $0x1, s10;
	[tilespmem:s19+$0xFFFFFFFA ss:$0x81] =	vst.msk $0xff, v3;
	v0 =	vld.msk [tilespmem:s22+$0x18], $0xff  }
0x6d: {  	s23 =	smul.u32 $0x1020, s23;
	[tilespmem:s14+$0xFFFFFFFE ss:$0x81] =	vst.msk $0xff, v4;
	v3 =	vld.msk [tilespmem:s21+$0xFFFFFFF0], $0xff;
	s22 =	sadd.s32 $0x8, s19  }
0x6e: {  	v1 =	vld.msk [tilespmem:s16+$0x10], $0xff;
	[tilespmem:s22+$0xFFFFFFF9 ss:$0x81] =	vst.msk $0xff, v2  }
0x6f: {  	s23 =	sshrl.u32 s23, $0x2;
	[tilespmem:s15+$0xFFFFFFFD ss:$0x81] =	vst.msk $0xff, v5;
	v4 =	vld.msk [tilespmem:s24+$0xFFFFFFE8], $0xff  }
0x70: {  	s25 =	simm.s32 $0x28;
	s23 =	sor.u32 $0x800, s23;
	s26 =	sadd.s32 $0x40, s24;
	v2 =	vld.msk [tilespmem:s18+$0x8], $0xff;
	[tilespmem:s17+$0xFFFFFFFC ss:$0x81] =	vst.msk $0xff, v6  }
.LBB1_3:
0x71: {  	v5 =	vld.msk [tilespmem:s26+$0xFFFFFFE0], $0xff;
	[tilespmem:s13+$0x0 ss:$0x81] =	vst.msk $0xff, v0;
	s13 =	smov.u32 s14;
	s14 =	smov.u32 s15;
	s15 =	smov.u32 s17  }
0x72: {  	s25 =	sadd.s32 $0x8, s25;
	s17 =	smov.u32 s19;
	[tilespmem:s19+$0xFFFFFFFB ss:$0x81] =	vst.msk $0xff, v3;
	v6 =	vld.msk [tilespmem:s20+$0x0], $0xff;
	s19 =	smov.u32 s22  }
0x73: {  	p1 =	slt.u32 s25, $0x78;
	v7 =	vld.msk [tilespmem:s21+$0xFFFFFFF8], $0xff;
	[tilespmem:s13+$0xFFFFFFFF ss:$0x81] =	vst.msk $0xff, v1  }
.Ltmp3:
0x74: {  	[tilespmem:s22+$0xFFFFFFFA ss:$0x81] =	vst.msk $0xff, v4;
	v0 =	vld.msk [tilespmem:s16+$0x18], $0xff;
	s16 =	smov.u32 s18;
	s18 =	smov.u32 s20;
	(pc) =	sbr.rel @p1 .LBB1_3-.Ltmp3, $4  }
0x75: {  	s22 =	sadd.s32 $0x8, s22;
	s20 =	smov.u32 s21;
	s21 =	smov.u32 s24;
	v3 =	vld.msk [tilespmem:s24+$0xFFFFFFF0], $0xff;
	[tilespmem:s14+$0xFFFFFFFE ss:$0x81] =	vst.msk $0xff, v2  }
0x76: {  	s24 =	smov.u32 s26;
	[tilespmem:s22+$0xFFFFFFF9 ss:$0x81] =	vst.msk $0xff, v5;
	v1 =	vld.msk [tilespmem:s16+$0x10], $0xff  }
0x77: {  	v4 =	vld.msk [tilespmem:s26+$0xFFFFFFE8], $0xff;
	[tilespmem:s15+$0xFFFFFFFD ss:$0x81] =	vst.msk $0xff, v6  }
0x78: {  	s26 =	sadd.s32 $0x40, s26;
	[tilespmem:s17+$0xFFFFFFFC ss:$0x81] =	vst.msk $0xff, v7;
	v2 =	vld.msk [tilespmem:s18+$0x8], $0xff  }
.Ltmp4:
0x79: {  	_ = 	snop;
	(pc) =	sbr.rel .LBB1_4-.Ltmp4, $1  }
0x7a: {  	_ =	sdelay $0x3  }
.LBB1_6:
0x7b: {  	_ =	sfence.sel $0x180000  }
0x7c: {  	s2 =	simm.s32 $0x1;
	[bflag:$0x0] =	sbarrier.arrive $0xFFFF  }
0x7d: {  	s31 =	simm.s32 $0x2;
	[sflag:s2] =	ssyncpa.u1 $0x1  }
0x7e: {  	[sflag:s31] =	ssyncpa.u1 $0x1  }
0x7f: {  	p0 =	sne.s32 s0, $0x0;
	_ =	strace $0x9000004A  }
0x80: {  	s0 =	sadd.s32 @!p0 $0x100000, s1;
	[bflag:$0x2] =	sbarrier.arrive $0xFFFF  }
0x81: {  	[sflag:s0] =	ssyncadd.tile.s32 @!p0 $0x1;
	_ =	shalt  }
.Lfunc_end1:
_tile_overlayer_lowered:
.L_overlay_start_2:
0x82: {  	(tag) =	ssettag $0x2  }
0x83: {  	s0 =	rddreg [dreg:$0x0];
	s2 =	stileid.u32  }
0x84: {  	s1 =	rddreg [dreg:$0x1];
	p0 =	sne.s32 s2, $0x0  }
0x85: {  	s3 =	rddreg [dreg:$0x2];
	[bflag:$0x3] =	sbarrier.arrive $0xFFFF;
	s2 =	simm.s32 @!p0 $0x1C01  }
0x86: {  	[timem:s3], [sflag:s2] =	dma.local @!p0 [hbm:s0], s1  }
0x87: {  	s0 =	simm.s32 @!p0 $0x1  }
0x88: {  	_ =	swait.ge @!p0 [sflag:s0], s1  }
0x89: {  	s1 =	ssub.s32 @!p0 $0x0, s1;
	[sflag:s0] =	ssyncset.done @!p0 $0x0  }
0x8a: {  	[sflag:s0] =	ssyncadd.s32 @!p0 s1  }
0x8b: {  	[bflag:$0x3] =	sbarrier.arrive $0xFFFF  }
0x8c: {  	_ =	shalt  }

</sc_bundles>
